<compile_context>
chip_gen: v7x
topology: tpu7x:2x2x1
jax: 0.10.2.dev20260603
libtpu: 0.0.44.dev20260713+nightly
codegen_flags: <defaults>
</compile_context>

<pallas_src>
import functools

import jax
import jax.numpy as jnp
from jax import lax
from jax.experimental import pallas as pl
from jax.experimental.pallas import tpu as pltpu
from jax.experimental.pallas import tpu_sc as plsc

_B, _T, _D = 4, 4096, 1024
_HASH = 32768
_MULT_MOD = 1000003 % _HASH
_N = _B * _T
_L = 16

_NW = 32
_ROWS_PER_W = _N // _NW
_CHUNK = 16
_NCHUNK = _ROWS_PER_W // _CHUNK
_NBUF = 6
_GDEPTH = 3


def _tec_body(tok_hbm, gate_hbm, table_hbm, out_hbm,
              tok_v, g_v, rows_v, gsem, osem):
    wid = lax.axis_index("s") * 2 + lax.axis_index("c")
    base = wid * _ROWS_PER_W

    pltpu.sync_copy(tok_hbm.at[pl.ds(base, _ROWS_PER_W)],
                    tok_v.at[pl.ds(_L, _ROWS_PER_W)])

    @pl.when(wid > 0)
    def _():
        pltpu.sync_copy(tok_hbm.at[pl.ds(base - _L, _L)],
                        tok_v.at[pl.ds(0, _L)])

    pltpu.sync_copy(gate_hbm, g_v)
    for d in range(_D // _L):
        x = g_v[pl.ds(d * _L, _L)]
        g_v[pl.ds(d * _L, _L)] = 1.0 / (1.0 + jnp.exp(-x))

    lanes = lax.iota(jnp.int32, _L)
    lane0 = 1 - jnp.minimum(lanes, 1)
    is_start = jnp.int32(1) - jnp.minimum(jnp.int32(base % _T), 1)
    keep0 = 1 - lane0 * is_start
    for j in reversed(range(_ROWS_PER_W // _L)):
        tok = tok_v[pl.ds(_L + j * _L, _L)]
        prev = tok_v[pl.ds(_L - 1 + j * _L, _L)]
        if j == 0:
            prev = prev * keep0
        key = ((prev & (_HASH - 1)) * _MULT_MOD + tok) & (_HASH - 1)
        tok_v[pl.ds(_L + j * _L, _L)] = key

    def key_slice(c):
        return tok_v.at[pl.ds(_L + c * _CHUNK, _CHUNK)]

    def start_gather(c, b):
        pltpu.async_copy(table_hbm.at[key_slice(c)], rows_v.at[b],
                         gsem.at[b])

    _G = 8

    def scale_chunk(buf):
        for grp in range(_D // (_G * _L)):
            gs = tuple(g_v[pl.ds(grp * _G * _L + t * _L, _L)]
                       for t in range(_G))

            def scale_rows(r, _):
                for t in range(_G):
                    off = grp * _G * _L + t * _L
                    buf[r, pl.ds(off, _L)] = buf[r, pl.ds(off, _L)] * gs[t]
                return 0

            lax.fori_loop(0, _CHUNK, scale_rows, 0)

    for c0 in range(_GDEPTH):
        start_gather(c0, c0)

    def chunk_body(c, _):
        b = lax.rem(c, _NBUF)
        with jax.named_scope("wait_gather"):
            pltpu.make_async_copy(table_hbm.at[pl.ds(0, _CHUNK)],
                                  rows_v.at[b], gsem.at[b]).wait()
        with jax.named_scope("scale"):
            scale_chunk(rows_v.at[b])
        pltpu.async_copy(rows_v.at[b],
                         out_hbm.at[pl.ds(base + c * _CHUNK, _CHUNK)],
                         osem.at[b])
        n = c + _GDEPTH
        bn = lax.rem(n, _NBUF)

        @pl.when(n < _NCHUNK)
        def _():
            @pl.when(n >= _NBUF)
            def _():
                with jax.named_scope("wait_store"):
                    pltpu.make_async_copy(rows_v.at[bn],
                                          out_hbm.at[pl.ds(0, _CHUNK)],
                                          osem.at[bn]).wait()
            start_gather(n, bn)
        return 0

    lax.fori_loop(0, _NCHUNK, chunk_body, 0)
    for c in range(_NCHUNK - _NBUF, _NCHUNK):
        pltpu.make_async_copy(rows_v.at[c % _NBUF],
                              out_hbm.at[pl.ds(0, _CHUNK)],
                              osem.at[c % _NBUF]).wait()


@functools.partial(jax.jit, static_argnames=())
def _run(tok_flat, gate, table):
    mesh = plsc.VectorSubcoreMesh(core_axis_name="c", subcore_axis_name="s")
    k = pl.kernel(
        _tec_body,
        mesh=mesh,
        out_type=jax.ShapeDtypeStruct((_N, _D), jnp.float32),
        scratch_types=[
            pltpu.VMEM((_ROWS_PER_W + _L,), jnp.int32),
            pltpu.VMEM((_D,), jnp.float32),
            pltpu.VMEM((_NBUF, _CHUNK, _D), jnp.float32),
            pltpu.SemaphoreType.DMA((_NBUF,)),
            pltpu.SemaphoreType.DMA((_NBUF,)),
        ],
    )
    return k(tok_flat, gate, table)


def kernel(token_ids, bigram_emb_weight, gate):
    out = _run(token_ids.reshape(-1), gate, bigram_emb_weight)
    return out.reshape(_B, _T, _D)

# --- scband reference (transcript-rebuilt; emitter-appended) ---
"""Pipeline reference for scband-bigram-smear-gate-48430051230384 (READ-ONLY COPY).

The authoritative reference and input builder live on the scoring server;
editing this copy changes nothing except your own understanding.
"""

import jax, jax.numpy as jnp
import numpy as np

B, T = 4, 4096
D = 1024
HASH = 32768
VOCAB = 100000
MULT = 1000003


def setup_inputs(seed: int = 0) -> dict:
    key = jax.random.key(seed)
    k1, k2 = jax.random.split(key)
    token_ids = jax.random.randint(k1, (B, T), 0, VOCAB, dtype=jnp.int32)
    bigram_emb_weight = jax.random.normal(k2, (HASH, D), dtype=jnp.float32) * 0.02
    gate = jnp.zeros((D,), dtype=jnp.float32)
    return {"token_ids": token_ids, "bigram_emb_weight": bigram_emb_weight, "gate": gate}


def reference(token_ids, bigram_emb_weight, gate):
    # prev token with left pad of 0 (matches F.pad(token_ids[:, :-1], (1, 0), value=0))
    prev = jnp.pad(token_ids[:, :-1], ((0, 0), (1, 0)), constant_values=0)
    # (prev * 1000003 + tok) % HASH computed with modular reduction so it is
    # exact in int32 (HASH is a power of two, so this equals the int64 result):
    # max intermediate = (HASH-1) * (MULT % HASH) + VOCAB < 2**31.
    bigram_key = ((prev % HASH) * (MULT % HASH) + token_ids) % HASH
    smear = jnp.take(bigram_emb_weight, bigram_key, axis=0)  # [B, T, D] gather
    g = jax.nn.sigmoid(gate)
    return smear * g

if __name__ == "__main__":
    import jax
    _d = setup_inputs()
    print(jax.jit(kernel)(*tuple(_d.values())))

</pallas_src>

<mosaic_0001>
#map = affine_map<(d0, d1) -> (0)>
#map1 = affine_map<(d0, d1) -> (0, 0)>
module attributes {stable_mosaic.version = 14 : i64} {
  func.func @_tec_body(%arg0: i32, %arg1: i32, %arg2: memref<16384xi32, #tpu.memory_space<hbm>>, %arg3: memref<1024xf32, #tpu.memory_space<hbm>>, %arg4: memref<32768x1024xf32, #tpu.memory_space<hbm>>, %arg5: memref<16384x1024xf32, #tpu.memory_space<hbm>>, %arg6: memref<528xi32, #tpu.memory_space<vmem>>, %arg7: memref<1024xf32, #tpu.memory_space<vmem>>, %arg8: memref<6x16x1024xf32, #tpu.memory_space<vmem>>, %arg9: memref<6x!tpu.dma_semaphore, #tpu.memory_space<semaphore_mem>>, %arg10: memref<6x!tpu.dma_semaphore, #tpu.memory_space<semaphore_mem>>) attributes {dimension_semantics = [#tpu.dimension_semantics<core_parallel>, #tpu.dimension_semantics<subcore_parallel>], iteration_bounds = array<i64: 2, 16>, scalar_prefetch = 0 : i64, scratch_operands = 5 : i64, tpu.core_type = #tpu.core_type<sc_vector_subcore>, window_params = [{transform_indices = #map}, {transform_indices = #map}, {transform_indices = #map1}, {transform_indices = #map1}]} {
    %mul3A = arith.constant 2 : i32
    %mul3A_0 = arith.muli %arg1, %mul3A : i32
    %add3A = arith.addi %mul3A_0, %arg0 : i32
    %mul3A_1 = arith.constant 512 : i32
    %mul3A_2 = arith.muli %add3A, %mul3A_1 : i32
    "tpu.region"() ({
      %run_scoped3A = tpu.sem_alloc : memref<!tpu.dma_semaphore, #tpu.memory_space<semaphore_mem>>
      %dma_start3A_1902 = arith.constant 16 : i32
      %dma_start3A_1903 = tpu.memref_slice %arg6[%dma_start3A_1902] : memref<528xi32, #tpu.memory_space<vmem>> -> memref<512xi32, #tpu.memory_space<vmem>>
      %dma_start3A_1904 = tpu.memref_slice %arg2[%mul3A_2] : memref<16384xi32, #tpu.memory_space<hbm>> -> memref<512xi32, #tpu.memory_space<hbm>>
      %dma_start3A_1905 = arith.constant 16 : i32
      %dma_start3A_1906 = tpu.memref_slice %arg6[%dma_start3A_1905] : memref<528xi32, #tpu.memory_space<vmem>> -> memref<512xi32, #tpu.memory_space<vmem>>
      %dma_start3A_1907 = tpu.memref_slice %arg2[%mul3A_2] : memref<16384xi32, #tpu.memory_space<hbm>> -> memref<512xi32, #tpu.memory_space<hbm>>
      tpu.enqueue_dma source(%dma_start3A_1907 : memref<512xi32, #tpu.memory_space<hbm>>) target(%dma_start3A_1906 : memref<512xi32, #tpu.memory_space<vmem>>) target_semaphore(%run_scoped3A : memref<!tpu.dma_semaphore, #tpu.memory_space<semaphore_mem>>)
      %dma_wait3A_1908 = arith.constant 16 : i32
      %dma_wait3A_1909 = tpu.memref_slice %arg6[%dma_wait3A_1908] : memref<528xi32, #tpu.memory_space<vmem>> -> memref<512xi32, #tpu.memory_space<vmem>>
      %dma_wait3A_1910 = tpu.memref_slice %arg2[%mul3A_2] : memref<16384xi32, #tpu.memory_space<hbm>> -> memref<512xi32, #tpu.memory_space<hbm>>
      %dma_wait3A_1911 = arith.constant 16 : i32
      %dma_wait3A_1912 = tpu.memref_slice %arg6[%dma_wait3A_1911] : memref<528xi32, #tpu.memory_space<vmem>> -> memref<512xi32, #tpu.memory_space<vmem>>
      %dma_wait3A_1913 = tpu.memref_slice %arg2[%mul3A_2] : memref<16384xi32, #tpu.memory_space<hbm>> -> memref<512xi32, #tpu.memory_space<hbm>>
      tpu.wait_dma2 semaphore(%run_scoped3A : memref<!tpu.dma_semaphore, #tpu.memory_space<semaphore_mem>>) src(%dma_wait3A_1913 : memref<512xi32, #tpu.memory_space<hbm>>) dst(%dma_wait3A_1912 : memref<512xi32, #tpu.memory_space<vmem>>)
      tpu.yield
    }) : () -> ()
    %gt3A = arith.constant 0 : i32
    %gt3A_3 = arith.cmpi sgt, %add3A, %gt3A : i32
    %convert_element_type3A = arith.extui %gt3A_3 : i1 to i32
    %cond3A = arith.constant 0 : i32
    %cond3A_4 = arith.cmpi ne, %convert_element_type3A, %cond3A : i32
    scf.if %cond3A_4 {
      %sub3A_1902 = arith.constant 16 : i32
      %sub3A_1903 = arith.subi %mul3A_2, %sub3A_1902 : i32
      "tpu.region"() ({
        %run_scoped3A = tpu.sem_alloc : memref<!tpu.dma_semaphore, #tpu.memory_space<semaphore_mem>>
        %dma_start3A_1904 = arith.constant 0 : i32
        %dma_start3A_1905 = tpu.memref_slice %arg6[%dma_start3A_1904] : memref<528xi32, #tpu.memory_space<vmem>> -> memref<16xi32, #tpu.memory_space<vmem>>
        %dma_start3A_1906 = tpu.memref_slice %arg2[%sub3A_1903] : memref<16384xi32, #tpu.memory_space<hbm>> -> memref<16xi32, #tpu.memory_space<hbm>>
        %dma_start3A_1907 = arith.constant 0 : i32
        %dma_start3A_1908 = tpu.memref_slice %arg6[%dma_start3A_1907] : memref<528xi32, #tpu.memory_space<vmem>> -> memref<16xi32, #tpu.memory_space<vmem>>
        %dma_start3A_1909 = tpu.memref_slice %arg2[%sub3A_1903] : memref<16384xi32, #tpu.memory_space<hbm>> -> memref<16xi32, #tpu.memory_space<hbm>>
        tpu.enqueue_dma source(%dma_start3A_1909 : memref<16xi32, #tpu.memory_space<hbm>>) target(%dma_start3A_1908 : memref<16xi32, #tpu.memory_space<vmem>>) target_semaphore(%run_scoped3A : memref<!tpu.dma_semaphore, #tpu.memory_space<semaphore_mem>>)
        %dma_wait3A_1910 = arith.constant 0 : i32
        %dma_wait3A_1911 = tpu.memref_slice %arg6[%dma_wait3A_1910] : memref<528xi32, #tpu.memory_space<vmem>> -> memref<16xi32, #tpu.memory_space<vmem>>
        %dma_wait3A_1912 = tpu.memref_slice %arg2[%sub3A_1903] : memref<16384xi32, #tpu.memory_space<hbm>> -> memref<16xi32, #tpu.memory_space<hbm>>
        %dma_wait3A_1913 = arith.constant 0 : i32
        %dma_wait3A_1914 = tpu.memref_slice %arg6[%dma_wait3A_1913] : memref<528xi32, #tpu.memory_space<vmem>> -> memref<16xi32, #tpu.memory_space<vmem>>
        %dma_wait3A_1915 = tpu.memref_slice %arg2[%sub3A_1903] : memref<16384xi32, #tpu.memory_space<hbm>> -> memref<16xi32, #tpu.memory_space<hbm>>
        tpu.wait_dma2 semaphore(%run_scoped3A : memref<!tpu.dma_semaphore, #tpu.memory_space<semaphore_mem>>) src(%dma_wait3A_1915 : memref<16xi32, #tpu.memory_space<hbm>>) dst(%dma_wait3A_1914 : memref<16xi32, #tpu.memory_space<vmem>>)
        tpu.yield
      }) : () -> ()
    } else {
    }
    "tpu.region"() ({
      %run_scoped3A = tpu.sem_alloc : memref<!tpu.dma_semaphore, #tpu.memory_space<semaphore_mem>>
      tpu.enqueue_dma source(%arg3 : memref<1024xf32, #tpu.memory_space<hbm>>) target(%arg7 : memref<1024xf32, #tpu.memory_space<vmem>>) target_semaphore(%run_scoped3A : memref<!tpu.dma_semaphore, #tpu.memory_space<semaphore_mem>>)
      tpu.wait_dma2 semaphore(%run_scoped3A : memref<!tpu.dma_semaphore, #tpu.memory_space<semaphore_mem>>) src(%arg3 : memref<1024xf32, #tpu.memory_space<hbm>>) dst(%arg7 : memref<1024xf32, #tpu.memory_space<vmem>>)
      tpu.yield
    }) : () -> ()
    %get3A = arith.constant 0 : index
    %get3A_5 = tpu.vector_load %arg7[%get3A] {strides = array<i32>} : memref<1024xf32, #tpu.memory_space<vmem>>, vector<16xf32>,
    %get3A_6 = vector.shape_cast %get3A_5 : vector<16xf32> to vector<16xf32>
    %neg3A = arith.constant 0.000000e+00 : f32
    %neg3A_7 = vector.broadcast %neg3A : f32 to vector<16xf32>
    %neg3A_8 = arith.subf %neg3A_7, %get3A_6 : vector<16xf32>
    %exp3A = math.exp %neg3A_8 : vector<16xf32>
    %add3A_9 = arith.constant 1.000000e+00 : f32
    %add3A_10 = vector.broadcast %add3A_9 : f32 to vector<16xf32>
    %add3A_11 = arith.addf %add3A_10, %exp3A : vector<16xf32>
    %div3A = arith.constant 1.000000e+00 : f32
    %div3A_12 = vector.broadcast %div3A : f32 to vector<16xf32>
    %div3A_13 = arith.divf %div3A_12, %add3A_11 : vector<16xf32>
    %swap3A = arith.constant 0 : index
    %swap3A_14 = tpu.vector_load %arg7[%swap3A] {strides = array<i32>} : memref<1024xf32, #tpu.memory_space<vmem>>, vector<16xf32>,
    %swap3A_15 = vector.shape_cast %swap3A_14 : vector<16xf32> to vector<16xf32>
    %swap3A_16 = vector.shape_cast %div3A_13 : vector<16xf32> to vector<16xf32>
    tpu.vector_store %arg7[%swap3A], %swap3A_16 {strides = array<i32>} : memref<1024xf32, #tpu.memory_space<vmem>>, vector<16xf32>,
    %get3A_17 = arith.constant 16 : index
    %get3A_18 = tpu.vector_load %arg7[%get3A_17] {strides = array<i32>} : memref<1024xf32, #tpu.memory_space<vmem>>, vector<16xf32>,
    %get3A_19 = vector.shape_cast %get3A_18 : vector<16xf32> to vector<16xf32>
    %neg3A_20 = arith.constant 0.000000e+00 : f32
    %neg3A_21 = vector.broadcast %neg3A_20 : f32 to vector<16xf32>
    %neg3A_22 = arith.subf %neg3A_21, %get3A_19 : vector<16xf32>
    %exp3A_23 = math.exp %neg3A_22 : vector<16xf32>
    %add3A_24 = arith.constant 1.000000e+00 : f32
    %add3A_25 = vector.broadcast %add3A_24 : f32 to vector<16xf32>
    %add3A_26 = arith.addf %add3A_25, %exp3A_23 : vector<16xf32>
    %div3A_27 = arith.constant 1.000000e+00 : f32
    %div3A_28 = vector.broadcast %div3A_27 : f32 to vector<16xf32>
    %div3A_29 = arith.divf %div3A_28, %add3A_26 : vector<16xf32>
    %swap3A_30 = arith.constant 16 : index
    %swap3A_31 = tpu.vector_load %arg7[%swap3A_30] {strides = array<i32>} : memref<1024xf32, #tpu.memory_space<vmem>>, vector<16xf32>,
    %swap3A_32 = vector.shape_cast %swap3A_31 : vector<16xf32> to vector<16xf32>
    %swap3A_33 = vector.shape_cast %div3A_29 : vector<16xf32> to vector<16xf32>
    tpu.vector_store %arg7[%swap3A_30], %swap3A_33 {strides = array<i32>} : memref<1024xf32, #tpu.memory_space<vmem>>, vector<16xf32>,
    %get3A_34 = arith.constant 32 : index
    %get3A_35 = tpu.vector_load %arg7[%get3A_34] {strides = array<i32>} : memref<1024xf32, #tpu.memory_space<vmem>>, vector<16xf32>,
    %get3A_36 = vector.shape_cast %get3A_35 : vector<16xf32> to vector<16xf32>
    %neg3A_37 = arith.constant 0.000000e+00 : f32
    %neg3A_38 = vector.broadcast %neg3A_37 : f32 to vector<16xf32>
    %neg3A_39 = arith.subf %neg3A_38, %get3A_36 : vector<16xf32>
    %exp3A_40 = math.exp %neg3A_39 : vector<16xf32>
    %add3A_41 = arith.constant 1.000000e+00 : f32
    %add3A_42 = vector.broadcast %add3A_41 : f32 to vector<16xf32>
    %add3A_43 = arith.addf %add3A_42, %exp3A_40 : vector<16xf32>
    %div3A_44 = arith.constant 1.000000e+00 : f32
    %div3A_45 = vector.broadcast %div3A_44 : f32 to vector<16xf32>
    %div3A_46 = arith.divf %div3A_45, %add3A_43 : vector<16xf32>
    %swap3A_47 = arith.constant 32 : index
    %swap3A_48 = tpu.vector_load %arg7[%swap3A_47] {strides = array<i32>} : memref<1024xf32, #tpu.memory_space<vmem>>, vector<16xf32>,
    %swap3A_49 = vector.shape_cast %swap3A_48 : vector<16xf32> to vector<16xf32>
    %swap3A_50 = vector.shape_cast %div3A_46 : vector<16xf32> to vector<16xf32>
    tpu.vector_store %arg7[%swap3A_47], %swap3A_50 {strides = array<i32>} : memref<1024xf32, #tpu.memory_space<vmem>>, vector<16xf32>,
    %get3A_51 = arith.constant 48 : index
    %get3A_52 = tpu.vector_load %arg7[%get3A_51] {strides = array<i32>} : memref<1024xf32, #tpu.memory_space<vmem>>, vector<16xf32>,
    %get3A_53 = vector.shape_cast %get3A_52 : vector<16xf32> to vector<16xf32>
    %neg3A_54 = arith.constant 0.000000e+00 : f32
    %neg3A_55 = vector.broadcast %neg3A_54 : f32 to vector<16xf32>
    %neg3A_56 = arith.subf %neg3A_55, %get3A_53 : vector<16xf32>
    %exp3A_57 = math.exp %neg3A_56 : vector<16xf32>
    %add3A_58 = arith.constant 1.000000e+00 : f32
    %add3A_59 = vector.broadcast %add3A_58 : f32 to vector<16xf32>
    %add3A_60 = arith.addf %add3A_59, %exp3A_57 : vector<16xf32>
    %div3A_61 = arith.constant 1.000000e+00 : f32
    %div3A_62 = vector.broadcast %div3A_61 : f32 to vector<16xf32>
    %div3A_63 = arith.divf %div3A_62, %add3A_60 : vector<16xf32>
    %swap3A_64 = arith.constant 48 : index
    %swap3A_65 = tpu.vector_load %arg7[%swap3A_64] {strides = array<i32>} : memref<1024xf32, #tpu.memory_space<vmem>>, vector<16xf32>,
    %swap3A_66 = vector.shape_cast %swap3A_65 : vector<16xf32> to vector<16xf32>
    %swap3A_67 = vector.shape_cast %div3A_63 : vector<16xf32> to vector<16xf32>
    tpu.vector_store %arg7[%swap3A_64], %swap3A_67 {strides = array<i32>} : memref<1024xf32, #tpu.memory_space<vmem>>, vector<16xf32>,
    %get3A_68 = arith.constant 64 : index
    %get3A_69 = tpu.vector_load %arg7[%get3A_68] {strides = array<i32>} : memref<1024xf32, #tpu.memory_space<vmem>>, vector<16xf32>,
    %get3A_70 = vector.shape_cast %get3A_69 : vector<16xf32> to vector<16xf32>
    %neg3A_71 = arith.constant 0.000000e+00 : f32
    %neg3A_72 = vector.broadcast %neg3A_71 : f32 to vector<16xf32>
    %neg3A_73 = arith.subf %neg3A_72, %get3A_70 : vector<16xf32>
    %exp3A_74 = math.exp %neg3A_73 : vector<16xf32>
    %add3A_75 = arith.constant 1.000000e+00 : f32
    %add3A_76 = vector.broadcast %add3A_75 : f32 to vector<16xf32>
    %add3A_77 = arith.addf %add3A_76, %exp3A_74 : vector<16xf32>
    %div3A_78 = arith.constant 1.000000e+00 : f32
    %div3A_79 = vector.broadcast %div3A_78 : f32 to vector<16xf32>
    %div3A_80 = arith.divf %div3A_79, %add3A_77 : vector<16xf32>
    %swap3A_81 = arith.constant 64 : index
    %swap3A_82 = tpu.vector_load %arg7[%swap3A_81] {strides = array<i32>} : memref<1024xf32, #tpu.memory_space<vmem>>, vector<16xf32>,
    %swap3A_83 = vector.shape_cast %swap3A_82 : vector<16xf32> to vector<16xf32>
    %swap3A_84 = vector.shape_cast %div3A_80 : vector<16xf32> to vector<16xf32>
    tpu.vector_store %arg7[%swap3A_81], %swap3A_84 {strides = array<i32>} : memref<1024xf32, #tpu.memory_space<vmem>>, vector<16xf32>,
    %get3A_85 = arith.constant 80 : index
    %get3A_86 = tpu.vector_load %arg7[%get3A_85] {strides = array<i32>} : memref<1024xf32, #tpu.memory_space<vmem>>, vector<16xf32>,
    %get3A_87 = vector.shape_cast %get3A_86 : vector<16xf32> to vector<16xf32>
    %neg3A_88 = arith.constant 0.000000e+00 : f32
    %neg3A_89 = vector.broadcast %neg3A_88 : f32 to vector<16xf32>
    %neg3A_90 = arith.subf %neg3A_89, %get3A_87 : vector<16xf32>
    %exp3A_91 = math.exp %neg3A_90 : vector<16xf32>
    %add3A_92 = arith.constant 1.000000e+00 : f32
    %add3A_93 = vector.broadcast %add3A_92 : f32 to vector<16xf32>
    %add3A_94 = arith.addf %add3A_93, %exp3A_91 : vector<16xf32>
    %div3A_95 = arith.constant 1.000000e+00 : f32
    %div3A_96 = vector.broadcast %div3A_95 : f32 to vector<16xf32>
    %div3A_97 = arith.divf %div3A_96, %add3A_94 : vector<16xf32>
    %swap3A_98 = arith.constant 80 : index
    %swap3A_99 = tpu.vector_load %arg7[%swap3A_98] {strides = array<i32>} : memref<1024xf32, #tpu.memory_space<vmem>>, vector<16xf32>,
    %swap3A_100 = vector.shape_cast %swap3A_99 : vector<16xf32> to vector<16xf32>
    %swap3A_101 = vector.shape_cast %div3A_97 : vector<16xf32> to vector<16xf32>
    tpu.vector_store %arg7[%swap3A_98], %swap3A_101 {strides = array<i32>} : memref<1024xf32, #tpu.memory_space<vmem>>, vector<16xf32>,
    %get3A_102 = arith.constant 96 : index
    %get3A_103 = tpu.vector_load %arg7[%get3A_102] {strides = array<i32>} : memref<1024xf32, #tpu.memory_space<vmem>>, vector<16xf32>,
    %get3A_104 = vector.shape_cast %get3A_103 : vector<16xf32> to vector<16xf32>
    %neg3A_105 = arith.constant 0.000000e+00 : f32
    %neg3A_106 = vector.broadcast %neg3A_105 : f32 to vector<16xf32>
    %neg3A_107 = arith.subf %neg3A_106, %get3A_104 : vector<16xf32>
    %exp3A_108 = math.exp %neg3A_107 : vector<16xf32>
    %add3A_109 = arith.constant 1.000000e+00 : f32
    %add3A_110 = vector.broadcast %add3A_109 : f32 to vector<16xf32>
    %add3A_111 = arith.addf %add3A_110, %exp3A_108 : vector<16xf32>
    %div3A_112 = arith.constant 1.000000e+00 : f32
    %div3A_113 = vector.broadcast %div3A_112 : f32 to vector<16xf32>
    %div3A_114 = arith.divf %div3A_113, %add3A_111 : vector<16xf32>
    %swap3A_115 = arith.constant 96 : index
    %swap3A_116 = tpu.vector_load %arg7[%swap3A_115] {strides = array<i32>} : memref<1024xf32, #tpu.memory_space<vmem>>, vector<16xf32>,
    %swap3A_117 = vector.shape_cast %swap3A_116 : vector<16xf32> to vector<16xf32>
    %swap3A_118 = vector.shape_cast %div3A_114 : vector<16xf32> to vector<16xf32>
    tpu.vector_store %arg7[%swap3A_115], %swap3A_118 {strides = array<i32>} : memref<1024xf32, #tpu.memory_space<vmem>>, vector<16xf32>,
    %get3A_119 = arith.constant 112 : index
    %get3A_120 = tpu.vector_load %arg7[%get3A_119] {strides = array<i32>} : memref<1024xf32, #tpu.memory_space<vmem>>, vector<16xf32>,
    %get3A_121 = vector.shape_cast %get3A_120 : vector<16xf32> to vector<16xf32>
    %neg3A_122 = arith.constant 0.000000e+00 : f32
    %neg3A_123 = vector.broadcast %neg3A_122 : f32 to vector<16xf32>
    %neg3A_124 = arith.subf %neg3A_123, %get3A_121 : vector<16xf32>
    %exp3A_125 = math.exp %neg3A_124 : vector<16xf32>
    %add3A_126 = arith.constant 1.000000e+00 : f32
    %add3A_127 = vector.broadcast %add3A_126 : f32 to vector<16xf32>
    %add3A_128 = arith.addf %add3A_127, %exp3A_125 : vector<16xf32>
    %div3A_129 = arith.constant 1.000000e+00 : f32
    %div3A_130 = vector.broadcast %div3A_129 : f32 to vector<16xf32>
    %div3A_131 = arith.divf %div3A_130, %add3A_128 : vector<16xf32>
    %swap3A_132 = arith.constant 112 : index
    %swap3A_133 = tpu.vector_load %arg7[%swap3A_132] {strides = array<i32>} : memref<1024xf32, #tpu.memory_space<vmem>>, vector<16xf32>,
    %swap3A_134 = vector.shape_cast %swap3A_133 : vector<16xf32> to vector<16xf32>
    %swap3A_135 = vector.shape_cast %div3A_131 : vector<16xf32> to vector<16xf32>
    tpu.vector_store %arg7[%swap3A_132], %swap3A_135 {strides = array<i32>} : memref<1024xf32, #tpu.memory_space<vmem>>, vector<16xf32>,
    %get3A_136 = arith.constant 128 : index
    %get3A_137 = tpu.vector_load %arg7[%get3A_136] {strides = array<i32>} : memref<1024xf32, #tpu.memory_space<vmem>>, vector<16xf32>,
    %get3A_138 = vector.shape_cast %get3A_137 : vector<16xf32> to vector<16xf32>
    %neg3A_139 = arith.constant 0.000000e+00 : f32
    %neg3A_140 = vector.broadcast %neg3A_139 : f32 to vector<16xf32>
    %neg3A_141 = arith.subf %neg3A_140, %get3A_138 : vector<16xf32>
    %exp3A_142 = math.exp %neg3A_141 : vector<16xf32>
    %add3A_143 = arith.constant 1.000000e+00 : f32
    %add3A_144 = vector.broadcast %add3A_143 : f32 to vector<16xf32>
    %add3A_145 = arith.addf %add3A_144, %exp3A_142 : vector<16xf32>
    %div3A_146 = arith.constant 1.000000e+00 : f32
    %div3A_147 = vector.broadcast %div3A_146 : f32 to vector<16xf32>
    %div3A_148 = arith.divf %div3A_147, %add3A_145 : vector<16xf32>
    %swap3A_149 = arith.constant 128 : index
    %swap3A_150 = tpu.vector_load %arg7[%swap3A_149] {strides = array<i32>} : memref<1024xf32, #tpu.memory_space<vmem>>, vector<16xf32>,
    %swap3A_151 = vector.shape_cast %swap3A_150 : vector<16xf32> to vector<16xf32>
    %swap3A_152 = vector.shape_cast %div3A_148 : vector<16xf32> to vector<16xf32>
    tpu.vector_store %arg7[%swap3A_149], %swap3A_152 {strides = array<i32>} : memref<1024xf32, #tpu.memory_space<vmem>>, vector<16xf32>,
    %get3A_153 = arith.constant 144 : index
    %get3A_154 = tpu.vector_load %arg7[%get3A_153] {strides = array<i32>} : memref<1024xf32, #tpu.memory_space<vmem>>, vector<16xf32>,
    %get3A_155 = vector.shape_cast %get3A_154 : vector<16xf32> to vector<16xf32>
    %neg3A_156 = arith.constant 0.000000e+00 : f32
    %neg3A_157 = vector.broadcast %neg3A_156 : f32 to vector<16xf32>
    %neg3A_158 = arith.subf %neg3A_157, %get3A_155 : vector<16xf32>
    %exp3A_159 = math.exp %neg3A_158 : vector<16xf32>
    %add3A_160 = arith.constant 1.000000e+00 : f32
    %add3A_161 = vector.broadcast %add3A_160 : f32 to vector<16xf32>
    %add3A_162 = arith.addf %add3A_161, %exp3A_159 : vector<16xf32>
    %div3A_163 = arith.constant 1.000000e+00 : f32
    %div3A_164 = vector.broadcast %div3A_163 : f32 to vector<16xf32>
    %div3A_165 = arith.divf %div3A_164, %add3A_162 : vector<16xf32>
    %swap3A_166 = arith.constant 144 : index
    %swap3A_167 = tpu.vector_load %arg7[%swap3A_166] {strides = array<i32>} : memref<1024xf32, #tpu.memory_space<vmem>>, vector<16xf32>,
    %swap3A_168 = vector.shape_cast %swap3A_167 : vector<16xf32> to vector<16xf32>
    %swap3A_169 = vector.shape_cast %div3A_165 : vector<16xf32> to vector<16xf32>
    tpu.vector_store %arg7[%swap3A_166], %swap3A_169 {strides = array<i32>} : memref<1024xf32, #tpu.memory_space<vmem>>, vector<16xf32>,
    %get3A_170 = arith.constant 160 : index
    %get3A_171 = tpu.vector_load %arg7[%get3A_170] {strides = array<i32>} : memref<1024xf32, #tpu.memory_space<vmem>>, vector<16xf32>,
    %get3A_172 = vector.shape_cast %get3A_171 : vector<16xf32> to vector<16xf32>
    %neg3A_173 = arith.constant 0.000000e+00 : f32
    %neg3A_174 = vector.broadcast %neg3A_173 : f32 to vector<16xf32>
    %neg3A_175 = arith.subf %neg3A_174, %get3A_172 : vector<16xf32>
    %exp3A_176 = math.exp %neg3A_175 : vector<16xf32>
    %add3A_177 = arith.constant 1.000000e+00 : f32
    %add3A_178 = vector.broadcast %add3A_177 : f32 to vector<16xf32>
    %add3A_179 = arith.addf %add3A_178, %exp3A_176 : vector<16xf32>
    %div3A_180 = arith.constant 1.000000e+00 : f32
    %div3A_181 = vector.broadcast %div3A_180 : f32 to vector<16xf32>
    %div3A_182 = arith.divf %div3A_181, %add3A_179 : vector<16xf32>
    %swap3A_183 = arith.constant 160 : index
    %swap3A_184 = tpu.vector_load %arg7[%swap3A_183] {strides = array<i32>} : memref<1024xf32, #tpu.memory_space<vmem>>, vector<16xf32>,
    %swap3A_185 = vector.shape_cast %swap3A_184 : vector<16xf32> to vector<16xf32>
    %swap3A_186 = vector.shape_cast %div3A_182 : vector<16xf32> to vector<16xf32>
    tpu.vector_store %arg7[%swap3A_183], %swap3A_186 {strides = array<i32>} : memref<1024xf32, #tpu.memory_space<vmem>>, vector<16xf32>,
    %get3A_187 = arith.constant 176 : index
    %get3A_188 = tpu.vector_load %arg7[%get3A_187] {strides = array<i32>} : memref<1024xf32, #tpu.memory_space<vmem>>, vector<16xf32>,
    %get3A_189 = vector.shape_cast %get3A_188 : vector<16xf32> to vector<16xf32>
    %neg3A_190 = arith.constant 0.000000e+00 : f32
    %neg3A_191 = vector.broadcast %neg3A_190 : f32 to vector<16xf32>
    %neg3A_192 = arith.subf %neg3A_191, %get3A_189 : vector<16xf32>
    %exp3A_193 = math.exp %neg3A_192 : vector<16xf32>
    %add3A_194 = arith.constant 1.000000e+00 : f32
    %add3A_195 = vector.broadcast %add3A_194 : f32 to vector<16xf32>
    %add3A_196 = arith.addf %add3A_195, %exp3A_193 : vector<16xf32>
    %div3A_197 = arith.constant 1.000000e+00 : f32
    %div3A_198 = vector.broadcast %div3A_197 : f32 to vector<16xf32>
    %div3A_199 = arith.divf %div3A_198, %add3A_196 : vector<16xf32>
    %swap3A_200 = arith.constant 176 : index
    %swap3A_201 = tpu.vector_load %arg7[%swap3A_200] {strides = array<i32>} : memref<1024xf32, #tpu.memory_space<vmem>>, vector<16xf32>,
    %swap3A_202 = vector.shape_cast %swap3A_201 : vector<16xf32> to vector<16xf32>
    %swap3A_203 = vector.shape_cast %div3A_199 : vector<16xf32> to vector<16xf32>
    tpu.vector_store %arg7[%swap3A_200], %swap3A_203 {strides = array<i32>} : memref<1024xf32, #tpu.memory_space<vmem>>, vector<16xf32>,
    %get3A_204 = arith.constant 192 : index
    %get3A_205 = tpu.vector_load %arg7[%get3A_204] {strides = array<i32>} : memref<1024xf32, #tpu.memory_space<vmem>>, vector<16xf32>,
    %get3A_206 = vector.shape_cast %get3A_205 : vector<16xf32> to vector<16xf32>
    %neg3A_207 = arith.constant 0.000000e+00 : f32
    %neg3A_208 = vector.broadcast %neg3A_207 : f32 to vector<16xf32>
    %neg3A_209 = arith.subf %neg3A_208, %get3A_206 : vector<16xf32>
    %exp3A_210 = math.exp %neg3A_209 : vector<16xf32>
    %add3A_211 = arith.constant 1.000000e+00 : f32
    %add3A_212 = vector.broadcast %add3A_211 : f32 to vector<16xf32>
    %add3A_213 = arith.addf %add3A_212, %exp3A_210 : vector<16xf32>
    %div3A_214 = arith.constant 1.000000e+00 : f32
    %div3A_215 = vector.broadcast %div3A_214 : f32 to vector<16xf32>
    %div3A_216 = arith.divf %div3A_215, %add3A_213 : vector<16xf32>
    %swap3A_217 = arith.constant 192 : index
    %swap3A_218 = tpu.vector_load %arg7[%swap3A_217] {strides = array<i32>} : memref<1024xf32, #tpu.memory_space<vmem>>, vector<16xf32>,
    %swap3A_219 = vector.shape_cast %swap3A_218 : vector<16xf32> to vector<16xf32>
    %swap3A_220 = vector.shape_cast %div3A_216 : vector<16xf32> to vector<16xf32>
    tpu.vector_store %arg7[%swap3A_217], %swap3A_220 {strides = array<i32>} : memref<1024xf32, #tpu.memory_space<vmem>>, vector<16xf32>,
    %get3A_221 = arith.constant 208 : index
    %get3A_222 = tpu.vector_load %arg7[%get3A_221] {strides = array<i32>} : memref<1024xf32, #tpu.memory_space<vmem>>, vector<16xf32>,
    %get3A_223 = vector.shape_cast %get3A_222 : vector<16xf32> to vector<16xf32>
    %neg3A_224 = arith.constant 0.000000e+00 : f32
    %neg3A_225 = vector.broadcast %neg3A_224 : f32 to vector<16xf32>
    %neg3A_226 = arith.subf %neg3A_225, %get3A_223 : vector<16xf32>
    %exp3A_227 = math.exp %neg3A_226 : vector<16xf32>
    %add3A_228 = arith.constant 1.000000e+00 : f32
    %add3A_229 = vector.broadcast %add3A_228 : f32 to vector<16xf32>
    %add3A_230 = arith.addf %add3A_229, %exp3A_227 : vector<16xf32>
    %div3A_231 = arith.constant 1.000000e+00 : f32
    %div3A_232 = vector.broadcast %div3A_231 : f32 to vector<16xf32>
    %div3A_233 = arith.divf %div3A_232, %add3A_230 : vector<16xf32>
    %swap3A_234 = arith.constant 208 : index
    %swap3A_235 = tpu.vector_load %arg7[%swap3A_234] {strides = array<i32>} : memref<1024xf32, #tpu.memory_space<vmem>>, vector<16xf32>,
    %swap3A_236 = vector.shape_cast %swap3A_235 : vector<16xf32> to vector<16xf32>
    %swap3A_237 = vector.shape_cast %div3A_233 : vector<16xf32> to vector<16xf32>
    tpu.vector_store %arg7[%swap3A_234], %swap3A_237 {strides = array<i32>} : memref<1024xf32, #tpu.memory_space<vmem>>, vector<16xf32>,
    %get3A_238 = arith.constant 224 : index
    %get3A_239 = tpu.vector_load %arg7[%get3A_238] {strides = array<i32>} : memref<1024xf32, #tpu.memory_space<vmem>>, vector<16xf32>,
    %get3A_240 = vector.shape_cast %get3A_239 : vector<16xf32> to vector<16xf32>
    %neg3A_241 = arith.constant 0.000000e+00 : f32
    %neg3A_242 = vector.broadcast %neg3A_241 : f32 to vector<16xf32>
    %neg3A_243 = arith.subf %neg3A_242, %get3A_240 : vector<16xf32>
    %exp3A_244 = math.exp %neg3A_243 : vector<16xf32>
    %add3A_245 = arith.constant 1.000000e+00 : f32
    %add3A_246 = vector.broadcast %add3A_245 : f32 to vector<16xf32>
    %add3A_247 = arith.addf %add3A_246, %exp3A_244 : vector<16xf32>
    %div3A_248 = arith.constant 1.000000e+00 : f32
    %div3A_249 = vector.broadcast %div3A_248 : f32 to vector<16xf32>
    %div3A_250 = arith.divf %div3A_249, %add3A_247 : vector<16xf32>
    %swap3A_251 = arith.constant 224 : index
    %swap3A_252 = tpu.vector_load %arg7[%swap3A_251] {strides = array<i32>} : memref<1024xf32, #tpu.memory_space<vmem>>, vector<16xf32>,
    %swap3A_253 = vector.shape_cast %swap3A_252 : vector<16xf32> to vector<16xf32>
    %swap3A_254 = vector.shape_cast %div3A_250 : vector<16xf32> to vector<16xf32>
    tpu.vector_store %arg7[%swap3A_251], %swap3A_254 {strides = array<i32>} : memref<1024xf32, #tpu.memory_space<vmem>>, vector<16xf32>,
    %get3A_255 = arith.constant 240 : index
    %get3A_256 = tpu.vector_load %arg7[%get3A_255] {strides = array<i32>} : memref<1024xf32, #tpu.memory_space<vmem>>, vector<16xf32>,
    %get3A_257 = vector.shape_cast %get3A_256 : vector<16xf32> to vector<16xf32>
    %neg3A_258 = arith.constant 0.000000e+00 : f32
    %neg3A_259 = vector.broadcast %neg3A_258 : f32 to vector<16xf32>
    %neg3A_260 = arith.subf %neg3A_259, %get3A_257 : vector<16xf32>
    %exp3A_261 = math.exp %neg3A_260 : vector<16xf32>
    %add3A_262 = arith.constant 1.000000e+00 : f32
    %add3A_263 = vector.broadcast %add3A_262 : f32 to vector<16xf32>
    %add3A_264 = arith.addf %add3A_263, %exp3A_261 : vector<16xf32>
    %div3A_265 = arith.constant 1.000000e+00 : f32
    %div3A_266 = vector.broadcast %div3A_265 : f32 to vector<16xf32>
    %div3A_267 = arith.divf %div3A_266, %add3A_264 : vector<16xf32>
    %swap3A_268 = arith.constant 240 : index
    %swap3A_269 = tpu.vector_load %arg7[%swap3A_268] {strides = array<i32>} : memref<1024xf32, #tpu.memory_space<vmem>>, vector<16xf32>,
    %swap3A_270 = vector.shape_cast %swap3A_269 : vector<16xf32> to vector<16xf32>
    %swap3A_271 = vector.shape_cast %div3A_267 : vector<16xf32> to vector<16xf32>
    tpu.vector_store %arg7[%swap3A_268], %swap3A_271 {strides = array<i32>} : memref<1024xf32, #tpu.memory_space<vmem>>, vector<16xf32>,
    %get3A_272 = arith.constant 256 : index
    %get3A_273 = tpu.vector_load %arg7[%get3A_272] {strides = array<i32>} : memref<1024xf32, #tpu.memory_space<vmem>>, vector<16xf32>,
    %get3A_274 = vector.shape_cast %get3A_273 : vector<16xf32> to vector<16xf32>
    %neg3A_275 = arith.constant 0.000000e+00 : f32
    %neg3A_276 = vector.broadcast %neg3A_275 : f32 to vector<16xf32>
    %neg3A_277 = arith.subf %neg3A_276, %get3A_274 : vector<16xf32>
    %exp3A_278 = math.exp %neg3A_277 : vector<16xf32>
    %add3A_279 = arith.constant 1.000000e+00 : f32
    %add3A_280 = vector.broadcast %add3A_279 : f32 to vector<16xf32>
    %add3A_281 = arith.addf %add3A_280, %exp3A_278 : vector<16xf32>
    %div3A_282 = arith.constant 1.000000e+00 : f32
    %div3A_283 = vector.broadcast %div3A_282 : f32 to vector<16xf32>
    %div3A_284 = arith.divf %div3A_283, %add3A_281 : vector<16xf32>
    %swap3A_285 = arith.constant 256 : index
    %swap3A_286 = tpu.vector_load %arg7[%swap3A_285] {strides = array<i32>} : memref<1024xf32, #tpu.memory_space<vmem>>, vector<16xf32>,
    %swap3A_287 = vector.shape_cast %swap3A_286 : vector<16xf32> to vector<16xf32>
    %swap3A_288 = vector.shape_cast %div3A_284 : vector<16xf32> to vector<16xf32>
    tpu.vector_store %arg7[%swap3A_285], %swap3A_288 {strides = array<i32>} : memref<1024xf32, #tpu.memory_space<vmem>>, vector<16xf32>,
    %get3A_289 = arith.constant 272 : index
    %get3A_290 = tpu.vector_load %arg7[%get3A_289] {strides = array<i32>} : memref<1024xf32, #tpu.memory_space<vmem>>, vector<16xf32>,
    %get3A_291 = vector.shape_cast %get3A_290 : vector<16xf32> to vector<16xf32>
    %neg3A_292 = arith.constant 0.000000e+00 : f32
    %neg3A_293 = vector.broadcast %neg3A_292 : f32 to vector<16xf32>
    %neg3A_294 = arith.subf %neg3A_293, %get3A_291 : vector<16xf32>
    %exp3A_295 = math.exp %neg3A_294 : vector<16xf32>
    %add3A_296 = arith.constant 1.000000e+00 : f32
    %add3A_297 = vector.broadcast %add3A_296 : f32 to vector<16xf32>
    %add3A_298 = arith.addf %add3A_297, %exp3A_295 : vector<16xf32>
    %div3A_299 = arith.constant 1.000000e+00 : f32
    %div3A_300 = vector.broadcast %div3A_299 : f32 to vector<16xf32>
    %div3A_301 = arith.divf %div3A_300, %add3A_298 : vector<16xf32>
    %swap3A_302 = arith.constant 272 : index
    %swap3A_303 = tpu.vector_load %arg7[%swap3A_302] {strides = array<i32>} : memref<1024xf32, #tpu.memory_space<vmem>>, vector<16xf32>,
    %swap3A_304 = vector.shape_cast %swap3A_303 : vector<16xf32> to vector<16xf32>
    %swap3A_305 = vector.shape_cast %div3A_301 : vector<16xf32> to vector<16xf32>
    tpu.vector_store %arg7[%swap3A_302], %swap3A_305 {strides = array<i32>} : memref<1024xf32, #tpu.memory_space<vmem>>, vector<16xf32>,
    %get3A_306 = arith.constant 288 : index
    %get3A_307 = tpu.vector_load %arg7[%get3A_306] {strides = array<i32>} : memref<1024xf32, #tpu.memory_space<vmem>>, vector<16xf32>,
    %get3A_308 = vector.shape_cast %get3A_307 : vector<16xf32> to vector<16xf32>
    %neg3A_309 = arith.constant 0.000000e+00 : f32
    %neg3A_310 = vector.broadcast %neg3A_309 : f32 to vector<16xf32>
    %neg3A_311 = arith.subf %neg3A_310, %get3A_308 : vector<16xf32>
    %exp3A_312 = math.exp %neg3A_311 : vector<16xf32>
    %add3A_313 = arith.constant 1.000000e+00 : f32
    %add3A_314 = vector.broadcast %add3A_313 : f32 to vector<16xf32>
    %add3A_315 = arith.addf %add3A_314, %exp3A_312 : vector<16xf32>
    %div3A_316 = arith.constant 1.000000e+00 : f32
    %div3A_317 = vector.broadcast %div3A_316 : f32 to vector<16xf32>
    %div3A_318 = arith.divf %div3A_317, %add3A_315 : vector<16xf32>
    %swap3A_319 = arith.constant 288 : index
    %swap3A_320 = tpu.vector_load %arg7[%swap3A_319] {strides = array<i32>} : memref<1024xf32, #tpu.memory_space<vmem>>, vector<16xf32>,
    %swap3A_321 = vector.shape_cast %swap3A_320 : vector<16xf32> to vector<16xf32>
    %swap3A_322 = vector.shape_cast %div3A_318 : vector<16xf32> to vector<16xf32>
    tpu.vector_store %arg7[%swap3A_319], %swap3A_322 {strides = array<i32>} : memref<1024xf32, #tpu.memory_space<vmem>>, vector<16xf32>,
    %get3A_323 = arith.constant 304 : index
    %get3A_324 = tpu.vector_load %arg7[%get3A_323] {strides = array<i32>} : memref<1024xf32, #tpu.memory_space<vmem>>, vector<16xf32>,
    %get3A_325 = vector.shape_cast %get3A_324 : vector<16xf32> to vector<16xf32>
    %neg3A_326 = arith.constant 0.000000e+00 : f32
    %neg3A_327 = vector.broadcast %neg3A_326 : f32 to vector<16xf32>
    %neg3A_328 = arith.subf %neg3A_327, %get3A_325 : vector<16xf32>
    %exp3A_329 = math.exp %neg3A_328 : vector<16xf32>
    %add3A_330 = arith.constant 1.000000e+00 : f32
    %add3A_331 = vector.broadcast %add3A_330 : f32 to vector<16xf32>
    %add3A_332 = arith.addf %add3A_331, %exp3A_329 : vector<16xf32>
    %div3A_333 = arith.constant 1.000000e+00 : f32
    %div3A_334 = vector.broadcast %div3A_333 : f32 to vector<16xf32>
    %div3A_335 = arith.divf %div3A_334, %add3A_332 : vector<16xf32>
    %swap3A_336 = arith.constant 304 : index
    %swap3A_337 = tpu.vector_load %arg7[%swap3A_336] {strides = array<i32>} : memref<1024xf32, #tpu.memory_space<vmem>>, vector<16xf32>,
    %swap3A_338 = vector.shape_cast %swap3A_337 : vector<16xf32> to vector<16xf32>
    %swap3A_339 = vector.shape_cast %div3A_335 : vector<16xf32> to vector<16xf32>
    tpu.vector_store %arg7[%swap3A_336], %swap3A_339 {strides = array<i32>} : memref<1024xf32, #tpu.memory_space<vmem>>, vector<16xf32>,
    %get3A_340 = arith.constant 320 : index
    %get3A_341 = tpu.vector_load %arg7[%get3A_340] {strides = array<i32>} : memref<1024xf32, #tpu.memory_space<vmem>>, vector<16xf32>,
    %get3A_342 = vector.shape_cast %get3A_341 : vector<16xf32> to vector<16xf32>
    %neg3A_343 = arith.constant 0.000000e+00 : f32
    %neg3A_344 = vector.broadcast %neg3A_343 : f32 to vector<16xf32>
    %neg3A_345 = arith.subf %neg3A_344, %get3A_342 : vector<16xf32>
    %exp3A_346 = math.exp %neg3A_345 : vector<16xf32>
    %add3A_347 = arith.constant 1.000000e+00 : f32
    %add3A_348 = vector.broadcast %add3A_347 : f32 to vector<16xf32>
    %add3A_349 = arith.addf %add3A_348, %exp3A_346 : vector<16xf32>
    %div3A_350 = arith.constant 1.000000e+00 : f32
    %div3A_351 = vector.broadcast %div3A_350 : f32 to vector<16xf32>
    %div3A_352 = arith.divf %div3A_351, %add3A_349 : vector<16xf32>
    %swap3A_353 = arith.constant 320 : index
    %swap3A_354 = tpu.vector_load %arg7[%swap3A_353] {strides = array<i32>} : memref<1024xf32, #tpu.memory_space<vmem>>, vector<16xf32>,
    %swap3A_355 = vector.shape_cast %swap3A_354 : vector<16xf32> to vector<16xf32>
    %swap3A_356 = vector.shape_cast %div3A_352 : vector<16xf32> to vector<16xf32>
    tpu.vector_store %arg7[%swap3A_353], %swap3A_356 {strides = array<i32>} : memref<1024xf32, #tpu.memory_space<vmem>>, vector<16xf32>,
    %get3A_357 = arith.constant 336 : index
    %get3A_358 = tpu.vector_load %arg7[%get3A_357] {strides = array<i32>} : memref<1024xf32, #tpu.memory_space<vmem>>, vector<16xf32>,
    %get3A_359 = vector.shape_cast %get3A_358 : vector<16xf32> to vector<16xf32>
    %neg3A_360 = arith.constant 0.000000e+00 : f32
    %neg3A_361 = vector.broadcast %neg3A_360 : f32 to vector<16xf32>
    %neg3A_362 = arith.subf %neg3A_361, %get3A_359 : vector<16xf32>
    %exp3A_363 = math.exp %neg3A_362 : vector<16xf32>
    %add3A_364 = arith.constant 1.000000e+00 : f32
    %add3A_365 = vector.broadcast %add3A_364 : f32 to vector<16xf32>
    %add3A_366 = arith.addf %add3A_365, %exp3A_363 : vector<16xf32>
    %div3A_367 = arith.constant 1.000000e+00 : f32
    %div3A_368 = vector.broadcast %div3A_367 : f32 to vector<16xf32>
    %div3A_369 = arith.divf %div3A_368, %add3A_366 : vector<16xf32>
    %swap3A_370 = arith.constant 336 : index
    %swap3A_371 = tpu.vector_load %arg7[%swap3A_370] {strides = array<i32>} : memref<1024xf32, #tpu.memory_space<vmem>>, vector<16xf32>,
    %swap3A_372 = vector.shape_cast %swap3A_371 : vector<16xf32> to vector<16xf32>
    %swap3A_373 = vector.shape_cast %div3A_369 : vector<16xf32> to vector<16xf32>
    tpu.vector_store %arg7[%swap3A_370], %swap3A_373 {strides = array<i32>} : memref<1024xf32, #tpu.memory_space<vmem>>, vector<16xf32>,
    %get3A_374 = arith.constant 352 : index
    %get3A_375 = tpu.vector_load %arg7[%get3A_374] {strides = array<i32>} : memref<1024xf32, #tpu.memory_space<vmem>>, vector<16xf32>,
    %get3A_376 = vector.shape_cast %get3A_375 : vector<16xf32> to vector<16xf32>
    %neg3A_377 = arith.constant 0.000000e+00 : f32
    %neg3A_378 = vector.broadcast %neg3A_377 : f32 to vector<16xf32>
    %neg3A_379 = arith.subf %neg3A_378, %get3A_376 : vector<16xf32>
    %exp3A_380 = math.exp %neg3A_379 : vector<16xf32>
    %add3A_381 = arith.constant 1.000000e+00 : f32
    %add3A_382 = vector.broadcast %add3A_381 : f32 to vector<16xf32>
    %add3A_383 = arith.addf %add3A_382, %exp3A_380 : vector<16xf32>
    %div3A_384 = arith.constant 1.000000e+00 : f32
    %div3A_385 = vector.broadcast %div3A_384 : f32 to vector<16xf32>
    %div3A_386 = arith.divf %div3A_385, %add3A_383 : vector<16xf32>
    %swap3A_387 = arith.constant 352 : index
    %swap3A_388 = tpu.vector_load %arg7[%swap3A_387] {strides = array<i32>} : memref<1024xf32, #tpu.memory_space<vmem>>, vector<16xf32>,
    %swap3A_389 = vector.shape_cast %swap3A_388 : vector<16xf32> to vector<16xf32>
    %swap3A_390 = vector.shape_cast %div3A_386 : vector<16xf32> to vector<16xf32>
    tpu.vector_store %arg7[%swap3A_387], %swap3A_390 {strides = array<i32>} : memref<1024xf32, #tpu.memory_space<vmem>>, vector<16xf32>,
    %get3A_391 = arith.constant 368 : index
    %get3A_392 = tpu.vector_load %arg7[%get3A_391] {strides = array<i32>} : memref<1024xf32, #tpu.memory_space<vmem>>, vector<16xf32>,
    %get3A_393 = vector.shape_cast %get3A_392 : vector<16xf32> to vector<16xf32>
    %neg3A_394 = arith.constant 0.000000e+00 : f32
    %neg3A_395 = vector.broadcast %neg3A_394 : f32 to vector<16xf32>
    %neg3A_396 = arith.subf %neg3A_395, %get3A_393 : vector<16xf32>
    %exp3A_397 = math.exp %neg3A_396 : vector<16xf32>
    %add3A_398 = arith.constant 1.000000e+00 : f32
    %add3A_399 = vector.broadcast %add3A_398 : f32 to vector<16xf32>
    %add3A_400 = arith.addf %add3A_399, %exp3A_397 : vector<16xf32>
    %div3A_401 = arith.constant 1.000000e+00 : f32
    %div3A_402 = vector.broadcast %div3A_401 : f32 to vector<16xf32>
    %div3A_403 = arith.divf %div3A_402, %add3A_400 : vector<16xf32>
    %swap3A_404 = arith.constant 368 : index
    %swap3A_405 = tpu.vector_load %arg7[%swap3A_404] {strides = array<i32>} : memref<1024xf32, #tpu.memory_space<vmem>>, vector<16xf32>,
    %swap3A_406 = vector.shape_cast %swap3A_405 : vector<16xf32> to vector<16xf32>
    %swap3A_407 = vector.shape_cast %div3A_403 : vector<16xf32> to vector<16xf32>
    tpu.vector_store %arg7[%swap3A_404], %swap3A_407 {strides = array<i32>} : memref<1024xf32, #tpu.memory_space<vmem>>, vector<16xf32>,
    %get3A_408 = arith.constant 384 : index
    %get3A_409 = tpu.vector_load %arg7[%get3A_408] {strides = array<i32>} : memref<1024xf32, #tpu.memory_space<vmem>>, vector<16xf32>,
    %get3A_410 = vector.shape_cast %get3A_409 : vector<16xf32> to vector<16xf32>
    %neg3A_411 = arith.constant 0.000000e+00 : f32
    %neg3A_412 = vector.broadcast %neg3A_411 : f32 to vector<16xf32>
    %neg3A_413 = arith.subf %neg3A_412, %get3A_410 : vector<16xf32>
    %exp3A_414 = math.exp %neg3A_413 : vector<16xf32>
    %add3A_415 = arith.constant 1.000000e+00 : f32
    %add3A_416 = vector.broadcast %add3A_415 : f32 to vector<16xf32>
    %add3A_417 = arith.addf %add3A_416, %exp3A_414 : vector<16xf32>
    %div3A_418 = arith.constant 1.000000e+00 : f32
    %div3A_419 = vector.broadcast %div3A_418 : f32 to vector<16xf32>
    %div3A_420 = arith.divf %div3A_419, %add3A_417 : vector<16xf32>
    %swap3A_421 = arith.constant 384 : index
    %swap3A_422 = tpu.vector_load %arg7[%swap3A_421] {strides = array<i32>} : memref<1024xf32, #tpu.memory_space<vmem>>, vector<16xf32>,
    %swap3A_423 = vector.shape_cast %swap3A_422 : vector<16xf32> to vector<16xf32>
    %swap3A_424 = vector.shape_cast %div3A_420 : vector<16xf32> to vector<16xf32>
    tpu.vector_store %arg7[%swap3A_421], %swap3A_424 {strides = array<i32>} : memref<1024xf32, #tpu.memory_space<vmem>>, vector<16xf32>,
    %get3A_425 = arith.constant 400 : index
    %get3A_426 = tpu.vector_load %arg7[%get3A_425] {strides = array<i32>} : memref<1024xf32, #tpu.memory_space<vmem>>, vector<16xf32>,
    %get3A_427 = vector.shape_cast %get3A_426 : vector<16xf32> to vector<16xf32>
    %neg3A_428 = arith.constant 0.000000e+00 : f32
    %neg3A_429 = vector.broadcast %neg3A_428 : f32 to vector<16xf32>
    %neg3A_430 = arith.subf %neg3A_429, %get3A_427 : vector<16xf32>
    %exp3A_431 = math.exp %neg3A_430 : vector<16xf32>
    %add3A_432 = arith.constant 1.000000e+00 : f32
    %add3A_433 = vector.broadcast %add3A_432 : f32 to vector<16xf32>
    %add3A_434 = arith.addf %add3A_433, %exp3A_431 : vector<16xf32>
    %div3A_435 = arith.constant 1.000000e+00 : f32
    %div3A_436 = vector.broadcast %div3A_435 : f32 to vector<16xf32>
    %div3A_437 = arith.divf %div3A_436, %add3A_434 : vector<16xf32>
    %swap3A_438 = arith.constant 400 : index
    %swap3A_439 = tpu.vector_load %arg7[%swap3A_438] {strides = array<i32>} : memref<1024xf32, #tpu.memory_space<vmem>>, vector<16xf32>,
    %swap3A_440 = vector.shape_cast %swap3A_439 : vector<16xf32> to vector<16xf32>
    %swap3A_441 = vector.shape_cast %div3A_437 : vector<16xf32> to vector<16xf32>
    tpu.vector_store %arg7[%swap3A_438], %swap3A_441 {strides = array<i32>} : memref<1024xf32, #tpu.memory_space<vmem>>, vector<16xf32>,
    %get3A_442 = arith.constant 416 : index
    %get3A_443 = tpu.vector_load %arg7[%get3A_442] {strides = array<i32>} : memref<1024xf32, #tpu.memory_space<vmem>>, vector<16xf32>,
    %get3A_444 = vector.shape_cast %get3A_443 : vector<16xf32> to vector<16xf32>
    %neg3A_445 = arith.constant 0.000000e+00 : f32
    %neg3A_446 = vector.broadcast %neg3A_445 : f32 to vector<16xf32>
    %neg3A_447 = arith.subf %neg3A_446, %get3A_444 : vector<16xf32>
    %exp3A_448 = math.exp %neg3A_447 : vector<16xf32>
    %add3A_449 = arith.constant 1.000000e+00 : f32
    %add3A_450 = vector.broadcast %add3A_449 : f32 to vector<16xf32>
    %add3A_451 = arith.addf %add3A_450, %exp3A_448 : vector<16xf32>
    %div3A_452 = arith.constant 1.000000e+00 : f32
    %div3A_453 = vector.broadcast %div3A_452 : f32 to vector<16xf32>
    %div3A_454 = arith.divf %div3A_453, %add3A_451 : vector<16xf32>
    %swap3A_455 = arith.constant 416 : index
    %swap3A_456 = tpu.vector_load %arg7[%swap3A_455] {strides = array<i32>} : memref<1024xf32, #tpu.memory_space<vmem>>, vector<16xf32>,
    %swap3A_457 = vector.shape_cast %swap3A_456 : vector<16xf32> to vector<16xf32>
    %swap3A_458 = vector.shape_cast %div3A_454 : vector<16xf32> to vector<16xf32>
    tpu.vector_store %arg7[%swap3A_455], %swap3A_458 {strides = array<i32>} : memref<1024xf32, #tpu.memory_space<vmem>>, vector<16xf32>,
    %get3A_459 = arith.constant 432 : index
    %get3A_460 = tpu.vector_load %arg7[%get3A_459] {strides = array<i32>} : memref<1024xf32, #tpu.memory_space<vmem>>, vector<16xf32>,
    %get3A_461 = vector.shape_cast %get3A_460 : vector<16xf32> to vector<16xf32>
    %neg3A_462 = arith.constant 0.000000e+00 : f32
    %neg3A_463 = vector.broadcast %neg3A_462 : f32 to vector<16xf32>
    %neg3A_464 = arith.subf %neg3A_463, %get3A_461 : vector<16xf32>
    %exp3A_465 = math.exp %neg3A_464 : vector<16xf32>
    %add3A_466 = arith.constant 1.000000e+00 : f32
    %add3A_467 = vector.broadcast %add3A_466 : f32 to vector<16xf32>
    %add3A_468 = arith.addf %add3A_467, %exp3A_465 : vector<16xf32>
    %div3A_469 = arith.constant 1.000000e+00 : f32
    %div3A_470 = vector.broadcast %div3A_469 : f32 to vector<16xf32>
    %div3A_471 = arith.divf %div3A_470, %add3A_468 : vector<16xf32>
    %swap3A_472 = arith.constant 432 : index
    %swap3A_473 = tpu.vector_load %arg7[%swap3A_472] {strides = array<i32>} : memref<1024xf32, #tpu.memory_space<vmem>>, vector<16xf32>,
    %swap3A_474 = vector.shape_cast %swap3A_473 : vector<16xf32> to vector<16xf32>
    %swap3A_475 = vector.shape_cast %div3A_471 : vector<16xf32> to vector<16xf32>
    tpu.vector_store %arg7[%swap3A_472], %swap3A_475 {strides = array<i32>} : memref<1024xf32, #tpu.memory_space<vmem>>, vector<16xf32>,
    %get3A_476 = arith.constant 448 : index
    %get3A_477 = tpu.vector_load %arg7[%get3A_476] {strides = array<i32>} : memref<1024xf32, #tpu.memory_space<vmem>>, vector<16xf32>,
    %get3A_478 = vector.shape_cast %get3A_477 : vector<16xf32> to vector<16xf32>
    %neg3A_479 = arith.constant 0.000000e+00 : f32
    %neg3A_480 = vector.broadcast %neg3A_479 : f32 to vector<16xf32>
    %neg3A_481 = arith.subf %neg3A_480, %get3A_478 : vector<16xf32>
    %exp3A_482 = math.exp %neg3A_481 : vector<16xf32>
    %add3A_483 = arith.constant 1.000000e+00 : f32
    %add3A_484 = vector.broadcast %add3A_483 : f32 to vector<16xf32>
    %add3A_485 = arith.addf %add3A_484, %exp3A_482 : vector<16xf32>
    %div3A_486 = arith.constant 1.000000e+00 : f32
    %div3A_487 = vector.broadcast %div3A_486 : f32 to vector<16xf32>
    %div3A_488 = arith.divf %div3A_487, %add3A_485 : vector<16xf32>
    %swap3A_489 = arith.constant 448 : index
    %swap3A_490 = tpu.vector_load %arg7[%swap3A_489] {strides = array<i32>} : memref<1024xf32, #tpu.memory_space<vmem>>, vector<16xf32>,
    %swap3A_491 = vector.shape_cast %swap3A_490 : vector<16xf32> to vector<16xf32>
    %swap3A_492 = vector.shape_cast %div3A_488 : vector<16xf32> to vector<16xf32>
    tpu.vector_store %arg7[%swap3A_489], %swap3A_492 {strides = array<i32>} : memref<1024xf32, #tpu.memory_space<vmem>>, vector<16xf32>,
    %get3A_493 = arith.constant 464 : index
    %get3A_494 = tpu.vector_load %arg7[%get3A_493] {strides = array<i32>} : memref<1024xf32, #tpu.memory_space<vmem>>, vector<16xf32>,
    %get3A_495 = vector.shape_cast %get3A_494 : vector<16xf32> to vector<16xf32>
    %neg3A_496 = arith.constant 0.000000e+00 : f32
    %neg3A_497 = vector.broadcast %neg3A_496 : f32 to vector<16xf32>
    %neg3A_498 = arith.subf %neg3A_497, %get3A_495 : vector<16xf32>
    %exp3A_499 = math.exp %neg3A_498 : vector<16xf32>
    %add3A_500 = arith.constant 1.000000e+00 : f32
    %add3A_501 = vector.broadcast %add3A_500 : f32 to vector<16xf32>
    %add3A_502 = arith.addf %add3A_501, %exp3A_499 : vector<16xf32>
    %div3A_503 = arith.constant 1.000000e+00 : f32
    %div3A_504 = vector.broadcast %div3A_503 : f32 to vector<16xf32>
    %div3A_505 = arith.divf %div3A_504, %add3A_502 : vector<16xf32>
    %swap3A_506 = arith.constant 464 : index
    %swap3A_507 = tpu.vector_load %arg7[%swap3A_506] {strides = array<i32>} : memref<1024xf32, #tpu.memory_space<vmem>>, vector<16xf32>,
    %swap3A_508 = vector.shape_cast %swap3A_507 : vector<16xf32> to vector<16xf32>
    %swap3A_509 = vector.shape_cast %div3A_505 : vector<16xf32> to vector<16xf32>
    tpu.vector_store %arg7[%swap3A_506], %swap3A_509 {strides = array<i32>} : memref<1024xf32, #tpu.memory_space<vmem>>, vector<16xf32>,
    %get3A_510 = arith.constant 480 : index
    %get3A_511 = tpu.vector_load %arg7[%get3A_510] {strides = array<i32>} : memref<1024xf32, #tpu.memory_space<vmem>>, vector<16xf32>,
    %get3A_512 = vector.shape_cast %get3A_511 : vector<16xf32> to vector<16xf32>
    %neg3A_513 = arith.constant 0.000000e+00 : f32
    %neg3A_514 = vector.broadcast %neg3A_513 : f32 to vector<16xf32>
    %neg3A_515 = arith.subf %neg3A_514, %get3A_512 : vector<16xf32>
    %exp3A_516 = math.exp %neg3A_515 : vector<16xf32>
    %add3A_517 = arith.constant 1.000000e+00 : f32
    %add3A_518 = vector.broadcast %add3A_517 : f32 to vector<16xf32>
    %add3A_519 = arith.addf %add3A_518, %exp3A_516 : vector<16xf32>
    %div3A_520 = arith.constant 1.000000e+00 : f32
    %div3A_521 = vector.broadcast %div3A_520 : f32 to vector<16xf32>
    %div3A_522 = arith.divf %div3A_521, %add3A_519 : vector<16xf32>
    %swap3A_523 = arith.constant 480 : index
    %swap3A_524 = tpu.vector_load %arg7[%swap3A_523] {strides = array<i32>} : memref<1024xf32, #tpu.memory_space<vmem>>, vector<16xf32>,
    %swap3A_525 = vector.shape_cast %swap3A_524 : vector<16xf32> to vector<16xf32>
    %swap3A_526 = vector.shape_cast %div3A_522 : vector<16xf32> to vector<16xf32>
    tpu.vector_store %arg7[%swap3A_523], %swap3A_526 {strides = array<i32>} : memref<1024xf32, #tpu.memory_space<vmem>>, vector<16xf32>,
    %get3A_527 = arith.constant 496 : index
    %get3A_528 = tpu.vector_load %arg7[%get3A_527] {strides = array<i32>} : memref<1024xf32, #tpu.memory_space<vmem>>, vector<16xf32>,
    %get3A_529 = vector.shape_cast %get3A_528 : vector<16xf32> to vector<16xf32>
    %neg3A_530 = arith.constant 0.000000e+00 : f32
    %neg3A_531 = vector.broadcast %neg3A_530 : f32 to vector<16xf32>
    %neg3A_532 = arith.subf %neg3A_531, %get3A_529 : vector<16xf32>
    %exp3A_533 = math.exp %neg3A_532 : vector<16xf32>
    %add3A_534 = arith.constant 1.000000e+00 : f32
    %add3A_535 = vector.broadcast %add3A_534 : f32 to vector<16xf32>
    %add3A_536 = arith.addf %add3A_535, %exp3A_533 : vector<16xf32>
    %div3A_537 = arith.constant 1.000000e+00 : f32
    %div3A_538 = vector.broadcast %div3A_537 : f32 to vector<16xf32>
    %div3A_539 = arith.divf %div3A_538, %add3A_536 : vector<16xf32>
    %swap3A_540 = arith.constant 496 : index
    %swap3A_541 = tpu.vector_load %arg7[%swap3A_540] {strides = array<i32>} : memref<1024xf32, #tpu.memory_space<vmem>>, vector<16xf32>,
    %swap3A_542 = vector.shape_cast %swap3A_541 : vector<16xf32> to vector<16xf32>
    %swap3A_543 = vector.shape_cast %div3A_539 : vector<16xf32> to vector<16xf32>
    tpu.vector_store %arg7[%swap3A_540], %swap3A_543 {strides = array<i32>} : memref<1024xf32, #tpu.memory_space<vmem>>, vector<16xf32>,
    %get3A_544 = arith.constant 512 : index
    %get3A_545 = tpu.vector_load %arg7[%get3A_544] {strides = array<i32>} : memref<1024xf32, #tpu.memory_space<vmem>>, vector<16xf32>,
    %get3A_546 = vector.shape_cast %get3A_545 : vector<16xf32> to vector<16xf32>
    %neg3A_547 = arith.constant 0.000000e+00 : f32
    %neg3A_548 = vector.broadcast %neg3A_547 : f32 to vector<16xf32>
    %neg3A_549 = arith.subf %neg3A_548, %get3A_546 : vector<16xf32>
    %exp3A_550 = math.exp %neg3A_549 : vector<16xf32>
    %add3A_551 = arith.constant 1.000000e+00 : f32
    %add3A_552 = vector.broadcast %add3A_551 : f32 to vector<16xf32>
    %add3A_553 = arith.addf %add3A_552, %exp3A_550 : vector<16xf32>
    %div3A_554 = arith.constant 1.000000e+00 : f32
    %div3A_555 = vector.broadcast %div3A_554 : f32 to vector<16xf32>
    %div3A_556 = arith.divf %div3A_555, %add3A_553 : vector<16xf32>
    %swap3A_557 = arith.constant 512 : index
    %swap3A_558 = tpu.vector_load %arg7[%swap3A_557] {strides = array<i32>} : memref<1024xf32, #tpu.memory_space<vmem>>, vector<16xf32>,
    %swap3A_559 = vector.shape_cast %swap3A_558 : vector<16xf32> to vector<16xf32>
    %swap3A_560 = vector.shape_cast %div3A_556 : vector<16xf32> to vector<16xf32>
    tpu.vector_store %arg7[%swap3A_557], %swap3A_560 {strides = array<i32>} : memref<1024xf32, #tpu.memory_space<vmem>>, vector<16xf32>,
    %get3A_561 = arith.constant 528 : index
    %get3A_562 = tpu.vector_load %arg7[%get3A_561] {strides = array<i32>} : memref<1024xf32, #tpu.memory_space<vmem>>, vector<16xf32>,
    %get3A_563 = vector.shape_cast %get3A_562 : vector<16xf32> to vector<16xf32>
    %neg3A_564 = arith.constant 0.000000e+00 : f32
    %neg3A_565 = vector.broadcast %neg3A_564 : f32 to vector<16xf32>
    %neg3A_566 = arith.subf %neg3A_565, %get3A_563 : vector<16xf32>
    %exp3A_567 = math.exp %neg3A_566 : vector<16xf32>
    %add3A_568 = arith.constant 1.000000e+00 : f32
    %add3A_569 = vector.broadcast %add3A_568 : f32 to vector<16xf32>
    %add3A_570 = arith.addf %add3A_569, %exp3A_567 : vector<16xf32>
    %div3A_571 = arith.constant 1.000000e+00 : f32
    %div3A_572 = vector.broadcast %div3A_571 : f32 to vector<16xf32>
    %div3A_573 = arith.divf %div3A_572, %add3A_570 : vector<16xf32>
    %swap3A_574 = arith.constant 528 : index
    %swap3A_575 = tpu.vector_load %arg7[%swap3A_574] {strides = array<i32>} : memref<1024xf32, #tpu.memory_space<vmem>>, vector<16xf32>,
    %swap3A_576 = vector.shape_cast %swap3A_575 : vector<16xf32> to vector<16xf32>
    %swap3A_577 = vector.shape_cast %div3A_573 : vector<16xf32> to vector<16xf32>
    tpu.vector_store %arg7[%swap3A_574], %swap3A_577 {strides = array<i32>} : memref<1024xf32, #tpu.memory_space<vmem>>, vector<16xf32>,
    %get3A_578 = arith.constant 544 : index
    %get3A_579 = tpu.vector_load %arg7[%get3A_578] {strides = array<i32>} : memref<1024xf32, #tpu.memory_space<vmem>>, vector<16xf32>,
    %get3A_580 = vector.shape_cast %get3A_579 : vector<16xf32> to vector<16xf32>
    %neg3A_581 = arith.constant 0.000000e+00 : f32
    %neg3A_582 = vector.broadcast %neg3A_581 : f32 to vector<16xf32>
    %neg3A_583 = arith.subf %neg3A_582, %get3A_580 : vector<16xf32>
    %exp3A_584 = math.exp %neg3A_583 : vector<16xf32>
    %add3A_585 = arith.constant 1.000000e+00 : f32
    %add3A_586 = vector.broadcast %add3A_585 : f32 to vector<16xf32>
    %add3A_587 = arith.addf %add3A_586, %exp3A_584 : vector<16xf32>
    %div3A_588 = arith.constant 1.000000e+00 : f32
    %div3A_589 = vector.broadcast %div3A_588 : f32 to vector<16xf32>
    %div3A_590 = arith.divf %div3A_589, %add3A_587 : vector<16xf32>
    %swap3A_591 = arith.constant 544 : index
    %swap3A_592 = tpu.vector_load %arg7[%swap3A_591] {strides = array<i32>} : memref<1024xf32, #tpu.memory_space<vmem>>, vector<16xf32>,
    %swap3A_593 = vector.shape_cast %swap3A_592 : vector<16xf32> to vector<16xf32>
    %swap3A_594 = vector.shape_cast %div3A_590 : vector<16xf32> to vector<16xf32>
    tpu.vector_store %arg7[%swap3A_591], %swap3A_594 {strides = array<i32>} : memref<1024xf32, #tpu.memory_space<vmem>>, vector<16xf32>,
    %get3A_595 = arith.constant 560 : index
    %get3A_596 = tpu.vector_load %arg7[%get3A_595] {strides = array<i32>} : memref<1024xf32, #tpu.memory_space<vmem>>, vector<16xf32>,
    %get3A_597 = vector.shape_cast %get3A_596 : vector<16xf32> to vector<16xf32>
    %neg3A_598 = arith.constant 0.000000e+00 : f32
    %neg3A_599 = vector.broadcast %neg3A_598 : f32 to vector<16xf32>
    %neg3A_600 = arith.subf %neg3A_599, %get3A_597 : vector<16xf32>
    %exp3A_601 = math.exp %neg3A_600 : vector<16xf32>
    %add3A_602 = arith.constant 1.000000e+00 : f32
    %add3A_603 = vector.broadcast %add3A_602 : f32 to vector<16xf32>
    %add3A_604 = arith.addf %add3A_603, %exp3A_601 : vector<16xf32>
    %div3A_605 = arith.constant 1.000000e+00 : f32
    %div3A_606 = vector.broadcast %div3A_605 : f32 to vector<16xf32>
    %div3A_607 = arith.divf %div3A_606, %add3A_604 : vector<16xf32>
    %swap3A_608 = arith.constant 560 : index
    %swap3A_609 = tpu.vector_load %arg7[%swap3A_608] {strides = array<i32>} : memref<1024xf32, #tpu.memory_space<vmem>>, vector<16xf32>,
    %swap3A_610 = vector.shape_cast %swap3A_609 : vector<16xf32> to vector<16xf32>
    %swap3A_611 = vector.shape_cast %div3A_607 : vector<16xf32> to vector<16xf32>
    tpu.vector_store %arg7[%swap3A_608], %swap3A_611 {strides = array<i32>} : memref<1024xf32, #tpu.memory_space<vmem>>, vector<16xf32>,
    %get3A_612 = arith.constant 576 : index
    %get3A_613 = tpu.vector_load %arg7[%get3A_612] {strides = array<i32>} : memref<1024xf32, #tpu.memory_space<vmem>>, vector<16xf32>,
    %get3A_614 = vector.shape_cast %get3A_613 : vector<16xf32> to vector<16xf32>
    %neg3A_615 = arith.constant 0.000000e+00 : f32
    %neg3A_616 = vector.broadcast %neg3A_615 : f32 to vector<16xf32>
    %neg3A_617 = arith.subf %neg3A_616, %get3A_614 : vector<16xf32>
    %exp3A_618 = math.exp %neg3A_617 : vector<16xf32>
    %add3A_619 = arith.constant 1.000000e+00 : f32
    %add3A_620 = vector.broadcast %add3A_619 : f32 to vector<16xf32>
    %add3A_621 = arith.addf %add3A_620, %exp3A_618 : vector<16xf32>
    %div3A_622 = arith.constant 1.000000e+00 : f32
    %div3A_623 = vector.broadcast %div3A_622 : f32 to vector<16xf32>
    %div3A_624 = arith.divf %div3A_623, %add3A_621 : vector<16xf32>
    %swap3A_625 = arith.constant 576 : index
    %swap3A_626 = tpu.vector_load %arg7[%swap3A_625] {strides = array<i32>} : memref<1024xf32, #tpu.memory_space<vmem>>, vector<16xf32>,
    %swap3A_627 = vector.shape_cast %swap3A_626 : vector<16xf32> to vector<16xf32>
    %swap3A_628 = vector.shape_cast %div3A_624 : vector<16xf32> to vector<16xf32>
    tpu.vector_store %arg7[%swap3A_625], %swap3A_628 {strides = array<i32>} : memref<1024xf32, #tpu.memory_space<vmem>>, vector<16xf32>,
    %get3A_629 = arith.constant 592 : index
    %get3A_630 = tpu.vector_load %arg7[%get3A_629] {strides = array<i32>} : memref<1024xf32, #tpu.memory_space<vmem>>, vector<16xf32>,
    %get3A_631 = vector.shape_cast %get3A_630 : vector<16xf32> to vector<16xf32>
    %neg3A_632 = arith.constant 0.000000e+00 : f32
    %neg3A_633 = vector.broadcast %neg3A_632 : f32 to vector<16xf32>
    %neg3A_634 = arith.subf %neg3A_633, %get3A_631 : vector<16xf32>
    %exp3A_635 = math.exp %neg3A_634 : vector<16xf32>
    %add3A_636 = arith.constant 1.000000e+00 : f32
    %add3A_637 = vector.broadcast %add3A_636 : f32 to vector<16xf32>
    %add3A_638 = arith.addf %add3A_637, %exp3A_635 : vector<16xf32>
    %div3A_639 = arith.constant 1.000000e+00 : f32
    %div3A_640 = vector.broadcast %div3A_639 : f32 to vector<16xf32>
    %div3A_641 = arith.divf %div3A_640, %add3A_638 : vector<16xf32>
    %swap3A_642 = arith.constant 592 : index
    %swap3A_643 = tpu.vector_load %arg7[%swap3A_642] {strides = array<i32>} : memref<1024xf32, #tpu.memory_space<vmem>>, vector<16xf32>,
    %swap3A_644 = vector.shape_cast %swap3A_643 : vector<16xf32> to vector<16xf32>
    %swap3A_645 = vector.shape_cast %div3A_641 : vector<16xf32> to vector<16xf32>
    tpu.vector_store %arg7[%swap3A_642], %swap3A_645 {strides = array<i32>} : memref<1024xf32, #tpu.memory_space<vmem>>, vector<16xf32>,
    %get3A_646 = arith.constant 608 : index
    %get3A_647 = tpu.vector_load %arg7[%get3A_646] {strides = array<i32>} : memref<1024xf32, #tpu.memory_space<vmem>>, vector<16xf32>,
    %get3A_648 = vector.shape_cast %get3A_647 : vector<16xf32> to vector<16xf32>
    %neg3A_649 = arith.constant 0.000000e+00 : f32
    %neg3A_650 = vector.broadcast %neg3A_649 : f32 to vector<16xf32>
    %neg3A_651 = arith.subf %neg3A_650, %get3A_648 : vector<16xf32>
    %exp3A_652 = math.exp %neg3A_651 : vector<16xf32>
    %add3A_653 = arith.constant 1.000000e+00 : f32
    %add3A_654 = vector.broadcast %add3A_653 : f32 to vector<16xf32>
    %add3A_655 = arith.addf %add3A_654, %exp3A_652 : vector<16xf32>
    %div3A_656 = arith.constant 1.000000e+00 : f32
    %div3A_657 = vector.broadcast %div3A_656 : f32 to vector<16xf32>
    %div3A_658 = arith.divf %div3A_657, %add3A_655 : vector<16xf32>
    %swap3A_659 = arith.constant 608 : index
    %swap3A_660 = tpu.vector_load %arg7[%swap3A_659] {strides = array<i32>} : memref<1024xf32, #tpu.memory_space<vmem>>, vector<16xf32>,
    %swap3A_661 = vector.shape_cast %swap3A_660 : vector<16xf32> to vector<16xf32>
    %swap3A_662 = vector.shape_cast %div3A_658 : vector<16xf32> to vector<16xf32>
    tpu.vector_store %arg7[%swap3A_659], %swap3A_662 {strides = array<i32>} : memref<1024xf32, #tpu.memory_space<vmem>>, vector<16xf32>,
    %get3A_663 = arith.constant 624 : index
    %get3A_664 = tpu.vector_load %arg7[%get3A_663] {strides = array<i32>} : memref<1024xf32, #tpu.memory_space<vmem>>, vector<16xf32>,
    %get3A_665 = vector.shape_cast %get3A_664 : vector<16xf32> to vector<16xf32>
    %neg3A_666 = arith.constant 0.000000e+00 : f32
    %neg3A_667 = vector.broadcast %neg3A_666 : f32 to vector<16xf32>
    %neg3A_668 = arith.subf %neg3A_667, %get3A_665 : vector<16xf32>
    %exp3A_669 = math.exp %neg3A_668 : vector<16xf32>
    %add3A_670 = arith.constant 1.000000e+00 : f32
    %add3A_671 = vector.broadcast %add3A_670 : f32 to vector<16xf32>
    %add3A_672 = arith.addf %add3A_671, %exp3A_669 : vector<16xf32>
    %div3A_673 = arith.constant 1.000000e+00 : f32
    %div3A_674 = vector.broadcast %div3A_673 : f32 to vector<16xf32>
    %div3A_675 = arith.divf %div3A_674, %add3A_672 : vector<16xf32>
    %swap3A_676 = arith.constant 624 : index
    %swap3A_677 = tpu.vector_load %arg7[%swap3A_676] {strides = array<i32>} : memref<1024xf32, #tpu.memory_space<vmem>>, vector<16xf32>,
    %swap3A_678 = vector.shape_cast %swap3A_677 : vector<16xf32> to vector<16xf32>
    %swap3A_679 = vector.shape_cast %div3A_675 : vector<16xf32> to vector<16xf32>
    tpu.vector_store %arg7[%swap3A_676], %swap3A_679 {strides = array<i32>} : memref<1024xf32, #tpu.memory_space<vmem>>, vector<16xf32>,
    %get3A_680 = arith.constant 640 : index
    %get3A_681 = tpu.vector_load %arg7[%get3A_680] {strides = array<i32>} : memref<1024xf32, #tpu.memory_space<vmem>>, vector<16xf32>,
    %get3A_682 = vector.shape_cast %get3A_681 : vector<16xf32> to vector<16xf32>
    %neg3A_683 = arith.constant 0.000000e+00 : f32
    %neg3A_684 = vector.broadcast %neg3A_683 : f32 to vector<16xf32>
    %neg3A_685 = arith.subf %neg3A_684, %get3A_682 : vector<16xf32>
    %exp3A_686 = math.exp %neg3A_685 : vector<16xf32>
    %add3A_687 = arith.constant 1.000000e+00 : f32
    %add3A_688 = vector.broadcast %add3A_687 : f32 to vector<16xf32>
    %add3A_689 = arith.addf %add3A_688, %exp3A_686 : vector<16xf32>
    %div3A_690 = arith.constant 1.000000e+00 : f32
    %div3A_691 = vector.broadcast %div3A_690 : f32 to vector<16xf32>
    %div3A_692 = arith.divf %div3A_691, %add3A_689 : vector<16xf32>
    %swap3A_693 = arith.constant 640 : index
    %swap3A_694 = tpu.vector_load %arg7[%swap3A_693] {strides = array<i32>} : memref<1024xf32, #tpu.memory_space<vmem>>, vector<16xf32>,
    %swap3A_695 = vector.shape_cast %swap3A_694 : vector<16xf32> to vector<16xf32>
    %swap3A_696 = vector.shape_cast %div3A_692 : vector<16xf32> to vector<16xf32>
    tpu.vector_store %arg7[%swap3A_693], %swap3A_696 {strides = array<i32>} : memref<1024xf32, #tpu.memory_space<vmem>>, vector<16xf32>,
    %get3A_697 = arith.constant 656 : index
    %get3A_698 = tpu.vector_load %arg7[%get3A_697] {strides = array<i32>} : memref<1024xf32, #tpu.memory_space<vmem>>, vector<16xf32>,
    %get3A_699 = vector.shape_cast %get3A_698 : vector<16xf32> to vector<16xf32>
    %neg3A_700 = arith.constant 0.000000e+00 : f32
    %neg3A_701 = vector.broadcast %neg3A_700 : f32 to vector<16xf32>
    %neg3A_702 = arith.subf %neg3A_701, %get3A_699 : vector<16xf32>
    %exp3A_703 = math.exp %neg3A_702 : vector<16xf32>
    %add3A_704 = arith.constant 1.000000e+00 : f32
    %add3A_705 = vector.broadcast %add3A_704 : f32 to vector<16xf32>
    %add3A_706 = arith.addf %add3A_705, %exp3A_703 : vector<16xf32>
    %div3A_707 = arith.constant 1.000000e+00 : f32
    %div3A_708 = vector.broadcast %div3A_707 : f32 to vector<16xf32>
    %div3A_709 = arith.divf %div3A_708, %add3A_706 : vector<16xf32>
    %swap3A_710 = arith.constant 656 : index
    %swap3A_711 = tpu.vector_load %arg7[%swap3A_710] {strides = array<i32>} : memref<1024xf32, #tpu.memory_space<vmem>>, vector<16xf32>,
    %swap3A_712 = vector.shape_cast %swap3A_711 : vector<16xf32> to vector<16xf32>
    %swap3A_713 = vector.shape_cast %div3A_709 : vector<16xf32> to vector<16xf32>
    tpu.vector_store %arg7[%swap3A_710], %swap3A_713 {strides = array<i32>} : memref<1024xf32, #tpu.memory_space<vmem>>, vector<16xf32>,
    %get3A_714 = arith.constant 672 : index
    %get3A_715 = tpu.vector_load %arg7[%get3A_714] {strides = array<i32>} : memref<1024xf32, #tpu.memory_space<vmem>>, vector<16xf32>,
    %get3A_716 = vector.shape_cast %get3A_715 : vector<16xf32> to vector<16xf32>
    %neg3A_717 = arith.constant 0.000000e+00 : f32
    %neg3A_718 = vector.broadcast %neg3A_717 : f32 to vector<16xf32>
    %neg3A_719 = arith.subf %neg3A_718, %get3A_716 : vector<16xf32>
    %exp3A_720 = math.exp %neg3A_719 : vector<16xf32>
    %add3A_721 = arith.constant 1.000000e+00 : f32
    %add3A_722 = vector.broadcast %add3A_721 : f32 to vector<16xf32>
    %add3A_723 = arith.addf %add3A_722, %exp3A_720 : vector<16xf32>
    %div3A_724 = arith.constant 1.000000e+00 : f32
    %div3A_725 = vector.broadcast %div3A_724 : f32 to vector<16xf32>
    %div3A_726 = arith.divf %div3A_725, %add3A_723 : vector<16xf32>
    %swap3A_727 = arith.constant 672 : index
    %swap3A_728 = tpu.vector_load %arg7[%swap3A_727] {strides = array<i32>} : memref<1024xf32, #tpu.memory_space<vmem>>, vector<16xf32>,
    %swap3A_729 = vector.shape_cast %swap3A_728 : vector<16xf32> to vector<16xf32>
    %swap3A_730 = vector.shape_cast %div3A_726 : vector<16xf32> to vector<16xf32>
    tpu.vector_store %arg7[%swap3A_727], %swap3A_730 {strides = array<i32>} : memref<1024xf32, #tpu.memory_space<vmem>>, vector<16xf32>,
    %get3A_731 = arith.constant 688 : index
    %get3A_732 = tpu.vector_load %arg7[%get3A_731] {strides = array<i32>} : memref<1024xf32, #tpu.memory_space<vmem>>, vector<16xf32>,
    %get3A_733 = vector.shape_cast %get3A_732 : vector<16xf32> to vector<16xf32>
    %neg3A_734 = arith.constant 0.000000e+00 : f32
    %neg3A_735 = vector.broadcast %neg3A_734 : f32 to vector<16xf32>
    %neg3A_736 = arith.subf %neg3A_735, %get3A_733 : vector<16xf32>
    %exp3A_737 = math.exp %neg3A_736 : vector<16xf32>
    %add3A_738 = arith.constant 1.000000e+00 : f32
    %add3A_739 = vector.broadcast %add3A_738 : f32 to vector<16xf32>
    %add3A_740 = arith.addf %add3A_739, %exp3A_737 : vector<16xf32>
    %div3A_741 = arith.constant 1.000000e+00 : f32
    %div3A_742 = vector.broadcast %div3A_741 : f32 to vector<16xf32>
    %div3A_743 = arith.divf %div3A_742, %add3A_740 : vector<16xf32>
    %swap3A_744 = arith.constant 688 : index
    %swap3A_745 = tpu.vector_load %arg7[%swap3A_744] {strides = array<i32>} : memref<1024xf32, #tpu.memory_space<vmem>>, vector<16xf32>,
    %swap3A_746 = vector.shape_cast %swap3A_745 : vector<16xf32> to vector<16xf32>
    %swap3A_747 = vector.shape_cast %div3A_743 : vector<16xf32> to vector<16xf32>
    tpu.vector_store %arg7[%swap3A_744], %swap3A_747 {strides = array<i32>} : memref<1024xf32, #tpu.memory_space<vmem>>, vector<16xf32>,
    %get3A_748 = arith.constant 704 : index
    %get3A_749 = tpu.vector_load %arg7[%get3A_748] {strides = array<i32>} : memref<1024xf32, #tpu.memory_space<vmem>>, vector<16xf32>,
    %get3A_750 = vector.shape_cast %get3A_749 : vector<16xf32> to vector<16xf32>
    %neg3A_751 = arith.constant 0.000000e+00 : f32
    %neg3A_752 = vector.broadcast %neg3A_751 : f32 to vector<16xf32>
    %neg3A_753 = arith.subf %neg3A_752, %get3A_750 : vector<16xf32>
    %exp3A_754 = math.exp %neg3A_753 : vector<16xf32>
    %add3A_755 = arith.constant 1.000000e+00 : f32
    %add3A_756 = vector.broadcast %add3A_755 : f32 to vector<16xf32>
    %add3A_757 = arith.addf %add3A_756, %exp3A_754 : vector<16xf32>
    %div3A_758 = arith.constant 1.000000e+00 : f32
    %div3A_759 = vector.broadcast %div3A_758 : f32 to vector<16xf32>
    %div3A_760 = arith.divf %div3A_759, %add3A_757 : vector<16xf32>
    %swap3A_761 = arith.constant 704 : index
    %swap3A_762 = tpu.vector_load %arg7[%swap3A_761] {strides = array<i32>} : memref<1024xf32, #tpu.memory_space<vmem>>, vector<16xf32>,
    %swap3A_763 = vector.shape_cast %swap3A_762 : vector<16xf32> to vector<16xf32>
    %swap3A_764 = vector.shape_cast %div3A_760 : vector<16xf32> to vector<16xf32>
    tpu.vector_store %arg7[%swap3A_761], %swap3A_764 {strides = array<i32>} : memref<1024xf32, #tpu.memory_space<vmem>>, vector<16xf32>,
    %get3A_765 = arith.constant 720 : index
    %get3A_766 = tpu.vector_load %arg7[%get3A_765] {strides = array<i32>} : memref<1024xf32, #tpu.memory_space<vmem>>, vector<16xf32>,
    %get3A_767 = vector.shape_cast %get3A_766 : vector<16xf32> to vector<16xf32>
    %neg3A_768 = arith.constant 0.000000e+00 : f32
    %neg3A_769 = vector.broadcast %neg3A_768 : f32 to vector<16xf32>
    %neg3A_770 = arith.subf %neg3A_769, %get3A_767 : vector<16xf32>
    %exp3A_771 = math.exp %neg3A_770 : vector<16xf32>
    %add3A_772 = arith.constant 1.000000e+00 : f32
    %add3A_773 = vector.broadcast %add3A_772 : f32 to vector<16xf32>
    %add3A_774 = arith.addf %add3A_773, %exp3A_771 : vector<16xf32>
    %div3A_775 = arith.constant 1.000000e+00 : f32
    %div3A_776 = vector.broadcast %div3A_775 : f32 to vector<16xf32>
    %div3A_777 = arith.divf %div3A_776, %add3A_774 : vector<16xf32>
    %swap3A_778 = arith.constant 720 : index
    %swap3A_779 = tpu.vector_load %arg7[%swap3A_778] {strides = array<i32>} : memref<1024xf32, #tpu.memory_space<vmem>>, vector<16xf32>,
    %swap3A_780 = vector.shape_cast %swap3A_779 : vector<16xf32> to vector<16xf32>
    %swap3A_781 = vector.shape_cast %div3A_777 : vector<16xf32> to vector<16xf32>
    tpu.vector_store %arg7[%swap3A_778], %swap3A_781 {strides = array<i32>} : memref<1024xf32, #tpu.memory_space<vmem>>, vector<16xf32>,
    %get3A_782 = arith.constant 736 : index
    %get3A_783 = tpu.vector_load %arg7[%get3A_782] {strides = array<i32>} : memref<1024xf32, #tpu.memory_space<vmem>>, vector<16xf32>,
    %get3A_784 = vector.shape_cast %get3A_783 : vector<16xf32> to vector<16xf32>
    %neg3A_785 = arith.constant 0.000000e+00 : f32
    %neg3A_786 = vector.broadcast %neg3A_785 : f32 to vector<16xf32>
    %neg3A_787 = arith.subf %neg3A_786, %get3A_784 : vector<16xf32>
    %exp3A_788 = math.exp %neg3A_787 : vector<16xf32>
    %add3A_789 = arith.constant 1.000000e+00 : f32
    %add3A_790 = vector.broadcast %add3A_789 : f32 to vector<16xf32>
    %add3A_791 = arith.addf %add3A_790, %exp3A_788 : vector<16xf32>
    %div3A_792 = arith.constant 1.000000e+00 : f32
    %div3A_793 = vector.broadcast %div3A_792 : f32 to vector<16xf32>
    %div3A_794 = arith.divf %div3A_793, %add3A_791 : vector<16xf32>
    %swap3A_795 = arith.constant 736 : index
    %swap3A_796 = tpu.vector_load %arg7[%swap3A_795] {strides = array<i32>} : memref<1024xf32, #tpu.memory_space<vmem>>, vector<16xf32>,
    %swap3A_797 = vector.shape_cast %swap3A_796 : vector<16xf32> to vector<16xf32>
    %swap3A_798 = vector.shape_cast %div3A_794 : vector<16xf32> to vector<16xf32>
    tpu.vector_store %arg7[%swap3A_795], %swap3A_798 {strides = array<i32>} : memref<1024xf32, #tpu.memory_space<vmem>>, vector<16xf32>,
    %get3A_799 = arith.constant 752 : index
    %get3A_800 = tpu.vector_load %arg7[%get3A_799] {strides = array<i32>} : memref<1024xf32, #tpu.memory_space<vmem>>, vector<16xf32>,
    %get3A_801 = vector.shape_cast %get3A_800 : vector<16xf32> to vector<16xf32>
    %neg3A_802 = arith.constant 0.000000e+00 : f32
    %neg3A_803 = vector.broadcast %neg3A_802 : f32 to vector<16xf32>
    %neg3A_804 = arith.subf %neg3A_803, %get3A_801 : vector<16xf32>
    %exp3A_805 = math.exp %neg3A_804 : vector<16xf32>
    %add3A_806 = arith.constant 1.000000e+00 : f32
    %add3A_807 = vector.broadcast %add3A_806 : f32 to vector<16xf32>
    %add3A_808 = arith.addf %add3A_807, %exp3A_805 : vector<16xf32>
    %div3A_809 = arith.constant 1.000000e+00 : f32
    %div3A_810 = vector.broadcast %div3A_809 : f32 to vector<16xf32>
    %div3A_811 = arith.divf %div3A_810, %add3A_808 : vector<16xf32>
    %swap3A_812 = arith.constant 752 : index
    %swap3A_813 = tpu.vector_load %arg7[%swap3A_812] {strides = array<i32>} : memref<1024xf32, #tpu.memory_space<vmem>>, vector<16xf32>,
    %swap3A_814 = vector.shape_cast %swap3A_813 : vector<16xf32> to vector<16xf32>
    %swap3A_815 = vector.shape_cast %div3A_811 : vector<16xf32> to vector<16xf32>
    tpu.vector_store %arg7[%swap3A_812], %swap3A_815 {strides = array<i32>} : memref<1024xf32, #tpu.memory_space<vmem>>, vector<16xf32>,
    %get3A_816 = arith.constant 768 : index
    %get3A_817 = tpu.vector_load %arg7[%get3A_816] {strides = array<i32>} : memref<1024xf32, #tpu.memory_space<vmem>>, vector<16xf32>,
    %get3A_818 = vector.shape_cast %get3A_817 : vector<16xf32> to vector<16xf32>
    %neg3A_819 = arith.constant 0.000000e+00 : f32
    %neg3A_820 = vector.broadcast %neg3A_819 : f32 to vector<16xf32>
    %neg3A_821 = arith.subf %neg3A_820, %get3A_818 : vector<16xf32>
    %exp3A_822 = math.exp %neg3A_821 : vector<16xf32>
    %add3A_823 = arith.constant 1.000000e+00 : f32
    %add3A_824 = vector.broadcast %add3A_823 : f32 to vector<16xf32>
    %add3A_825 = arith.addf %add3A_824, %exp3A_822 : vector<16xf32>
    %div3A_826 = arith.constant 1.000000e+00 : f32
    %div3A_827 = vector.broadcast %div3A_826 : f32 to vector<16xf32>
    %div3A_828 = arith.divf %div3A_827, %add3A_825 : vector<16xf32>
    %swap3A_829 = arith.constant 768 : index
    %swap3A_830 = tpu.vector_load %arg7[%swap3A_829] {strides = array<i32>} : memref<1024xf32, #tpu.memory_space<vmem>>, vector<16xf32>,
    %swap3A_831 = vector.shape_cast %swap3A_830 : vector<16xf32> to vector<16xf32>
    %swap3A_832 = vector.shape_cast %div3A_828 : vector<16xf32> to vector<16xf32>
    tpu.vector_store %arg7[%swap3A_829], %swap3A_832 {strides = array<i32>} : memref<1024xf32, #tpu.memory_space<vmem>>, vector<16xf32>,
    %get3A_833 = arith.constant 784 : index
    %get3A_834 = tpu.vector_load %arg7[%get3A_833] {strides = array<i32>} : memref<1024xf32, #tpu.memory_space<vmem>>, vector<16xf32>,
    %get3A_835 = vector.shape_cast %get3A_834 : vector<16xf32> to vector<16xf32>
    %neg3A_836 = arith.constant 0.000000e+00 : f32
    %neg3A_837 = vector.broadcast %neg3A_836 : f32 to vector<16xf32>
    %neg3A_838 = arith.subf %neg3A_837, %get3A_835 : vector<16xf32>
    %exp3A_839 = math.exp %neg3A_838 : vector<16xf32>
    %add3A_840 = arith.constant 1.000000e+00 : f32
    %add3A_841 = vector.broadcast %add3A_840 : f32 to vector<16xf32>
    %add3A_842 = arith.addf %add3A_841, %exp3A_839 : vector<16xf32>
    %div3A_843 = arith.constant 1.000000e+00 : f32
    %div3A_844 = vector.broadcast %div3A_843 : f32 to vector<16xf32>
    %div3A_845 = arith.divf %div3A_844, %add3A_842 : vector<16xf32>
    %swap3A_846 = arith.constant 784 : index
    %swap3A_847 = tpu.vector_load %arg7[%swap3A_846] {strides = array<i32>} : memref<1024xf32, #tpu.memory_space<vmem>>, vector<16xf32>,
    %swap3A_848 = vector.shape_cast %swap3A_847 : vector<16xf32> to vector<16xf32>
    %swap3A_849 = vector.shape_cast %div3A_845 : vector<16xf32> to vector<16xf32>
    tpu.vector_store %arg7[%swap3A_846], %swap3A_849 {strides = array<i32>} : memref<1024xf32, #tpu.memory_space<vmem>>, vector<16xf32>,
    %get3A_850 = arith.constant 800 : index
    %get3A_851 = tpu.vector_load %arg7[%get3A_850] {strides = array<i32>} : memref<1024xf32, #tpu.memory_space<vmem>>, vector<16xf32>,
    %get3A_852 = vector.shape_cast %get3A_851 : vector<16xf32> to vector<16xf32>
    %neg3A_853 = arith.constant 0.000000e+00 : f32
    %neg3A_854 = vector.broadcast %neg3A_853 : f32 to vector<16xf32>
    %neg3A_855 = arith.subf %neg3A_854, %get3A_852 : vector<16xf32>
    %exp3A_856 = math.exp %neg3A_855 : vector<16xf32>
    %add3A_857 = arith.constant 1.000000e+00 : f32
    %add3A_858 = vector.broadcast %add3A_857 : f32 to vector<16xf32>
    %add3A_859 = arith.addf %add3A_858, %exp3A_856 : vector<16xf32>
    %div3A_860 = arith.constant 1.000000e+00 : f32
    %div3A_861 = vector.broadcast %div3A_860 : f32 to vector<16xf32>
    %div3A_862 = arith.divf %div3A_861, %add3A_859 : vector<16xf32>
    %swap3A_863 = arith.constant 800 : index
    %swap3A_864 = tpu.vector_load %arg7[%swap3A_863] {strides = array<i32>} : memref<1024xf32, #tpu.memory_space<vmem>>, vector<16xf32>,
    %swap3A_865 = vector.shape_cast %swap3A_864 : vector<16xf32> to vector<16xf32>
    %swap3A_866 = vector.shape_cast %div3A_862 : vector<16xf32> to vector<16xf32>
    tpu.vector_store %arg7[%swap3A_863], %swap3A_866 {strides = array<i32>} : memref<1024xf32, #tpu.memory_space<vmem>>, vector<16xf32>,
    %get3A_867 = arith.constant 816 : index
    %get3A_868 = tpu.vector_load %arg7[%get3A_867] {strides = array<i32>} : memref<1024xf32, #tpu.memory_space<vmem>>, vector<16xf32>,
    %get3A_869 = vector.shape_cast %get3A_868 : vector<16xf32> to vector<16xf32>
    %neg3A_870 = arith.constant 0.000000e+00 : f32
    %neg3A_871 = vector.broadcast %neg3A_870 : f32 to vector<16xf32>
    %neg3A_872 = arith.subf %neg3A_871, %get3A_869 : vector<16xf32>
    %exp3A_873 = math.exp %neg3A_872 : vector<16xf32>
    %add3A_874 = arith.constant 1.000000e+00 : f32
    %add3A_875 = vector.broadcast %add3A_874 : f32 to vector<16xf32>
    %add3A_876 = arith.addf %add3A_875, %exp3A_873 : vector<16xf32>
    %div3A_877 = arith.constant 1.000000e+00 : f32
    %div3A_878 = vector.broadcast %div3A_877 : f32 to vector<16xf32>
    %div3A_879 = arith.divf %div3A_878, %add3A_876 : vector<16xf32>
    %swap3A_880 = arith.constant 816 : index
    %swap3A_881 = tpu.vector_load %arg7[%swap3A_880] {strides = array<i32>} : memref<1024xf32, #tpu.memory_space<vmem>>, vector<16xf32>,
    %swap3A_882 = vector.shape_cast %swap3A_881 : vector<16xf32> to vector<16xf32>
    %swap3A_883 = vector.shape_cast %div3A_879 : vector<16xf32> to vector<16xf32>
    tpu.vector_store %arg7[%swap3A_880], %swap3A_883 {strides = array<i32>} : memref<1024xf32, #tpu.memory_space<vmem>>, vector<16xf32>,
    %get3A_884 = arith.constant 832 : index
    %get3A_885 = tpu.vector_load %arg7[%get3A_884] {strides = array<i32>} : memref<1024xf32, #tpu.memory_space<vmem>>, vector<16xf32>,
    %get3A_886 = vector.shape_cast %get3A_885 : vector<16xf32> to vector<16xf32>
    %neg3A_887 = arith.constant 0.000000e+00 : f32
    %neg3A_888 = vector.broadcast %neg3A_887 : f32 to vector<16xf32>
    %neg3A_889 = arith.subf %neg3A_888, %get3A_886 : vector<16xf32>
    %exp3A_890 = math.exp %neg3A_889 : vector<16xf32>
    %add3A_891 = arith.constant 1.000000e+00 : f32
    %add3A_892 = vector.broadcast %add3A_891 : f32 to vector<16xf32>
    %add3A_893 = arith.addf %add3A_892, %exp3A_890 : vector<16xf32>
    %div3A_894 = arith.constant 1.000000e+00 : f32
    %div3A_895 = vector.broadcast %div3A_894 : f32 to vector<16xf32>
    %div3A_896 = arith.divf %div3A_895, %add3A_893 : vector<16xf32>
    %swap3A_897 = arith.constant 832 : index
    %swap3A_898 = tpu.vector_load %arg7[%swap3A_897] {strides = array<i32>} : memref<1024xf32, #tpu.memory_space<vmem>>, vector<16xf32>,
    %swap3A_899 = vector.shape_cast %swap3A_898 : vector<16xf32> to vector<16xf32>
    %swap3A_900 = vector.shape_cast %div3A_896 : vector<16xf32> to vector<16xf32>
    tpu.vector_store %arg7[%swap3A_897], %swap3A_900 {strides = array<i32>} : memref<1024xf32, #tpu.memory_space<vmem>>, vector<16xf32>,
    %get3A_901 = arith.constant 848 : index
    %get3A_902 = tpu.vector_load %arg7[%get3A_901] {strides = array<i32>} : memref<1024xf32, #tpu.memory_space<vmem>>, vector<16xf32>,
    %get3A_903 = vector.shape_cast %get3A_902 : vector<16xf32> to vector<16xf32>
    %neg3A_904 = arith.constant 0.000000e+00 : f32
    %neg3A_905 = vector.broadcast %neg3A_904 : f32 to vector<16xf32>
    %neg3A_906 = arith.subf %neg3A_905, %get3A_903 : vector<16xf32>
    %exp3A_907 = math.exp %neg3A_906 : vector<16xf32>
    %add3A_908 = arith.constant 1.000000e+00 : f32
    %add3A_909 = vector.broadcast %add3A_908 : f32 to vector<16xf32>
    %add3A_910 = arith.addf %add3A_909, %exp3A_907 : vector<16xf32>
    %div3A_911 = arith.constant 1.000000e+00 : f32
    %div3A_912 = vector.broadcast %div3A_911 : f32 to vector<16xf32>
    %div3A_913 = arith.divf %div3A_912, %add3A_910 : vector<16xf32>
    %swap3A_914 = arith.constant 848 : index
    %swap3A_915 = tpu.vector_load %arg7[%swap3A_914] {strides = array<i32>} : memref<1024xf32, #tpu.memory_space<vmem>>, vector<16xf32>,
    %swap3A_916 = vector.shape_cast %swap3A_915 : vector<16xf32> to vector<16xf32>
    %swap3A_917 = vector.shape_cast %div3A_913 : vector<16xf32> to vector<16xf32>
    tpu.vector_store %arg7[%swap3A_914], %swap3A_917 {strides = array<i32>} : memref<1024xf32, #tpu.memory_space<vmem>>, vector<16xf32>,
    %get3A_918 = arith.constant 864 : index
    %get3A_919 = tpu.vector_load %arg7[%get3A_918] {strides = array<i32>} : memref<1024xf32, #tpu.memory_space<vmem>>, vector<16xf32>,
    %get3A_920 = vector.shape_cast %get3A_919 : vector<16xf32> to vector<16xf32>
    %neg3A_921 = arith.constant 0.000000e+00 : f32
    %neg3A_922 = vector.broadcast %neg3A_921 : f32 to vector<16xf32>
    %neg3A_923 = arith.subf %neg3A_922, %get3A_920 : vector<16xf32>
    %exp3A_924 = math.exp %neg3A_923 : vector<16xf32>
    %add3A_925 = arith.constant 1.000000e+00 : f32
    %add3A_926 = vector.broadcast %add3A_925 : f32 to vector<16xf32>
    %add3A_927 = arith.addf %add3A_926, %exp3A_924 : vector<16xf32>
    %div3A_928 = arith.constant 1.000000e+00 : f32
    %div3A_929 = vector.broadcast %div3A_928 : f32 to vector<16xf32>
    %div3A_930 = arith.divf %div3A_929, %add3A_927 : vector<16xf32>
    %swap3A_931 = arith.constant 864 : index
    %swap3A_932 = tpu.vector_load %arg7[%swap3A_931] {strides = array<i32>} : memref<1024xf32, #tpu.memory_space<vmem>>, vector<16xf32>,
    %swap3A_933 = vector.shape_cast %swap3A_932 : vector<16xf32> to vector<16xf32>
    %swap3A_934 = vector.shape_cast %div3A_930 : vector<16xf32> to vector<16xf32>
    tpu.vector_store %arg7[%swap3A_931], %swap3A_934 {strides = array<i32>} : memref<1024xf32, #tpu.memory_space<vmem>>, vector<16xf32>,
    %get3A_935 = arith.constant 880 : index
    %get3A_936 = tpu.vector_load %arg7[%get3A_935] {strides = array<i32>} : memref<1024xf32, #tpu.memory_space<vmem>>, vector<16xf32>,
    %get3A_937 = vector.shape_cast %get3A_936 : vector<16xf32> to vector<16xf32>
    %neg3A_938 = arith.constant 0.000000e+00 : f32
    %neg3A_939 = vector.broadcast %neg3A_938 : f32 to vector<16xf32>
    %neg3A_940 = arith.subf %neg3A_939, %get3A_937 : vector<16xf32>
    %exp3A_941 = math.exp %neg3A_940 : vector<16xf32>
    %add3A_942 = arith.constant 1.000000e+00 : f32
    %add3A_943 = vector.broadcast %add3A_942 : f32 to vector<16xf32>
    %add3A_944 = arith.addf %add3A_943, %exp3A_941 : vector<16xf32>
    %div3A_945 = arith.constant 1.000000e+00 : f32
    %div3A_946 = vector.broadcast %div3A_945 : f32 to vector<16xf32>
    %div3A_947 = arith.divf %div3A_946, %add3A_944 : vector<16xf32>
    %swap3A_948 = arith.constant 880 : index
    %swap3A_949 = tpu.vector_load %arg7[%swap3A_948] {strides = array<i32>} : memref<1024xf32, #tpu.memory_space<vmem>>, vector<16xf32>,
    %swap3A_950 = vector.shape_cast %swap3A_949 : vector<16xf32> to vector<16xf32>
    %swap3A_951 = vector.shape_cast %div3A_947 : vector<16xf32> to vector<16xf32>
    tpu.vector_store %arg7[%swap3A_948], %swap3A_951 {strides = array<i32>} : memref<1024xf32, #tpu.memory_space<vmem>>, vector<16xf32>,
    %get3A_952 = arith.constant 896 : index
    %get3A_953 = tpu.vector_load %arg7[%get3A_952] {strides = array<i32>} : memref<1024xf32, #tpu.memory_space<vmem>>, vector<16xf32>,
    %get3A_954 = vector.shape_cast %get3A_953 : vector<16xf32> to vector<16xf32>
    %neg3A_955 = arith.constant 0.000000e+00 : f32
    %neg3A_956 = vector.broadcast %neg3A_955 : f32 to vector<16xf32>
    %neg3A_957 = arith.subf %neg3A_956, %get3A_954 : vector<16xf32>
    %exp3A_958 = math.exp %neg3A_957 : vector<16xf32>
    %add3A_959 = arith.constant 1.000000e+00 : f32
    %add3A_960 = vector.broadcast %add3A_959 : f32 to vector<16xf32>
    %add3A_961 = arith.addf %add3A_960, %exp3A_958 : vector<16xf32>
    %div3A_962 = arith.constant 1.000000e+00 : f32
    %div3A_963 = vector.broadcast %div3A_962 : f32 to vector<16xf32>
    %div3A_964 = arith.divf %div3A_963, %add3A_961 : vector<16xf32>
    %swap3A_965 = arith.constant 896 : index
    %swap3A_966 = tpu.vector_load %arg7[%swap3A_965] {strides = array<i32>} : memref<1024xf32, #tpu.memory_space<vmem>>, vector<16xf32>,
    %swap3A_967 = vector.shape_cast %swap3A_966 : vector<16xf32> to vector<16xf32>
    %swap3A_968 = vector.shape_cast %div3A_964 : vector<16xf32> to vector<16xf32>
    tpu.vector_store %arg7[%swap3A_965], %swap3A_968 {strides = array<i32>} : memref<1024xf32, #tpu.memory_space<vmem>>, vector<16xf32>,
    %get3A_969 = arith.constant 912 : index
    %get3A_970 = tpu.vector_load %arg7[%get3A_969] {strides = array<i32>} : memref<1024xf32, #tpu.memory_space<vmem>>, vector<16xf32>,
    %get3A_971 = vector.shape_cast %get3A_970 : vector<16xf32> to vector<16xf32>
    %neg3A_972 = arith.constant 0.000000e+00 : f32
    %neg3A_973 = vector.broadcast %neg3A_972 : f32 to vector<16xf32>
    %neg3A_974 = arith.subf %neg3A_973, %get3A_971 : vector<16xf32>
    %exp3A_975 = math.exp %neg3A_974 : vector<16xf32>
    %add3A_976 = arith.constant 1.000000e+00 : f32
    %add3A_977 = vector.broadcast %add3A_976 : f32 to vector<16xf32>
    %add3A_978 = arith.addf %add3A_977, %exp3A_975 : vector<16xf32>
    %div3A_979 = arith.constant 1.000000e+00 : f32
    %div3A_980 = vector.broadcast %div3A_979 : f32 to vector<16xf32>
    %div3A_981 = arith.divf %div3A_980, %add3A_978 : vector<16xf32>
    %swap3A_982 = arith.constant 912 : index
    %swap3A_983 = tpu.vector_load %arg7[%swap3A_982] {strides = array<i32>} : memref<1024xf32, #tpu.memory_space<vmem>>, vector<16xf32>,
    %swap3A_984 = vector.shape_cast %swap3A_983 : vector<16xf32> to vector<16xf32>
    %swap3A_985 = vector.shape_cast %div3A_981 : vector<16xf32> to vector<16xf32>
    tpu.vector_store %arg7[%swap3A_982], %swap3A_985 {strides = array<i32>} : memref<1024xf32, #tpu.memory_space<vmem>>, vector<16xf32>,
    %get3A_986 = arith.constant 928 : index
    %get3A_987 = tpu.vector_load %arg7[%get3A_986] {strides = array<i32>} : memref<1024xf32, #tpu.memory_space<vmem>>, vector<16xf32>,
    %get3A_988 = vector.shape_cast %get3A_987 : vector<16xf32> to vector<16xf32>
    %neg3A_989 = arith.constant 0.000000e+00 : f32
    %neg3A_990 = vector.broadcast %neg3A_989 : f32 to vector<16xf32>
    %neg3A_991 = arith.subf %neg3A_990, %get3A_988 : vector<16xf32>
    %exp3A_992 = math.exp %neg3A_991 : vector<16xf32>
    %add3A_993 = arith.constant 1.000000e+00 : f32
    %add3A_994 = vector.broadcast %add3A_993 : f32 to vector<16xf32>
    %add3A_995 = arith.addf %add3A_994, %exp3A_992 : vector<16xf32>
    %div3A_996 = arith.constant 1.000000e+00 : f32
    %div3A_997 = vector.broadcast %div3A_996 : f32 to vector<16xf32>
    %div3A_998 = arith.divf %div3A_997, %add3A_995 : vector<16xf32>
    %swap3A_999 = arith.constant 928 : index
    %swap3A_1000 = tpu.vector_load %arg7[%swap3A_999] {strides = array<i32>} : memref<1024xf32, #tpu.memory_space<vmem>>, vector<16xf32>,
    %swap3A_1001 = vector.shape_cast %swap3A_1000 : vector<16xf32> to vector<16xf32>
    %swap3A_1002 = vector.shape_cast %div3A_998 : vector<16xf32> to vector<16xf32>
    tpu.vector_store %arg7[%swap3A_999], %swap3A_1002 {strides = array<i32>} : memref<1024xf32, #tpu.memory_space<vmem>>, vector<16xf32>,
    %get3A_1003 = arith.constant 944 : index
    %get3A_1004 = tpu.vector_load %arg7[%get3A_1003] {strides = array<i32>} : memref<1024xf32, #tpu.memory_space<vmem>>, vector<16xf32>,
    %get3A_1005 = vector.shape_cast %get3A_1004 : vector<16xf32> to vector<16xf32>
    %neg3A_1006 = arith.constant 0.000000e+00 : f32
    %neg3A_1007 = vector.broadcast %neg3A_1006 : f32 to vector<16xf32>
    %neg3A_1008 = arith.subf %neg3A_1007, %get3A_1005 : vector<16xf32>
    %exp3A_1009 = math.exp %neg3A_1008 : vector<16xf32>
    %add3A_1010 = arith.constant 1.000000e+00 : f32
    %add3A_1011 = vector.broadcast %add3A_1010 : f32 to vector<16xf32>
    %add3A_1012 = arith.addf %add3A_1011, %exp3A_1009 : vector<16xf32>
    %div3A_1013 = arith.constant 1.000000e+00 : f32
    %div3A_1014 = vector.broadcast %div3A_1013 : f32 to vector<16xf32>
    %div3A_1015 = arith.divf %div3A_1014, %add3A_1012 : vector<16xf32>
    %swap3A_1016 = arith.constant 944 : index
    %swap3A_1017 = tpu.vector_load %arg7[%swap3A_1016] {strides = array<i32>} : memref<1024xf32, #tpu.memory_space<vmem>>, vector<16xf32>,
    %swap3A_1018 = vector.shape_cast %swap3A_1017 : vector<16xf32> to vector<16xf32>
    %swap3A_1019 = vector.shape_cast %div3A_1015 : vector<16xf32> to vector<16xf32>
    tpu.vector_store %arg7[%swap3A_1016], %swap3A_1019 {strides = array<i32>} : memref<1024xf32, #tpu.memory_space<vmem>>, vector<16xf32>,
    %get3A_1020 = arith.constant 960 : index
    %get3A_1021 = tpu.vector_load %arg7[%get3A_1020] {strides = array<i32>} : memref<1024xf32, #tpu.memory_space<vmem>>, vector<16xf32>,
    %get3A_1022 = vector.shape_cast %get3A_1021 : vector<16xf32> to vector<16xf32>
    %neg3A_1023 = arith.constant 0.000000e+00 : f32
    %neg3A_1024 = vector.broadcast %neg3A_1023 : f32 to vector<16xf32>
    %neg3A_1025 = arith.subf %neg3A_1024, %get3A_1022 : vector<16xf32>
    %exp3A_1026 = math.exp %neg3A_1025 : vector<16xf32>
    %add3A_1027 = arith.constant 1.000000e+00 : f32
    %add3A_1028 = vector.broadcast %add3A_1027 : f32 to vector<16xf32>
    %add3A_1029 = arith.addf %add3A_1028, %exp3A_1026 : vector<16xf32>
    %div3A_1030 = arith.constant 1.000000e+00 : f32
    %div3A_1031 = vector.broadcast %div3A_1030 : f32 to vector<16xf32>
    %div3A_1032 = arith.divf %div3A_1031, %add3A_1029 : vector<16xf32>
    %swap3A_1033 = arith.constant 960 : index
    %swap3A_1034 = tpu.vector_load %arg7[%swap3A_1033] {strides = array<i32>} : memref<1024xf32, #tpu.memory_space<vmem>>, vector<16xf32>,
    %swap3A_1035 = vector.shape_cast %swap3A_1034 : vector<16xf32> to vector<16xf32>
    %swap3A_1036 = vector.shape_cast %div3A_1032 : vector<16xf32> to vector<16xf32>
    tpu.vector_store %arg7[%swap3A_1033], %swap3A_1036 {strides = array<i32>} : memref<1024xf32, #tpu.memory_space<vmem>>, vector<16xf32>,
    %get3A_1037 = arith.constant 976 : index
    %get3A_1038 = tpu.vector_load %arg7[%get3A_1037] {strides = array<i32>} : memref<1024xf32, #tpu.memory_space<vmem>>, vector<16xf32>,
    %get3A_1039 = vector.shape_cast %get3A_1038 : vector<16xf32> to vector<16xf32>
    %neg3A_1040 = arith.constant 0.000000e+00 : f32
    %neg3A_1041 = vector.broadcast %neg3A_1040 : f32 to vector<16xf32>
    %neg3A_1042 = arith.subf %neg3A_1041, %get3A_1039 : vector<16xf32>
    %exp3A_1043 = math.exp %neg3A_1042 : vector<16xf32>
    %add3A_1044 = arith.constant 1.000000e+00 : f32
    %add3A_1045 = vector.broadcast %add3A_1044 : f32 to vector<16xf32>
    %add3A_1046 = arith.addf %add3A_1045, %exp3A_1043 : vector<16xf32>
    %div3A_1047 = arith.constant 1.000000e+00 : f32
    %div3A_1048 = vector.broadcast %div3A_1047 : f32 to vector<16xf32>
    %div3A_1049 = arith.divf %div3A_1048, %add3A_1046 : vector<16xf32>
    %swap3A_1050 = arith.constant 976 : index
    %swap3A_1051 = tpu.vector_load %arg7[%swap3A_1050] {strides = array<i32>} : memref<1024xf32, #tpu.memory_space<vmem>>, vector<16xf32>,
    %swap3A_1052 = vector.shape_cast %swap3A_1051 : vector<16xf32> to vector<16xf32>
    %swap3A_1053 = vector.shape_cast %div3A_1049 : vector<16xf32> to vector<16xf32>
    tpu.vector_store %arg7[%swap3A_1050], %swap3A_1053 {strides = array<i32>} : memref<1024xf32, #tpu.memory_space<vmem>>, vector<16xf32>,
    %get3A_1054 = arith.constant 992 : index
    %get3A_1055 = tpu.vector_load %arg7[%get3A_1054] {strides = array<i32>} : memref<1024xf32, #tpu.memory_space<vmem>>, vector<16xf32>,
    %get3A_1056 = vector.shape_cast %get3A_1055 : vector<16xf32> to vector<16xf32>
    %neg3A_1057 = arith.constant 0.000000e+00 : f32
    %neg3A_1058 = vector.broadcast %neg3A_1057 : f32 to vector<16xf32>
    %neg3A_1059 = arith.subf %neg3A_1058, %get3A_1056 : vector<16xf32>
    %exp3A_1060 = math.exp %neg3A_1059 : vector<16xf32>
    %add3A_1061 = arith.constant 1.000000e+00 : f32
    %add3A_1062 = vector.broadcast %add3A_1061 : f32 to vector<16xf32>
    %add3A_1063 = arith.addf %add3A_1062, %exp3A_1060 : vector<16xf32>
    %div3A_1064 = arith.constant 1.000000e+00 : f32
    %div3A_1065 = vector.broadcast %div3A_1064 : f32 to vector<16xf32>
    %div3A_1066 = arith.divf %div3A_1065, %add3A_1063 : vector<16xf32>
    %swap3A_1067 = arith.constant 992 : index
    %swap3A_1068 = tpu.vector_load %arg7[%swap3A_1067] {strides = array<i32>} : memref<1024xf32, #tpu.memory_space<vmem>>, vector<16xf32>,
    %swap3A_1069 = vector.shape_cast %swap3A_1068 : vector<16xf32> to vector<16xf32>
    %swap3A_1070 = vector.shape_cast %div3A_1066 : vector<16xf32> to vector<16xf32>
    tpu.vector_store %arg7[%swap3A_1067], %swap3A_1070 {strides = array<i32>} : memref<1024xf32, #tpu.memory_space<vmem>>, vector<16xf32>,
    %get3A_1071 = arith.constant 1008 : index
    %get3A_1072 = tpu.vector_load %arg7[%get3A_1071] {strides = array<i32>} : memref<1024xf32, #tpu.memory_space<vmem>>, vector<16xf32>,
    %get3A_1073 = vector.shape_cast %get3A_1072 : vector<16xf32> to vector<16xf32>
    %neg3A_1074 = arith.constant 0.000000e+00 : f32
    %neg3A_1075 = vector.broadcast %neg3A_1074 : f32 to vector<16xf32>
    %neg3A_1076 = arith.subf %neg3A_1075, %get3A_1073 : vector<16xf32>
    %exp3A_1077 = math.exp %neg3A_1076 : vector<16xf32>
    %add3A_1078 = arith.constant 1.000000e+00 : f32
    %add3A_1079 = vector.broadcast %add3A_1078 : f32 to vector<16xf32>
    %add3A_1080 = arith.addf %add3A_1079, %exp3A_1077 : vector<16xf32>
    %div3A_1081 = arith.constant 1.000000e+00 : f32
    %div3A_1082 = vector.broadcast %div3A_1081 : f32 to vector<16xf32>
    %div3A_1083 = arith.divf %div3A_1082, %add3A_1080 : vector<16xf32>
    %swap3A_1084 = arith.constant 1008 : index
    %swap3A_1085 = tpu.vector_load %arg7[%swap3A_1084] {strides = array<i32>} : memref<1024xf32, #tpu.memory_space<vmem>>, vector<16xf32>,
    %swap3A_1086 = vector.shape_cast %swap3A_1085 : vector<16xf32> to vector<16xf32>
    %swap3A_1087 = vector.shape_cast %div3A_1083 : vector<16xf32> to vector<16xf32>
    tpu.vector_store %arg7[%swap3A_1084], %swap3A_1087 {strides = array<i32>} : memref<1024xf32, #tpu.memory_space<vmem>>, vector<16xf32>,
    %iota3A = tpu.iota {dimensions = array<i32: 0>} : vector<16xi32>
    %min3A = arith.constant 1 : i32
    %min3A_1088 = vector.broadcast %min3A : i32 to vector<16xi32>
    %min3A_1089 = arith.minsi %iota3A, %min3A_1088 : vector<16xi32>
    %sub3A = arith.constant 1 : i32
    %sub3A_1090 = vector.broadcast %sub3A : i32 to vector<16xi32>
    %sub3A_1091 = arith.subi %sub3A_1090, %min3A_1089 : vector<16xi32>
    %jit3A = arith.constant 4096 : i32
    %eq3A = arith.constant 0 : i32
    %eq3A_1092 = arith.cmpi eq, %jit3A, %eq3A : i32
    %jit3A_1093 = arith.constant 1 : i32
    %select_n3A = arith.select %eq3A_1092, %jit3A_1093, %jit3A : i32
    %rem3A = arith.remsi %mul3A_2, %select_n3A : i32
    %ne3A = arith.constant 0 : i32
    %ne3A_1094 = arith.cmpi ne, %rem3A, %ne3A : i32
    %lt3A = arith.constant 0 : i32
    %lt3A_1095 = arith.cmpi slt, %rem3A, %lt3A : i32
    %lt3A_1096 = arith.constant 0 : i32
    %lt3A_1097 = arith.cmpi slt, %select_n3A, %lt3A_1096 : i32
    %ne3A_1098 = arith.xori %lt3A_1095, %lt3A_1097 : i1
    %and3A = arith.andi %ne3A_1098, %ne3A_1094 : i1
    %add3A_1099 = arith.addi %rem3A, %select_n3A : i32
    %select_n3A_1100 = arith.select %and3A, %add3A_1099, %rem3A : i32
    %min3A_1101 = arith.constant 1 : i32
    %min3A_1102 = arith.minsi %select_n3A_1100, %min3A_1101 : i32
    %sub3A_1103 = arith.constant 1 : i32
    %sub3A_1104 = arith.subi %sub3A_1103, %min3A_1102 : i32
    %mul3A_1105 = vector.broadcast %sub3A_1104 : i32 to vector<16xi32>
    %mul3A_1106 = arith.muli %sub3A_1091, %mul3A_1105 : vector<16xi32>
    %sub3A_1107 = arith.constant 1 : i32
    %sub3A_1108 = vector.broadcast %sub3A_1107 : i32 to vector<16xi32>
    %sub3A_1109 = arith.subi %sub3A_1108, %mul3A_1106 : vector<16xi32>
    %get3A_1110 = arith.constant 512 : index
    %get3A_1111 = tpu.vector_load %arg6[%get3A_1110] {strides = array<i32>} : memref<528xi32, #tpu.memory_space<vmem>>, vector<16xi32>,
    %get3A_1112 = vector.shape_cast %get3A_1111 : vector<16xi32> to vector<16xi32>
    %get3A_1113 = arith.constant 511 : index
    %get3A_1114 = tpu.vector_load %arg6[%get3A_1113] {strides = array<i32>} : memref<528xi32, #tpu.memory_space<vmem>>, vector<16xi32>,
    %get3A_1115 = vector.shape_cast %get3A_1114 : vector<16xi32> to vector<16xi32>
    %and3A_1116 = arith.constant 32767 : i32
    %and3A_1117 = vector.broadcast %and3A_1116 : i32 to vector<16xi32>
    %and3A_1118 = arith.andi %get3A_1115, %and3A_1117 : vector<16xi32>
    %mul3A_1119 = arith.constant 16963 : i32
    %mul3A_1120 = vector.broadcast %mul3A_1119 : i32 to vector<16xi32>
    %mul3A_1121 = arith.muli %and3A_1118, %mul3A_1120 : vector<16xi32>
    %add3A_1122 = arith.addi %mul3A_1121, %get3A_1112 : vector<16xi32>
    %and3A_1123 = arith.constant 32767 : i32
    %and3A_1124 = vector.broadcast %and3A_1123 : i32 to vector<16xi32>
    %and3A_1125 = arith.andi %add3A_1122, %and3A_1124 : vector<16xi32>
    %swap3A_1126 = arith.constant 512 : index
    %swap3A_1127 = tpu.vector_load %arg6[%swap3A_1126] {strides = array<i32>} : memref<528xi32, #tpu.memory_space<vmem>>, vector<16xi32>,
    %swap3A_1128 = vector.shape_cast %swap3A_1127 : vector<16xi32> to vector<16xi32>
    %swap3A_1129 = vector.shape_cast %and3A_1125 : vector<16xi32> to vector<16xi32>
    tpu.vector_store %arg6[%swap3A_1126], %swap3A_1129 {strides = array<i32>} : memref<528xi32, #tpu.memory_space<vmem>>, vector<16xi32>,
    %get3A_1130 = arith.constant 496 : index
    %get3A_1131 = tpu.vector_load %arg6[%get3A_1130] {strides = array<i32>} : memref<528xi32, #tpu.memory_space<vmem>>, vector<16xi32>,
    %get3A_1132 = vector.shape_cast %get3A_1131 : vector<16xi32> to vector<16xi32>
    %get3A_1133 = arith.constant 495 : index
    %get3A_1134 = tpu.vector_load %arg6[%get3A_1133] {strides = array<i32>} : memref<528xi32, #tpu.memory_space<vmem>>, vector<16xi32>,
    %get3A_1135 = vector.shape_cast %get3A_1134 : vector<16xi32> to vector<16xi32>
    %and3A_1136 = arith.constant 32767 : i32
    %and3A_1137 = vector.broadcast %and3A_1136 : i32 to vector<16xi32>
    %and3A_1138 = arith.andi %get3A_1135, %and3A_1137 : vector<16xi32>
    %mul3A_1139 = arith.constant 16963 : i32
    %mul3A_1140 = vector.broadcast %mul3A_1139 : i32 to vector<16xi32>
    %mul3A_1141 = arith.muli %and3A_1138, %mul3A_1140 : vector<16xi32>
    %add3A_1142 = arith.addi %mul3A_1141, %get3A_1132 : vector<16xi32>
    %and3A_1143 = arith.constant 32767 : i32
    %and3A_1144 = vector.broadcast %and3A_1143 : i32 to vector<16xi32>
    %and3A_1145 = arith.andi %add3A_1142, %and3A_1144 : vector<16xi32>
    %swap3A_1146 = arith.constant 496 : index
    %swap3A_1147 = tpu.vector_load %arg6[%swap3A_1146] {strides = array<i32>} : memref<528xi32, #tpu.memory_space<vmem>>, vector<16xi32>,
    %swap3A_1148 = vector.shape_cast %swap3A_1147 : vector<16xi32> to vector<16xi32>
    %swap3A_1149 = vector.shape_cast %and3A_1145 : vector<16xi32> to vector<16xi32>
    tpu.vector_store %arg6[%swap3A_1146], %swap3A_1149 {strides = array<i32>} : memref<528xi32, #tpu.memory_space<vmem>>, vector<16xi32>,
    %get3A_1150 = arith.constant 480 : index
    %get3A_1151 = tpu.vector_load %arg6[%get3A_1150] {strides = array<i32>} : memref<528xi32, #tpu.memory_space<vmem>>, vector<16xi32>,
    %get3A_1152 = vector.shape_cast %get3A_1151 : vector<16xi32> to vector<16xi32>
    %get3A_1153 = arith.constant 479 : index
    %get3A_1154 = tpu.vector_load %arg6[%get3A_1153] {strides = array<i32>} : memref<528xi32, #tpu.memory_space<vmem>>, vector<16xi32>,
    %get3A_1155 = vector.shape_cast %get3A_1154 : vector<16xi32> to vector<16xi32>
    %and3A_1156 = arith.constant 32767 : i32
    %and3A_1157 = vector.broadcast %and3A_1156 : i32 to vector<16xi32>
    %and3A_1158 = arith.andi %get3A_1155, %and3A_1157 : vector<16xi32>
    %mul3A_1159 = arith.constant 16963 : i32
    %mul3A_1160 = vector.broadcast %mul3A_1159 : i32 to vector<16xi32>
    %mul3A_1161 = arith.muli %and3A_1158, %mul3A_1160 : vector<16xi32>
    %add3A_1162 = arith.addi %mul3A_1161, %get3A_1152 : vector<16xi32>
    %and3A_1163 = arith.constant 32767 : i32
    %and3A_1164 = vector.broadcast %and3A_1163 : i32 to vector<16xi32>
    %and3A_1165 = arith.andi %add3A_1162, %and3A_1164 : vector<16xi32>
    %swap3A_1166 = arith.constant 480 : index
    %swap3A_1167 = tpu.vector_load %arg6[%swap3A_1166] {strides = array<i32>} : memref<528xi32, #tpu.memory_space<vmem>>, vector<16xi32>,
    %swap3A_1168 = vector.shape_cast %swap3A_1167 : vector<16xi32> to vector<16xi32>
    %swap3A_1169 = vector.shape_cast %and3A_1165 : vector<16xi32> to vector<16xi32>
    tpu.vector_store %arg6[%swap3A_1166], %swap3A_1169 {strides = array<i32>} : memref<528xi32, #tpu.memory_space<vmem>>, vector<16xi32>,
    %get3A_1170 = arith.constant 464 : index
    %get3A_1171 = tpu.vector_load %arg6[%get3A_1170] {strides = array<i32>} : memref<528xi32, #tpu.memory_space<vmem>>, vector<16xi32>,
    %get3A_1172 = vector.shape_cast %get3A_1171 : vector<16xi32> to vector<16xi32>
    %get3A_1173 = arith.constant 463 : index
    %get3A_1174 = tpu.vector_load %arg6[%get3A_1173] {strides = array<i32>} : memref<528xi32, #tpu.memory_space<vmem>>, vector<16xi32>,
    %get3A_1175 = vector.shape_cast %get3A_1174 : vector<16xi32> to vector<16xi32>
    %and3A_1176 = arith.constant 32767 : i32
    %and3A_1177 = vector.broadcast %and3A_1176 : i32 to vector<16xi32>
    %and3A_1178 = arith.andi %get3A_1175, %and3A_1177 : vector<16xi32>
    %mul3A_1179 = arith.constant 16963 : i32
    %mul3A_1180 = vector.broadcast %mul3A_1179 : i32 to vector<16xi32>
    %mul3A_1181 = arith.muli %and3A_1178, %mul3A_1180 : vector<16xi32>
    %add3A_1182 = arith.addi %mul3A_1181, %get3A_1172 : vector<16xi32>
    %and3A_1183 = arith.constant 32767 : i32
    %and3A_1184 = vector.broadcast %and3A_1183 : i32 to vector<16xi32>
    %and3A_1185 = arith.andi %add3A_1182, %and3A_1184 : vector<16xi32>
    %swap3A_1186 = arith.constant 464 : index
    %swap3A_1187 = tpu.vector_load %arg6[%swap3A_1186] {strides = array<i32>} : memref<528xi32, #tpu.memory_space<vmem>>, vector<16xi32>,
    %swap3A_1188 = vector.shape_cast %swap3A_1187 : vector<16xi32> to vector<16xi32>
    %swap3A_1189 = vector.shape_cast %and3A_1185 : vector<16xi32> to vector<16xi32>
    tpu.vector_store %arg6[%swap3A_1186], %swap3A_1189 {strides = array<i32>} : memref<528xi32, #tpu.memory_space<vmem>>, vector<16xi32>,
    %get3A_1190 = arith.constant 448 : index
    %get3A_1191 = tpu.vector_load %arg6[%get3A_1190] {strides = array<i32>} : memref<528xi32, #tpu.memory_space<vmem>>, vector<16xi32>,
    %get3A_1192 = vector.shape_cast %get3A_1191 : vector<16xi32> to vector<16xi32>
    %get3A_1193 = arith.constant 447 : index
    %get3A_1194 = tpu.vector_load %arg6[%get3A_1193] {strides = array<i32>} : memref<528xi32, #tpu.memory_space<vmem>>, vector<16xi32>,
    %get3A_1195 = vector.shape_cast %get3A_1194 : vector<16xi32> to vector<16xi32>
    %and3A_1196 = arith.constant 32767 : i32
    %and3A_1197 = vector.broadcast %and3A_1196 : i32 to vector<16xi32>
    %and3A_1198 = arith.andi %get3A_1195, %and3A_1197 : vector<16xi32>
    %mul3A_1199 = arith.constant 16963 : i32
    %mul3A_1200 = vector.broadcast %mul3A_1199 : i32 to vector<16xi32>
    %mul3A_1201 = arith.muli %and3A_1198, %mul3A_1200 : vector<16xi32>
    %add3A_1202 = arith.addi %mul3A_1201, %get3A_1192 : vector<16xi32>
    %and3A_1203 = arith.constant 32767 : i32
    %and3A_1204 = vector.broadcast %and3A_1203 : i32 to vector<16xi32>
    %and3A_1205 = arith.andi %add3A_1202, %and3A_1204 : vector<16xi32>
    %swap3A_1206 = arith.constant 448 : index
    %swap3A_1207 = tpu.vector_load %arg6[%swap3A_1206] {strides = array<i32>} : memref<528xi32, #tpu.memory_space<vmem>>, vector<16xi32>,
    %swap3A_1208 = vector.shape_cast %swap3A_1207 : vector<16xi32> to vector<16xi32>
    %swap3A_1209 = vector.shape_cast %and3A_1205 : vector<16xi32> to vector<16xi32>
    tpu.vector_store %arg6[%swap3A_1206], %swap3A_1209 {strides = array<i32>} : memref<528xi32, #tpu.memory_space<vmem>>, vector<16xi32>,
    %get3A_1210 = arith.constant 432 : index
    %get3A_1211 = tpu.vector_load %arg6[%get3A_1210] {strides = array<i32>} : memref<528xi32, #tpu.memory_space<vmem>>, vector<16xi32>,
    %get3A_1212 = vector.shape_cast %get3A_1211 : vector<16xi32> to vector<16xi32>
    %get3A_1213 = arith.constant 431 : index
    %get3A_1214 = tpu.vector_load %arg6[%get3A_1213] {strides = array<i32>} : memref<528xi32, #tpu.memory_space<vmem>>, vector<16xi32>,
    %get3A_1215 = vector.shape_cast %get3A_1214 : vector<16xi32> to vector<16xi32>
    %and3A_1216 = arith.constant 32767 : i32
    %and3A_1217 = vector.broadcast %and3A_1216 : i32 to vector<16xi32>
    %and3A_1218 = arith.andi %get3A_1215, %and3A_1217 : vector<16xi32>
    %mul3A_1219 = arith.constant 16963 : i32
    %mul3A_1220 = vector.broadcast %mul3A_1219 : i32 to vector<16xi32>
    %mul3A_1221 = arith.muli %and3A_1218, %mul3A_1220 : vector<16xi32>
    %add3A_1222 = arith.addi %mul3A_1221, %get3A_1212 : vector<16xi32>
    %and3A_1223 = arith.constant 32767 : i32
    %and3A_1224 = vector.broadcast %and3A_1223 : i32 to vector<16xi32>
    %and3A_1225 = arith.andi %add3A_1222, %and3A_1224 : vector<16xi32>
    %swap3A_1226 = arith.constant 432 : index
    %swap3A_1227 = tpu.vector_load %arg6[%swap3A_1226] {strides = array<i32>} : memref<528xi32, #tpu.memory_space<vmem>>, vector<16xi32>,
    %swap3A_1228 = vector.shape_cast %swap3A_1227 : vector<16xi32> to vector<16xi32>
    %swap3A_1229 = vector.shape_cast %and3A_1225 : vector<16xi32> to vector<16xi32>
    tpu.vector_store %arg6[%swap3A_1226], %swap3A_1229 {strides = array<i32>} : memref<528xi32, #tpu.memory_space<vmem>>, vector<16xi32>,
    %get3A_1230 = arith.constant 416 : index
    %get3A_1231 = tpu.vector_load %arg6[%get3A_1230] {strides = array<i32>} : memref<528xi32, #tpu.memory_space<vmem>>, vector<16xi32>,
    %get3A_1232 = vector.shape_cast %get3A_1231 : vector<16xi32> to vector<16xi32>
    %get3A_1233 = arith.constant 415 : index
    %get3A_1234 = tpu.vector_load %arg6[%get3A_1233] {strides = array<i32>} : memref<528xi32, #tpu.memory_space<vmem>>, vector<16xi32>,
    %get3A_1235 = vector.shape_cast %get3A_1234 : vector<16xi32> to vector<16xi32>
    %and3A_1236 = arith.constant 32767 : i32
    %and3A_1237 = vector.broadcast %and3A_1236 : i32 to vector<16xi32>
    %and3A_1238 = arith.andi %get3A_1235, %and3A_1237 : vector<16xi32>
    %mul3A_1239 = arith.constant 16963 : i32
    %mul3A_1240 = vector.broadcast %mul3A_1239 : i32 to vector<16xi32>
    %mul3A_1241 = arith.muli %and3A_1238, %mul3A_1240 : vector<16xi32>
    %add3A_1242 = arith.addi %mul3A_1241, %get3A_1232 : vector<16xi32>
    %and3A_1243 = arith.constant 32767 : i32
    %and3A_1244 = vector.broadcast %and3A_1243 : i32 to vector<16xi32>
    %and3A_1245 = arith.andi %add3A_1242, %and3A_1244 : vector<16xi32>
    %swap3A_1246 = arith.constant 416 : index
    %swap3A_1247 = tpu.vector_load %arg6[%swap3A_1246] {strides = array<i32>} : memref<528xi32, #tpu.memory_space<vmem>>, vector<16xi32>,
    %swap3A_1248 = vector.shape_cast %swap3A_1247 : vector<16xi32> to vector<16xi32>
    %swap3A_1249 = vector.shape_cast %and3A_1245 : vector<16xi32> to vector<16xi32>
    tpu.vector_store %arg6[%swap3A_1246], %swap3A_1249 {strides = array<i32>} : memref<528xi32, #tpu.memory_space<vmem>>, vector<16xi32>,
    %get3A_1250 = arith.constant 400 : index
    %get3A_1251 = tpu.vector_load %arg6[%get3A_1250] {strides = array<i32>} : memref<528xi32, #tpu.memory_space<vmem>>, vector<16xi32>,
    %get3A_1252 = vector.shape_cast %get3A_1251 : vector<16xi32> to vector<16xi32>
    %get3A_1253 = arith.constant 399 : index
    %get3A_1254 = tpu.vector_load %arg6[%get3A_1253] {strides = array<i32>} : memref<528xi32, #tpu.memory_space<vmem>>, vector<16xi32>,
    %get3A_1255 = vector.shape_cast %get3A_1254 : vector<16xi32> to vector<16xi32>
    %and3A_1256 = arith.constant 32767 : i32
    %and3A_1257 = vector.broadcast %and3A_1256 : i32 to vector<16xi32>
    %and3A_1258 = arith.andi %get3A_1255, %and3A_1257 : vector<16xi32>
    %mul3A_1259 = arith.constant 16963 : i32
    %mul3A_1260 = vector.broadcast %mul3A_1259 : i32 to vector<16xi32>
    %mul3A_1261 = arith.muli %and3A_1258, %mul3A_1260 : vector<16xi32>
    %add3A_1262 = arith.addi %mul3A_1261, %get3A_1252 : vector<16xi32>
    %and3A_1263 = arith.constant 32767 : i32
    %and3A_1264 = vector.broadcast %and3A_1263 : i32 to vector<16xi32>
    %and3A_1265 = arith.andi %add3A_1262, %and3A_1264 : vector<16xi32>
    %swap3A_1266 = arith.constant 400 : index
    %swap3A_1267 = tpu.vector_load %arg6[%swap3A_1266] {strides = array<i32>} : memref<528xi32, #tpu.memory_space<vmem>>, vector<16xi32>,
    %swap3A_1268 = vector.shape_cast %swap3A_1267 : vector<16xi32> to vector<16xi32>
    %swap3A_1269 = vector.shape_cast %and3A_1265 : vector<16xi32> to vector<16xi32>
    tpu.vector_store %arg6[%swap3A_1266], %swap3A_1269 {strides = array<i32>} : memref<528xi32, #tpu.memory_space<vmem>>, vector<16xi32>,
    %get3A_1270 = arith.constant 384 : index
    %get3A_1271 = tpu.vector_load %arg6[%get3A_1270] {strides = array<i32>} : memref<528xi32, #tpu.memory_space<vmem>>, vector<16xi32>,
    %get3A_1272 = vector.shape_cast %get3A_1271 : vector<16xi32> to vector<16xi32>
    %get3A_1273 = arith.constant 383 : index
    %get3A_1274 = tpu.vector_load %arg6[%get3A_1273] {strides = array<i32>} : memref<528xi32, #tpu.memory_space<vmem>>, vector<16xi32>,
    %get3A_1275 = vector.shape_cast %get3A_1274 : vector<16xi32> to vector<16xi32>
    %and3A_1276 = arith.constant 32767 : i32
    %and3A_1277 = vector.broadcast %and3A_1276 : i32 to vector<16xi32>
    %and3A_1278 = arith.andi %get3A_1275, %and3A_1277 : vector<16xi32>
    %mul3A_1279 = arith.constant 16963 : i32
    %mul3A_1280 = vector.broadcast %mul3A_1279 : i32 to vector<16xi32>
    %mul3A_1281 = arith.muli %and3A_1278, %mul3A_1280 : vector<16xi32>
    %add3A_1282 = arith.addi %mul3A_1281, %get3A_1272 : vector<16xi32>
    %and3A_1283 = arith.constant 32767 : i32
    %and3A_1284 = vector.broadcast %and3A_1283 : i32 to vector<16xi32>
    %and3A_1285 = arith.andi %add3A_1282, %and3A_1284 : vector<16xi32>
    %swap3A_1286 = arith.constant 384 : index
    %swap3A_1287 = tpu.vector_load %arg6[%swap3A_1286] {strides = array<i32>} : memref<528xi32, #tpu.memory_space<vmem>>, vector<16xi32>,
    %swap3A_1288 = vector.shape_cast %swap3A_1287 : vector<16xi32> to vector<16xi32>
    %swap3A_1289 = vector.shape_cast %and3A_1285 : vector<16xi32> to vector<16xi32>
    tpu.vector_store %arg6[%swap3A_1286], %swap3A_1289 {strides = array<i32>} : memref<528xi32, #tpu.memory_space<vmem>>, vector<16xi32>,
    %get3A_1290 = arith.constant 368 : index
    %get3A_1291 = tpu.vector_load %arg6[%get3A_1290] {strides = array<i32>} : memref<528xi32, #tpu.memory_space<vmem>>, vector<16xi32>,
    %get3A_1292 = vector.shape_cast %get3A_1291 : vector<16xi32> to vector<16xi32>
    %get3A_1293 = arith.constant 367 : index
    %get3A_1294 = tpu.vector_load %arg6[%get3A_1293] {strides = array<i32>} : memref<528xi32, #tpu.memory_space<vmem>>, vector<16xi32>,
    %get3A_1295 = vector.shape_cast %get3A_1294 : vector<16xi32> to vector<16xi32>
    %and3A_1296 = arith.constant 32767 : i32
    %and3A_1297 = vector.broadcast %and3A_1296 : i32 to vector<16xi32>
    %and3A_1298 = arith.andi %get3A_1295, %and3A_1297 : vector<16xi32>
    %mul3A_1299 = arith.constant 16963 : i32
    %mul3A_1300 = vector.broadcast %mul3A_1299 : i32 to vector<16xi32>
    %mul3A_1301 = arith.muli %and3A_1298, %mul3A_1300 : vector<16xi32>
    %add3A_1302 = arith.addi %mul3A_1301, %get3A_1292 : vector<16xi32>
    %and3A_1303 = arith.constant 32767 : i32
    %and3A_1304 = vector.broadcast %and3A_1303 : i32 to vector<16xi32>
    %and3A_1305 = arith.andi %add3A_1302, %and3A_1304 : vector<16xi32>
    %swap3A_1306 = arith.constant 368 : index
    %swap3A_1307 = tpu.vector_load %arg6[%swap3A_1306] {strides = array<i32>} : memref<528xi32, #tpu.memory_space<vmem>>, vector<16xi32>,
    %swap3A_1308 = vector.shape_cast %swap3A_1307 : vector<16xi32> to vector<16xi32>
    %swap3A_1309 = vector.shape_cast %and3A_1305 : vector<16xi32> to vector<16xi32>
    tpu.vector_store %arg6[%swap3A_1306], %swap3A_1309 {strides = array<i32>} : memref<528xi32, #tpu.memory_space<vmem>>, vector<16xi32>,
    %get3A_1310 = arith.constant 352 : index
    %get3A_1311 = tpu.vector_load %arg6[%get3A_1310] {strides = array<i32>} : memref<528xi32, #tpu.memory_space<vmem>>, vector<16xi32>,
    %get3A_1312 = vector.shape_cast %get3A_1311 : vector<16xi32> to vector<16xi32>
    %get3A_1313 = arith.constant 351 : index
    %get3A_1314 = tpu.vector_load %arg6[%get3A_1313] {strides = array<i32>} : memref<528xi32, #tpu.memory_space<vmem>>, vector<16xi32>,
    %get3A_1315 = vector.shape_cast %get3A_1314 : vector<16xi32> to vector<16xi32>
    %and3A_1316 = arith.constant 32767 : i32
    %and3A_1317 = vector.broadcast %and3A_1316 : i32 to vector<16xi32>
    %and3A_1318 = arith.andi %get3A_1315, %and3A_1317 : vector<16xi32>
    %mul3A_1319 = arith.constant 16963 : i32
    %mul3A_1320 = vector.broadcast %mul3A_1319 : i32 to vector<16xi32>
    %mul3A_1321 = arith.muli %and3A_1318, %mul3A_1320 : vector<16xi32>
    %add3A_1322 = arith.addi %mul3A_1321, %get3A_1312 : vector<16xi32>
    %and3A_1323 = arith.constant 32767 : i32
    %and3A_1324 = vector.broadcast %and3A_1323 : i32 to vector<16xi32>
    %and3A_1325 = arith.andi %add3A_1322, %and3A_1324 : vector<16xi32>
    %swap3A_1326 = arith.constant 352 : index
    %swap3A_1327 = tpu.vector_load %arg6[%swap3A_1326] {strides = array<i32>} : memref<528xi32, #tpu.memory_space<vmem>>, vector<16xi32>,
    %swap3A_1328 = vector.shape_cast %swap3A_1327 : vector<16xi32> to vector<16xi32>
    %swap3A_1329 = vector.shape_cast %and3A_1325 : vector<16xi32> to vector<16xi32>
    tpu.vector_store %arg6[%swap3A_1326], %swap3A_1329 {strides = array<i32>} : memref<528xi32, #tpu.memory_space<vmem>>, vector<16xi32>,
    %get3A_1330 = arith.constant 336 : index
    %get3A_1331 = tpu.vector_load %arg6[%get3A_1330] {strides = array<i32>} : memref<528xi32, #tpu.memory_space<vmem>>, vector<16xi32>,
    %get3A_1332 = vector.shape_cast %get3A_1331 : vector<16xi32> to vector<16xi32>
    %get3A_1333 = arith.constant 335 : index
    %get3A_1334 = tpu.vector_load %arg6[%get3A_1333] {strides = array<i32>} : memref<528xi32, #tpu.memory_space<vmem>>, vector<16xi32>,
    %get3A_1335 = vector.shape_cast %get3A_1334 : vector<16xi32> to vector<16xi32>
    %and3A_1336 = arith.constant 32767 : i32
    %and3A_1337 = vector.broadcast %and3A_1336 : i32 to vector<16xi32>
    %and3A_1338 = arith.andi %get3A_1335, %and3A_1337 : vector<16xi32>
    %mul3A_1339 = arith.constant 16963 : i32
    %mul3A_1340 = vector.broadcast %mul3A_1339 : i32 to vector<16xi32>
    %mul3A_1341 = arith.muli %and3A_1338, %mul3A_1340 : vector<16xi32>
    %add3A_1342 = arith.addi %mul3A_1341, %get3A_1332 : vector<16xi32>
    %and3A_1343 = arith.constant 32767 : i32
    %and3A_1344 = vector.broadcast %and3A_1343 : i32 to vector<16xi32>
    %and3A_1345 = arith.andi %add3A_1342, %and3A_1344 : vector<16xi32>
    %swap3A_1346 = arith.constant 336 : index
    %swap3A_1347 = tpu.vector_load %arg6[%swap3A_1346] {strides = array<i32>} : memref<528xi32, #tpu.memory_space<vmem>>, vector<16xi32>,
    %swap3A_1348 = vector.shape_cast %swap3A_1347 : vector<16xi32> to vector<16xi32>
    %swap3A_1349 = vector.shape_cast %and3A_1345 : vector<16xi32> to vector<16xi32>
    tpu.vector_store %arg6[%swap3A_1346], %swap3A_1349 {strides = array<i32>} : memref<528xi32, #tpu.memory_space<vmem>>, vector<16xi32>,
    %get3A_1350 = arith.constant 320 : index
    %get3A_1351 = tpu.vector_load %arg6[%get3A_1350] {strides = array<i32>} : memref<528xi32, #tpu.memory_space<vmem>>, vector<16xi32>,
    %get3A_1352 = vector.shape_cast %get3A_1351 : vector<16xi32> to vector<16xi32>
    %get3A_1353 = arith.constant 319 : index
    %get3A_1354 = tpu.vector_load %arg6[%get3A_1353] {strides = array<i32>} : memref<528xi32, #tpu.memory_space<vmem>>, vector<16xi32>,
    %get3A_1355 = vector.shape_cast %get3A_1354 : vector<16xi32> to vector<16xi32>
    %and3A_1356 = arith.constant 32767 : i32
    %and3A_1357 = vector.broadcast %and3A_1356 : i32 to vector<16xi32>
    %and3A_1358 = arith.andi %get3A_1355, %and3A_1357 : vector<16xi32>
    %mul3A_1359 = arith.constant 16963 : i32
    %mul3A_1360 = vector.broadcast %mul3A_1359 : i32 to vector<16xi32>
    %mul3A_1361 = arith.muli %and3A_1358, %mul3A_1360 : vector<16xi32>
    %add3A_1362 = arith.addi %mul3A_1361, %get3A_1352 : vector<16xi32>
    %and3A_1363 = arith.constant 32767 : i32
    %and3A_1364 = vector.broadcast %and3A_1363 : i32 to vector<16xi32>
    %and3A_1365 = arith.andi %add3A_1362, %and3A_1364 : vector<16xi32>
    %swap3A_1366 = arith.constant 320 : index
    %swap3A_1367 = tpu.vector_load %arg6[%swap3A_1366] {strides = array<i32>} : memref<528xi32, #tpu.memory_space<vmem>>, vector<16xi32>,
    %swap3A_1368 = vector.shape_cast %swap3A_1367 : vector<16xi32> to vector<16xi32>
    %swap3A_1369 = vector.shape_cast %and3A_1365 : vector<16xi32> to vector<16xi32>
    tpu.vector_store %arg6[%swap3A_1366], %swap3A_1369 {strides = array<i32>} : memref<528xi32, #tpu.memory_space<vmem>>, vector<16xi32>,
    %get3A_1370 = arith.constant 304 : index
    %get3A_1371 = tpu.vector_load %arg6[%get3A_1370] {strides = array<i32>} : memref<528xi32, #tpu.memory_space<vmem>>, vector<16xi32>,
    %get3A_1372 = vector.shape_cast %get3A_1371 : vector<16xi32> to vector<16xi32>
    %get3A_1373 = arith.constant 303 : index
    %get3A_1374 = tpu.vector_load %arg6[%get3A_1373] {strides = array<i32>} : memref<528xi32, #tpu.memory_space<vmem>>, vector<16xi32>,
    %get3A_1375 = vector.shape_cast %get3A_1374 : vector<16xi32> to vector<16xi32>
    %and3A_1376 = arith.constant 32767 : i32
    %and3A_1377 = vector.broadcast %and3A_1376 : i32 to vector<16xi32>
    %and3A_1378 = arith.andi %get3A_1375, %and3A_1377 : vector<16xi32>
    %mul3A_1379 = arith.constant 16963 : i32
    %mul3A_1380 = vector.broadcast %mul3A_1379 : i32 to vector<16xi32>
    %mul3A_1381 = arith.muli %and3A_1378, %mul3A_1380 : vector<16xi32>
    %add3A_1382 = arith.addi %mul3A_1381, %get3A_1372 : vector<16xi32>
    %and3A_1383 = arith.constant 32767 : i32
    %and3A_1384 = vector.broadcast %and3A_1383 : i32 to vector<16xi32>
    %and3A_1385 = arith.andi %add3A_1382, %and3A_1384 : vector<16xi32>
    %swap3A_1386 = arith.constant 304 : index
    %swap3A_1387 = tpu.vector_load %arg6[%swap3A_1386] {strides = array<i32>} : memref<528xi32, #tpu.memory_space<vmem>>, vector<16xi32>,
    %swap3A_1388 = vector.shape_cast %swap3A_1387 : vector<16xi32> to vector<16xi32>
    %swap3A_1389 = vector.shape_cast %and3A_1385 : vector<16xi32> to vector<16xi32>
    tpu.vector_store %arg6[%swap3A_1386], %swap3A_1389 {strides = array<i32>} : memref<528xi32, #tpu.memory_space<vmem>>, vector<16xi32>,
    %get3A_1390 = arith.constant 288 : index
    %get3A_1391 = tpu.vector_load %arg6[%get3A_1390] {strides = array<i32>} : memref<528xi32, #tpu.memory_space<vmem>>, vector<16xi32>,
    %get3A_1392 = vector.shape_cast %get3A_1391 : vector<16xi32> to vector<16xi32>
    %get3A_1393 = arith.constant 287 : index
    %get3A_1394 = tpu.vector_load %arg6[%get3A_1393] {strides = array<i32>} : memref<528xi32, #tpu.memory_space<vmem>>, vector<16xi32>,
    %get3A_1395 = vector.shape_cast %get3A_1394 : vector<16xi32> to vector<16xi32>
    %and3A_1396 = arith.constant 32767 : i32
    %and3A_1397 = vector.broadcast %and3A_1396 : i32 to vector<16xi32>
    %and3A_1398 = arith.andi %get3A_1395, %and3A_1397 : vector<16xi32>
    %mul3A_1399 = arith.constant 16963 : i32
    %mul3A_1400 = vector.broadcast %mul3A_1399 : i32 to vector<16xi32>
    %mul3A_1401 = arith.muli %and3A_1398, %mul3A_1400 : vector<16xi32>
    %add3A_1402 = arith.addi %mul3A_1401, %get3A_1392 : vector<16xi32>
    %and3A_1403 = arith.constant 32767 : i32
    %and3A_1404 = vector.broadcast %and3A_1403 : i32 to vector<16xi32>
    %and3A_1405 = arith.andi %add3A_1402, %and3A_1404 : vector<16xi32>
    %swap3A_1406 = arith.constant 288 : index
    %swap3A_1407 = tpu.vector_load %arg6[%swap3A_1406] {strides = array<i32>} : memref<528xi32, #tpu.memory_space<vmem>>, vector<16xi32>,
    %swap3A_1408 = vector.shape_cast %swap3A_1407 : vector<16xi32> to vector<16xi32>
    %swap3A_1409 = vector.shape_cast %and3A_1405 : vector<16xi32> to vector<16xi32>
    tpu.vector_store %arg6[%swap3A_1406], %swap3A_1409 {strides = array<i32>} : memref<528xi32, #tpu.memory_space<vmem>>, vector<16xi32>,
    %get3A_1410 = arith.constant 272 : index
    %get3A_1411 = tpu.vector_load %arg6[%get3A_1410] {strides = array<i32>} : memref<528xi32, #tpu.memory_space<vmem>>, vector<16xi32>,
    %get3A_1412 = vector.shape_cast %get3A_1411 : vector<16xi32> to vector<16xi32>
    %get3A_1413 = arith.constant 271 : index
    %get3A_1414 = tpu.vector_load %arg6[%get3A_1413] {strides = array<i32>} : memref<528xi32, #tpu.memory_space<vmem>>, vector<16xi32>,
    %get3A_1415 = vector.shape_cast %get3A_1414 : vector<16xi32> to vector<16xi32>
    %and3A_1416 = arith.constant 32767 : i32
    %and3A_1417 = vector.broadcast %and3A_1416 : i32 to vector<16xi32>
    %and3A_1418 = arith.andi %get3A_1415, %and3A_1417 : vector<16xi32>
    %mul3A_1419 = arith.constant 16963 : i32
    %mul3A_1420 = vector.broadcast %mul3A_1419 : i32 to vector<16xi32>
    %mul3A_1421 = arith.muli %and3A_1418, %mul3A_1420 : vector<16xi32>
    %add3A_1422 = arith.addi %mul3A_1421, %get3A_1412 : vector<16xi32>
    %and3A_1423 = arith.constant 32767 : i32
    %and3A_1424 = vector.broadcast %and3A_1423 : i32 to vector<16xi32>
    %and3A_1425 = arith.andi %add3A_1422, %and3A_1424 : vector<16xi32>
    %swap3A_1426 = arith.constant 272 : index
    %swap3A_1427 = tpu.vector_load %arg6[%swap3A_1426] {strides = array<i32>} : memref<528xi32, #tpu.memory_space<vmem>>, vector<16xi32>,
    %swap3A_1428 = vector.shape_cast %swap3A_1427 : vector<16xi32> to vector<16xi32>
    %swap3A_1429 = vector.shape_cast %and3A_1425 : vector<16xi32> to vector<16xi32>
    tpu.vector_store %arg6[%swap3A_1426], %swap3A_1429 {strides = array<i32>} : memref<528xi32, #tpu.memory_space<vmem>>, vector<16xi32>,
    %get3A_1430 = arith.constant 256 : index
    %get3A_1431 = tpu.vector_load %arg6[%get3A_1430] {strides = array<i32>} : memref<528xi32, #tpu.memory_space<vmem>>, vector<16xi32>,
    %get3A_1432 = vector.shape_cast %get3A_1431 : vector<16xi32> to vector<16xi32>
    %get3A_1433 = arith.constant 255 : index
    %get3A_1434 = tpu.vector_load %arg6[%get3A_1433] {strides = array<i32>} : memref<528xi32, #tpu.memory_space<vmem>>, vector<16xi32>,
    %get3A_1435 = vector.shape_cast %get3A_1434 : vector<16xi32> to vector<16xi32>
    %and3A_1436 = arith.constant 32767 : i32
    %and3A_1437 = vector.broadcast %and3A_1436 : i32 to vector<16xi32>
    %and3A_1438 = arith.andi %get3A_1435, %and3A_1437 : vector<16xi32>
    %mul3A_1439 = arith.constant 16963 : i32
    %mul3A_1440 = vector.broadcast %mul3A_1439 : i32 to vector<16xi32>
    %mul3A_1441 = arith.muli %and3A_1438, %mul3A_1440 : vector<16xi32>
    %add3A_1442 = arith.addi %mul3A_1441, %get3A_1432 : vector<16xi32>
    %and3A_1443 = arith.constant 32767 : i32
    %and3A_1444 = vector.broadcast %and3A_1443 : i32 to vector<16xi32>
    %and3A_1445 = arith.andi %add3A_1442, %and3A_1444 : vector<16xi32>
    %swap3A_1446 = arith.constant 256 : index
    %swap3A_1447 = tpu.vector_load %arg6[%swap3A_1446] {strides = array<i32>} : memref<528xi32, #tpu.memory_space<vmem>>, vector<16xi32>,
    %swap3A_1448 = vector.shape_cast %swap3A_1447 : vector<16xi32> to vector<16xi32>
    %swap3A_1449 = vector.shape_cast %and3A_1445 : vector<16xi32> to vector<16xi32>
    tpu.vector_store %arg6[%swap3A_1446], %swap3A_1449 {strides = array<i32>} : memref<528xi32, #tpu.memory_space<vmem>>, vector<16xi32>,
    %get3A_1450 = arith.constant 240 : index
    %get3A_1451 = tpu.vector_load %arg6[%get3A_1450] {strides = array<i32>} : memref<528xi32, #tpu.memory_space<vmem>>, vector<16xi32>,
    %get3A_1452 = vector.shape_cast %get3A_1451 : vector<16xi32> to vector<16xi32>
    %get3A_1453 = arith.constant 239 : index
    %get3A_1454 = tpu.vector_load %arg6[%get3A_1453] {strides = array<i32>} : memref<528xi32, #tpu.memory_space<vmem>>, vector<16xi32>,
    %get3A_1455 = vector.shape_cast %get3A_1454 : vector<16xi32> to vector<16xi32>
    %and3A_1456 = arith.constant 32767 : i32
    %and3A_1457 = vector.broadcast %and3A_1456 : i32 to vector<16xi32>
    %and3A_1458 = arith.andi %get3A_1455, %and3A_1457 : vector<16xi32>
    %mul3A_1459 = arith.constant 16963 : i32
    %mul3A_1460 = vector.broadcast %mul3A_1459 : i32 to vector<16xi32>
    %mul3A_1461 = arith.muli %and3A_1458, %mul3A_1460 : vector<16xi32>
    %add3A_1462 = arith.addi %mul3A_1461, %get3A_1452 : vector<16xi32>
    %and3A_1463 = arith.constant 32767 : i32
    %and3A_1464 = vector.broadcast %and3A_1463 : i32 to vector<16xi32>
    %and3A_1465 = arith.andi %add3A_1462, %and3A_1464 : vector<16xi32>
    %swap3A_1466 = arith.constant 240 : index
    %swap3A_1467 = tpu.vector_load %arg6[%swap3A_1466] {strides = array<i32>} : memref<528xi32, #tpu.memory_space<vmem>>, vector<16xi32>,
    %swap3A_1468 = vector.shape_cast %swap3A_1467 : vector<16xi32> to vector<16xi32>
    %swap3A_1469 = vector.shape_cast %and3A_1465 : vector<16xi32> to vector<16xi32>
    tpu.vector_store %arg6[%swap3A_1466], %swap3A_1469 {strides = array<i32>} : memref<528xi32, #tpu.memory_space<vmem>>, vector<16xi32>,
    %get3A_1470 = arith.constant 224 : index
    %get3A_1471 = tpu.vector_load %arg6[%get3A_1470] {strides = array<i32>} : memref<528xi32, #tpu.memory_space<vmem>>, vector<16xi32>,
    %get3A_1472 = vector.shape_cast %get3A_1471 : vector<16xi32> to vector<16xi32>
    %get3A_1473 = arith.constant 223 : index
    %get3A_1474 = tpu.vector_load %arg6[%get3A_1473] {strides = array<i32>} : memref<528xi32, #tpu.memory_space<vmem>>, vector<16xi32>,
    %get3A_1475 = vector.shape_cast %get3A_1474 : vector<16xi32> to vector<16xi32>
    %and3A_1476 = arith.constant 32767 : i32
    %and3A_1477 = vector.broadcast %and3A_1476 : i32 to vector<16xi32>
    %and3A_1478 = arith.andi %get3A_1475, %and3A_1477 : vector<16xi32>
    %mul3A_1479 = arith.constant 16963 : i32
    %mul3A_1480 = vector.broadcast %mul3A_1479 : i32 to vector<16xi32>
    %mul3A_1481 = arith.muli %and3A_1478, %mul3A_1480 : vector<16xi32>
    %add3A_1482 = arith.addi %mul3A_1481, %get3A_1472 : vector<16xi32>
    %and3A_1483 = arith.constant 32767 : i32
    %and3A_1484 = vector.broadcast %and3A_1483 : i32 to vector<16xi32>
    %and3A_1485 = arith.andi %add3A_1482, %and3A_1484 : vector<16xi32>
    %swap3A_1486 = arith.constant 224 : index
    %swap3A_1487 = tpu.vector_load %arg6[%swap3A_1486] {strides = array<i32>} : memref<528xi32, #tpu.memory_space<vmem>>, vector<16xi32>,
    %swap3A_1488 = vector.shape_cast %swap3A_1487 : vector<16xi32> to vector<16xi32>
    %swap3A_1489 = vector.shape_cast %and3A_1485 : vector<16xi32> to vector<16xi32>
    tpu.vector_store %arg6[%swap3A_1486], %swap3A_1489 {strides = array<i32>} : memref<528xi32, #tpu.memory_space<vmem>>, vector<16xi32>,
    %get3A_1490 = arith.constant 208 : index
    %get3A_1491 = tpu.vector_load %arg6[%get3A_1490] {strides = array<i32>} : memref<528xi32, #tpu.memory_space<vmem>>, vector<16xi32>,
    %get3A_1492 = vector.shape_cast %get3A_1491 : vector<16xi32> to vector<16xi32>
    %get3A_1493 = arith.constant 207 : index
    %get3A_1494 = tpu.vector_load %arg6[%get3A_1493] {strides = array<i32>} : memref<528xi32, #tpu.memory_space<vmem>>, vector<16xi32>,
    %get3A_1495 = vector.shape_cast %get3A_1494 : vector<16xi32> to vector<16xi32>
    %and3A_1496 = arith.constant 32767 : i32
    %and3A_1497 = vector.broadcast %and3A_1496 : i32 to vector<16xi32>
    %and3A_1498 = arith.andi %get3A_1495, %and3A_1497 : vector<16xi32>
    %mul3A_1499 = arith.constant 16963 : i32
    %mul3A_1500 = vector.broadcast %mul3A_1499 : i32 to vector<16xi32>
    %mul3A_1501 = arith.muli %and3A_1498, %mul3A_1500 : vector<16xi32>
    %add3A_1502 = arith.addi %mul3A_1501, %get3A_1492 : vector<16xi32>
    %and3A_1503 = arith.constant 32767 : i32
    %and3A_1504 = vector.broadcast %and3A_1503 : i32 to vector<16xi32>
    %and3A_1505 = arith.andi %add3A_1502, %and3A_1504 : vector<16xi32>
    %swap3A_1506 = arith.constant 208 : index
    %swap3A_1507 = tpu.vector_load %arg6[%swap3A_1506] {strides = array<i32>} : memref<528xi32, #tpu.memory_space<vmem>>, vector<16xi32>,
    %swap3A_1508 = vector.shape_cast %swap3A_1507 : vector<16xi32> to vector<16xi32>
    %swap3A_1509 = vector.shape_cast %and3A_1505 : vector<16xi32> to vector<16xi32>
    tpu.vector_store %arg6[%swap3A_1506], %swap3A_1509 {strides = array<i32>} : memref<528xi32, #tpu.memory_space<vmem>>, vector<16xi32>,
    %get3A_1510 = arith.constant 192 : index
    %get3A_1511 = tpu.vector_load %arg6[%get3A_1510] {strides = array<i32>} : memref<528xi32, #tpu.memory_space<vmem>>, vector<16xi32>,
    %get3A_1512 = vector.shape_cast %get3A_1511 : vector<16xi32> to vector<16xi32>
    %get3A_1513 = arith.constant 191 : index
    %get3A_1514 = tpu.vector_load %arg6[%get3A_1513] {strides = array<i32>} : memref<528xi32, #tpu.memory_space<vmem>>, vector<16xi32>,
    %get3A_1515 = vector.shape_cast %get3A_1514 : vector<16xi32> to vector<16xi32>
    %and3A_1516 = arith.constant 32767 : i32
    %and3A_1517 = vector.broadcast %and3A_1516 : i32 to vector<16xi32>
    %and3A_1518 = arith.andi %get3A_1515, %and3A_1517 : vector<16xi32>
    %mul3A_1519 = arith.constant 16963 : i32
    %mul3A_1520 = vector.broadcast %mul3A_1519 : i32 to vector<16xi32>
    %mul3A_1521 = arith.muli %and3A_1518, %mul3A_1520 : vector<16xi32>
    %add3A_1522 = arith.addi %mul3A_1521, %get3A_1512 : vector<16xi32>
    %and3A_1523 = arith.constant 32767 : i32
    %and3A_1524 = vector.broadcast %and3A_1523 : i32 to vector<16xi32>
    %and3A_1525 = arith.andi %add3A_1522, %and3A_1524 : vector<16xi32>
    %swap3A_1526 = arith.constant 192 : index
    %swap3A_1527 = tpu.vector_load %arg6[%swap3A_1526] {strides = array<i32>} : memref<528xi32, #tpu.memory_space<vmem>>, vector<16xi32>,
    %swap3A_1528 = vector.shape_cast %swap3A_1527 : vector<16xi32> to vector<16xi32>
    %swap3A_1529 = vector.shape_cast %and3A_1525 : vector<16xi32> to vector<16xi32>
    tpu.vector_store %arg6[%swap3A_1526], %swap3A_1529 {strides = array<i32>} : memref<528xi32, #tpu.memory_space<vmem>>, vector<16xi32>,
    %get3A_1530 = arith.constant 176 : index
    %get3A_1531 = tpu.vector_load %arg6[%get3A_1530] {strides = array<i32>} : memref<528xi32, #tpu.memory_space<vmem>>, vector<16xi32>,
    %get3A_1532 = vector.shape_cast %get3A_1531 : vector<16xi32> to vector<16xi32>
    %get3A_1533 = arith.constant 175 : index
    %get3A_1534 = tpu.vector_load %arg6[%get3A_1533] {strides = array<i32>} : memref<528xi32, #tpu.memory_space<vmem>>, vector<16xi32>,
    %get3A_1535 = vector.shape_cast %get3A_1534 : vector<16xi32> to vector<16xi32>
    %and3A_1536 = arith.constant 32767 : i32
    %and3A_1537 = vector.broadcast %and3A_1536 : i32 to vector<16xi32>
    %and3A_1538 = arith.andi %get3A_1535, %and3A_1537 : vector<16xi32>
    %mul3A_1539 = arith.constant 16963 : i32
    %mul3A_1540 = vector.broadcast %mul3A_1539 : i32 to vector<16xi32>
    %mul3A_1541 = arith.muli %and3A_1538, %mul3A_1540 : vector<16xi32>
    %add3A_1542 = arith.addi %mul3A_1541, %get3A_1532 : vector<16xi32>
    %and3A_1543 = arith.constant 32767 : i32
    %and3A_1544 = vector.broadcast %and3A_1543 : i32 to vector<16xi32>
    %and3A_1545 = arith.andi %add3A_1542, %and3A_1544 : vector<16xi32>
    %swap3A_1546 = arith.constant 176 : index
    %swap3A_1547 = tpu.vector_load %arg6[%swap3A_1546] {strides = array<i32>} : memref<528xi32, #tpu.memory_space<vmem>>, vector<16xi32>,
    %swap3A_1548 = vector.shape_cast %swap3A_1547 : vector<16xi32> to vector<16xi32>
    %swap3A_1549 = vector.shape_cast %and3A_1545 : vector<16xi32> to vector<16xi32>
    tpu.vector_store %arg6[%swap3A_1546], %swap3A_1549 {strides = array<i32>} : memref<528xi32, #tpu.memory_space<vmem>>, vector<16xi32>,
    %get3A_1550 = arith.constant 160 : index
    %get3A_1551 = tpu.vector_load %arg6[%get3A_1550] {strides = array<i32>} : memref<528xi32, #tpu.memory_space<vmem>>, vector<16xi32>,
    %get3A_1552 = vector.shape_cast %get3A_1551 : vector<16xi32> to vector<16xi32>
    %get3A_1553 = arith.constant 159 : index
    %get3A_1554 = tpu.vector_load %arg6[%get3A_1553] {strides = array<i32>} : memref<528xi32, #tpu.memory_space<vmem>>, vector<16xi32>,
    %get3A_1555 = vector.shape_cast %get3A_1554 : vector<16xi32> to vector<16xi32>
    %and3A_1556 = arith.constant 32767 : i32
    %and3A_1557 = vector.broadcast %and3A_1556 : i32 to vector<16xi32>
    %and3A_1558 = arith.andi %get3A_1555, %and3A_1557 : vector<16xi32>
    %mul3A_1559 = arith.constant 16963 : i32
    %mul3A_1560 = vector.broadcast %mul3A_1559 : i32 to vector<16xi32>
    %mul3A_1561 = arith.muli %and3A_1558, %mul3A_1560 : vector<16xi32>
    %add3A_1562 = arith.addi %mul3A_1561, %get3A_1552 : vector<16xi32>
    %and3A_1563 = arith.constant 32767 : i32
    %and3A_1564 = vector.broadcast %and3A_1563 : i32 to vector<16xi32>
    %and3A_1565 = arith.andi %add3A_1562, %and3A_1564 : vector<16xi32>
    %swap3A_1566 = arith.constant 160 : index
    %swap3A_1567 = tpu.vector_load %arg6[%swap3A_1566] {strides = array<i32>} : memref<528xi32, #tpu.memory_space<vmem>>, vector<16xi32>,
    %swap3A_1568 = vector.shape_cast %swap3A_1567 : vector<16xi32> to vector<16xi32>
    %swap3A_1569 = vector.shape_cast %and3A_1565 : vector<16xi32> to vector<16xi32>
    tpu.vector_store %arg6[%swap3A_1566], %swap3A_1569 {strides = array<i32>} : memref<528xi32, #tpu.memory_space<vmem>>, vector<16xi32>,
    %get3A_1570 = arith.constant 144 : index
    %get3A_1571 = tpu.vector_load %arg6[%get3A_1570] {strides = array<i32>} : memref<528xi32, #tpu.memory_space<vmem>>, vector<16xi32>,
    %get3A_1572 = vector.shape_cast %get3A_1571 : vector<16xi32> to vector<16xi32>
    %get3A_1573 = arith.constant 143 : index
    %get3A_1574 = tpu.vector_load %arg6[%get3A_1573] {strides = array<i32>} : memref<528xi32, #tpu.memory_space<vmem>>, vector<16xi32>,
    %get3A_1575 = vector.shape_cast %get3A_1574 : vector<16xi32> to vector<16xi32>
    %and3A_1576 = arith.constant 32767 : i32
    %and3A_1577 = vector.broadcast %and3A_1576 : i32 to vector<16xi32>
    %and3A_1578 = arith.andi %get3A_1575, %and3A_1577 : vector<16xi32>
    %mul3A_1579 = arith.constant 16963 : i32
    %mul3A_1580 = vector.broadcast %mul3A_1579 : i32 to vector<16xi32>
    %mul3A_1581 = arith.muli %and3A_1578, %mul3A_1580 : vector<16xi32>
    %add3A_1582 = arith.addi %mul3A_1581, %get3A_1572 : vector<16xi32>
    %and3A_1583 = arith.constant 32767 : i32
    %and3A_1584 = vector.broadcast %and3A_1583 : i32 to vector<16xi32>
    %and3A_1585 = arith.andi %add3A_1582, %and3A_1584 : vector<16xi32>
    %swap3A_1586 = arith.constant 144 : index
    %swap3A_1587 = tpu.vector_load %arg6[%swap3A_1586] {strides = array<i32>} : memref<528xi32, #tpu.memory_space<vmem>>, vector<16xi32>,
    %swap3A_1588 = vector.shape_cast %swap3A_1587 : vector<16xi32> to vector<16xi32>
    %swap3A_1589 = vector.shape_cast %and3A_1585 : vector<16xi32> to vector<16xi32>
    tpu.vector_store %arg6[%swap3A_1586], %swap3A_1589 {strides = array<i32>} : memref<528xi32, #tpu.memory_space<vmem>>, vector<16xi32>,
    %get3A_1590 = arith.constant 128 : index
    %get3A_1591 = tpu.vector_load %arg6[%get3A_1590] {strides = array<i32>} : memref<528xi32, #tpu.memory_space<vmem>>, vector<16xi32>,
    %get3A_1592 = vector.shape_cast %get3A_1591 : vector<16xi32> to vector<16xi32>
    %get3A_1593 = arith.constant 127 : index
    %get3A_1594 = tpu.vector_load %arg6[%get3A_1593] {strides = array<i32>} : memref<528xi32, #tpu.memory_space<vmem>>, vector<16xi32>,
    %get3A_1595 = vector.shape_cast %get3A_1594 : vector<16xi32> to vector<16xi32>
    %and3A_1596 = arith.constant 32767 : i32
    %and3A_1597 = vector.broadcast %and3A_1596 : i32 to vector<16xi32>
    %and3A_1598 = arith.andi %get3A_1595, %and3A_1597 : vector<16xi32>
    %mul3A_1599 = arith.constant 16963 : i32
    %mul3A_1600 = vector.broadcast %mul3A_1599 : i32 to vector<16xi32>
    %mul3A_1601 = arith.muli %and3A_1598, %mul3A_1600 : vector<16xi32>
    %add3A_1602 = arith.addi %mul3A_1601, %get3A_1592 : vector<16xi32>
    %and3A_1603 = arith.constant 32767 : i32
    %and3A_1604 = vector.broadcast %and3A_1603 : i32 to vector<16xi32>
    %and3A_1605 = arith.andi %add3A_1602, %and3A_1604 : vector<16xi32>
    %swap3A_1606 = arith.constant 128 : index
    %swap3A_1607 = tpu.vector_load %arg6[%swap3A_1606] {strides = array<i32>} : memref<528xi32, #tpu.memory_space<vmem>>, vector<16xi32>,
    %swap3A_1608 = vector.shape_cast %swap3A_1607 : vector<16xi32> to vector<16xi32>
    %swap3A_1609 = vector.shape_cast %and3A_1605 : vector<16xi32> to vector<16xi32>
    tpu.vector_store %arg6[%swap3A_1606], %swap3A_1609 {strides = array<i32>} : memref<528xi32, #tpu.memory_space<vmem>>, vector<16xi32>,
    %get3A_1610 = arith.constant 112 : index
    %get3A_1611 = tpu.vector_load %arg6[%get3A_1610] {strides = array<i32>} : memref<528xi32, #tpu.memory_space<vmem>>, vector<16xi32>,
    %get3A_1612 = vector.shape_cast %get3A_1611 : vector<16xi32> to vector<16xi32>
    %get3A_1613 = arith.constant 111 : index
    %get3A_1614 = tpu.vector_load %arg6[%get3A_1613] {strides = array<i32>} : memref<528xi32, #tpu.memory_space<vmem>>, vector<16xi32>,
    %get3A_1615 = vector.shape_cast %get3A_1614 : vector<16xi32> to vector<16xi32>
    %and3A_1616 = arith.constant 32767 : i32
    %and3A_1617 = vector.broadcast %and3A_1616 : i32 to vector<16xi32>
    %and3A_1618 = arith.andi %get3A_1615, %and3A_1617 : vector<16xi32>
    %mul3A_1619 = arith.constant 16963 : i32
    %mul3A_1620 = vector.broadcast %mul3A_1619 : i32 to vector<16xi32>
    %mul3A_1621 = arith.muli %and3A_1618, %mul3A_1620 : vector<16xi32>
    %add3A_1622 = arith.addi %mul3A_1621, %get3A_1612 : vector<16xi32>
    %and3A_1623 = arith.constant 32767 : i32
    %and3A_1624 = vector.broadcast %and3A_1623 : i32 to vector<16xi32>
    %and3A_1625 = arith.andi %add3A_1622, %and3A_1624 : vector<16xi32>
    %swap3A_1626 = arith.constant 112 : index
    %swap3A_1627 = tpu.vector_load %arg6[%swap3A_1626] {strides = array<i32>} : memref<528xi32, #tpu.memory_space<vmem>>, vector<16xi32>,
    %swap3A_1628 = vector.shape_cast %swap3A_1627 : vector<16xi32> to vector<16xi32>
    %swap3A_1629 = vector.shape_cast %and3A_1625 : vector<16xi32> to vector<16xi32>
    tpu.vector_store %arg6[%swap3A_1626], %swap3A_1629 {strides = array<i32>} : memref<528xi32, #tpu.memory_space<vmem>>, vector<16xi32>,
    %get3A_1630 = arith.constant 96 : index
    %get3A_1631 = tpu.vector_load %arg6[%get3A_1630] {strides = array<i32>} : memref<528xi32, #tpu.memory_space<vmem>>, vector<16xi32>,
    %get3A_1632 = vector.shape_cast %get3A_1631 : vector<16xi32> to vector<16xi32>
    %get3A_1633 = arith.constant 95 : index
    %get3A_1634 = tpu.vector_load %arg6[%get3A_1633] {strides = array<i32>} : memref<528xi32, #tpu.memory_space<vmem>>, vector<16xi32>,
    %get3A_1635 = vector.shape_cast %get3A_1634 : vector<16xi32> to vector<16xi32>
    %and3A_1636 = arith.constant 32767 : i32
    %and3A_1637 = vector.broadcast %and3A_1636 : i32 to vector<16xi32>
    %and3A_1638 = arith.andi %get3A_1635, %and3A_1637 : vector<16xi32>
    %mul3A_1639 = arith.constant 16963 : i32
    %mul3A_1640 = vector.broadcast %mul3A_1639 : i32 to vector<16xi32>
    %mul3A_1641 = arith.muli %and3A_1638, %mul3A_1640 : vector<16xi32>
    %add3A_1642 = arith.addi %mul3A_1641, %get3A_1632 : vector<16xi32>
    %and3A_1643 = arith.constant 32767 : i32
    %and3A_1644 = vector.broadcast %and3A_1643 : i32 to vector<16xi32>
    %and3A_1645 = arith.andi %add3A_1642, %and3A_1644 : vector<16xi32>
    %swap3A_1646 = arith.constant 96 : index
    %swap3A_1647 = tpu.vector_load %arg6[%swap3A_1646] {strides = array<i32>} : memref<528xi32, #tpu.memory_space<vmem>>, vector<16xi32>,
    %swap3A_1648 = vector.shape_cast %swap3A_1647 : vector<16xi32> to vector<16xi32>
    %swap3A_1649 = vector.shape_cast %and3A_1645 : vector<16xi32> to vector<16xi32>
    tpu.vector_store %arg6[%swap3A_1646], %swap3A_1649 {strides = array<i32>} : memref<528xi32, #tpu.memory_space<vmem>>, vector<16xi32>,
    %get3A_1650 = arith.constant 80 : index
    %get3A_1651 = tpu.vector_load %arg6[%get3A_1650] {strides = array<i32>} : memref<528xi32, #tpu.memory_space<vmem>>, vector<16xi32>,
    %get3A_1652 = vector.shape_cast %get3A_1651 : vector<16xi32> to vector<16xi32>
    %get3A_1653 = arith.constant 79 : index
    %get3A_1654 = tpu.vector_load %arg6[%get3A_1653] {strides = array<i32>} : memref<528xi32, #tpu.memory_space<vmem>>, vector<16xi32>,
    %get3A_1655 = vector.shape_cast %get3A_1654 : vector<16xi32> to vector<16xi32>
    %and3A_1656 = arith.constant 32767 : i32
    %and3A_1657 = vector.broadcast %and3A_1656 : i32 to vector<16xi32>
    %and3A_1658 = arith.andi %get3A_1655, %and3A_1657 : vector<16xi32>
    %mul3A_1659 = arith.constant 16963 : i32
    %mul3A_1660 = vector.broadcast %mul3A_1659 : i32 to vector<16xi32>
    %mul3A_1661 = arith.muli %and3A_1658, %mul3A_1660 : vector<16xi32>
    %add3A_1662 = arith.addi %mul3A_1661, %get3A_1652 : vector<16xi32>
    %and3A_1663 = arith.constant 32767 : i32
    %and3A_1664 = vector.broadcast %and3A_1663 : i32 to vector<16xi32>
    %and3A_1665 = arith.andi %add3A_1662, %and3A_1664 : vector<16xi32>
    %swap3A_1666 = arith.constant 80 : index
    %swap3A_1667 = tpu.vector_load %arg6[%swap3A_1666] {strides = array<i32>} : memref<528xi32, #tpu.memory_space<vmem>>, vector<16xi32>,
    %swap3A_1668 = vector.shape_cast %swap3A_1667 : vector<16xi32> to vector<16xi32>
    %swap3A_1669 = vector.shape_cast %and3A_1665 : vector<16xi32> to vector<16xi32>
    tpu.vector_store %arg6[%swap3A_1666], %swap3A_1669 {strides = array<i32>} : memref<528xi32, #tpu.memory_space<vmem>>, vector<16xi32>,
    %get3A_1670 = arith.constant 64 : index
    %get3A_1671 = tpu.vector_load %arg6[%get3A_1670] {strides = array<i32>} : memref<528xi32, #tpu.memory_space<vmem>>, vector<16xi32>,
    %get3A_1672 = vector.shape_cast %get3A_1671 : vector<16xi32> to vector<16xi32>
    %get3A_1673 = arith.constant 63 : index
    %get3A_1674 = tpu.vector_load %arg6[%get3A_1673] {strides = array<i32>} : memref<528xi32, #tpu.memory_space<vmem>>, vector<16xi32>,
    %get3A_1675 = vector.shape_cast %get3A_1674 : vector<16xi32> to vector<16xi32>
    %and3A_1676 = arith.constant 32767 : i32
    %and3A_1677 = vector.broadcast %and3A_1676 : i32 to vector<16xi32>
    %and3A_1678 = arith.andi %get3A_1675, %and3A_1677 : vector<16xi32>
    %mul3A_1679 = arith.constant 16963 : i32
    %mul3A_1680 = vector.broadcast %mul3A_1679 : i32 to vector<16xi32>
    %mul3A_1681 = arith.muli %and3A_1678, %mul3A_1680 : vector<16xi32>
    %add3A_1682 = arith.addi %mul3A_1681, %get3A_1672 : vector<16xi32>
    %and3A_1683 = arith.constant 32767 : i32
    %and3A_1684 = vector.broadcast %and3A_1683 : i32 to vector<16xi32>
    %and3A_1685 = arith.andi %add3A_1682, %and3A_1684 : vector<16xi32>
    %swap3A_1686 = arith.constant 64 : index
    %swap3A_1687 = tpu.vector_load %arg6[%swap3A_1686] {strides = array<i32>} : memref<528xi32, #tpu.memory_space<vmem>>, vector<16xi32>,
    %swap3A_1688 = vector.shape_cast %swap3A_1687 : vector<16xi32> to vector<16xi32>
    %swap3A_1689 = vector.shape_cast %and3A_1685 : vector<16xi32> to vector<16xi32>
    tpu.vector_store %arg6[%swap3A_1686], %swap3A_1689 {strides = array<i32>} : memref<528xi32, #tpu.memory_space<vmem>>, vector<16xi32>,
    %get3A_1690 = arith.constant 48 : index
    %get3A_1691 = tpu.vector_load %arg6[%get3A_1690] {strides = array<i32>} : memref<528xi32, #tpu.memory_space<vmem>>, vector<16xi32>,
    %get3A_1692 = vector.shape_cast %get3A_1691 : vector<16xi32> to vector<16xi32>
    %get3A_1693 = arith.constant 47 : index
    %get3A_1694 = tpu.vector_load %arg6[%get3A_1693] {strides = array<i32>} : memref<528xi32, #tpu.memory_space<vmem>>, vector<16xi32>,
    %get3A_1695 = vector.shape_cast %get3A_1694 : vector<16xi32> to vector<16xi32>
    %and3A_1696 = arith.constant 32767 : i32
    %and3A_1697 = vector.broadcast %and3A_1696 : i32 to vector<16xi32>
    %and3A_1698 = arith.andi %get3A_1695, %and3A_1697 : vector<16xi32>
    %mul3A_1699 = arith.constant 16963 : i32
    %mul3A_1700 = vector.broadcast %mul3A_1699 : i32 to vector<16xi32>
    %mul3A_1701 = arith.muli %and3A_1698, %mul3A_1700 : vector<16xi32>
    %add3A_1702 = arith.addi %mul3A_1701, %get3A_1692 : vector<16xi32>
    %and3A_1703 = arith.constant 32767 : i32
    %and3A_1704 = vector.broadcast %and3A_1703 : i32 to vector<16xi32>
    %and3A_1705 = arith.andi %add3A_1702, %and3A_1704 : vector<16xi32>
    %swap3A_1706 = arith.constant 48 : index
    %swap3A_1707 = tpu.vector_load %arg6[%swap3A_1706] {strides = array<i32>} : memref<528xi32, #tpu.memory_space<vmem>>, vector<16xi32>,
    %swap3A_1708 = vector.shape_cast %swap3A_1707 : vector<16xi32> to vector<16xi32>
    %swap3A_1709 = vector.shape_cast %and3A_1705 : vector<16xi32> to vector<16xi32>
    tpu.vector_store %arg6[%swap3A_1706], %swap3A_1709 {strides = array<i32>} : memref<528xi32, #tpu.memory_space<vmem>>, vector<16xi32>,
    %get3A_1710 = arith.constant 32 : index
    %get3A_1711 = tpu.vector_load %arg6[%get3A_1710] {strides = array<i32>} : memref<528xi32, #tpu.memory_space<vmem>>, vector<16xi32>,
    %get3A_1712 = vector.shape_cast %get3A_1711 : vector<16xi32> to vector<16xi32>
    %get3A_1713 = arith.constant 31 : index
    %get3A_1714 = tpu.vector_load %arg6[%get3A_1713] {strides = array<i32>} : memref<528xi32, #tpu.memory_space<vmem>>, vector<16xi32>,
    %get3A_1715 = vector.shape_cast %get3A_1714 : vector<16xi32> to vector<16xi32>
    %and3A_1716 = arith.constant 32767 : i32
    %and3A_1717 = vector.broadcast %and3A_1716 : i32 to vector<16xi32>
    %and3A_1718 = arith.andi %get3A_1715, %and3A_1717 : vector<16xi32>
    %mul3A_1719 = arith.constant 16963 : i32
    %mul3A_1720 = vector.broadcast %mul3A_1719 : i32 to vector<16xi32>
    %mul3A_1721 = arith.muli %and3A_1718, %mul3A_1720 : vector<16xi32>
    %add3A_1722 = arith.addi %mul3A_1721, %get3A_1712 : vector<16xi32>
    %and3A_1723 = arith.constant 32767 : i32
    %and3A_1724 = vector.broadcast %and3A_1723 : i32 to vector<16xi32>
    %and3A_1725 = arith.andi %add3A_1722, %and3A_1724 : vector<16xi32>
    %swap3A_1726 = arith.constant 32 : index
    %swap3A_1727 = tpu.vector_load %arg6[%swap3A_1726] {strides = array<i32>} : memref<528xi32, #tpu.memory_space<vmem>>, vector<16xi32>,
    %swap3A_1728 = vector.shape_cast %swap3A_1727 : vector<16xi32> to vector<16xi32>
    %swap3A_1729 = vector.shape_cast %and3A_1725 : vector<16xi32> to vector<16xi32>
    tpu.vector_store %arg6[%swap3A_1726], %swap3A_1729 {strides = array<i32>} : memref<528xi32, #tpu.memory_space<vmem>>, vector<16xi32>,
    %get3A_1730 = arith.constant 16 : index
    %get3A_1731 = tpu.vector_load %arg6[%get3A_1730] {strides = array<i32>} : memref<528xi32, #tpu.memory_space<vmem>>, vector<16xi32>,
    %get3A_1732 = vector.shape_cast %get3A_1731 : vector<16xi32> to vector<16xi32>
    %get3A_1733 = arith.constant 15 : index
    %get3A_1734 = tpu.vector_load %arg6[%get3A_1733] {strides = array<i32>} : memref<528xi32, #tpu.memory_space<vmem>>, vector<16xi32>,
    %get3A_1735 = vector.shape_cast %get3A_1734 : vector<16xi32> to vector<16xi32>
    %mul3A_1736 = arith.muli %get3A_1735, %sub3A_1109 : vector<16xi32>
    %and3A_1737 = arith.constant 32767 : i32
    %and3A_1738 = vector.broadcast %and3A_1737 : i32 to vector<16xi32>
    %and3A_1739 = arith.andi %mul3A_1736, %and3A_1738 : vector<16xi32>
    %mul3A_1740 = arith.constant 16963 : i32
    %mul3A_1741 = vector.broadcast %mul3A_1740 : i32 to vector<16xi32>
    %mul3A_1742 = arith.muli %and3A_1739, %mul3A_1741 : vector<16xi32>
    %add3A_1743 = arith.addi %mul3A_1742, %get3A_1732 : vector<16xi32>
    %and3A_1744 = arith.constant 32767 : i32
    %and3A_1745 = vector.broadcast %and3A_1744 : i32 to vector<16xi32>
    %and3A_1746 = arith.andi %add3A_1743, %and3A_1745 : vector<16xi32>
    %swap3A_1747 = arith.constant 16 : index
    %swap3A_1748 = tpu.vector_load %arg6[%swap3A_1747] {strides = array<i32>} : memref<528xi32, #tpu.memory_space<vmem>>, vector<16xi32>,
    %swap3A_1749 = vector.shape_cast %swap3A_1748 : vector<16xi32> to vector<16xi32>
    %swap3A_1750 = vector.shape_cast %and3A_1746 : vector<16xi32> to vector<16xi32>
    tpu.vector_store %arg6[%swap3A_1747], %swap3A_1750 {strides = array<i32>} : memref<528xi32, #tpu.memory_space<vmem>>, vector<16xi32>,
    %dma_start3A = arith.constant 0 : i32
    %dma_start3A_1751 = arith.constant 0 : i32
    %dma_start3A_1752 = arith.constant 0 : i32
    %dma_start3A_1753 = arith.constant 0 : i32
    %dma_start3A_1754 = tpu.memref_slice %arg8[%dma_start3A, %dma_start3A_1752, %dma_start3A_1753] : memref<6x16x1024xf32, #tpu.memory_space<vmem>> -> memref<1x16x1024xf32, #tpu.memory_space<vmem>>
    %dma_start3A_1755 = tpu.memref_squeeze %dma_start3A_1754 : memref<1x16x1024xf32, #tpu.memory_space<vmem>> -> memref<16x1024xf32, #tpu.memory_space<vmem>>
    %dma_start3A_1756 = arith.constant 16 : i32
    %dma_start3A_1757 = tpu.memref_slice %arg6[%dma_start3A_1756] : memref<528xi32, #tpu.memory_space<vmem>> -> memref<16xi32, #tpu.memory_space<vmem>>
    %dma_start3A_1758 = arith.constant 0 : i32
    %dma_start3A_1759 = arith.constant 0 : i32
    %dma_start3A_1760 = tpu.memref_slice %arg4[%dma_start3A_1758, %dma_start3A_1759] : memref<32768x1024xf32, #tpu.memory_space<hbm>> -> memref<32768x1024xf32, #tpu.memory_space<hbm>>
    %dma_start3A_1761 = tpu.memref_slice %arg9[%dma_start3A_1751] : memref<6x!tpu.dma_semaphore, #tpu.memory_space<semaphore_mem>> -> memref<1x!tpu.dma_semaphore, #tpu.memory_space<semaphore_mem>>
    %dma_start3A_1762 = tpu.memref_squeeze %dma_start3A_1761 : memref<1x!tpu.dma_semaphore, #tpu.memory_space<semaphore_mem>> -> memref<!tpu.dma_semaphore, #tpu.memory_space<semaphore_mem>>
    tpu.enqueue_indirect_dma source(%dma_start3A_1760 : memref<32768x1024xf32, #tpu.memory_space<hbm>>) target(%dma_start3A_1755 : memref<16x1024xf32, #tpu.memory_space<vmem>>) offsets(%dma_start3A_1757 : memref<16xi32, #tpu.memory_space<vmem>>) semaphore(%dma_start3A_1762 : memref<!tpu.dma_semaphore, #tpu.memory_space<semaphore_mem>>)
    %dma_start3A_1763 = arith.constant 1 : i32
    %dma_start3A_1764 = arith.constant 1 : i32
    %dma_start3A_1765 = arith.constant 0 : i32
    %dma_start3A_1766 = arith.constant 0 : i32
    %dma_start3A_1767 = tpu.memref_slice %arg8[%dma_start3A_1763, %dma_start3A_1765, %dma_start3A_1766] : memref<6x16x1024xf32, #tpu.memory_space<vmem>> -> memref<1x16x1024xf32, #tpu.memory_space<vmem>>
    %dma_start3A_1768 = tpu.memref_squeeze %dma_start3A_1767 : memref<1x16x1024xf32, #tpu.memory_space<vmem>> -> memref<16x1024xf32, #tpu.memory_space<vmem>>
    %dma_start3A_1769 = arith.constant 32 : i32
    %dma_start3A_1770 = tpu.memref_slice %arg6[%dma_start3A_1769] : memref<528xi32, #tpu.memory_space<vmem>> -> memref<16xi32, #tpu.memory_space<vmem>>
    %dma_start3A_1771 = arith.constant 0 : i32
    %dma_start3A_1772 = arith.constant 0 : i32
    %dma_start3A_1773 = tpu.memref_slice %arg4[%dma_start3A_1771, %dma_start3A_1772] : memref<32768x1024xf32, #tpu.memory_space<hbm>> -> memref<32768x1024xf32, #tpu.memory_space<hbm>>
    %dma_start3A_1774 = tpu.memref_slice %arg9[%dma_start3A_1764] : memref<6x!tpu.dma_semaphore, #tpu.memory_space<semaphore_mem>> -> memref<1x!tpu.dma_semaphore, #tpu.memory_space<semaphore_mem>>
    %dma_start3A_1775 = tpu.memref_squeeze %dma_start3A_1774 : memref<1x!tpu.dma_semaphore, #tpu.memory_space<semaphore_mem>> -> memref<!tpu.dma_semaphore, #tpu.memory_space<semaphore_mem>>
    tpu.enqueue_indirect_dma source(%dma_start3A_1773 : memref<32768x1024xf32, #tpu.memory_space<hbm>>) target(%dma_start3A_1768 : memref<16x1024xf32, #tpu.memory_space<vmem>>) offsets(%dma_start3A_1770 : memref<16xi32, #tpu.memory_space<vmem>>) semaphore(%dma_start3A_1775 : memref<!tpu.dma_semaphore, #tpu.memory_space<semaphore_mem>>)
    %dma_start3A_1776 = arith.constant 2 : i32
    %dma_start3A_1777 = arith.constant 2 : i32
    %dma_start3A_1778 = arith.constant 0 : i32
    %dma_start3A_1779 = arith.constant 0 : i32
    %dma_start3A_1780 = tpu.memref_slice %arg8[%dma_start3A_1776, %dma_start3A_1778, %dma_start3A_1779] : memref<6x16x1024xf32, #tpu.memory_space<vmem>> -> memref<1x16x1024xf32, #tpu.memory_space<vmem>>
    %dma_start3A_1781 = tpu.memref_squeeze %dma_start3A_1780 : memref<1x16x1024xf32, #tpu.memory_space<vmem>> -> memref<16x1024xf32, #tpu.memory_space<vmem>>
    %dma_start3A_1782 = arith.constant 48 : i32
    %dma_start3A_1783 = tpu.memref_slice %arg6[%dma_start3A_1782] : memref<528xi32, #tpu.memory_space<vmem>> -> memref<16xi32, #tpu.memory_space<vmem>>
    %dma_start3A_1784 = arith.constant 0 : i32
    %dma_start3A_1785 = arith.constant 0 : i32
    %dma_start3A_1786 = tpu.memref_slice %arg4[%dma_start3A_1784, %dma_start3A_1785] : memref<32768x1024xf32, #tpu.memory_space<hbm>> -> memref<32768x1024xf32, #tpu.memory_space<hbm>>
    %dma_start3A_1787 = tpu.memref_slice %arg9[%dma_start3A_1777] : memref<6x!tpu.dma_semaphore, #tpu.memory_space<semaphore_mem>> -> memref<1x!tpu.dma_semaphore, #tpu.memory_space<semaphore_mem>>
    %dma_start3A_1788 = tpu.memref_squeeze %dma_start3A_1787 : memref<1x!tpu.dma_semaphore, #tpu.memory_space<semaphore_mem>> -> memref<!tpu.dma_semaphore, #tpu.memory_space<semaphore_mem>>
    tpu.enqueue_indirect_dma source(%dma_start3A_1786 : memref<32768x1024xf32, #tpu.memory_space<hbm>>) target(%dma_start3A_1781 : memref<16x1024xf32, #tpu.memory_space<vmem>>) offsets(%dma_start3A_1783 : memref<16xi32, #tpu.memory_space<vmem>>) semaphore(%dma_start3A_1788 : memref<!tpu.dma_semaphore, #tpu.memory_space<semaphore_mem>>)
    %scan3A = arith.constant 0 : i32
    %scan3A_1789 = arith.constant 0 : i32
    %scan3A_1790 = arith.constant 32 : i32
    %scan3A_1791 = arith.addi %scan3A_1789, %scan3A_1790 : i32
    %scan3A_1792 = arith.constant 1 : i32
    %scan3A_1793 = scf.for %scan3A_1902 = %scan3A_1789 to %scan3A_1791 step %scan3A_1792 iter_args(%scan3A_1903 = %scan3A) -> (i32)  : i32 {
      %rem3A_1904 = arith.constant 6 : i32
      %rem3A_1905 = arith.remsi %scan3A_1902, %rem3A_1904 : i32
      "tpu.trace_start"() <{level = 10 : i32, message = "wait_gather"}> : () -> ()
      %dma_wait3A_1906 = arith.constant 0 : i32
      %dma_wait3A_1907 = arith.constant 0 : i32
      %dma_wait3A_1908 = tpu.memref_slice %arg8[%rem3A_1905, %dma_wait3A_1906, %dma_wait3A_1907] : memref<6x16x1024xf32, #tpu.memory_space<vmem>> -> memref<1x16x1024xf32, #tpu.memory_space<vmem>>
      %dma_wait3A_1909 = tpu.memref_squeeze %dma_wait3A_1908 : memref<1x16x1024xf32, #tpu.memory_space<vmem>> -> memref<16x1024xf32, #tpu.memory_space<vmem>>
      %dma_wait3A_1910 = arith.constant 0 : i32
      %dma_wait3A_1911 = arith.constant 0 : i32
      %dma_wait3A_1912 = tpu.memref_slice %arg4[%dma_wait3A_1910, %dma_wait3A_1911] : memref<32768x1024xf32, #tpu.memory_space<hbm>> -> memref<16x1024xf32, #tpu.memory_space<hbm>>
      %dma_wait3A_1913 = tpu.memref_slice %arg9[%rem3A_1905] : memref<6x!tpu.dma_semaphore, #tpu.memory_space<semaphore_mem>> -> memref<1x!tpu.dma_semaphore, #tpu.memory_space<semaphore_mem>>
      %dma_wait3A_1914 = tpu.memref_squeeze %dma_wait3A_1913 : memref<1x!tpu.dma_semaphore, #tpu.memory_space<semaphore_mem>> -> memref<!tpu.dma_semaphore, #tpu.memory_space<semaphore_mem>>
      %dma_wait3A_1915 = arith.constant 0 : i32
      %dma_wait3A_1916 = arith.constant 0 : i32
      %dma_wait3A_1917 = tpu.memref_slice %arg8[%rem3A_1905, %dma_wait3A_1915, %dma_wait3A_1916] : memref<6x16x1024xf32, #tpu.memory_space<vmem>> -> memref<1x16x1024xf32, #tpu.memory_space<vmem>>
      %dma_wait3A_1918 = tpu.memref_squeeze %dma_wait3A_1917 : memref<1x16x1024xf32, #tpu.memory_space<vmem>> -> memref<16x1024xf32, #tpu.memory_space<vmem>>
      %dma_wait3A_1919 = arith.constant 0 : i32
      %dma_wait3A_1920 = arith.constant 0 : i32
      %dma_wait3A_1921 = tpu.memref_slice %arg4[%dma_wait3A_1919, %dma_wait3A_1920] : memref<32768x1024xf32, #tpu.memory_space<hbm>> -> memref<16x1024xf32, #tpu.memory_space<hbm>>
      tpu.wait_dma2 semaphore(%dma_wait3A_1914 : memref<!tpu.dma_semaphore, #tpu.memory_space<semaphore_mem>>) src(%dma_wait3A_1921 : memref<16x1024xf32, #tpu.memory_space<hbm>>) dst(%dma_wait3A_1918 : memref<16x1024xf32, #tpu.memory_space<vmem>>)
      "tpu.trace_stop"() : () -> ()
      "tpu.trace_start"() <{level = 10 : i32, message = "scale"}> : () -> ()
      %get3A_1922 = arith.constant 0 : index
      %get3A_1923 = tpu.vector_load %arg7[%get3A_1922] {strides = array<i32>} : memref<1024xf32, #tpu.memory_space<vmem>>, vector<16xf32>,
      %get3A_1924 = vector.shape_cast %get3A_1923 : vector<16xf32> to vector<16xf32>
      %get3A_1925 = arith.constant 16 : index
      %get3A_1926 = tpu.vector_load %arg7[%get3A_1925] {strides = array<i32>} : memref<1024xf32, #tpu.memory_space<vmem>>, vector<16xf32>,
      %get3A_1927 = vector.shape_cast %get3A_1926 : vector<16xf32> to vector<16xf32>
      %get3A_1928 = arith.constant 32 : index
      %get3A_1929 = tpu.vector_load %arg7[%get3A_1928] {strides = array<i32>} : memref<1024xf32, #tpu.memory_space<vmem>>, vector<16xf32>,
      %get3A_1930 = vector.shape_cast %get3A_1929 : vector<16xf32> to vector<16xf32>
      %get3A_1931 = arith.constant 48 : index
      %get3A_1932 = tpu.vector_load %arg7[%get3A_1931] {strides = array<i32>} : memref<1024xf32, #tpu.memory_space<vmem>>, vector<16xf32>,
      %get3A_1933 = vector.shape_cast %get3A_1932 : vector<16xf32> to vector<16xf32>
      %get3A_1934 = arith.constant 64 : index
      %get3A_1935 = tpu.vector_load %arg7[%get3A_1934] {strides = array<i32>} : memref<1024xf32, #tpu.memory_space<vmem>>, vector<16xf32>,
      %get3A_1936 = vector.shape_cast %get3A_1935 : vector<16xf32> to vector<16xf32>
      %get3A_1937 = arith.constant 80 : index
      %get3A_1938 = tpu.vector_load %arg7[%get3A_1937] {strides = array<i32>} : memref<1024xf32, #tpu.memory_space<vmem>>, vector<16xf32>,
      %get3A_1939 = vector.shape_cast %get3A_1938 : vector<16xf32> to vector<16xf32>
      %get3A_1940 = arith.constant 96 : index
      %get3A_1941 = tpu.vector_load %arg7[%get3A_1940] {strides = array<i32>} : memref<1024xf32, #tpu.memory_space<vmem>>, vector<16xf32>,
      %get3A_1942 = vector.shape_cast %get3A_1941 : vector<16xf32> to vector<16xf32>
      %get3A_1943 = arith.constant 112 : index
      %get3A_1944 = tpu.vector_load %arg7[%get3A_1943] {strides = array<i32>} : memref<1024xf32, #tpu.memory_space<vmem>>, vector<16xf32>,
      %get3A_1945 = vector.shape_cast %get3A_1944 : vector<16xf32> to vector<16xf32>
      %scan3A_1946 = arith.constant 0 : i32
      %scan3A_1947 = arith.constant 0 : i32
      %scan3A_1948 = arith.constant 16 : i32
      %scan3A_1949 = arith.addi %scan3A_1947, %scan3A_1948 : i32
      %scan3A_1950 = arith.constant 1 : i32
      %scan3A_1951 = scf.for %scan3A_2197 = %scan3A_1947 to %scan3A_1949 step %scan3A_1950 iter_args(%scan3A_2198 = %scan3A_1946) -> (i32)  : i32 {
        %get3A_2199 = arith.constant 0 : i32
        %get3A_2200 = arith.constant 0 : i32
        %get3A_2201 = tpu.memref_slice %arg8[%rem3A_1905, %get3A_2199, %get3A_2200] : memref<6x16x1024xf32, #tpu.memory_space<vmem>> -> memref<1x16x1024xf32, #tpu.memory_space<vmem>>
        %get3A_2202 = tpu.memref_squeeze %get3A_2201 : memref<1x16x1024xf32, #tpu.memory_space<vmem>> -> memref<16x1024xf32, #tpu.memory_space<vmem>>
        %get3A_2203 = arith.index_cast %scan3A_2197 : i32 to index
        %get3A_2204 = arith.constant 0 : index
        %get3A_2205 = tpu.vector_load %get3A_2202[%get3A_2203, %get3A_2204] {strides = array<i32>} : memref<16x1024xf32, #tpu.memory_space<vmem>>, vector<1x16xf32>,
        %get3A_2206 = vector.shape_cast %get3A_2205 : vector<1x16xf32> to vector<16xf32>
        %mul3A_2207 = arith.mulf %get3A_2206, %get3A_1924 : vector<16xf32>
        %swap3A_2208 = arith.constant 0 : i32
        %swap3A_2209 = arith.constant 0 : i32
        %swap3A_2210 = tpu.memref_slice %arg8[%rem3A_1905, %swap3A_2208, %swap3A_2209] : memref<6x16x1024xf32, #tpu.memory_space<vmem>> -> memref<1x16x1024xf32, #tpu.memory_space<vmem>>
        %swap3A_2211 = tpu.memref_squeeze %swap3A_2210 : memref<1x16x1024xf32, #tpu.memory_space<vmem>> -> memref<16x1024xf32, #tpu.memory_space<vmem>>
        %swap3A_2212 = arith.index_cast %scan3A_2197 : i32 to index
        %swap3A_2213 = arith.constant 0 : index
        %swap3A_2214 = tpu.vector_load %swap3A_2211[%swap3A_2212, %swap3A_2213] {strides = array<i32>} : memref<16x1024xf32, #tpu.memory_space<vmem>>, vector<1x16xf32>,
        %swap3A_2215 = vector.shape_cast %swap3A_2214 : vector<1x16xf32> to vector<16xf32>
        %swap3A_2216 = vector.shape_cast %mul3A_2207 : vector<16xf32> to vector<1x16xf32>
        tpu.vector_store %swap3A_2211[%swap3A_2212, %swap3A_2213], %swap3A_2216 {strides = array<i32>} : memref<16x1024xf32, #tpu.memory_space<vmem>>, vector<1x16xf32>,
        %get3A_2217 = arith.constant 0 : i32
        %get3A_2218 = arith.constant 0 : i32
        %get3A_2219 = tpu.memref_slice %arg8[%rem3A_1905, %get3A_2217, %get3A_2218] : memref<6x16x1024xf32, #tpu.memory_space<vmem>> -> memref<1x16x1024xf32, #tpu.memory_space<vmem>>
        %get3A_2220 = tpu.memref_squeeze %get3A_2219 : memref<1x16x1024xf32, #tpu.memory_space<vmem>> -> memref<16x1024xf32, #tpu.memory_space<vmem>>
        %get3A_2221 = arith.index_cast %scan3A_2197 : i32 to index
        %get3A_2222 = arith.constant 16 : index
        %get3A_2223 = tpu.vector_load %get3A_2220[%get3A_2221, %get3A_2222] {strides = array<i32>} : memref<16x1024xf32, #tpu.memory_space<vmem>>, vector<1x16xf32>,
        %get3A_2224 = vector.shape_cast %get3A_2223 : vector<1x16xf32> to vector<16xf32>
        %mul3A_2225 = arith.mulf %get3A_2224, %get3A_1927 : vector<16xf32>
        %swap3A_2226 = arith.constant 0 : i32
        %swap3A_2227 = arith.constant 0 : i32
        %swap3A_2228 = tpu.memref_slice %arg8[%rem3A_1905, %swap3A_2226, %swap3A_2227] : memref<6x16x1024xf32, #tpu.memory_space<vmem>> -> memref<1x16x1024xf32, #tpu.memory_space<vmem>>
        %swap3A_2229 = tpu.memref_squeeze %swap3A_2228 : memref<1x16x1024xf32, #tpu.memory_space<vmem>> -> memref<16x1024xf32, #tpu.memory_space<vmem>>
        %swap3A_2230 = arith.index_cast %scan3A_2197 : i32 to index
        %swap3A_2231 = arith.constant 16 : index
        %swap3A_2232 = tpu.vector_load %swap3A_2229[%swap3A_2230, %swap3A_2231] {strides = array<i32>} : memref<16x1024xf32, #tpu.memory_space<vmem>>, vector<1x16xf32>,
        %swap3A_2233 = vector.shape_cast %swap3A_2232 : vector<1x16xf32> to vector<16xf32>
        %swap3A_2234 = vector.shape_cast %mul3A_2225 : vector<16xf32> to vector<1x16xf32>
        tpu.vector_store %swap3A_2229[%swap3A_2230, %swap3A_2231], %swap3A_2234 {strides = array<i32>} : memref<16x1024xf32, #tpu.memory_space<vmem>>, vector<1x16xf32>,
        %get3A_2235 = arith.constant 0 : i32
        %get3A_2236 = arith.constant 0 : i32
        %get3A_2237 = tpu.memref_slice %arg8[%rem3A_1905, %get3A_2235, %get3A_2236] : memref<6x16x1024xf32, #tpu.memory_space<vmem>> -> memref<1x16x1024xf32, #tpu.memory_space<vmem>>
        %get3A_2238 = tpu.memref_squeeze %get3A_2237 : memref<1x16x1024xf32, #tpu.memory_space<vmem>> -> memref<16x1024xf32, #tpu.memory_space<vmem>>
        %get3A_2239 = arith.index_cast %scan3A_2197 : i32 to index
        %get3A_2240 = arith.constant 32 : index
        %get3A_2241 = tpu.vector_load %get3A_2238[%get3A_2239, %get3A_2240] {strides = array<i32>} : memref<16x1024xf32, #tpu.memory_space<vmem>>, vector<1x16xf32>,
        %get3A_2242 = vector.shape_cast %get3A_2241 : vector<1x16xf32> to vector<16xf32>
        %mul3A_2243 = arith.mulf %get3A_2242, %get3A_1930 : vector<16xf32>
        %swap3A_2244 = arith.constant 0 : i32
        %swap3A_2245 = arith.constant 0 : i32
        %swap3A_2246 = tpu.memref_slice %arg8[%rem3A_1905, %swap3A_2244, %swap3A_2245] : memref<6x16x1024xf32, #tpu.memory_space<vmem>> -> memref<1x16x1024xf32, #tpu.memory_space<vmem>>
        %swap3A_2247 = tpu.memref_squeeze %swap3A_2246 : memref<1x16x1024xf32, #tpu.memory_space<vmem>> -> memref<16x1024xf32, #tpu.memory_space<vmem>>
        %swap3A_2248 = arith.index_cast %scan3A_2197 : i32 to index
        %swap3A_2249 = arith.constant 32 : index
        %swap3A_2250 = tpu.vector_load %swap3A_2247[%swap3A_2248, %swap3A_2249] {strides = array<i32>} : memref<16x1024xf32, #tpu.memory_space<vmem>>, vector<1x16xf32>,
        %swap3A_2251 = vector.shape_cast %swap3A_2250 : vector<1x16xf32> to vector<16xf32>
        %swap3A_2252 = vector.shape_cast %mul3A_2243 : vector<16xf32> to vector<1x16xf32>
        tpu.vector_store %swap3A_2247[%swap3A_2248, %swap3A_2249], %swap3A_2252 {strides = array<i32>} : memref<16x1024xf32, #tpu.memory_space<vmem>>, vector<1x16xf32>,
        %get3A_2253 = arith.constant 0 : i32
        %get3A_2254 = arith.constant 0 : i32
        %get3A_2255 = tpu.memref_slice %arg8[%rem3A_1905, %get3A_2253, %get3A_2254] : memref<6x16x1024xf32, #tpu.memory_space<vmem>> -> memref<1x16x1024xf32, #tpu.memory_space<vmem>>
        %get3A_2256 = tpu.memref_squeeze %get3A_2255 : memref<1x16x1024xf32, #tpu.memory_space<vmem>> -> memref<16x1024xf32, #tpu.memory_space<vmem>>
        %get3A_2257 = arith.index_cast %scan3A_2197 : i32 to index
        %get3A_2258 = arith.constant 48 : index
        %get3A_2259 = tpu.vector_load %get3A_2256[%get3A_2257, %get3A_2258] {strides = array<i32>} : memref<16x1024xf32, #tpu.memory_space<vmem>>, vector<1x16xf32>,
        %get3A_2260 = vector.shape_cast %get3A_2259 : vector<1x16xf32> to vector<16xf32>
        %mul3A_2261 = arith.mulf %get3A_2260, %get3A_1933 : vector<16xf32>
        %swap3A_2262 = arith.constant 0 : i32
        %swap3A_2263 = arith.constant 0 : i32
        %swap3A_2264 = tpu.memref_slice %arg8[%rem3A_1905, %swap3A_2262, %swap3A_2263] : memref<6x16x1024xf32, #tpu.memory_space<vmem>> -> memref<1x16x1024xf32, #tpu.memory_space<vmem>>
        %swap3A_2265 = tpu.memref_squeeze %swap3A_2264 : memref<1x16x1024xf32, #tpu.memory_space<vmem>> -> memref<16x1024xf32, #tpu.memory_space<vmem>>
        %swap3A_2266 = arith.index_cast %scan3A_2197 : i32 to index
        %swap3A_2267 = arith.constant 48 : index
        %swap3A_2268 = tpu.vector_load %swap3A_2265[%swap3A_2266, %swap3A_2267] {strides = array<i32>} : memref<16x1024xf32, #tpu.memory_space<vmem>>, vector<1x16xf32>,
        %swap3A_2269 = vector.shape_cast %swap3A_2268 : vector<1x16xf32> to vector<16xf32>
        %swap3A_2270 = vector.shape_cast %mul3A_2261 : vector<16xf32> to vector<1x16xf32>
        tpu.vector_store %swap3A_2265[%swap3A_2266, %swap3A_2267], %swap3A_2270 {strides = array<i32>} : memref<16x1024xf32, #tpu.memory_space<vmem>>, vector<1x16xf32>,
        %get3A_2271 = arith.constant 0 : i32
        %get3A_2272 = arith.constant 0 : i32
        %get3A_2273 = tpu.memref_slice %arg8[%rem3A_1905, %get3A_2271, %get3A_2272] : memref<6x16x1024xf32, #tpu.memory_space<vmem>> -> memref<1x16x1024xf32, #tpu.memory_space<vmem>>
        %get3A_2274 = tpu.memref_squeeze %get3A_2273 : memref<1x16x1024xf32, #tpu.memory_space<vmem>> -> memref<16x1024xf32, #tpu.memory_space<vmem>>
        %get3A_2275 = arith.index_cast %scan3A_2197 : i32 to index
        %get3A_2276 = arith.constant 64 : index
        %get3A_2277 = tpu.vector_load %get3A_2274[%get3A_2275, %get3A_2276] {strides = array<i32>} : memref<16x1024xf32, #tpu.memory_space<vmem>>, vector<1x16xf32>,
        %get3A_2278 = vector.shape_cast %get3A_2277 : vector<1x16xf32> to vector<16xf32>
        %mul3A_2279 = arith.mulf %get3A_2278, %get3A_1936 : vector<16xf32>
        %swap3A_2280 = arith.constant 0 : i32
        %swap3A_2281 = arith.constant 0 : i32
        %swap3A_2282 = tpu.memref_slice %arg8[%rem3A_1905, %swap3A_2280, %swap3A_2281] : memref<6x16x1024xf32, #tpu.memory_space<vmem>> -> memref<1x16x1024xf32, #tpu.memory_space<vmem>>
        %swap3A_2283 = tpu.memref_squeeze %swap3A_2282 : memref<1x16x1024xf32, #tpu.memory_space<vmem>> -> memref<16x1024xf32, #tpu.memory_space<vmem>>
        %swap3A_2284 = arith.index_cast %scan3A_2197 : i32 to index
        %swap3A_2285 = arith.constant 64 : index
        %swap3A_2286 = tpu.vector_load %swap3A_2283[%swap3A_2284, %swap3A_2285] {strides = array<i32>} : memref<16x1024xf32, #tpu.memory_space<vmem>>, vector<1x16xf32>,
        %swap3A_2287 = vector.shape_cast %swap3A_2286 : vector<1x16xf32> to vector<16xf32>
        %swap3A_2288 = vector.shape_cast %mul3A_2279 : vector<16xf32> to vector<1x16xf32>
        tpu.vector_store %swap3A_2283[%swap3A_2284, %swap3A_2285], %swap3A_2288 {strides = array<i32>} : memref<16x1024xf32, #tpu.memory_space<vmem>>, vector<1x16xf32>,
        %get3A_2289 = arith.constant 0 : i32
        %get3A_2290 = arith.constant 0 : i32
        %get3A_2291 = tpu.memref_slice %arg8[%rem3A_1905, %get3A_2289, %get3A_2290] : memref<6x16x1024xf32, #tpu.memory_space<vmem>> -> memref<1x16x1024xf32, #tpu.memory_space<vmem>>
        %get3A_2292 = tpu.memref_squeeze %get3A_2291 : memref<1x16x1024xf32, #tpu.memory_space<vmem>> -> memref<16x1024xf32, #tpu.memory_space<vmem>>
        %get3A_2293 = arith.index_cast %scan3A_2197 : i32 to index
        %get3A_2294 = arith.constant 80 : index
        %get3A_2295 = tpu.vector_load %get3A_2292[%get3A_2293, %get3A_2294] {strides = array<i32>} : memref<16x1024xf32, #tpu.memory_space<vmem>>, vector<1x16xf32>,
        %get3A_2296 = vector.shape_cast %get3A_2295 : vector<1x16xf32> to vector<16xf32>
        %mul3A_2297 = arith.mulf %get3A_2296, %get3A_1939 : vector<16xf32>
        %swap3A_2298 = arith.constant 0 : i32
        %swap3A_2299 = arith.constant 0 : i32
        %swap3A_2300 = tpu.memref_slice %arg8[%rem3A_1905, %swap3A_2298, %swap3A_2299] : memref<6x16x1024xf32, #tpu.memory_space<vmem>> -> memref<1x16x1024xf32, #tpu.memory_space<vmem>>
        %swap3A_2301 = tpu.memref_squeeze %swap3A_2300 : memref<1x16x1024xf32, #tpu.memory_space<vmem>> -> memref<16x1024xf32, #tpu.memory_space<vmem>>
        %swap3A_2302 = arith.index_cast %scan3A_2197 : i32 to index
        %swap3A_2303 = arith.constant 80 : index
        %swap3A_2304 = tpu.vector_load %swap3A_2301[%swap3A_2302, %swap3A_2303] {strides = array<i32>} : memref<16x1024xf32, #tpu.memory_space<vmem>>, vector<1x16xf32>,
        %swap3A_2305 = vector.shape_cast %swap3A_2304 : vector<1x16xf32> to vector<16xf32>
        %swap3A_2306 = vector.shape_cast %mul3A_2297 : vector<16xf32> to vector<1x16xf32>
        tpu.vector_store %swap3A_2301[%swap3A_2302, %swap3A_2303], %swap3A_2306 {strides = array<i32>} : memref<16x1024xf32, #tpu.memory_space<vmem>>, vector<1x16xf32>,
        %get3A_2307 = arith.constant 0 : i32
        %get3A_2308 = arith.constant 0 : i32
        %get3A_2309 = tpu.memref_slice %arg8[%rem3A_1905, %get3A_2307, %get3A_2308] : memref<6x16x1024xf32, #tpu.memory_space<vmem>> -> memref<1x16x1024xf32, #tpu.memory_space<vmem>>
        %get3A_2310 = tpu.memref_squeeze %get3A_2309 : memref<1x16x1024xf32, #tpu.memory_space<vmem>> -> memref<16x1024xf32, #tpu.memory_space<vmem>>
        %get3A_2311 = arith.index_cast %scan3A_2197 : i32 to index
        %get3A_2312 = arith.constant 96 : index
        %get3A_2313 = tpu.vector_load %get3A_2310[%get3A_2311, %get3A_2312] {strides = array<i32>} : memref<16x1024xf32, #tpu.memory_space<vmem>>, vector<1x16xf32>,
        %get3A_2314 = vector.shape_cast %get3A_2313 : vector<1x16xf32> to vector<16xf32>
        %mul3A_2315 = arith.mulf %get3A_2314, %get3A_1942 : vector<16xf32>
        %swap3A_2316 = arith.constant 0 : i32
        %swap3A_2317 = arith.constant 0 : i32
        %swap3A_2318 = tpu.memref_slice %arg8[%rem3A_1905, %swap3A_2316, %swap3A_2317] : memref<6x16x1024xf32, #tpu.memory_space<vmem>> -> memref<1x16x1024xf32, #tpu.memory_space<vmem>>
        %swap3A_2319 = tpu.memref_squeeze %swap3A_2318 : memref<1x16x1024xf32, #tpu.memory_space<vmem>> -> memref<16x1024xf32, #tpu.memory_space<vmem>>
        %swap3A_2320 = arith.index_cast %scan3A_2197 : i32 to index
        %swap3A_2321 = arith.constant 96 : index
        %swap3A_2322 = tpu.vector_load %swap3A_2319[%swap3A_2320, %swap3A_2321] {strides = array<i32>} : memref<16x1024xf32, #tpu.memory_space<vmem>>, vector<1x16xf32>,
        %swap3A_2323 = vector.shape_cast %swap3A_2322 : vector<1x16xf32> to vector<16xf32>
        %swap3A_2324 = vector.shape_cast %mul3A_2315 : vector<16xf32> to vector<1x16xf32>
        tpu.vector_store %swap3A_2319[%swap3A_2320, %swap3A_2321], %swap3A_2324 {strides = array<i32>} : memref<16x1024xf32, #tpu.memory_space<vmem>>, vector<1x16xf32>,
        %get3A_2325 = arith.constant 0 : i32
        %get3A_2326 = arith.constant 0 : i32
        %get3A_2327 = tpu.memref_slice %arg8[%rem3A_1905, %get3A_2325, %get3A_2326] : memref<6x16x1024xf32, #tpu.memory_space<vmem>> -> memref<1x16x1024xf32, #tpu.memory_space<vmem>>
        %get3A_2328 = tpu.memref_squeeze %get3A_2327 : memref<1x16x1024xf32, #tpu.memory_space<vmem>> -> memref<16x1024xf32, #tpu.memory_space<vmem>>
        %get3A_2329 = arith.index_cast %scan3A_2197 : i32 to index
        %get3A_2330 = arith.constant 112 : index
        %get3A_2331 = tpu.vector_load %get3A_2328[%get3A_2329, %get3A_2330] {strides = array<i32>} : memref<16x1024xf32, #tpu.memory_space<vmem>>, vector<1x16xf32>,
        %get3A_2332 = vector.shape_cast %get3A_2331 : vector<1x16xf32> to vector<16xf32>
        %mul3A_2333 = arith.mulf %get3A_2332, %get3A_1945 : vector<16xf32>
        %swap3A_2334 = arith.constant 0 : i32
        %swap3A_2335 = arith.constant 0 : i32
        %swap3A_2336 = tpu.memref_slice %arg8[%rem3A_1905, %swap3A_2334, %swap3A_2335] : memref<6x16x1024xf32, #tpu.memory_space<vmem>> -> memref<1x16x1024xf32, #tpu.memory_space<vmem>>
        %swap3A_2337 = tpu.memref_squeeze %swap3A_2336 : memref<1x16x1024xf32, #tpu.memory_space<vmem>> -> memref<16x1024xf32, #tpu.memory_space<vmem>>
        %swap3A_2338 = arith.index_cast %scan3A_2197 : i32 to index
        %swap3A_2339 = arith.constant 112 : index
        %swap3A_2340 = tpu.vector_load %swap3A_2337[%swap3A_2338, %swap3A_2339] {strides = array<i32>} : memref<16x1024xf32, #tpu.memory_space<vmem>>, vector<1x16xf32>,
        %swap3A_2341 = vector.shape_cast %swap3A_2340 : vector<1x16xf32> to vector<16xf32>
        %swap3A_2342 = vector.shape_cast %mul3A_2333 : vector<16xf32> to vector<1x16xf32>
        tpu.vector_store %swap3A_2337[%swap3A_2338, %swap3A_2339], %swap3A_2342 {strides = array<i32>} : memref<16x1024xf32, #tpu.memory_space<vmem>>, vector<1x16xf32>,
        %scan3A_2343 = arith.constant 0 : i32
        scf.yield %scan3A_2343 : i32
      }
      %scan3A_1952 = arith.constant 16 : i32
      %get3A_1953 = arith.constant 128 : index
      %get3A_1954 = tpu.vector_load %arg7[%get3A_1953] {strides = array<i32>} : memref<1024xf32, #tpu.memory_space<vmem>>, vector<16xf32>,
      %get3A_1955 = vector.shape_cast %get3A_1954 : vector<16xf32> to vector<16xf32>
      %get3A_1956 = arith.constant 144 : index
      %get3A_1957 = tpu.vector_load %arg7[%get3A_1956] {strides = array<i32>} : memref<1024xf32, #tpu.memory_space<vmem>>, vector<16xf32>,
      %get3A_1958 = vector.shape_cast %get3A_1957 : vector<16xf32> to vector<16xf32>
      %get3A_1959 = arith.constant 160 : index
      %get3A_1960 = tpu.vector_load %arg7[%get3A_1959] {strides = array<i32>} : memref<1024xf32, #tpu.memory_space<vmem>>, vector<16xf32>,
      %get3A_1961 = vector.shape_cast %get3A_1960 : vector<16xf32> to vector<16xf32>
      %get3A_1962 = arith.constant 176 : index
      %get3A_1963 = tpu.vector_load %arg7[%get3A_1962] {strides = array<i32>} : memref<1024xf32, #tpu.memory_space<vmem>>, vector<16xf32>,
      %get3A_1964 = vector.shape_cast %get3A_1963 : vector<16xf32> to vector<16xf32>
      %get3A_1965 = arith.constant 192 : index
      %get3A_1966 = tpu.vector_load %arg7[%get3A_1965] {strides = array<i32>} : memref<1024xf32, #tpu.memory_space<vmem>>, vector<16xf32>,
      %get3A_1967 = vector.shape_cast %get3A_1966 : vector<16xf32> to vector<16xf32>
      %get3A_1968 = arith.constant 208 : index
      %get3A_1969 = tpu.vector_load %arg7[%get3A_1968] {strides = array<i32>} : memref<1024xf32, #tpu.memory_space<vmem>>, vector<16xf32>,
      %get3A_1970 = vector.shape_cast %get3A_1969 : vector<16xf32> to vector<16xf32>
      %get3A_1971 = arith.constant 224 : index
      %get3A_1972 = tpu.vector_load %arg7[%get3A_1971] {strides = array<i32>} : memref<1024xf32, #tpu.memory_space<vmem>>, vector<16xf32>,
      %get3A_1973 = vector.shape_cast %get3A_1972 : vector<16xf32> to vector<16xf32>
      %get3A_1974 = arith.constant 240 : index
      %get3A_1975 = tpu.vector_load %arg7[%get3A_1974] {strides = array<i32>} : memref<1024xf32, #tpu.memory_space<vmem>>, vector<16xf32>,
      %get3A_1976 = vector.shape_cast %get3A_1975 : vector<16xf32> to vector<16xf32>
      %scan3A_1977 = arith.constant 0 : i32
      %scan3A_1978 = arith.constant 0 : i32
      %scan3A_1979 = arith.constant 16 : i32
      %scan3A_1980 = arith.addi %scan3A_1978, %scan3A_1979 : i32
      %scan3A_1981 = arith.constant 1 : i32
      %scan3A_1982 = scf.for %scan3A_2197 = %scan3A_1978 to %scan3A_1980 step %scan3A_1981 iter_args(%scan3A_2198 = %scan3A_1977) -> (i32)  : i32 {
        %get3A_2199 = arith.constant 0 : i32
        %get3A_2200 = arith.constant 0 : i32
        %get3A_2201 = tpu.memref_slice %arg8[%rem3A_1905, %get3A_2199, %get3A_2200] : memref<6x16x1024xf32, #tpu.memory_space<vmem>> -> memref<1x16x1024xf32, #tpu.memory_space<vmem>>
        %get3A_2202 = tpu.memref_squeeze %get3A_2201 : memref<1x16x1024xf32, #tpu.memory_space<vmem>> -> memref<16x1024xf32, #tpu.memory_space<vmem>>
        %get3A_2203 = arith.index_cast %scan3A_2197 : i32 to index
        %get3A_2204 = arith.constant 128 : index
        %get3A_2205 = tpu.vector_load %get3A_2202[%get3A_2203, %get3A_2204] {strides = array<i32>} : memref<16x1024xf32, #tpu.memory_space<vmem>>, vector<1x16xf32>,
        %get3A_2206 = vector.shape_cast %get3A_2205 : vector<1x16xf32> to vector<16xf32>
        %mul3A_2207 = arith.mulf %get3A_2206, %get3A_1955 : vector<16xf32>
        %swap3A_2208 = arith.constant 0 : i32
        %swap3A_2209 = arith.constant 0 : i32
        %swap3A_2210 = tpu.memref_slice %arg8[%rem3A_1905, %swap3A_2208, %swap3A_2209] : memref<6x16x1024xf32, #tpu.memory_space<vmem>> -> memref<1x16x1024xf32, #tpu.memory_space<vmem>>
        %swap3A_2211 = tpu.memref_squeeze %swap3A_2210 : memref<1x16x1024xf32, #tpu.memory_space<vmem>> -> memref<16x1024xf32, #tpu.memory_space<vmem>>
        %swap3A_2212 = arith.index_cast %scan3A_2197 : i32 to index
        %swap3A_2213 = arith.constant 128 : index
        %swap3A_2214 = tpu.vector_load %swap3A_2211[%swap3A_2212, %swap3A_2213] {strides = array<i32>} : memref<16x1024xf32, #tpu.memory_space<vmem>>, vector<1x16xf32>,
        %swap3A_2215 = vector.shape_cast %swap3A_2214 : vector<1x16xf32> to vector<16xf32>
        %swap3A_2216 = vector.shape_cast %mul3A_2207 : vector<16xf32> to vector<1x16xf32>
        tpu.vector_store %swap3A_2211[%swap3A_2212, %swap3A_2213], %swap3A_2216 {strides = array<i32>} : memref<16x1024xf32, #tpu.memory_space<vmem>>, vector<1x16xf32>,
        %get3A_2217 = arith.constant 0 : i32
        %get3A_2218 = arith.constant 0 : i32
        %get3A_2219 = tpu.memref_slice %arg8[%rem3A_1905, %get3A_2217, %get3A_2218] : memref<6x16x1024xf32, #tpu.memory_space<vmem>> -> memref<1x16x1024xf32, #tpu.memory_space<vmem>>
        %get3A_2220 = tpu.memref_squeeze %get3A_2219 : memref<1x16x1024xf32, #tpu.memory_space<vmem>> -> memref<16x1024xf32, #tpu.memory_space<vmem>>
        %get3A_2221 = arith.index_cast %scan3A_2197 : i32 to index
        %get3A_2222 = arith.constant 144 : index
        %get3A_2223 = tpu.vector_load %get3A_2220[%get3A_2221, %get3A_2222] {strides = array<i32>} : memref<16x1024xf32, #tpu.memory_space<vmem>>, vector<1x16xf32>,
        %get3A_2224 = vector.shape_cast %get3A_2223 : vector<1x16xf32> to vector<16xf32>
        %mul3A_2225 = arith.mulf %get3A_2224, %get3A_1958 : vector<16xf32>
        %swap3A_2226 = arith.constant 0 : i32
        %swap3A_2227 = arith.constant 0 : i32
        %swap3A_2228 = tpu.memref_slice %arg8[%rem3A_1905, %swap3A_2226, %swap3A_2227] : memref<6x16x1024xf32, #tpu.memory_space<vmem>> -> memref<1x16x1024xf32, #tpu.memory_space<vmem>>
        %swap3A_2229 = tpu.memref_squeeze %swap3A_2228 : memref<1x16x1024xf32, #tpu.memory_space<vmem>> -> memref<16x1024xf32, #tpu.memory_space<vmem>>
        %swap3A_2230 = arith.index_cast %scan3A_2197 : i32 to index
        %swap3A_2231 = arith.constant 144 : index
        %swap3A_2232 = tpu.vector_load %swap3A_2229[%swap3A_2230, %swap3A_2231] {strides = array<i32>} : memref<16x1024xf32, #tpu.memory_space<vmem>>, vector<1x16xf32>,
        %swap3A_2233 = vector.shape_cast %swap3A_2232 : vector<1x16xf32> to vector<16xf32>
        %swap3A_2234 = vector.shape_cast %mul3A_2225 : vector<16xf32> to vector<1x16xf32>
        tpu.vector_store %swap3A_2229[%swap3A_2230, %swap3A_2231], %swap3A_2234 {strides = array<i32>} : memref<16x1024xf32, #tpu.memory_space<vmem>>, vector<1x16xf32>,
        %get3A_2235 = arith.constant 0 : i32
        %get3A_2236 = arith.constant 0 : i32
        %get3A_2237 = tpu.memref_slice %arg8[%rem3A_1905, %get3A_2235, %get3A_2236] : memref<6x16x1024xf32, #tpu.memory_space<vmem>> -> memref<1x16x1024xf32, #tpu.memory_space<vmem>>
        %get3A_2238 = tpu.memref_squeeze %get3A_2237 : memref<1x16x1024xf32, #tpu.memory_space<vmem>> -> memref<16x1024xf32, #tpu.memory_space<vmem>>
        %get3A_2239 = arith.index_cast %scan3A_2197 : i32 to index
        %get3A_2240 = arith.constant 160 : index
        %get3A_2241 = tpu.vector_load %get3A_2238[%get3A_2239, %get3A_2240] {strides = array<i32>} : memref<16x1024xf32, #tpu.memory_space<vmem>>, vector<1x16xf32>,
        %get3A_2242 = vector.shape_cast %get3A_2241 : vector<1x16xf32> to vector<16xf32>
        %mul3A_2243 = arith.mulf %get3A_2242, %get3A_1961 : vector<16xf32>
        %swap3A_2244 = arith.constant 0 : i32
        %swap3A_2245 = arith.constant 0 : i32
        %swap3A_2246 = tpu.memref_slice %arg8[%rem3A_1905, %swap3A_2244, %swap3A_2245] : memref<6x16x1024xf32, #tpu.memory_space<vmem>> -> memref<1x16x1024xf32, #tpu.memory_space<vmem>>
        %swap3A_2247 = tpu.memref_squeeze %swap3A_2246 : memref<1x16x1024xf32, #tpu.memory_space<vmem>> -> memref<16x1024xf32, #tpu.memory_space<vmem>>
        %swap3A_2248 = arith.index_cast %scan3A_2197 : i32 to index
        %swap3A_2249 = arith.constant 160 : index
        %swap3A_2250 = tpu.vector_load %swap3A_2247[%swap3A_2248, %swap3A_2249] {strides = array<i32>} : memref<16x1024xf32, #tpu.memory_space<vmem>>, vector<1x16xf32>,
        %swap3A_2251 = vector.shape_cast %swap3A_2250 : vector<1x16xf32> to vector<16xf32>
        %swap3A_2252 = vector.shape_cast %mul3A_2243 : vector<16xf32> to vector<1x16xf32>
        tpu.vector_store %swap3A_2247[%swap3A_2248, %swap3A_2249], %swap3A_2252 {strides = array<i32>} : memref<16x1024xf32, #tpu.memory_space<vmem>>, vector<1x16xf32>,
        %get3A_2253 = arith.constant 0 : i32
        %get3A_2254 = arith.constant 0 : i32
        %get3A_2255 = tpu.memref_slice %arg8[%rem3A_1905, %get3A_2253, %get3A_2254] : memref<6x16x1024xf32, #tpu.memory_space<vmem>> -> memref<1x16x1024xf32, #tpu.memory_space<vmem>>
        %get3A_2256 = tpu.memref_squeeze %get3A_2255 : memref<1x16x1024xf32, #tpu.memory_space<vmem>> -> memref<16x1024xf32, #tpu.memory_space<vmem>>
        %get3A_2257 = arith.index_cast %scan3A_2197 : i32 to index
        %get3A_2258 = arith.constant 176 : index
        %get3A_2259 = tpu.vector_load %get3A_2256[%get3A_2257, %get3A_2258] {strides = array<i32>} : memref<16x1024xf32, #tpu.memory_space<vmem>>, vector<1x16xf32>,
        %get3A_2260 = vector.shape_cast %get3A_2259 : vector<1x16xf32> to vector<16xf32>
        %mul3A_2261 = arith.mulf %get3A_2260, %get3A_1964 : vector<16xf32>
        %swap3A_2262 = arith.constant 0 : i32
        %swap3A_2263 = arith.constant 0 : i32
        %swap3A_2264 = tpu.memref_slice %arg8[%rem3A_1905, %swap3A_2262, %swap3A_2263] : memref<6x16x1024xf32, #tpu.memory_space<vmem>> -> memref<1x16x1024xf32, #tpu.memory_space<vmem>>
        %swap3A_2265 = tpu.memref_squeeze %swap3A_2264 : memref<1x16x1024xf32, #tpu.memory_space<vmem>> -> memref<16x1024xf32, #tpu.memory_space<vmem>>
        %swap3A_2266 = arith.index_cast %scan3A_2197 : i32 to index
        %swap3A_2267 = arith.constant 176 : index
        %swap3A_2268 = tpu.vector_load %swap3A_2265[%swap3A_2266, %swap3A_2267] {strides = array<i32>} : memref<16x1024xf32, #tpu.memory_space<vmem>>, vector<1x16xf32>,
        %swap3A_2269 = vector.shape_cast %swap3A_2268 : vector<1x16xf32> to vector<16xf32>
        %swap3A_2270 = vector.shape_cast %mul3A_2261 : vector<16xf32> to vector<1x16xf32>
        tpu.vector_store %swap3A_2265[%swap3A_2266, %swap3A_2267], %swap3A_2270 {strides = array<i32>} : memref<16x1024xf32, #tpu.memory_space<vmem>>, vector<1x16xf32>,
        %get3A_2271 = arith.constant 0 : i32
        %get3A_2272 = arith.constant 0 : i32
        %get3A_2273 = tpu.memref_slice %arg8[%rem3A_1905, %get3A_2271, %get3A_2272] : memref<6x16x1024xf32, #tpu.memory_space<vmem>> -> memref<1x16x1024xf32, #tpu.memory_space<vmem>>
        %get3A_2274 = tpu.memref_squeeze %get3A_2273 : memref<1x16x1024xf32, #tpu.memory_space<vmem>> -> memref<16x1024xf32, #tpu.memory_space<vmem>>
        %get3A_2275 = arith.index_cast %scan3A_2197 : i32 to index
        %get3A_2276 = arith.constant 192 : index
        %get3A_2277 = tpu.vector_load %get3A_2274[%get3A_2275, %get3A_2276] {strides = array<i32>} : memref<16x1024xf32, #tpu.memory_space<vmem>>, vector<1x16xf32>,
        %get3A_2278 = vector.shape_cast %get3A_2277 : vector<1x16xf32> to vector<16xf32>
        %mul3A_2279 = arith.mulf %get3A_2278, %get3A_1967 : vector<16xf32>
        %swap3A_2280 = arith.constant 0 : i32
        %swap3A_2281 = arith.constant 0 : i32
        %swap3A_2282 = tpu.memref_slice %arg8[%rem3A_1905, %swap3A_2280, %swap3A_2281] : memref<6x16x1024xf32, #tpu.memory_space<vmem>> -> memref<1x16x1024xf32, #tpu.memory_space<vmem>>
        %swap3A_2283 = tpu.memref_squeeze %swap3A_2282 : memref<1x16x1024xf32, #tpu.memory_space<vmem>> -> memref<16x1024xf32, #tpu.memory_space<vmem>>
        %swap3A_2284 = arith.index_cast %scan3A_2197 : i32 to index
        %swap3A_2285 = arith.constant 192 : index
        %swap3A_2286 = tpu.vector_load %swap3A_2283[%swap3A_2284, %swap3A_2285] {strides = array<i32>} : memref<16x1024xf32, #tpu.memory_space<vmem>>, vector<1x16xf32>,
        %swap3A_2287 = vector.shape_cast %swap3A_2286 : vector<1x16xf32> to vector<16xf32>
        %swap3A_2288 = vector.shape_cast %mul3A_2279 : vector<16xf32> to vector<1x16xf32>
        tpu.vector_store %swap3A_2283[%swap3A_2284, %swap3A_2285], %swap3A_2288 {strides = array<i32>} : memref<16x1024xf32, #tpu.memory_space<vmem>>, vector<1x16xf32>,
        %get3A_2289 = arith.constant 0 : i32
        %get3A_2290 = arith.constant 0 : i32
        %get3A_2291 = tpu.memref_slice %arg8[%rem3A_1905, %get3A_2289, %get3A_2290] : memref<6x16x1024xf32, #tpu.memory_space<vmem>> -> memref<1x16x1024xf32, #tpu.memory_space<vmem>>
        %get3A_2292 = tpu.memref_squeeze %get3A_2291 : memref<1x16x1024xf32, #tpu.memory_space<vmem>> -> memref<16x1024xf32, #tpu.memory_space<vmem>>
        %get3A_2293 = arith.index_cast %scan3A_2197 : i32 to index
        %get3A_2294 = arith.constant 208 : index
        %get3A_2295 = tpu.vector_load %get3A_2292[%get3A_2293, %get3A_2294] {strides = array<i32>} : memref<16x1024xf32, #tpu.memory_space<vmem>>, vector<1x16xf32>,
        %get3A_2296 = vector.shape_cast %get3A_2295 : vector<1x16xf32> to vector<16xf32>
        %mul3A_2297 = arith.mulf %get3A_2296, %get3A_1970 : vector<16xf32>
        %swap3A_2298 = arith.constant 0 : i32
        %swap3A_2299 = arith.constant 0 : i32
        %swap3A_2300 = tpu.memref_slice %arg8[%rem3A_1905, %swap3A_2298, %swap3A_2299] : memref<6x16x1024xf32, #tpu.memory_space<vmem>> -> memref<1x16x1024xf32, #tpu.memory_space<vmem>>
        %swap3A_2301 = tpu.memref_squeeze %swap3A_2300 : memref<1x16x1024xf32, #tpu.memory_space<vmem>> -> memref<16x1024xf32, #tpu.memory_space<vmem>>
        %swap3A_2302 = arith.index_cast %scan3A_2197 : i32 to index
        %swap3A_2303 = arith.constant 208 : index
        %swap3A_2304 = tpu.vector_load %swap3A_2301[%swap3A_2302, %swap3A_2303] {strides = array<i32>} : memref<16x1024xf32, #tpu.memory_space<vmem>>, vector<1x16xf32>,
        %swap3A_2305 = vector.shape_cast %swap3A_2304 : vector<1x16xf32> to vector<16xf32>
        %swap3A_2306 = vector.shape_cast %mul3A_2297 : vector<16xf32> to vector<1x16xf32>
        tpu.vector_store %swap3A_2301[%swap3A_2302, %swap3A_2303], %swap3A_2306 {strides = array<i32>} : memref<16x1024xf32, #tpu.memory_space<vmem>>, vector<1x16xf32>,
        %get3A_2307 = arith.constant 0 : i32
        %get3A_2308 = arith.constant 0 : i32
        %get3A_2309 = tpu.memref_slice %arg8[%rem3A_1905, %get3A_2307, %get3A_2308] : memref<6x16x1024xf32, #tpu.memory_space<vmem>> -> memref<1x16x1024xf32, #tpu.memory_space<vmem>>
        %get3A_2310 = tpu.memref_squeeze %get3A_2309 : memref<1x16x1024xf32, #tpu.memory_space<vmem>> -> memref<16x1024xf32, #tpu.memory_space<vmem>>
        %get3A_2311 = arith.index_cast %scan3A_2197 : i32 to index
        %get3A_2312 = arith.constant 224 : index
        %get3A_2313 = tpu.vector_load %get3A_2310[%get3A_2311, %get3A_2312] {strides = array<i32>} : memref<16x1024xf32, #tpu.memory_space<vmem>>, vector<1x16xf32>,
        %get3A_2314 = vector.shape_cast %get3A_2313 : vector<1x16xf32> to vector<16xf32>
        %mul3A_2315 = arith.mulf %get3A_2314, %get3A_1973 : vector<16xf32>
        %swap3A_2316 = arith.constant 0 : i32
        %swap3A_2317 = arith.constant 0 : i32
        %swap3A_2318 = tpu.memref_slice %arg8[%rem3A_1905, %swap3A_2316, %swap3A_2317] : memref<6x16x1024xf32, #tpu.memory_space<vmem>> -> memref<1x16x1024xf32, #tpu.memory_space<vmem>>
        %swap3A_2319 = tpu.memref_squeeze %swap3A_2318 : memref<1x16x1024xf32, #tpu.memory_space<vmem>> -> memref<16x1024xf32, #tpu.memory_space<vmem>>
        %swap3A_2320 = arith.index_cast %scan3A_2197 : i32 to index
        %swap3A_2321 = arith.constant 224 : index
        %swap3A_2322 = tpu.vector_load %swap3A_2319[%swap3A_2320, %swap3A_2321] {strides = array<i32>} : memref<16x1024xf32, #tpu.memory_space<vmem>>, vector<1x16xf32>,
        %swap3A_2323 = vector.shape_cast %swap3A_2322 : vector<1x16xf32> to vector<16xf32>
        %swap3A_2324 = vector.shape_cast %mul3A_2315 : vector<16xf32> to vector<1x16xf32>
        tpu.vector_store %swap3A_2319[%swap3A_2320, %swap3A_2321], %swap3A_2324 {strides = array<i32>} : memref<16x1024xf32, #tpu.memory_space<vmem>>, vector<1x16xf32>,
        %get3A_2325 = arith.constant 0 : i32
        %get3A_2326 = arith.constant 0 : i32
        %get3A_2327 = tpu.memref_slice %arg8[%rem3A_1905, %get3A_2325, %get3A_2326] : memref<6x16x1024xf32, #tpu.memory_space<vmem>> -> memref<1x16x1024xf32, #tpu.memory_space<vmem>>
        %get3A_2328 = tpu.memref_squeeze %get3A_2327 : memref<1x16x1024xf32, #tpu.memory_space<vmem>> -> memref<16x1024xf32, #tpu.memory_space<vmem>>
        %get3A_2329 = arith.index_cast %scan3A_2197 : i32 to index
        %get3A_2330 = arith.constant 240 : index
        %get3A_2331 = tpu.vector_load %get3A_2328[%get3A_2329, %get3A_2330] {strides = array<i32>} : memref<16x1024xf32, #tpu.memory_space<vmem>>, vector<1x16xf32>,
        %get3A_2332 = vector.shape_cast %get3A_2331 : vector<1x16xf32> to vector<16xf32>
        %mul3A_2333 = arith.mulf %get3A_2332, %get3A_1976 : vector<16xf32>
        %swap3A_2334 = arith.constant 0 : i32
        %swap3A_2335 = arith.constant 0 : i32
        %swap3A_2336 = tpu.memref_slice %arg8[%rem3A_1905, %swap3A_2334, %swap3A_2335] : memref<6x16x1024xf32, #tpu.memory_space<vmem>> -> memref<1x16x1024xf32, #tpu.memory_space<vmem>>
        %swap3A_2337 = tpu.memref_squeeze %swap3A_2336 : memref<1x16x1024xf32, #tpu.memory_space<vmem>> -> memref<16x1024xf32, #tpu.memory_space<vmem>>
        %swap3A_2338 = arith.index_cast %scan3A_2197 : i32 to index
        %swap3A_2339 = arith.constant 240 : index
        %swap3A_2340 = tpu.vector_load %swap3A_2337[%swap3A_2338, %swap3A_2339] {strides = array<i32>} : memref<16x1024xf32, #tpu.memory_space<vmem>>, vector<1x16xf32>,
        %swap3A_2341 = vector.shape_cast %swap3A_2340 : vector<1x16xf32> to vector<16xf32>
        %swap3A_2342 = vector.shape_cast %mul3A_2333 : vector<16xf32> to vector<1x16xf32>
        tpu.vector_store %swap3A_2337[%swap3A_2338, %swap3A_2339], %swap3A_2342 {strides = array<i32>} : memref<16x1024xf32, #tpu.memory_space<vmem>>, vector<1x16xf32>,
        %scan3A_2343 = arith.constant 0 : i32
        scf.yield %scan3A_2343 : i32
      }
      %scan3A_1983 = arith.constant 16 : i32
      %get3A_1984 = arith.constant 256 : index
      %get3A_1985 = tpu.vector_load %arg7[%get3A_1984] {strides = array<i32>} : memref<1024xf32, #tpu.memory_space<vmem>>, vector<16xf32>,
      %get3A_1986 = vector.shape_cast %get3A_1985 : vector<16xf32> to vector<16xf32>
      %get3A_1987 = arith.constant 272 : index
      %get3A_1988 = tpu.vector_load %arg7[%get3A_1987] {strides = array<i32>} : memref<1024xf32, #tpu.memory_space<vmem>>, vector<16xf32>,
      %get3A_1989 = vector.shape_cast %get3A_1988 : vector<16xf32> to vector<16xf32>
      %get3A_1990 = arith.constant 288 : index
      %get3A_1991 = tpu.vector_load %arg7[%get3A_1990] {strides = array<i32>} : memref<1024xf32, #tpu.memory_space<vmem>>, vector<16xf32>,
      %get3A_1992 = vector.shape_cast %get3A_1991 : vector<16xf32> to vector<16xf32>
      %get3A_1993 = arith.constant 304 : index
      %get3A_1994 = tpu.vector_load %arg7[%get3A_1993] {strides = array<i32>} : memref<1024xf32, #tpu.memory_space<vmem>>, vector<16xf32>,
      %get3A_1995 = vector.shape_cast %get3A_1994 : vector<16xf32> to vector<16xf32>
      %get3A_1996 = arith.constant 320 : index
      %get3A_1997 = tpu.vector_load %arg7[%get3A_1996] {strides = array<i32>} : memref<1024xf32, #tpu.memory_space<vmem>>, vector<16xf32>,
      %get3A_1998 = vector.shape_cast %get3A_1997 : vector<16xf32> to vector<16xf32>
      %get3A_1999 = arith.constant 336 : index
      %get3A_2000 = tpu.vector_load %arg7[%get3A_1999] {strides = array<i32>} : memref<1024xf32, #tpu.memory_space<vmem>>, vector<16xf32>,
      %get3A_2001 = vector.shape_cast %get3A_2000 : vector<16xf32> to vector<16xf32>
      %get3A_2002 = arith.constant 352 : index
      %get3A_2003 = tpu.vector_load %arg7[%get3A_2002] {strides = array<i32>} : memref<1024xf32, #tpu.memory_space<vmem>>, vector<16xf32>,
      %get3A_2004 = vector.shape_cast %get3A_2003 : vector<16xf32> to vector<16xf32>
      %get3A_2005 = arith.constant 368 : index
      %get3A_2006 = tpu.vector_load %arg7[%get3A_2005] {strides = array<i32>} : memref<1024xf32, #tpu.memory_space<vmem>>, vector<16xf32>,
      %get3A_2007 = vector.shape_cast %get3A_2006 : vector<16xf32> to vector<16xf32>
      %scan3A_2008 = arith.constant 0 : i32
      %scan3A_2009 = arith.constant 0 : i32
      %scan3A_2010 = arith.constant 16 : i32
      %scan3A_2011 = arith.addi %scan3A_2009, %scan3A_2010 : i32
      %scan3A_2012 = arith.constant 1 : i32
      %scan3A_2013 = scf.for %scan3A_2197 = %scan3A_2009 to %scan3A_2011 step %scan3A_2012 iter_args(%scan3A_2198 = %scan3A_2008) -> (i32)  : i32 {
        %get3A_2199 = arith.constant 0 : i32
        %get3A_2200 = arith.constant 0 : i32
        %get3A_2201 = tpu.memref_slice %arg8[%rem3A_1905, %get3A_2199, %get3A_2200] : memref<6x16x1024xf32, #tpu.memory_space<vmem>> -> memref<1x16x1024xf32, #tpu.memory_space<vmem>>
        %get3A_2202 = tpu.memref_squeeze %get3A_2201 : memref<1x16x1024xf32, #tpu.memory_space<vmem>> -> memref<16x1024xf32, #tpu.memory_space<vmem>>
        %get3A_2203 = arith.index_cast %scan3A_2197 : i32 to index
        %get3A_2204 = arith.constant 256 : index
        %get3A_2205 = tpu.vector_load %get3A_2202[%get3A_2203, %get3A_2204] {strides = array<i32>} : memref<16x1024xf32, #tpu.memory_space<vmem>>, vector<1x16xf32>,
        %get3A_2206 = vector.shape_cast %get3A_2205 : vector<1x16xf32> to vector<16xf32>
        %mul3A_2207 = arith.mulf %get3A_2206, %get3A_1986 : vector<16xf32>
        %swap3A_2208 = arith.constant 0 : i32
        %swap3A_2209 = arith.constant 0 : i32
        %swap3A_2210 = tpu.memref_slice %arg8[%rem3A_1905, %swap3A_2208, %swap3A_2209] : memref<6x16x1024xf32, #tpu.memory_space<vmem>> -> memref<1x16x1024xf32, #tpu.memory_space<vmem>>
        %swap3A_2211 = tpu.memref_squeeze %swap3A_2210 : memref<1x16x1024xf32, #tpu.memory_space<vmem>> -> memref<16x1024xf32, #tpu.memory_space<vmem>>
        %swap3A_2212 = arith.index_cast %scan3A_2197 : i32 to index
        %swap3A_2213 = arith.constant 256 : index
        %swap3A_2214 = tpu.vector_load %swap3A_2211[%swap3A_2212, %swap3A_2213] {strides = array<i32>} : memref<16x1024xf32, #tpu.memory_space<vmem>>, vector<1x16xf32>,
        %swap3A_2215 = vector.shape_cast %swap3A_2214 : vector<1x16xf32> to vector<16xf32>
        %swap3A_2216 = vector.shape_cast %mul3A_2207 : vector<16xf32> to vector<1x16xf32>
        tpu.vector_store %swap3A_2211[%swap3A_2212, %swap3A_2213], %swap3A_2216 {strides = array<i32>} : memref<16x1024xf32, #tpu.memory_space<vmem>>, vector<1x16xf32>,
        %get3A_2217 = arith.constant 0 : i32
        %get3A_2218 = arith.constant 0 : i32
        %get3A_2219 = tpu.memref_slice %arg8[%rem3A_1905, %get3A_2217, %get3A_2218] : memref<6x16x1024xf32, #tpu.memory_space<vmem>> -> memref<1x16x1024xf32, #tpu.memory_space<vmem>>
        %get3A_2220 = tpu.memref_squeeze %get3A_2219 : memref<1x16x1024xf32, #tpu.memory_space<vmem>> -> memref<16x1024xf32, #tpu.memory_space<vmem>>
        %get3A_2221 = arith.index_cast %scan3A_2197 : i32 to index
        %get3A_2222 = arith.constant 272 : index
        %get3A_2223 = tpu.vector_load %get3A_2220[%get3A_2221, %get3A_2222] {strides = array<i32>} : memref<16x1024xf32, #tpu.memory_space<vmem>>, vector<1x16xf32>,
        %get3A_2224 = vector.shape_cast %get3A_2223 : vector<1x16xf32> to vector<16xf32>
        %mul3A_2225 = arith.mulf %get3A_2224, %get3A_1989 : vector<16xf32>
        %swap3A_2226 = arith.constant 0 : i32
        %swap3A_2227 = arith.constant 0 : i32
        %swap3A_2228 = tpu.memref_slice %arg8[%rem3A_1905, %swap3A_2226, %swap3A_2227] : memref<6x16x1024xf32, #tpu.memory_space<vmem>> -> memref<1x16x1024xf32, #tpu.memory_space<vmem>>
        %swap3A_2229 = tpu.memref_squeeze %swap3A_2228 : memref<1x16x1024xf32, #tpu.memory_space<vmem>> -> memref<16x1024xf32, #tpu.memory_space<vmem>>
        %swap3A_2230 = arith.index_cast %scan3A_2197 : i32 to index
        %swap3A_2231 = arith.constant 272 : index
        %swap3A_2232 = tpu.vector_load %swap3A_2229[%swap3A_2230, %swap3A_2231] {strides = array<i32>} : memref<16x1024xf32, #tpu.memory_space<vmem>>, vector<1x16xf32>,
        %swap3A_2233 = vector.shape_cast %swap3A_2232 : vector<1x16xf32> to vector<16xf32>
        %swap3A_2234 = vector.shape_cast %mul3A_2225 : vector<16xf32> to vector<1x16xf32>
        tpu.vector_store %swap3A_2229[%swap3A_2230, %swap3A_2231], %swap3A_2234 {strides = array<i32>} : memref<16x1024xf32, #tpu.memory_space<vmem>>, vector<1x16xf32>,
        %get3A_2235 = arith.constant 0 : i32
        %get3A_2236 = arith.constant 0 : i32
        %get3A_2237 = tpu.memref_slice %arg8[%rem3A_1905, %get3A_2235, %get3A_2236] : memref<6x16x1024xf32, #tpu.memory_space<vmem>> -> memref<1x16x1024xf32, #tpu.memory_space<vmem>>
        %get3A_2238 = tpu.memref_squeeze %get3A_2237 : memref<1x16x1024xf32, #tpu.memory_space<vmem>> -> memref<16x1024xf32, #tpu.memory_space<vmem>>
        %get3A_2239 = arith.index_cast %scan3A_2197 : i32 to index
        %get3A_2240 = arith.constant 288 : index
        %get3A_2241 = tpu.vector_load %get3A_2238[%get3A_2239, %get3A_2240] {strides = array<i32>} : memref<16x1024xf32, #tpu.memory_space<vmem>>, vector<1x16xf32>,
        %get3A_2242 = vector.shape_cast %get3A_2241 : vector<1x16xf32> to vector<16xf32>
        %mul3A_2243 = arith.mulf %get3A_2242, %get3A_1992 : vector<16xf32>
        %swap3A_2244 = arith.constant 0 : i32
        %swap3A_2245 = arith.constant 0 : i32
        %swap3A_2246 = tpu.memref_slice %arg8[%rem3A_1905, %swap3A_2244, %swap3A_2245] : memref<6x16x1024xf32, #tpu.memory_space<vmem>> -> memref<1x16x1024xf32, #tpu.memory_space<vmem>>
        %swap3A_2247 = tpu.memref_squeeze %swap3A_2246 : memref<1x16x1024xf32, #tpu.memory_space<vmem>> -> memref<16x1024xf32, #tpu.memory_space<vmem>>
        %swap3A_2248 = arith.index_cast %scan3A_2197 : i32 to index
        %swap3A_2249 = arith.constant 288 : index
        %swap3A_2250 = tpu.vector_load %swap3A_2247[%swap3A_2248, %swap3A_2249] {strides = array<i32>} : memref<16x1024xf32, #tpu.memory_space<vmem>>, vector<1x16xf32>,
        %swap3A_2251 = vector.shape_cast %swap3A_2250 : vector<1x16xf32> to vector<16xf32>
        %swap3A_2252 = vector.shape_cast %mul3A_2243 : vector<16xf32> to vector<1x16xf32>
        tpu.vector_store %swap3A_2247[%swap3A_2248, %swap3A_2249], %swap3A_2252 {strides = array<i32>} : memref<16x1024xf32, #tpu.memory_space<vmem>>, vector<1x16xf32>,
        %get3A_2253 = arith.constant 0 : i32
        %get3A_2254 = arith.constant 0 : i32
        %get3A_2255 = tpu.memref_slice %arg8[%rem3A_1905, %get3A_2253, %get3A_2254] : memref<6x16x1024xf32, #tpu.memory_space<vmem>> -> memref<1x16x1024xf32, #tpu.memory_space<vmem>>
        %get3A_2256 = tpu.memref_squeeze %get3A_2255 : memref<1x16x1024xf32, #tpu.memory_space<vmem>> -> memref<16x1024xf32, #tpu.memory_space<vmem>>
        %get3A_2257 = arith.index_cast %scan3A_2197 : i32 to index
        %get3A_2258 = arith.constant 304 : index
        %get3A_2259 = tpu.vector_load %get3A_2256[%get3A_2257, %get3A_2258] {strides = array<i32>} : memref<16x1024xf32, #tpu.memory_space<vmem>>, vector<1x16xf32>,
        %get3A_2260 = vector.shape_cast %get3A_2259 : vector<1x16xf32> to vector<16xf32>
        %mul3A_2261 = arith.mulf %get3A_2260, %get3A_1995 : vector<16xf32>
        %swap3A_2262 = arith.constant 0 : i32
        %swap3A_2263 = arith.constant 0 : i32
        %swap3A_2264 = tpu.memref_slice %arg8[%rem3A_1905, %swap3A_2262, %swap3A_2263] : memref<6x16x1024xf32, #tpu.memory_space<vmem>> -> memref<1x16x1024xf32, #tpu.memory_space<vmem>>
        %swap3A_2265 = tpu.memref_squeeze %swap3A_2264 : memref<1x16x1024xf32, #tpu.memory_space<vmem>> -> memref<16x1024xf32, #tpu.memory_space<vmem>>
        %swap3A_2266 = arith.index_cast %scan3A_2197 : i32 to index
        %swap3A_2267 = arith.constant 304 : index
        %swap3A_2268 = tpu.vector_load %swap3A_2265[%swap3A_2266, %swap3A_2267] {strides = array<i32>} : memref<16x1024xf32, #tpu.memory_space<vmem>>, vector<1x16xf32>,
        %swap3A_2269 = vector.shape_cast %swap3A_2268 : vector<1x16xf32> to vector<16xf32>
        %swap3A_2270 = vector.shape_cast %mul3A_2261 : vector<16xf32> to vector<1x16xf32>
        tpu.vector_store %swap3A_2265[%swap3A_2266, %swap3A_2267], %swap3A_2270 {strides = array<i32>} : memref<16x1024xf32, #tpu.memory_space<vmem>>, vector<1x16xf32>,
        %get3A_2271 = arith.constant 0 : i32
        %get3A_2272 = arith.constant 0 : i32
        %get3A_2273 = tpu.memref_slice %arg8[%rem3A_1905, %get3A_2271, %get3A_2272] : memref<6x16x1024xf32, #tpu.memory_space<vmem>> -> memref<1x16x1024xf32, #tpu.memory_space<vmem>>
        %get3A_2274 = tpu.memref_squeeze %get3A_2273 : memref<1x16x1024xf32, #tpu.memory_space<vmem>> -> memref<16x1024xf32, #tpu.memory_space<vmem>>
        %get3A_2275 = arith.index_cast %scan3A_2197 : i32 to index
        %get3A_2276 = arith.constant 320 : index
        %get3A_2277 = tpu.vector_load %get3A_2274[%get3A_2275, %get3A_2276] {strides = array<i32>} : memref<16x1024xf32, #tpu.memory_space<vmem>>, vector<1x16xf32>,
        %get3A_2278 = vector.shape_cast %get3A_2277 : vector<1x16xf32> to vector<16xf32>
        %mul3A_2279 = arith.mulf %get3A_2278, %get3A_1998 : vector<16xf32>
        %swap3A_2280 = arith.constant 0 : i32
        %swap3A_2281 = arith.constant 0 : i32
        %swap3A_2282 = tpu.memref_slice %arg8[%rem3A_1905, %swap3A_2280, %swap3A_2281] : memref<6x16x1024xf32, #tpu.memory_space<vmem>> -> memref<1x16x1024xf32, #tpu.memory_space<vmem>>
        %swap3A_2283 = tpu.memref_squeeze %swap3A_2282 : memref<1x16x1024xf32, #tpu.memory_space<vmem>> -> memref<16x1024xf32, #tpu.memory_space<vmem>>
        %swap3A_2284 = arith.index_cast %scan3A_2197 : i32 to index
        %swap3A_2285 = arith.constant 320 : index
        %swap3A_2286 = tpu.vector_load %swap3A_2283[%swap3A_2284, %swap3A_2285] {strides = array<i32>} : memref<16x1024xf32, #tpu.memory_space<vmem>>, vector<1x16xf32>,
        %swap3A_2287 = vector.shape_cast %swap3A_2286 : vector<1x16xf32> to vector<16xf32>
        %swap3A_2288 = vector.shape_cast %mul3A_2279 : vector<16xf32> to vector<1x16xf32>
        tpu.vector_store %swap3A_2283[%swap3A_2284, %swap3A_2285], %swap3A_2288 {strides = array<i32>} : memref<16x1024xf32, #tpu.memory_space<vmem>>, vector<1x16xf32>,
        %get3A_2289 = arith.constant 0 : i32
        %get3A_2290 = arith.constant 0 : i32
        %get3A_2291 = tpu.memref_slice %arg8[%rem3A_1905, %get3A_2289, %get3A_2290] : memref<6x16x1024xf32, #tpu.memory_space<vmem>> -> memref<1x16x1024xf32, #tpu.memory_space<vmem>>
        %get3A_2292 = tpu.memref_squeeze %get3A_2291 : memref<1x16x1024xf32, #tpu.memory_space<vmem>> -> memref<16x1024xf32, #tpu.memory_space<vmem>>
        %get3A_2293 = arith.index_cast %scan3A_2197 : i32 to index
        %get3A_2294 = arith.constant 336 : index
        %get3A_2295 = tpu.vector_load %get3A_2292[%get3A_2293, %get3A_2294] {strides = array<i32>} : memref<16x1024xf32, #tpu.memory_space<vmem>>, vector<1x16xf32>,
        %get3A_2296 = vector.shape_cast %get3A_2295 : vector<1x16xf32> to vector<16xf32>
        %mul3A_2297 = arith.mulf %get3A_2296, %get3A_2001 : vector<16xf32>
        %swap3A_2298 = arith.constant 0 : i32
        %swap3A_2299 = arith.constant 0 : i32
        %swap3A_2300 = tpu.memref_slice %arg8[%rem3A_1905, %swap3A_2298, %swap3A_2299] : memref<6x16x1024xf32, #tpu.memory_space<vmem>> -> memref<1x16x1024xf32, #tpu.memory_space<vmem>>
        %swap3A_2301 = tpu.memref_squeeze %swap3A_2300 : memref<1x16x1024xf32, #tpu.memory_space<vmem>> -> memref<16x1024xf32, #tpu.memory_space<vmem>>
        %swap3A_2302 = arith.index_cast %scan3A_2197 : i32 to index
        %swap3A_2303 = arith.constant 336 : index
        %swap3A_2304 = tpu.vector_load %swap3A_2301[%swap3A_2302, %swap3A_2303] {strides = array<i32>} : memref<16x1024xf32, #tpu.memory_space<vmem>>, vector<1x16xf32>,
        %swap3A_2305 = vector.shape_cast %swap3A_2304 : vector<1x16xf32> to vector<16xf32>
        %swap3A_2306 = vector.shape_cast %mul3A_2297 : vector<16xf32> to vector<1x16xf32>
        tpu.vector_store %swap3A_2301[%swap3A_2302, %swap3A_2303], %swap3A_2306 {strides = array<i32>} : memref<16x1024xf32, #tpu.memory_space<vmem>>, vector<1x16xf32>,
        %get3A_2307 = arith.constant 0 : i32
        %get3A_2308 = arith.constant 0 : i32
        %get3A_2309 = tpu.memref_slice %arg8[%rem3A_1905, %get3A_2307, %get3A_2308] : memref<6x16x1024xf32, #tpu.memory_space<vmem>> -> memref<1x16x1024xf32, #tpu.memory_space<vmem>>
        %get3A_2310 = tpu.memref_squeeze %get3A_2309 : memref<1x16x1024xf32, #tpu.memory_space<vmem>> -> memref<16x1024xf32, #tpu.memory_space<vmem>>
        %get3A_2311 = arith.index_cast %scan3A_2197 : i32 to index
        %get3A_2312 = arith.constant 352 : index
        %get3A_2313 = tpu.vector_load %get3A_2310[%get3A_2311, %get3A_2312] {strides = array<i32>} : memref<16x1024xf32, #tpu.memory_space<vmem>>, vector<1x16xf32>,
        %get3A_2314 = vector.shape_cast %get3A_2313 : vector<1x16xf32> to vector<16xf32>
        %mul3A_2315 = arith.mulf %get3A_2314, %get3A_2004 : vector<16xf32>
        %swap3A_2316 = arith.constant 0 : i32
        %swap3A_2317 = arith.constant 0 : i32
        %swap3A_2318 = tpu.memref_slice %arg8[%rem3A_1905, %swap3A_2316, %swap3A_2317] : memref<6x16x1024xf32, #tpu.memory_space<vmem>> -> memref<1x16x1024xf32, #tpu.memory_space<vmem>>
        %swap3A_2319 = tpu.memref_squeeze %swap3A_2318 : memref<1x16x1024xf32, #tpu.memory_space<vmem>> -> memref<16x1024xf32, #tpu.memory_space<vmem>>
        %swap3A_2320 = arith.index_cast %scan3A_2197 : i32 to index
        %swap3A_2321 = arith.constant 352 : index
        %swap3A_2322 = tpu.vector_load %swap3A_2319[%swap3A_2320, %swap3A_2321] {strides = array<i32>} : memref<16x1024xf32, #tpu.memory_space<vmem>>, vector<1x16xf32>,
        %swap3A_2323 = vector.shape_cast %swap3A_2322 : vector<1x16xf32> to vector<16xf32>
        %swap3A_2324 = vector.shape_cast %mul3A_2315 : vector<16xf32> to vector<1x16xf32>
        tpu.vector_store %swap3A_2319[%swap3A_2320, %swap3A_2321], %swap3A_2324 {strides = array<i32>} : memref<16x1024xf32, #tpu.memory_space<vmem>>, vector<1x16xf32>,
        %get3A_2325 = arith.constant 0 : i32
        %get3A_2326 = arith.constant 0 : i32
        %get3A_2327 = tpu.memref_slice %arg8[%rem3A_1905, %get3A_2325, %get3A_2326] : memref<6x16x1024xf32, #tpu.memory_space<vmem>> -> memref<1x16x1024xf32, #tpu.memory_space<vmem>>
        %get3A_2328 = tpu.memref_squeeze %get3A_2327 : memref<1x16x1024xf32, #tpu.memory_space<vmem>> -> memref<16x1024xf32, #tpu.memory_space<vmem>>
        %get3A_2329 = arith.index_cast %scan3A_2197 : i32 to index
        %get3A_2330 = arith.constant 368 : index
        %get3A_2331 = tpu.vector_load %get3A_2328[%get3A_2329, %get3A_2330] {strides = array<i32>} : memref<16x1024xf32, #tpu.memory_space<vmem>>, vector<1x16xf32>,
        %get3A_2332 = vector.shape_cast %get3A_2331 : vector<1x16xf32> to vector<16xf32>
        %mul3A_2333 = arith.mulf %get3A_2332, %get3A_2007 : vector<16xf32>
        %swap3A_2334 = arith.constant 0 : i32
        %swap3A_2335 = arith.constant 0 : i32
        %swap3A_2336 = tpu.memref_slice %arg8[%rem3A_1905, %swap3A_2334, %swap3A_2335] : memref<6x16x1024xf32, #tpu.memory_space<vmem>> -> memref<1x16x1024xf32, #tpu.memory_space<vmem>>
        %swap3A_2337 = tpu.memref_squeeze %swap3A_2336 : memref<1x16x1024xf32, #tpu.memory_space<vmem>> -> memref<16x1024xf32, #tpu.memory_space<vmem>>
        %swap3A_2338 = arith.index_cast %scan3A_2197 : i32 to index
        %swap3A_2339 = arith.constant 368 : index
        %swap3A_2340 = tpu.vector_load %swap3A_2337[%swap3A_2338, %swap3A_2339] {strides = array<i32>} : memref<16x1024xf32, #tpu.memory_space<vmem>>, vector<1x16xf32>,
        %swap3A_2341 = vector.shape_cast %swap3A_2340 : vector<1x16xf32> to vector<16xf32>
        %swap3A_2342 = vector.shape_cast %mul3A_2333 : vector<16xf32> to vector<1x16xf32>
        tpu.vector_store %swap3A_2337[%swap3A_2338, %swap3A_2339], %swap3A_2342 {strides = array<i32>} : memref<16x1024xf32, #tpu.memory_space<vmem>>, vector<1x16xf32>,
        %scan3A_2343 = arith.constant 0 : i32
        scf.yield %scan3A_2343 : i32
      }
      %scan3A_2014 = arith.constant 16 : i32
      %get3A_2015 = arith.constant 384 : index
      %get3A_2016 = tpu.vector_load %arg7[%get3A_2015] {strides = array<i32>} : memref<1024xf32, #tpu.memory_space<vmem>>, vector<16xf32>,
      %get3A_2017 = vector.shape_cast %get3A_2016 : vector<16xf32> to vector<16xf32>
      %get3A_2018 = arith.constant 400 : index
      %get3A_2019 = tpu.vector_load %arg7[%get3A_2018] {strides = array<i32>} : memref<1024xf32, #tpu.memory_space<vmem>>, vector<16xf32>,
      %get3A_2020 = vector.shape_cast %get3A_2019 : vector<16xf32> to vector<16xf32>
      %get3A_2021 = arith.constant 416 : index
      %get3A_2022 = tpu.vector_load %arg7[%get3A_2021] {strides = array<i32>} : memref<1024xf32, #tpu.memory_space<vmem>>, vector<16xf32>,
      %get3A_2023 = vector.shape_cast %get3A_2022 : vector<16xf32> to vector<16xf32>
      %get3A_2024 = arith.constant 432 : index
      %get3A_2025 = tpu.vector_load %arg7[%get3A_2024] {strides = array<i32>} : memref<1024xf32, #tpu.memory_space<vmem>>, vector<16xf32>,
      %get3A_2026 = vector.shape_cast %get3A_2025 : vector<16xf32> to vector<16xf32>
      %get3A_2027 = arith.constant 448 : index
      %get3A_2028 = tpu.vector_load %arg7[%get3A_2027] {strides = array<i32>} : memref<1024xf32, #tpu.memory_space<vmem>>, vector<16xf32>,
      %get3A_2029 = vector.shape_cast %get3A_2028 : vector<16xf32> to vector<16xf32>
      %get3A_2030 = arith.constant 464 : index
      %get3A_2031 = tpu.vector_load %arg7[%get3A_2030] {strides = array<i32>} : memref<1024xf32, #tpu.memory_space<vmem>>, vector<16xf32>,
      %get3A_2032 = vector.shape_cast %get3A_2031 : vector<16xf32> to vector<16xf32>
      %get3A_2033 = arith.constant 480 : index
      %get3A_2034 = tpu.vector_load %arg7[%get3A_2033] {strides = array<i32>} : memref<1024xf32, #tpu.memory_space<vmem>>, vector<16xf32>,
      %get3A_2035 = vector.shape_cast %get3A_2034 : vector<16xf32> to vector<16xf32>
      %get3A_2036 = arith.constant 496 : index
      %get3A_2037 = tpu.vector_load %arg7[%get3A_2036] {strides = array<i32>} : memref<1024xf32, #tpu.memory_space<vmem>>, vector<16xf32>,
      %get3A_2038 = vector.shape_cast %get3A_2037 : vector<16xf32> to vector<16xf32>
      %scan3A_2039 = arith.constant 0 : i32
      %scan3A_2040 = arith.constant 0 : i32
      %scan3A_2041 = arith.constant 16 : i32
      %scan3A_2042 = arith.addi %scan3A_2040, %scan3A_2041 : i32
      %scan3A_2043 = arith.constant 1 : i32
      %scan3A_2044 = scf.for %scan3A_2197 = %scan3A_2040 to %scan3A_2042 step %scan3A_2043 iter_args(%scan3A_2198 = %scan3A_2039) -> (i32)  : i32 {
        %get3A_2199 = arith.constant 0 : i32
        %get3A_2200 = arith.constant 0 : i32
        %get3A_2201 = tpu.memref_slice %arg8[%rem3A_1905, %get3A_2199, %get3A_2200] : memref<6x16x1024xf32, #tpu.memory_space<vmem>> -> memref<1x16x1024xf32, #tpu.memory_space<vmem>>
        %get3A_2202 = tpu.memref_squeeze %get3A_2201 : memref<1x16x1024xf32, #tpu.memory_space<vmem>> -> memref<16x1024xf32, #tpu.memory_space<vmem>>
        %get3A_2203 = arith.index_cast %scan3A_2197 : i32 to index
        %get3A_2204 = arith.constant 384 : index
        %get3A_2205 = tpu.vector_load %get3A_2202[%get3A_2203, %get3A_2204] {strides = array<i32>} : memref<16x1024xf32, #tpu.memory_space<vmem>>, vector<1x16xf32>,
        %get3A_2206 = vector.shape_cast %get3A_2205 : vector<1x16xf32> to vector<16xf32>
        %mul3A_2207 = arith.mulf %get3A_2206, %get3A_2017 : vector<16xf32>
        %swap3A_2208 = arith.constant 0 : i32
        %swap3A_2209 = arith.constant 0 : i32
        %swap3A_2210 = tpu.memref_slice %arg8[%rem3A_1905, %swap3A_2208, %swap3A_2209] : memref<6x16x1024xf32, #tpu.memory_space<vmem>> -> memref<1x16x1024xf32, #tpu.memory_space<vmem>>
        %swap3A_2211 = tpu.memref_squeeze %swap3A_2210 : memref<1x16x1024xf32, #tpu.memory_space<vmem>> -> memref<16x1024xf32, #tpu.memory_space<vmem>>
        %swap3A_2212 = arith.index_cast %scan3A_2197 : i32 to index
        %swap3A_2213 = arith.constant 384 : index
        %swap3A_2214 = tpu.vector_load %swap3A_2211[%swap3A_2212, %swap3A_2213] {strides = array<i32>} : memref<16x1024xf32, #tpu.memory_space<vmem>>, vector<1x16xf32>,
        %swap3A_2215 = vector.shape_cast %swap3A_2214 : vector<1x16xf32> to vector<16xf32>
        %swap3A_2216 = vector.shape_cast %mul3A_2207 : vector<16xf32> to vector<1x16xf32>
        tpu.vector_store %swap3A_2211[%swap3A_2212, %swap3A_2213], %swap3A_2216 {strides = array<i32>} : memref<16x1024xf32, #tpu.memory_space<vmem>>, vector<1x16xf32>,
        %get3A_2217 = arith.constant 0 : i32
        %get3A_2218 = arith.constant 0 : i32
        %get3A_2219 = tpu.memref_slice %arg8[%rem3A_1905, %get3A_2217, %get3A_2218] : memref<6x16x1024xf32, #tpu.memory_space<vmem>> -> memref<1x16x1024xf32, #tpu.memory_space<vmem>>
        %get3A_2220 = tpu.memref_squeeze %get3A_2219 : memref<1x16x1024xf32, #tpu.memory_space<vmem>> -> memref<16x1024xf32, #tpu.memory_space<vmem>>
        %get3A_2221 = arith.index_cast %scan3A_2197 : i32 to index
        %get3A_2222 = arith.constant 400 : index
        %get3A_2223 = tpu.vector_load %get3A_2220[%get3A_2221, %get3A_2222] {strides = array<i32>} : memref<16x1024xf32, #tpu.memory_space<vmem>>, vector<1x16xf32>,
        %get3A_2224 = vector.shape_cast %get3A_2223 : vector<1x16xf32> to vector<16xf32>
        %mul3A_2225 = arith.mulf %get3A_2224, %get3A_2020 : vector<16xf32>
        %swap3A_2226 = arith.constant 0 : i32
        %swap3A_2227 = arith.constant 0 : i32
        %swap3A_2228 = tpu.memref_slice %arg8[%rem3A_1905, %swap3A_2226, %swap3A_2227] : memref<6x16x1024xf32, #tpu.memory_space<vmem>> -> memref<1x16x1024xf32, #tpu.memory_space<vmem>>
        %swap3A_2229 = tpu.memref_squeeze %swap3A_2228 : memref<1x16x1024xf32, #tpu.memory_space<vmem>> -> memref<16x1024xf32, #tpu.memory_space<vmem>>
        %swap3A_2230 = arith.index_cast %scan3A_2197 : i32 to index
        %swap3A_2231 = arith.constant 400 : index
        %swap3A_2232 = tpu.vector_load %swap3A_2229[%swap3A_2230, %swap3A_2231] {strides = array<i32>} : memref<16x1024xf32, #tpu.memory_space<vmem>>, vector<1x16xf32>,
        %swap3A_2233 = vector.shape_cast %swap3A_2232 : vector<1x16xf32> to vector<16xf32>
        %swap3A_2234 = vector.shape_cast %mul3A_2225 : vector<16xf32> to vector<1x16xf32>
        tpu.vector_store %swap3A_2229[%swap3A_2230, %swap3A_2231], %swap3A_2234 {strides = array<i32>} : memref<16x1024xf32, #tpu.memory_space<vmem>>, vector<1x16xf32>,
        %get3A_2235 = arith.constant 0 : i32
        %get3A_2236 = arith.constant 0 : i32
        %get3A_2237 = tpu.memref_slice %arg8[%rem3A_1905, %get3A_2235, %get3A_2236] : memref<6x16x1024xf32, #tpu.memory_space<vmem>> -> memref<1x16x1024xf32, #tpu.memory_space<vmem>>
        %get3A_2238 = tpu.memref_squeeze %get3A_2237 : memref<1x16x1024xf32, #tpu.memory_space<vmem>> -> memref<16x1024xf32, #tpu.memory_space<vmem>>
        %get3A_2239 = arith.index_cast %scan3A_2197 : i32 to index
        %get3A_2240 = arith.constant 416 : index
        %get3A_2241 = tpu.vector_load %get3A_2238[%get3A_2239, %get3A_2240] {strides = array<i32>} : memref<16x1024xf32, #tpu.memory_space<vmem>>, vector<1x16xf32>,
        %get3A_2242 = vector.shape_cast %get3A_2241 : vector<1x16xf32> to vector<16xf32>
        %mul3A_2243 = arith.mulf %get3A_2242, %get3A_2023 : vector<16xf32>
        %swap3A_2244 = arith.constant 0 : i32
        %swap3A_2245 = arith.constant 0 : i32
        %swap3A_2246 = tpu.memref_slice %arg8[%rem3A_1905, %swap3A_2244, %swap3A_2245] : memref<6x16x1024xf32, #tpu.memory_space<vmem>> -> memref<1x16x1024xf32, #tpu.memory_space<vmem>>
        %swap3A_2247 = tpu.memref_squeeze %swap3A_2246 : memref<1x16x1024xf32, #tpu.memory_space<vmem>> -> memref<16x1024xf32, #tpu.memory_space<vmem>>
        %swap3A_2248 = arith.index_cast %scan3A_2197 : i32 to index
        %swap3A_2249 = arith.constant 416 : index
        %swap3A_2250 = tpu.vector_load %swap3A_2247[%swap3A_2248, %swap3A_2249] {strides = array<i32>} : memref<16x1024xf32, #tpu.memory_space<vmem>>, vector<1x16xf32>,
        %swap3A_2251 = vector.shape_cast %swap3A_2250 : vector<1x16xf32> to vector<16xf32>
        %swap3A_2252 = vector.shape_cast %mul3A_2243 : vector<16xf32> to vector<1x16xf32>
        tpu.vector_store %swap3A_2247[%swap3A_2248, %swap3A_2249], %swap3A_2252 {strides = array<i32>} : memref<16x1024xf32, #tpu.memory_space<vmem>>, vector<1x16xf32>,
        %get3A_2253 = arith.constant 0 : i32
        %get3A_2254 = arith.constant 0 : i32
        %get3A_2255 = tpu.memref_slice %arg8[%rem3A_1905, %get3A_2253, %get3A_2254] : memref<6x16x1024xf32, #tpu.memory_space<vmem>> -> memref<1x16x1024xf32, #tpu.memory_space<vmem>>
        %get3A_2256 = tpu.memref_squeeze %get3A_2255 : memref<1x16x1024xf32, #tpu.memory_space<vmem>> -> memref<16x1024xf32, #tpu.memory_space<vmem>>
        %get3A_2257 = arith.index_cast %scan3A_2197 : i32 to index
        %get3A_2258 = arith.constant 432 : index
        %get3A_2259 = tpu.vector_load %get3A_2256[%get3A_2257, %get3A_2258] {strides = array<i32>} : memref<16x1024xf32, #tpu.memory_space<vmem>>, vector<1x16xf32>,
        %get3A_2260 = vector.shape_cast %get3A_2259 : vector<1x16xf32> to vector<16xf32>
        %mul3A_2261 = arith.mulf %get3A_2260, %get3A_2026 : vector<16xf32>
        %swap3A_2262 = arith.constant 0 : i32
        %swap3A_2263 = arith.constant 0 : i32
        %swap3A_2264 = tpu.memref_slice %arg8[%rem3A_1905, %swap3A_2262, %swap3A_2263] : memref<6x16x1024xf32, #tpu.memory_space<vmem>> -> memref<1x16x1024xf32, #tpu.memory_space<vmem>>
        %swap3A_2265 = tpu.memref_squeeze %swap3A_2264 : memref<1x16x1024xf32, #tpu.memory_space<vmem>> -> memref<16x1024xf32, #tpu.memory_space<vmem>>
        %swap3A_2266 = arith.index_cast %scan3A_2197 : i32 to index
        %swap3A_2267 = arith.constant 432 : index
        %swap3A_2268 = tpu.vector_load %swap3A_2265[%swap3A_2266, %swap3A_2267] {strides = array<i32>} : memref<16x1024xf32, #tpu.memory_space<vmem>>, vector<1x16xf32>,
        %swap3A_2269 = vector.shape_cast %swap3A_2268 : vector<1x16xf32> to vector<16xf32>
        %swap3A_2270 = vector.shape_cast %mul3A_2261 : vector<16xf32> to vector<1x16xf32>
        tpu.vector_store %swap3A_2265[%swap3A_2266, %swap3A_2267], %swap3A_2270 {strides = array<i32>} : memref<16x1024xf32, #tpu.memory_space<vmem>>, vector<1x16xf32>,
        %get3A_2271 = arith.constant 0 : i32
        %get3A_2272 = arith.constant 0 : i32
        %get3A_2273 = tpu.memref_slice %arg8[%rem3A_1905, %get3A_2271, %get3A_2272] : memref<6x16x1024xf32, #tpu.memory_space<vmem>> -> memref<1x16x1024xf32, #tpu.memory_space<vmem>>
        %get3A_2274 = tpu.memref_squeeze %get3A_2273 : memref<1x16x1024xf32, #tpu.memory_space<vmem>> -> memref<16x1024xf32, #tpu.memory_space<vmem>>
        %get3A_2275 = arith.index_cast %scan3A_2197 : i32 to index
        %get3A_2276 = arith.constant 448 : index
        %get3A_2277 = tpu.vector_load %get3A_2274[%get3A_2275, %get3A_2276] {strides = array<i32>} : memref<16x1024xf32, #tpu.memory_space<vmem>>, vector<1x16xf32>,
        %get3A_2278 = vector.shape_cast %get3A_2277 : vector<1x16xf32> to vector<16xf32>
        %mul3A_2279 = arith.mulf %get3A_2278, %get3A_2029 : vector<16xf32>
        %swap3A_2280 = arith.constant 0 : i32
        %swap3A_2281 = arith.constant 0 : i32
        %swap3A_2282 = tpu.memref_slice %arg8[%rem3A_1905, %swap3A_2280, %swap3A_2281] : memref<6x16x1024xf32, #tpu.memory_space<vmem>> -> memref<1x16x1024xf32, #tpu.memory_space<vmem>>
        %swap3A_2283 = tpu.memref_squeeze %swap3A_2282 : memref<1x16x1024xf32, #tpu.memory_space<vmem>> -> memref<16x1024xf32, #tpu.memory_space<vmem>>
        %swap3A_2284 = arith.index_cast %scan3A_2197 : i32 to index
        %swap3A_2285 = arith.constant 448 : index
        %swap3A_2286 = tpu.vector_load %swap3A_2283[%swap3A_2284, %swap3A_2285] {strides = array<i32>} : memref<16x1024xf32, #tpu.memory_space<vmem>>, vector<1x16xf32>,
        %swap3A_2287 = vector.shape_cast %swap3A_2286 : vector<1x16xf32> to vector<16xf32>
        %swap3A_2288 = vector.shape_cast %mul3A_2279 : vector<16xf32> to vector<1x16xf32>
        tpu.vector_store %swap3A_2283[%swap3A_2284, %swap3A_2285], %swap3A_2288 {strides = array<i32>} : memref<16x1024xf32, #tpu.memory_space<vmem>>, vector<1x16xf32>,
        %get3A_2289 = arith.constant 0 : i32
        %get3A_2290 = arith.constant 0 : i32
        %get3A_2291 = tpu.memref_slice %arg8[%rem3A_1905, %get3A_2289, %get3A_2290] : memref<6x16x1024xf32, #tpu.memory_space<vmem>> -> memref<1x16x1024xf32, #tpu.memory_space<vmem>>
        %get3A_2292 = tpu.memref_squeeze %get3A_2291 : memref<1x16x1024xf32, #tpu.memory_space<vmem>> -> memref<16x1024xf32, #tpu.memory_space<vmem>>
        %get3A_2293 = arith.index_cast %scan3A_2197 : i32 to index
        %get3A_2294 = arith.constant 464 : index
        %get3A_2295 = tpu.vector_load %get3A_2292[%get3A_2293, %get3A_2294] {strides = array<i32>} : memref<16x1024xf32, #tpu.memory_space<vmem>>, vector<1x16xf32>,
        %get3A_2296 = vector.shape_cast %get3A_2295 : vector<1x16xf32> to vector<16xf32>
        %mul3A_2297 = arith.mulf %get3A_2296, %get3A_2032 : vector<16xf32>
        %swap3A_2298 = arith.constant 0 : i32
        %swap3A_2299 = arith.constant 0 : i32
        %swap3A_2300 = tpu.memref_slice %arg8[%rem3A_1905, %swap3A_2298, %swap3A_2299] : memref<6x16x1024xf32, #tpu.memory_space<vmem>> -> memref<1x16x1024xf32, #tpu.memory_space<vmem>>
        %swap3A_2301 = tpu.memref_squeeze %swap3A_2300 : memref<1x16x1024xf32, #tpu.memory_space<vmem>> -> memref<16x1024xf32, #tpu.memory_space<vmem>>
        %swap3A_2302 = arith.index_cast %scan3A_2197 : i32 to index
        %swap3A_2303 = arith.constant 464 : index
        %swap3A_2304 = tpu.vector_load %swap3A_2301[%swap3A_2302, %swap3A_2303] {strides = array<i32>} : memref<16x1024xf32, #tpu.memory_space<vmem>>, vector<1x16xf32>,
        %swap3A_2305 = vector.shape_cast %swap3A_2304 : vector<1x16xf32> to vector<16xf32>
        %swap3A_2306 = vector.shape_cast %mul3A_2297 : vector<16xf32> to vector<1x16xf32>
        tpu.vector_store %swap3A_2301[%swap3A_2302, %swap3A_2303], %swap3A_2306 {strides = array<i32>} : memref<16x1024xf32, #tpu.memory_space<vmem>>, vector<1x16xf32>,
        %get3A_2307 = arith.constant 0 : i32
        %get3A_2308 = arith.constant 0 : i32
        %get3A_2309 = tpu.memref_slice %arg8[%rem3A_1905, %get3A_2307, %get3A_2308] : memref<6x16x1024xf32, #tpu.memory_space<vmem>> -> memref<1x16x1024xf32, #tpu.memory_space<vmem>>
        %get3A_2310 = tpu.memref_squeeze %get3A_2309 : memref<1x16x1024xf32, #tpu.memory_space<vmem>> -> memref<16x1024xf32, #tpu.memory_space<vmem>>
        %get3A_2311 = arith.index_cast %scan3A_2197 : i32 to index
        %get3A_2312 = arith.constant 480 : index
        %get3A_2313 = tpu.vector_load %get3A_2310[%get3A_2311, %get3A_2312] {strides = array<i32>} : memref<16x1024xf32, #tpu.memory_space<vmem>>, vector<1x16xf32>,
        %get3A_2314 = vector.shape_cast %get3A_2313 : vector<1x16xf32> to vector<16xf32>
        %mul3A_2315 = arith.mulf %get3A_2314, %get3A_2035 : vector<16xf32>
        %swap3A_2316 = arith.constant 0 : i32
        %swap3A_2317 = arith.constant 0 : i32
        %swap3A_2318 = tpu.memref_slice %arg8[%rem3A_1905, %swap3A_2316, %swap3A_2317] : memref<6x16x1024xf32, #tpu.memory_space<vmem>> -> memref<1x16x1024xf32, #tpu.memory_space<vmem>>
        %swap3A_2319 = tpu.memref_squeeze %swap3A_2318 : memref<1x16x1024xf32, #tpu.memory_space<vmem>> -> memref<16x1024xf32, #tpu.memory_space<vmem>>
        %swap3A_2320 = arith.index_cast %scan3A_2197 : i32 to index
        %swap3A_2321 = arith.constant 480 : index
        %swap3A_2322 = tpu.vector_load %swap3A_2319[%swap3A_2320, %swap3A_2321] {strides = array<i32>} : memref<16x1024xf32, #tpu.memory_space<vmem>>, vector<1x16xf32>,
        %swap3A_2323 = vector.shape_cast %swap3A_2322 : vector<1x16xf32> to vector<16xf32>
        %swap3A_2324 = vector.shape_cast %mul3A_2315 : vector<16xf32> to vector<1x16xf32>
        tpu.vector_store %swap3A_2319[%swap3A_2320, %swap3A_2321], %swap3A_2324 {strides = array<i32>} : memref<16x1024xf32, #tpu.memory_space<vmem>>, vector<1x16xf32>,
        %get3A_2325 = arith.constant 0 : i32
        %get3A_2326 = arith.constant 0 : i32
        %get3A_2327 = tpu.memref_slice %arg8[%rem3A_1905, %get3A_2325, %get3A_2326] : memref<6x16x1024xf32, #tpu.memory_space<vmem>> -> memref<1x16x1024xf32, #tpu.memory_space<vmem>>
        %get3A_2328 = tpu.memref_squeeze %get3A_2327 : memref<1x16x1024xf32, #tpu.memory_space<vmem>> -> memref<16x1024xf32, #tpu.memory_space<vmem>>
        %get3A_2329 = arith.index_cast %scan3A_2197 : i32 to index
        %get3A_2330 = arith.constant 496 : index
        %get3A_2331 = tpu.vector_load %get3A_2328[%get3A_2329, %get3A_2330] {strides = array<i32>} : memref<16x1024xf32, #tpu.memory_space<vmem>>, vector<1x16xf32>,
        %get3A_2332 = vector.shape_cast %get3A_2331 : vector<1x16xf32> to vector<16xf32>
        %mul3A_2333 = arith.mulf %get3A_2332, %get3A_2038 : vector<16xf32>
        %swap3A_2334 = arith.constant 0 : i32
        %swap3A_2335 = arith.constant 0 : i32
        %swap3A_2336 = tpu.memref_slice %arg8[%rem3A_1905, %swap3A_2334, %swap3A_2335] : memref<6x16x1024xf32, #tpu.memory_space<vmem>> -> memref<1x16x1024xf32, #tpu.memory_space<vmem>>
        %swap3A_2337 = tpu.memref_squeeze %swap3A_2336 : memref<1x16x1024xf32, #tpu.memory_space<vmem>> -> memref<16x1024xf32, #tpu.memory_space<vmem>>
        %swap3A_2338 = arith.index_cast %scan3A_2197 : i32 to index
        %swap3A_2339 = arith.constant 496 : index
        %swap3A_2340 = tpu.vector_load %swap3A_2337[%swap3A_2338, %swap3A_2339] {strides = array<i32>} : memref<16x1024xf32, #tpu.memory_space<vmem>>, vector<1x16xf32>,
        %swap3A_2341 = vector.shape_cast %swap3A_2340 : vector<1x16xf32> to vector<16xf32>
        %swap3A_2342 = vector.shape_cast %mul3A_2333 : vector<16xf32> to vector<1x16xf32>
        tpu.vector_store %swap3A_2337[%swap3A_2338, %swap3A_2339], %swap3A_2342 {strides = array<i32>} : memref<16x1024xf32, #tpu.memory_space<vmem>>, vector<1x16xf32>,
        %scan3A_2343 = arith.constant 0 : i32
        scf.yield %scan3A_2343 : i32
      }
      %scan3A_2045 = arith.constant 16 : i32
      %get3A_2046 = arith.constant 512 : index
      %get3A_2047 = tpu.vector_load %arg7[%get3A_2046] {strides = array<i32>} : memref<1024xf32, #tpu.memory_space<vmem>>, vector<16xf32>,
      %get3A_2048 = vector.shape_cast %get3A_2047 : vector<16xf32> to vector<16xf32>
      %get3A_2049 = arith.constant 528 : index
      %get3A_2050 = tpu.vector_load %arg7[%get3A_2049] {strides = array<i32>} : memref<1024xf32, #tpu.memory_space<vmem>>, vector<16xf32>,
      %get3A_2051 = vector.shape_cast %get3A_2050 : vector<16xf32> to vector<16xf32>
      %get3A_2052 = arith.constant 544 : index
      %get3A_2053 = tpu.vector_load %arg7[%get3A_2052] {strides = array<i32>} : memref<1024xf32, #tpu.memory_space<vmem>>, vector<16xf32>,
      %get3A_2054 = vector.shape_cast %get3A_2053 : vector<16xf32> to vector<16xf32>
      %get3A_2055 = arith.constant 560 : index
      %get3A_2056 = tpu.vector_load %arg7[%get3A_2055] {strides = array<i32>} : memref<1024xf32, #tpu.memory_space<vmem>>, vector<16xf32>,
      %get3A_2057 = vector.shape_cast %get3A_2056 : vector<16xf32> to vector<16xf32>
      %get3A_2058 = arith.constant 576 : index
      %get3A_2059 = tpu.vector_load %arg7[%get3A_2058] {strides = array<i32>} : memref<1024xf32, #tpu.memory_space<vmem>>, vector<16xf32>,
      %get3A_2060 = vector.shape_cast %get3A_2059 : vector<16xf32> to vector<16xf32>
      %get3A_2061 = arith.constant 592 : index
      %get3A_2062 = tpu.vector_load %arg7[%get3A_2061] {strides = array<i32>} : memref<1024xf32, #tpu.memory_space<vmem>>, vector<16xf32>,
      %get3A_2063 = vector.shape_cast %get3A_2062 : vector<16xf32> to vector<16xf32>
      %get3A_2064 = arith.constant 608 : index
      %get3A_2065 = tpu.vector_load %arg7[%get3A_2064] {strides = array<i32>} : memref<1024xf32, #tpu.memory_space<vmem>>, vector<16xf32>,
      %get3A_2066 = vector.shape_cast %get3A_2065 : vector<16xf32> to vector<16xf32>
      %get3A_2067 = arith.constant 624 : index
      %get3A_2068 = tpu.vector_load %arg7[%get3A_2067] {strides = array<i32>} : memref<1024xf32, #tpu.memory_space<vmem>>, vector<16xf32>,
      %get3A_2069 = vector.shape_cast %get3A_2068 : vector<16xf32> to vector<16xf32>
      %scan3A_2070 = arith.constant 0 : i32
      %scan3A_2071 = arith.constant 0 : i32
      %scan3A_2072 = arith.constant 16 : i32
      %scan3A_2073 = arith.addi %scan3A_2071, %scan3A_2072 : i32
      %scan3A_2074 = arith.constant 1 : i32
      %scan3A_2075 = scf.for %scan3A_2197 = %scan3A_2071 to %scan3A_2073 step %scan3A_2074 iter_args(%scan3A_2198 = %scan3A_2070) -> (i32)  : i32 {
        %get3A_2199 = arith.constant 0 : i32
        %get3A_2200 = arith.constant 0 : i32
        %get3A_2201 = tpu.memref_slice %arg8[%rem3A_1905, %get3A_2199, %get3A_2200] : memref<6x16x1024xf32, #tpu.memory_space<vmem>> -> memref<1x16x1024xf32, #tpu.memory_space<vmem>>
        %get3A_2202 = tpu.memref_squeeze %get3A_2201 : memref<1x16x1024xf32, #tpu.memory_space<vmem>> -> memref<16x1024xf32, #tpu.memory_space<vmem>>
        %get3A_2203 = arith.index_cast %scan3A_2197 : i32 to index
        %get3A_2204 = arith.constant 512 : index
        %get3A_2205 = tpu.vector_load %get3A_2202[%get3A_2203, %get3A_2204] {strides = array<i32>} : memref<16x1024xf32, #tpu.memory_space<vmem>>, vector<1x16xf32>,
        %get3A_2206 = vector.shape_cast %get3A_2205 : vector<1x16xf32> to vector<16xf32>
        %mul3A_2207 = arith.mulf %get3A_2206, %get3A_2048 : vector<16xf32>
        %swap3A_2208 = arith.constant 0 : i32
        %swap3A_2209 = arith.constant 0 : i32
        %swap3A_2210 = tpu.memref_slice %arg8[%rem3A_1905, %swap3A_2208, %swap3A_2209] : memref<6x16x1024xf32, #tpu.memory_space<vmem>> -> memref<1x16x1024xf32, #tpu.memory_space<vmem>>
        %swap3A_2211 = tpu.memref_squeeze %swap3A_2210 : memref<1x16x1024xf32, #tpu.memory_space<vmem>> -> memref<16x1024xf32, #tpu.memory_space<vmem>>
        %swap3A_2212 = arith.index_cast %scan3A_2197 : i32 to index
        %swap3A_2213 = arith.constant 512 : index
        %swap3A_2214 = tpu.vector_load %swap3A_2211[%swap3A_2212, %swap3A_2213] {strides = array<i32>} : memref<16x1024xf32, #tpu.memory_space<vmem>>, vector<1x16xf32>,
        %swap3A_2215 = vector.shape_cast %swap3A_2214 : vector<1x16xf32> to vector<16xf32>
        %swap3A_2216 = vector.shape_cast %mul3A_2207 : vector<16xf32> to vector<1x16xf32>
        tpu.vector_store %swap3A_2211[%swap3A_2212, %swap3A_2213], %swap3A_2216 {strides = array<i32>} : memref<16x1024xf32, #tpu.memory_space<vmem>>, vector<1x16xf32>,
        %get3A_2217 = arith.constant 0 : i32
        %get3A_2218 = arith.constant 0 : i32
        %get3A_2219 = tpu.memref_slice %arg8[%rem3A_1905, %get3A_2217, %get3A_2218] : memref<6x16x1024xf32, #tpu.memory_space<vmem>> -> memref<1x16x1024xf32, #tpu.memory_space<vmem>>
        %get3A_2220 = tpu.memref_squeeze %get3A_2219 : memref<1x16x1024xf32, #tpu.memory_space<vmem>> -> memref<16x1024xf32, #tpu.memory_space<vmem>>
        %get3A_2221 = arith.index_cast %scan3A_2197 : i32 to index
        %get3A_2222 = arith.constant 528 : index
        %get3A_2223 = tpu.vector_load %get3A_2220[%get3A_2221, %get3A_2222] {strides = array<i32>} : memref<16x1024xf32, #tpu.memory_space<vmem>>, vector<1x16xf32>,
        %get3A_2224 = vector.shape_cast %get3A_2223 : vector<1x16xf32> to vector<16xf32>
        %mul3A_2225 = arith.mulf %get3A_2224, %get3A_2051 : vector<16xf32>
        %swap3A_2226 = arith.constant 0 : i32
        %swap3A_2227 = arith.constant 0 : i32
        %swap3A_2228 = tpu.memref_slice %arg8[%rem3A_1905, %swap3A_2226, %swap3A_2227] : memref<6x16x1024xf32, #tpu.memory_space<vmem>> -> memref<1x16x1024xf32, #tpu.memory_space<vmem>>
        %swap3A_2229 = tpu.memref_squeeze %swap3A_2228 : memref<1x16x1024xf32, #tpu.memory_space<vmem>> -> memref<16x1024xf32, #tpu.memory_space<vmem>>
        %swap3A_2230 = arith.index_cast %scan3A_2197 : i32 to index
        %swap3A_2231 = arith.constant 528 : index
        %swap3A_2232 = tpu.vector_load %swap3A_2229[%swap3A_2230, %swap3A_2231] {strides = array<i32>} : memref<16x1024xf32, #tpu.memory_space<vmem>>, vector<1x16xf32>,
        %swap3A_2233 = vector.shape_cast %swap3A_2232 : vector<1x16xf32> to vector<16xf32>
        %swap3A_2234 = vector.shape_cast %mul3A_2225 : vector<16xf32> to vector<1x16xf32>
        tpu.vector_store %swap3A_2229[%swap3A_2230, %swap3A_2231], %swap3A_2234 {strides = array<i32>} : memref<16x1024xf32, #tpu.memory_space<vmem>>, vector<1x16xf32>,
        %get3A_2235 = arith.constant 0 : i32
        %get3A_2236 = arith.constant 0 : i32
        %get3A_2237 = tpu.memref_slice %arg8[%rem3A_1905, %get3A_2235, %get3A_2236] : memref<6x16x1024xf32, #tpu.memory_space<vmem>> -> memref<1x16x1024xf32, #tpu.memory_space<vmem>>
        %get3A_2238 = tpu.memref_squeeze %get3A_2237 : memref<1x16x1024xf32, #tpu.memory_space<vmem>> -> memref<16x1024xf32, #tpu.memory_space<vmem>>
        %get3A_2239 = arith.index_cast %scan3A_2197 : i32 to index
        %get3A_2240 = arith.constant 544 : index
        %get3A_2241 = tpu.vector_load %get3A_2238[%get3A_2239, %get3A_2240] {strides = array<i32>} : memref<16x1024xf32, #tpu.memory_space<vmem>>, vector<1x16xf32>,
        %get3A_2242 = vector.shape_cast %get3A_2241 : vector<1x16xf32> to vector<16xf32>
        %mul3A_2243 = arith.mulf %get3A_2242, %get3A_2054 : vector<16xf32>
        %swap3A_2244 = arith.constant 0 : i32
        %swap3A_2245 = arith.constant 0 : i32
        %swap3A_2246 = tpu.memref_slice %arg8[%rem3A_1905, %swap3A_2244, %swap3A_2245] : memref<6x16x1024xf32, #tpu.memory_space<vmem>> -> memref<1x16x1024xf32, #tpu.memory_space<vmem>>
        %swap3A_2247 = tpu.memref_squeeze %swap3A_2246 : memref<1x16x1024xf32, #tpu.memory_space<vmem>> -> memref<16x1024xf32, #tpu.memory_space<vmem>>
        %swap3A_2248 = arith.index_cast %scan3A_2197 : i32 to index
        %swap3A_2249 = arith.constant 544 : index
        %swap3A_2250 = tpu.vector_load %swap3A_2247[%swap3A_2248, %swap3A_2249] {strides = array<i32>} : memref<16x1024xf32, #tpu.memory_space<vmem>>, vector<1x16xf32>,
        %swap3A_2251 = vector.shape_cast %swap3A_2250 : vector<1x16xf32> to vector<16xf32>
        %swap3A_2252 = vector.shape_cast %mul3A_2243 : vector<16xf32> to vector<1x16xf32>
        tpu.vector_store %swap3A_2247[%swap3A_2248, %swap3A_2249], %swap3A_2252 {strides = array<i32>} : memref<16x1024xf32, #tpu.memory_space<vmem>>, vector<1x16xf32>,
        %get3A_2253 = arith.constant 0 : i32
        %get3A_2254 = arith.constant 0 : i32
        %get3A_2255 = tpu.memref_slice %arg8[%rem3A_1905, %get3A_2253, %get3A_2254] : memref<6x16x1024xf32, #tpu.memory_space<vmem>> -> memref<1x16x1024xf32, #tpu.memory_space<vmem>>
        %get3A_2256 = tpu.memref_squeeze %get3A_2255 : memref<1x16x1024xf32, #tpu.memory_space<vmem>> -> memref<16x1024xf32, #tpu.memory_space<vmem>>
        %get3A_2257 = arith.index_cast %scan3A_2197 : i32 to index
        %get3A_2258 = arith.constant 560 : index
        %get3A_2259 = tpu.vector_load %get3A_2256[%get3A_2257, %get3A_2258] {strides = array<i32>} : memref<16x1024xf32, #tpu.memory_space<vmem>>, vector<1x16xf32>,
        %get3A_2260 = vector.shape_cast %get3A_2259 : vector<1x16xf32> to vector<16xf32>
        %mul3A_2261 = arith.mulf %get3A_2260, %get3A_2057 : vector<16xf32>
        %swap3A_2262 = arith.constant 0 : i32
        %swap3A_2263 = arith.constant 0 : i32
        %swap3A_2264 = tpu.memref_slice %arg8[%rem3A_1905, %swap3A_2262, %swap3A_2263] : memref<6x16x1024xf32, #tpu.memory_space<vmem>> -> memref<1x16x1024xf32, #tpu.memory_space<vmem>>
        %swap3A_2265 = tpu.memref_squeeze %swap3A_2264 : memref<1x16x1024xf32, #tpu.memory_space<vmem>> -> memref<16x1024xf32, #tpu.memory_space<vmem>>
        %swap3A_2266 = arith.index_cast %scan3A_2197 : i32 to index
        %swap3A_2267 = arith.constant 560 : index
        %swap3A_2268 = tpu.vector_load %swap3A_2265[%swap3A_2266, %swap3A_2267] {strides = array<i32>} : memref<16x1024xf32, #tpu.memory_space<vmem>>, vector<1x16xf32>,
        %swap3A_2269 = vector.shape_cast %swap3A_2268 : vector<1x16xf32> to vector<16xf32>
        %swap3A_2270 = vector.shape_cast %mul3A_2261 : vector<16xf32> to vector<1x16xf32>
        tpu.vector_store %swap3A_2265[%swap3A_2266, %swap3A_2267], %swap3A_2270 {strides = array<i32>} : memref<16x1024xf32, #tpu.memory_space<vmem>>, vector<1x16xf32>,
        %get3A_2271 = arith.constant 0 : i32
        %get3A_2272 = arith.constant 0 : i32
        %get3A_2273 = tpu.memref_slice %arg8[%rem3A_1905, %get3A_2271, %get3A_2272] : memref<6x16x1024xf32, #tpu.memory_space<vmem>> -> memref<1x16x1024xf32, #tpu.memory_space<vmem>>
        %get3A_2274 = tpu.memref_squeeze %get3A_2273 : memref<1x16x1024xf32, #tpu.memory_space<vmem>> -> memref<16x1024xf32, #tpu.memory_space<vmem>>
        %get3A_2275 = arith.index_cast %scan3A_2197 : i32 to index
        %get3A_2276 = arith.constant 576 : index
        %get3A_2277 = tpu.vector_load %get3A_2274[%get3A_2275, %get3A_2276] {strides = array<i32>} : memref<16x1024xf32, #tpu.memory_space<vmem>>, vector<1x16xf32>,
        %get3A_2278 = vector.shape_cast %get3A_2277 : vector<1x16xf32> to vector<16xf32>
        %mul3A_2279 = arith.mulf %get3A_2278, %get3A_2060 : vector<16xf32>
        %swap3A_2280 = arith.constant 0 : i32
        %swap3A_2281 = arith.constant 0 : i32
        %swap3A_2282 = tpu.memref_slice %arg8[%rem3A_1905, %swap3A_2280, %swap3A_2281] : memref<6x16x1024xf32, #tpu.memory_space<vmem>> -> memref<1x16x1024xf32, #tpu.memory_space<vmem>>
        %swap3A_2283 = tpu.memref_squeeze %swap3A_2282 : memref<1x16x1024xf32, #tpu.memory_space<vmem>> -> memref<16x1024xf32, #tpu.memory_space<vmem>>
        %swap3A_2284 = arith.index_cast %scan3A_2197 : i32 to index
        %swap3A_2285 = arith.constant 576 : index
        %swap3A_2286 = tpu.vector_load %swap3A_2283[%swap3A_2284, %swap3A_2285] {strides = array<i32>} : memref<16x1024xf32, #tpu.memory_space<vmem>>, vector<1x16xf32>,
        %swap3A_2287 = vector.shape_cast %swap3A_2286 : vector<1x16xf32> to vector<16xf32>
        %swap3A_2288 = vector.shape_cast %mul3A_2279 : vector<16xf32> to vector<1x16xf32>
        tpu.vector_store %swap3A_2283[%swap3A_2284, %swap3A_2285], %swap3A_2288 {strides = array<i32>} : memref<16x1024xf32, #tpu.memory_space<vmem>>, vector<1x16xf32>,
        %get3A_2289 = arith.constant 0 : i32
        %get3A_2290 = arith.constant 0 : i32
        %get3A_2291 = tpu.memref_slice %arg8[%rem3A_1905, %get3A_2289, %get3A_2290] : memref<6x16x1024xf32, #tpu.memory_space<vmem>> -> memref<1x16x1024xf32, #tpu.memory_space<vmem>>
        %get3A_2292 = tpu.memref_squeeze %get3A_2291 : memref<1x16x1024xf32, #tpu.memory_space<vmem>> -> memref<16x1024xf32, #tpu.memory_space<vmem>>
        %get3A_2293 = arith.index_cast %scan3A_2197 : i32 to index
        %get3A_2294 = arith.constant 592 : index
        %get3A_2295 = tpu.vector_load %get3A_2292[%get3A_2293, %get3A_2294] {strides = array<i32>} : memref<16x1024xf32, #tpu.memory_space<vmem>>, vector<1x16xf32>,
        %get3A_2296 = vector.shape_cast %get3A_2295 : vector<1x16xf32> to vector<16xf32>
        %mul3A_2297 = arith.mulf %get3A_2296, %get3A_2063 : vector<16xf32>
        %swap3A_2298 = arith.constant 0 : i32
        %swap3A_2299 = arith.constant 0 : i32
        %swap3A_2300 = tpu.memref_slice %arg8[%rem3A_1905, %swap3A_2298, %swap3A_2299] : memref<6x16x1024xf32, #tpu.memory_space<vmem>> -> memref<1x16x1024xf32, #tpu.memory_space<vmem>>
        %swap3A_2301 = tpu.memref_squeeze %swap3A_2300 : memref<1x16x1024xf32, #tpu.memory_space<vmem>> -> memref<16x1024xf32, #tpu.memory_space<vmem>>
        %swap3A_2302 = arith.index_cast %scan3A_2197 : i32 to index
        %swap3A_2303 = arith.constant 592 : index
        %swap3A_2304 = tpu.vector_load %swap3A_2301[%swap3A_2302, %swap3A_2303] {strides = array<i32>} : memref<16x1024xf32, #tpu.memory_space<vmem>>, vector<1x16xf32>,
        %swap3A_2305 = vector.shape_cast %swap3A_2304 : vector<1x16xf32> to vector<16xf32>
        %swap3A_2306 = vector.shape_cast %mul3A_2297 : vector<16xf32> to vector<1x16xf32>
        tpu.vector_store %swap3A_2301[%swap3A_2302, %swap3A_2303], %swap3A_2306 {strides = array<i32>} : memref<16x1024xf32, #tpu.memory_space<vmem>>, vector<1x16xf32>,
        %get3A_2307 = arith.constant 0 : i32
        %get3A_2308 = arith.constant 0 : i32
        %get3A_2309 = tpu.memref_slice %arg8[%rem3A_1905, %get3A_2307, %get3A_2308] : memref<6x16x1024xf32, #tpu.memory_space<vmem>> -> memref<1x16x1024xf32, #tpu.memory_space<vmem>>
        %get3A_2310 = tpu.memref_squeeze %get3A_2309 : memref<1x16x1024xf32, #tpu.memory_space<vmem>> -> memref<16x1024xf32, #tpu.memory_space<vmem>>
        %get3A_2311 = arith.index_cast %scan3A_2197 : i32 to index
        %get3A_2312 = arith.constant 608 : index
        %get3A_2313 = tpu.vector_load %get3A_2310[%get3A_2311, %get3A_2312] {strides = array<i32>} : memref<16x1024xf32, #tpu.memory_space<vmem>>, vector<1x16xf32>,
        %get3A_2314 = vector.shape_cast %get3A_2313 : vector<1x16xf32> to vector<16xf32>
        %mul3A_2315 = arith.mulf %get3A_2314, %get3A_2066 : vector<16xf32>
        %swap3A_2316 = arith.constant 0 : i32
        %swap3A_2317 = arith.constant 0 : i32
        %swap3A_2318 = tpu.memref_slice %arg8[%rem3A_1905, %swap3A_2316, %swap3A_2317] : memref<6x16x1024xf32, #tpu.memory_space<vmem>> -> memref<1x16x1024xf32, #tpu.memory_space<vmem>>
        %swap3A_2319 = tpu.memref_squeeze %swap3A_2318 : memref<1x16x1024xf32, #tpu.memory_space<vmem>> -> memref<16x1024xf32, #tpu.memory_space<vmem>>
        %swap3A_2320 = arith.index_cast %scan3A_2197 : i32 to index
        %swap3A_2321 = arith.constant 608 : index
        %swap3A_2322 = tpu.vector_load %swap3A_2319[%swap3A_2320, %swap3A_2321] {strides = array<i32>} : memref<16x1024xf32, #tpu.memory_space<vmem>>, vector<1x16xf32>,
        %swap3A_2323 = vector.shape_cast %swap3A_2322 : vector<1x16xf32> to vector<16xf32>
        %swap3A_2324 = vector.shape_cast %mul3A_2315 : vector<16xf32> to vector<1x16xf32>
        tpu.vector_store %swap3A_2319[%swap3A_2320, %swap3A_2321], %swap3A_2324 {strides = array<i32>} : memref<16x1024xf32, #tpu.memory_space<vmem>>, vector<1x16xf32>,
        %get3A_2325 = arith.constant 0 : i32
        %get3A_2326 = arith.constant 0 : i32
        %get3A_2327 = tpu.memref_slice %arg8[%rem3A_1905, %get3A_2325, %get3A_2326] : memref<6x16x1024xf32, #tpu.memory_space<vmem>> -> memref<1x16x1024xf32, #tpu.memory_space<vmem>>
        %get3A_2328 = tpu.memref_squeeze %get3A_2327 : memref<1x16x1024xf32, #tpu.memory_space<vmem>> -> memref<16x1024xf32, #tpu.memory_space<vmem>>
        %get3A_2329 = arith.index_cast %scan3A_2197 : i32 to index
        %get3A_2330 = arith.constant 624 : index
        %get3A_2331 = tpu.vector_load %get3A_2328[%get3A_2329, %get3A_2330] {strides = array<i32>} : memref<16x1024xf32, #tpu.memory_space<vmem>>, vector<1x16xf32>,
        %get3A_2332 = vector.shape_cast %get3A_2331 : vector<1x16xf32> to vector<16xf32>
        %mul3A_2333 = arith.mulf %get3A_2332, %get3A_2069 : vector<16xf32>
        %swap3A_2334 = arith.constant 0 : i32
        %swap3A_2335 = arith.constant 0 : i32
        %swap3A_2336 = tpu.memref_slice %arg8[%rem3A_1905, %swap3A_2334, %swap3A_2335] : memref<6x16x1024xf32, #tpu.memory_space<vmem>> -> memref<1x16x1024xf32, #tpu.memory_space<vmem>>
        %swap3A_2337 = tpu.memref_squeeze %swap3A_2336 : memref<1x16x1024xf32, #tpu.memory_space<vmem>> -> memref<16x1024xf32, #tpu.memory_space<vmem>>
        %swap3A_2338 = arith.index_cast %scan3A_2197 : i32 to index
        %swap3A_2339 = arith.constant 624 : index
        %swap3A_2340 = tpu.vector_load %swap3A_2337[%swap3A_2338, %swap3A_2339] {strides = array<i32>} : memref<16x1024xf32, #tpu.memory_space<vmem>>, vector<1x16xf32>,
        %swap3A_2341 = vector.shape_cast %swap3A_2340 : vector<1x16xf32> to vector<16xf32>
        %swap3A_2342 = vector.shape_cast %mul3A_2333 : vector<16xf32> to vector<1x16xf32>
        tpu.vector_store %swap3A_2337[%swap3A_2338, %swap3A_2339], %swap3A_2342 {strides = array<i32>} : memref<16x1024xf32, #tpu.memory_space<vmem>>, vector<1x16xf32>,
        %scan3A_2343 = arith.constant 0 : i32
        scf.yield %scan3A_2343 : i32
      }
      %scan3A_2076 = arith.constant 16 : i32
      %get3A_2077 = arith.constant 640 : index
      %get3A_2078 = tpu.vector_load %arg7[%get3A_2077] {strides = array<i32>} : memref<1024xf32, #tpu.memory_space<vmem>>, vector<16xf32>,
      %get3A_2079 = vector.shape_cast %get3A_2078 : vector<16xf32> to vector<16xf32>
      %get3A_2080 = arith.constant 656 : index
      %get3A_2081 = tpu.vector_load %arg7[%get3A_2080] {strides = array<i32>} : memref<1024xf32, #tpu.memory_space<vmem>>, vector<16xf32>,
      %get3A_2082 = vector.shape_cast %get3A_2081 : vector<16xf32> to vector<16xf32>
      %get3A_2083 = arith.constant 672 : index
      %get3A_2084 = tpu.vector_load %arg7[%get3A_2083] {strides = array<i32>} : memref<1024xf32, #tpu.memory_space<vmem>>, vector<16xf32>,
      %get3A_2085 = vector.shape_cast %get3A_2084 : vector<16xf32> to vector<16xf32>
      %get3A_2086 = arith.constant 688 : index
      %get3A_2087 = tpu.vector_load %arg7[%get3A_2086] {strides = array<i32>} : memref<1024xf32, #tpu.memory_space<vmem>>, vector<16xf32>,
      %get3A_2088 = vector.shape_cast %get3A_2087 : vector<16xf32> to vector<16xf32>
      %get3A_2089 = arith.constant 704 : index
      %get3A_2090 = tpu.vector_load %arg7[%get3A_2089] {strides = array<i32>} : memref<1024xf32, #tpu.memory_space<vmem>>, vector<16xf32>,
      %get3A_2091 = vector.shape_cast %get3A_2090 : vector<16xf32> to vector<16xf32>
      %get3A_2092 = arith.constant 720 : index
      %get3A_2093 = tpu.vector_load %arg7[%get3A_2092] {strides = array<i32>} : memref<1024xf32, #tpu.memory_space<vmem>>, vector<16xf32>,
      %get3A_2094 = vector.shape_cast %get3A_2093 : vector<16xf32> to vector<16xf32>
      %get3A_2095 = arith.constant 736 : index
      %get3A_2096 = tpu.vector_load %arg7[%get3A_2095] {strides = array<i32>} : memref<1024xf32, #tpu.memory_space<vmem>>, vector<16xf32>,
      %get3A_2097 = vector.shape_cast %get3A_2096 : vector<16xf32> to vector<16xf32>
      %get3A_2098 = arith.constant 752 : index
      %get3A_2099 = tpu.vector_load %arg7[%get3A_2098] {strides = array<i32>} : memref<1024xf32, #tpu.memory_space<vmem>>, vector<16xf32>,
      %get3A_2100 = vector.shape_cast %get3A_2099 : vector<16xf32> to vector<16xf32>
      %scan3A_2101 = arith.constant 0 : i32
      %scan3A_2102 = arith.constant 0 : i32
      %scan3A_2103 = arith.constant 16 : i32
      %scan3A_2104 = arith.addi %scan3A_2102, %scan3A_2103 : i32
      %scan3A_2105 = arith.constant 1 : i32
      %scan3A_2106 = scf.for %scan3A_2197 = %scan3A_2102 to %scan3A_2104 step %scan3A_2105 iter_args(%scan3A_2198 = %scan3A_2101) -> (i32)  : i32 {
        %get3A_2199 = arith.constant 0 : i32
        %get3A_2200 = arith.constant 0 : i32
        %get3A_2201 = tpu.memref_slice %arg8[%rem3A_1905, %get3A_2199, %get3A_2200] : memref<6x16x1024xf32, #tpu.memory_space<vmem>> -> memref<1x16x1024xf32, #tpu.memory_space<vmem>>
        %get3A_2202 = tpu.memref_squeeze %get3A_2201 : memref<1x16x1024xf32, #tpu.memory_space<vmem>> -> memref<16x1024xf32, #tpu.memory_space<vmem>>
        %get3A_2203 = arith.index_cast %scan3A_2197 : i32 to index
        %get3A_2204 = arith.constant 640 : index
        %get3A_2205 = tpu.vector_load %get3A_2202[%get3A_2203, %get3A_2204] {strides = array<i32>} : memref<16x1024xf32, #tpu.memory_space<vmem>>, vector<1x16xf32>,
        %get3A_2206 = vector.shape_cast %get3A_2205 : vector<1x16xf32> to vector<16xf32>
        %mul3A_2207 = arith.mulf %get3A_2206, %get3A_2079 : vector<16xf32>
        %swap3A_2208 = arith.constant 0 : i32
        %swap3A_2209 = arith.constant 0 : i32
        %swap3A_2210 = tpu.memref_slice %arg8[%rem3A_1905, %swap3A_2208, %swap3A_2209] : memref<6x16x1024xf32, #tpu.memory_space<vmem>> -> memref<1x16x1024xf32, #tpu.memory_space<vmem>>
        %swap3A_2211 = tpu.memref_squeeze %swap3A_2210 : memref<1x16x1024xf32, #tpu.memory_space<vmem>> -> memref<16x1024xf32, #tpu.memory_space<vmem>>
        %swap3A_2212 = arith.index_cast %scan3A_2197 : i32 to index
        %swap3A_2213 = arith.constant 640 : index
        %swap3A_2214 = tpu.vector_load %swap3A_2211[%swap3A_2212, %swap3A_2213] {strides = array<i32>} : memref<16x1024xf32, #tpu.memory_space<vmem>>, vector<1x16xf32>,
        %swap3A_2215 = vector.shape_cast %swap3A_2214 : vector<1x16xf32> to vector<16xf32>
        %swap3A_2216 = vector.shape_cast %mul3A_2207 : vector<16xf32> to vector<1x16xf32>
        tpu.vector_store %swap3A_2211[%swap3A_2212, %swap3A_2213], %swap3A_2216 {strides = array<i32>} : memref<16x1024xf32, #tpu.memory_space<vmem>>, vector<1x16xf32>,
        %get3A_2217 = arith.constant 0 : i32
        %get3A_2218 = arith.constant 0 : i32
        %get3A_2219 = tpu.memref_slice %arg8[%rem3A_1905, %get3A_2217, %get3A_2218] : memref<6x16x1024xf32, #tpu.memory_space<vmem>> -> memref<1x16x1024xf32, #tpu.memory_space<vmem>>
        %get3A_2220 = tpu.memref_squeeze %get3A_2219 : memref<1x16x1024xf32, #tpu.memory_space<vmem>> -> memref<16x1024xf32, #tpu.memory_space<vmem>>
        %get3A_2221 = arith.index_cast %scan3A_2197 : i32 to index
        %get3A_2222 = arith.constant 656 : index
        %get3A_2223 = tpu.vector_load %get3A_2220[%get3A_2221, %get3A_2222] {strides = array<i32>} : memref<16x1024xf32, #tpu.memory_space<vmem>>, vector<1x16xf32>,
        %get3A_2224 = vector.shape_cast %get3A_2223 : vector<1x16xf32> to vector<16xf32>
        %mul3A_2225 = arith.mulf %get3A_2224, %get3A_2082 : vector<16xf32>
        %swap3A_2226 = arith.constant 0 : i32
        %swap3A_2227 = arith.constant 0 : i32
        %swap3A_2228 = tpu.memref_slice %arg8[%rem3A_1905, %swap3A_2226, %swap3A_2227] : memref<6x16x1024xf32, #tpu.memory_space<vmem>> -> memref<1x16x1024xf32, #tpu.memory_space<vmem>>
        %swap3A_2229 = tpu.memref_squeeze %swap3A_2228 : memref<1x16x1024xf32, #tpu.memory_space<vmem>> -> memref<16x1024xf32, #tpu.memory_space<vmem>>
        %swap3A_2230 = arith.index_cast %scan3A_2197 : i32 to index
        %swap3A_2231 = arith.constant 656 : index
        %swap3A_2232 = tpu.vector_load %swap3A_2229[%swap3A_2230, %swap3A_2231] {strides = array<i32>} : memref<16x1024xf32, #tpu.memory_space<vmem>>, vector<1x16xf32>,
        %swap3A_2233 = vector.shape_cast %swap3A_2232 : vector<1x16xf32> to vector<16xf32>
        %swap3A_2234 = vector.shape_cast %mul3A_2225 : vector<16xf32> to vector<1x16xf32>
        tpu.vector_store %swap3A_2229[%swap3A_2230, %swap3A_2231], %swap3A_2234 {strides = array<i32>} : memref<16x1024xf32, #tpu.memory_space<vmem>>, vector<1x16xf32>,
        %get3A_2235 = arith.constant 0 : i32
        %get3A_2236 = arith.constant 0 : i32
        %get3A_2237 = tpu.memref_slice %arg8[%rem3A_1905, %get3A_2235, %get3A_2236] : memref<6x16x1024xf32, #tpu.memory_space<vmem>> -> memref<1x16x1024xf32, #tpu.memory_space<vmem>>
        %get3A_2238 = tpu.memref_squeeze %get3A_2237 : memref<1x16x1024xf32, #tpu.memory_space<vmem>> -> memref<16x1024xf32, #tpu.memory_space<vmem>>
        %get3A_2239 = arith.index_cast %scan3A_2197 : i32 to index
        %get3A_2240 = arith.constant 672 : index
        %get3A_2241 = tpu.vector_load %get3A_2238[%get3A_2239, %get3A_2240] {strides = array<i32>} : memref<16x1024xf32, #tpu.memory_space<vmem>>, vector<1x16xf32>,
        %get3A_2242 = vector.shape_cast %get3A_2241 : vector<1x16xf32> to vector<16xf32>
        %mul3A_2243 = arith.mulf %get3A_2242, %get3A_2085 : vector<16xf32>
        %swap3A_2244 = arith.constant 0 : i32
        %swap3A_2245 = arith.constant 0 : i32
        %swap3A_2246 = tpu.memref_slice %arg8[%rem3A_1905, %swap3A_2244, %swap3A_2245] : memref<6x16x1024xf32, #tpu.memory_space<vmem>> -> memref<1x16x1024xf32, #tpu.memory_space<vmem>>
        %swap3A_2247 = tpu.memref_squeeze %swap3A_2246 : memref<1x16x1024xf32, #tpu.memory_space<vmem>> -> memref<16x1024xf32, #tpu.memory_space<vmem>>
        %swap3A_2248 = arith.index_cast %scan3A_2197 : i32 to index
        %swap3A_2249 = arith.constant 672 : index
        %swap3A_2250 = tpu.vector_load %swap3A_2247[%swap3A_2248, %swap3A_2249] {strides = array<i32>} : memref<16x1024xf32, #tpu.memory_space<vmem>>, vector<1x16xf32>,
        %swap3A_2251 = vector.shape_cast %swap3A_2250 : vector<1x16xf32> to vector<16xf32>
        %swap3A_2252 = vector.shape_cast %mul3A_2243 : vector<16xf32> to vector<1x16xf32>
        tpu.vector_store %swap3A_2247[%swap3A_2248, %swap3A_2249], %swap3A_2252 {strides = array<i32>} : memref<16x1024xf32, #tpu.memory_space<vmem>>, vector<1x16xf32>,
        %get3A_2253 = arith.constant 0 : i32
        %get3A_2254 = arith.constant 0 : i32
        %get3A_2255 = tpu.memref_slice %arg8[%rem3A_1905, %get3A_2253, %get3A_2254] : memref<6x16x1024xf32, #tpu.memory_space<vmem>> -> memref<1x16x1024xf32, #tpu.memory_space<vmem>>
        %get3A_2256 = tpu.memref_squeeze %get3A_2255 : memref<1x16x1024xf32, #tpu.memory_space<vmem>> -> memref<16x1024xf32, #tpu.memory_space<vmem>>
        %get3A_2257 = arith.index_cast %scan3A_2197 : i32 to index
        %get3A_2258 = arith.constant 688 : index
        %get3A_2259 = tpu.vector_load %get3A_2256[%get3A_2257, %get3A_2258] {strides = array<i32>} : memref<16x1024xf32, #tpu.memory_space<vmem>>, vector<1x16xf32>,
        %get3A_2260 = vector.shape_cast %get3A_2259 : vector<1x16xf32> to vector<16xf32>
        %mul3A_2261 = arith.mulf %get3A_2260, %get3A_2088 : vector<16xf32>
        %swap3A_2262 = arith.constant 0 : i32
        %swap3A_2263 = arith.constant 0 : i32
        %swap3A_2264 = tpu.memref_slice %arg8[%rem3A_1905, %swap3A_2262, %swap3A_2263] : memref<6x16x1024xf32, #tpu.memory_space<vmem>> -> memref<1x16x1024xf32, #tpu.memory_space<vmem>>
        %swap3A_2265 = tpu.memref_squeeze %swap3A_2264 : memref<1x16x1024xf32, #tpu.memory_space<vmem>> -> memref<16x1024xf32, #tpu.memory_space<vmem>>
        %swap3A_2266 = arith.index_cast %scan3A_2197 : i32 to index
        %swap3A_2267 = arith.constant 688 : index
        %swap3A_2268 = tpu.vector_load %swap3A_2265[%swap3A_2266, %swap3A_2267] {strides = array<i32>} : memref<16x1024xf32, #tpu.memory_space<vmem>>, vector<1x16xf32>,
        %swap3A_2269 = vector.shape_cast %swap3A_2268 : vector<1x16xf32> to vector<16xf32>
        %swap3A_2270 = vector.shape_cast %mul3A_2261 : vector<16xf32> to vector<1x16xf32>
        tpu.vector_store %swap3A_2265[%swap3A_2266, %swap3A_2267], %swap3A_2270 {strides = array<i32>} : memref<16x1024xf32, #tpu.memory_space<vmem>>, vector<1x16xf32>,
        %get3A_2271 = arith.constant 0 : i32
        %get3A_2272 = arith.constant 0 : i32
        %get3A_2273 = tpu.memref_slice %arg8[%rem3A_1905, %get3A_2271, %get3A_2272] : memref<6x16x1024xf32, #tpu.memory_space<vmem>> -> memref<1x16x1024xf32, #tpu.memory_space<vmem>>
        %get3A_2274 = tpu.memref_squeeze %get3A_2273 : memref<1x16x1024xf32, #tpu.memory_space<vmem>> -> memref<16x1024xf32, #tpu.memory_space<vmem>>
        %get3A_2275 = arith.index_cast %scan3A_2197 : i32 to index
        %get3A_2276 = arith.constant 704 : index
        %get3A_2277 = tpu.vector_load %get3A_2274[%get3A_2275, %get3A_2276] {strides = array<i32>} : memref<16x1024xf32, #tpu.memory_space<vmem>>, vector<1x16xf32>,
        %get3A_2278 = vector.shape_cast %get3A_2277 : vector<1x16xf32> to vector<16xf32>
        %mul3A_2279 = arith.mulf %get3A_2278, %get3A_2091 : vector<16xf32>
        %swap3A_2280 = arith.constant 0 : i32
        %swap3A_2281 = arith.constant 0 : i32
        %swap3A_2282 = tpu.memref_slice %arg8[%rem3A_1905, %swap3A_2280, %swap3A_2281] : memref<6x16x1024xf32, #tpu.memory_space<vmem>> -> memref<1x16x1024xf32, #tpu.memory_space<vmem>>
        %swap3A_2283 = tpu.memref_squeeze %swap3A_2282 : memref<1x16x1024xf32, #tpu.memory_space<vmem>> -> memref<16x1024xf32, #tpu.memory_space<vmem>>
        %swap3A_2284 = arith.index_cast %scan3A_2197 : i32 to index
        %swap3A_2285 = arith.constant 704 : index
        %swap3A_2286 = tpu.vector_load %swap3A_2283[%swap3A_2284, %swap3A_2285] {strides = array<i32>} : memref<16x1024xf32, #tpu.memory_space<vmem>>, vector<1x16xf32>,
        %swap3A_2287 = vector.shape_cast %swap3A_2286 : vector<1x16xf32> to vector<16xf32>
        %swap3A_2288 = vector.shape_cast %mul3A_2279 : vector<16xf32> to vector<1x16xf32>
        tpu.vector_store %swap3A_2283[%swap3A_2284, %swap3A_2285], %swap3A_2288 {strides = array<i32>} : memref<16x1024xf32, #tpu.memory_space<vmem>>, vector<1x16xf32>,
        %get3A_2289 = arith.constant 0 : i32
        %get3A_2290 = arith.constant 0 : i32
        %get3A_2291 = tpu.memref_slice %arg8[%rem3A_1905, %get3A_2289, %get3A_2290] : memref<6x16x1024xf32, #tpu.memory_space<vmem>> -> memref<1x16x1024xf32, #tpu.memory_space<vmem>>
        %get3A_2292 = tpu.memref_squeeze %get3A_2291 : memref<1x16x1024xf32, #tpu.memory_space<vmem>> -> memref<16x1024xf32, #tpu.memory_space<vmem>>
        %get3A_2293 = arith.index_cast %scan3A_2197 : i32 to index
        %get3A_2294 = arith.constant 720 : index
        %get3A_2295 = tpu.vector_load %get3A_2292[%get3A_2293, %get3A_2294] {strides = array<i32>} : memref<16x1024xf32, #tpu.memory_space<vmem>>, vector<1x16xf32>,
        %get3A_2296 = vector.shape_cast %get3A_2295 : vector<1x16xf32> to vector<16xf32>
        %mul3A_2297 = arith.mulf %get3A_2296, %get3A_2094 : vector<16xf32>
        %swap3A_2298 = arith.constant 0 : i32
        %swap3A_2299 = arith.constant 0 : i32
        %swap3A_2300 = tpu.memref_slice %arg8[%rem3A_1905, %swap3A_2298, %swap3A_2299] : memref<6x16x1024xf32, #tpu.memory_space<vmem>> -> memref<1x16x1024xf32, #tpu.memory_space<vmem>>
        %swap3A_2301 = tpu.memref_squeeze %swap3A_2300 : memref<1x16x1024xf32, #tpu.memory_space<vmem>> -> memref<16x1024xf32, #tpu.memory_space<vmem>>
        %swap3A_2302 = arith.index_cast %scan3A_2197 : i32 to index
        %swap3A_2303 = arith.constant 720 : index
        %swap3A_2304 = tpu.vector_load %swap3A_2301[%swap3A_2302, %swap3A_2303] {strides = array<i32>} : memref<16x1024xf32, #tpu.memory_space<vmem>>, vector<1x16xf32>,
        %swap3A_2305 = vector.shape_cast %swap3A_2304 : vector<1x16xf32> to vector<16xf32>
        %swap3A_2306 = vector.shape_cast %mul3A_2297 : vector<16xf32> to vector<1x16xf32>
        tpu.vector_store %swap3A_2301[%swap3A_2302, %swap3A_2303], %swap3A_2306 {strides = array<i32>} : memref<16x1024xf32, #tpu.memory_space<vmem>>, vector<1x16xf32>,
        %get3A_2307 = arith.constant 0 : i32
        %get3A_2308 = arith.constant 0 : i32
        %get3A_2309 = tpu.memref_slice %arg8[%rem3A_1905, %get3A_2307, %get3A_2308] : memref<6x16x1024xf32, #tpu.memory_space<vmem>> -> memref<1x16x1024xf32, #tpu.memory_space<vmem>>
        %get3A_2310 = tpu.memref_squeeze %get3A_2309 : memref<1x16x1024xf32, #tpu.memory_space<vmem>> -> memref<16x1024xf32, #tpu.memory_space<vmem>>
        %get3A_2311 = arith.index_cast %scan3A_2197 : i32 to index
        %get3A_2312 = arith.constant 736 : index
        %get3A_2313 = tpu.vector_load %get3A_2310[%get3A_2311, %get3A_2312] {strides = array<i32>} : memref<16x1024xf32, #tpu.memory_space<vmem>>, vector<1x16xf32>,
        %get3A_2314 = vector.shape_cast %get3A_2313 : vector<1x16xf32> to vector<16xf32>
        %mul3A_2315 = arith.mulf %get3A_2314, %get3A_2097 : vector<16xf32>
        %swap3A_2316 = arith.constant 0 : i32
        %swap3A_2317 = arith.constant 0 : i32
        %swap3A_2318 = tpu.memref_slice %arg8[%rem3A_1905, %swap3A_2316, %swap3A_2317] : memref<6x16x1024xf32, #tpu.memory_space<vmem>> -> memref<1x16x1024xf32, #tpu.memory_space<vmem>>
        %swap3A_2319 = tpu.memref_squeeze %swap3A_2318 : memref<1x16x1024xf32, #tpu.memory_space<vmem>> -> memref<16x1024xf32, #tpu.memory_space<vmem>>
        %swap3A_2320 = arith.index_cast %scan3A_2197 : i32 to index
        %swap3A_2321 = arith.constant 736 : index
        %swap3A_2322 = tpu.vector_load %swap3A_2319[%swap3A_2320, %swap3A_2321] {strides = array<i32>} : memref<16x1024xf32, #tpu.memory_space<vmem>>, vector<1x16xf32>,
        %swap3A_2323 = vector.shape_cast %swap3A_2322 : vector<1x16xf32> to vector<16xf32>
        %swap3A_2324 = vector.shape_cast %mul3A_2315 : vector<16xf32> to vector<1x16xf32>
        tpu.vector_store %swap3A_2319[%swap3A_2320, %swap3A_2321], %swap3A_2324 {strides = array<i32>} : memref<16x1024xf32, #tpu.memory_space<vmem>>, vector<1x16xf32>,
        %get3A_2325 = arith.constant 0 : i32
        %get3A_2326 = arith.constant 0 : i32
        %get3A_2327 = tpu.memref_slice %arg8[%rem3A_1905, %get3A_2325, %get3A_2326] : memref<6x16x1024xf32, #tpu.memory_space<vmem>> -> memref<1x16x1024xf32, #tpu.memory_space<vmem>>
        %get3A_2328 = tpu.memref_squeeze %get3A_2327 : memref<1x16x1024xf32, #tpu.memory_space<vmem>> -> memref<16x1024xf32, #tpu.memory_space<vmem>>
        %get3A_2329 = arith.index_cast %scan3A_2197 : i32 to index
        %get3A_2330 = arith.constant 752 : index
        %get3A_2331 = tpu.vector_load %get3A_2328[%get3A_2329, %get3A_2330] {strides = array<i32>} : memref<16x1024xf32, #tpu.memory_space<vmem>>, vector<1x16xf32>,
        %get3A_2332 = vector.shape_cast %get3A_2331 : vector<1x16xf32> to vector<16xf32>
        %mul3A_2333 = arith.mulf %get3A_2332, %get3A_2100 : vector<16xf32>
        %swap3A_2334 = arith.constant 0 : i32
        %swap3A_2335 = arith.constant 0 : i32
        %swap3A_2336 = tpu.memref_slice %arg8[%rem3A_1905, %swap3A_2334, %swap3A_2335] : memref<6x16x1024xf32, #tpu.memory_space<vmem>> -> memref<1x16x1024xf32, #tpu.memory_space<vmem>>
        %swap3A_2337 = tpu.memref_squeeze %swap3A_2336 : memref<1x16x1024xf32, #tpu.memory_space<vmem>> -> memref<16x1024xf32, #tpu.memory_space<vmem>>
        %swap3A_2338 = arith.index_cast %scan3A_2197 : i32 to index
        %swap3A_2339 = arith.constant 752 : index
        %swap3A_2340 = tpu.vector_load %swap3A_2337[%swap3A_2338, %swap3A_2339] {strides = array<i32>} : memref<16x1024xf32, #tpu.memory_space<vmem>>, vector<1x16xf32>,
        %swap3A_2341 = vector.shape_cast %swap3A_2340 : vector<1x16xf32> to vector<16xf32>
        %swap3A_2342 = vector.shape_cast %mul3A_2333 : vector<16xf32> to vector<1x16xf32>
        tpu.vector_store %swap3A_2337[%swap3A_2338, %swap3A_2339], %swap3A_2342 {strides = array<i32>} : memref<16x1024xf32, #tpu.memory_space<vmem>>, vector<1x16xf32>,
        %scan3A_2343 = arith.constant 0 : i32
        scf.yield %scan3A_2343 : i32
      }
      %scan3A_2107 = arith.constant 16 : i32
      %get3A_2108 = arith.constant 768 : index
      %get3A_2109 = tpu.vector_load %arg7[%get3A_2108] {strides = array<i32>} : memref<1024xf32, #tpu.memory_space<vmem>>, vector<16xf32>,
      %get3A_2110 = vector.shape_cast %get3A_2109 : vector<16xf32> to vector<16xf32>
      %get3A_2111 = arith.constant 784 : index
      %get3A_2112 = tpu.vector_load %arg7[%get3A_2111] {strides = array<i32>} : memref<1024xf32, #tpu.memory_space<vmem>>, vector<16xf32>,
      %get3A_2113 = vector.shape_cast %get3A_2112 : vector<16xf32> to vector<16xf32>
      %get3A_2114 = arith.constant 800 : index
      %get3A_2115 = tpu.vector_load %arg7[%get3A_2114] {strides = array<i32>} : memref<1024xf32, #tpu.memory_space<vmem>>, vector<16xf32>,
      %get3A_2116 = vector.shape_cast %get3A_2115 : vector<16xf32> to vector<16xf32>
      %get3A_2117 = arith.constant 816 : index
      %get3A_2118 = tpu.vector_load %arg7[%get3A_2117] {strides = array<i32>} : memref<1024xf32, #tpu.memory_space<vmem>>, vector<16xf32>,
      %get3A_2119 = vector.shape_cast %get3A_2118 : vector<16xf32> to vector<16xf32>
      %get3A_2120 = arith.constant 832 : index
      %get3A_2121 = tpu.vector_load %arg7[%get3A_2120] {strides = array<i32>} : memref<1024xf32, #tpu.memory_space<vmem>>, vector<16xf32>,
      %get3A_2122 = vector.shape_cast %get3A_2121 : vector<16xf32> to vector<16xf32>
      %get3A_2123 = arith.constant 848 : index
      %get3A_2124 = tpu.vector_load %arg7[%get3A_2123] {strides = array<i32>} : memref<1024xf32, #tpu.memory_space<vmem>>, vector<16xf32>,
      %get3A_2125 = vector.shape_cast %get3A_2124 : vector<16xf32> to vector<16xf32>
      %get3A_2126 = arith.constant 864 : index
      %get3A_2127 = tpu.vector_load %arg7[%get3A_2126] {strides = array<i32>} : memref<1024xf32, #tpu.memory_space<vmem>>, vector<16xf32>,
      %get3A_2128 = vector.shape_cast %get3A_2127 : vector<16xf32> to vector<16xf32>
      %get3A_2129 = arith.constant 880 : index
      %get3A_2130 = tpu.vector_load %arg7[%get3A_2129] {strides = array<i32>} : memref<1024xf32, #tpu.memory_space<vmem>>, vector<16xf32>,
      %get3A_2131 = vector.shape_cast %get3A_2130 : vector<16xf32> to vector<16xf32>
      %scan3A_2132 = arith.constant 0 : i32
      %scan3A_2133 = arith.constant 0 : i32
      %scan3A_2134 = arith.constant 16 : i32
      %scan3A_2135 = arith.addi %scan3A_2133, %scan3A_2134 : i32
      %scan3A_2136 = arith.constant 1 : i32
      %scan3A_2137 = scf.for %scan3A_2197 = %scan3A_2133 to %scan3A_2135 step %scan3A_2136 iter_args(%scan3A_2198 = %scan3A_2132) -> (i32)  : i32 {
        %get3A_2199 = arith.constant 0 : i32
        %get3A_2200 = arith.constant 0 : i32
        %get3A_2201 = tpu.memref_slice %arg8[%rem3A_1905, %get3A_2199, %get3A_2200] : memref<6x16x1024xf32, #tpu.memory_space<vmem>> -> memref<1x16x1024xf32, #tpu.memory_space<vmem>>
        %get3A_2202 = tpu.memref_squeeze %get3A_2201 : memref<1x16x1024xf32, #tpu.memory_space<vmem>> -> memref<16x1024xf32, #tpu.memory_space<vmem>>
        %get3A_2203 = arith.index_cast %scan3A_2197 : i32 to index
        %get3A_2204 = arith.constant 768 : index
        %get3A_2205 = tpu.vector_load %get3A_2202[%get3A_2203, %get3A_2204] {strides = array<i32>} : memref<16x1024xf32, #tpu.memory_space<vmem>>, vector<1x16xf32>,
        %get3A_2206 = vector.shape_cast %get3A_2205 : vector<1x16xf32> to vector<16xf32>
        %mul3A_2207 = arith.mulf %get3A_2206, %get3A_2110 : vector<16xf32>
        %swap3A_2208 = arith.constant 0 : i32
        %swap3A_2209 = arith.constant 0 : i32
        %swap3A_2210 = tpu.memref_slice %arg8[%rem3A_1905, %swap3A_2208, %swap3A_2209] : memref<6x16x1024xf32, #tpu.memory_space<vmem>> -> memref<1x16x1024xf32, #tpu.memory_space<vmem>>
        %swap3A_2211 = tpu.memref_squeeze %swap3A_2210 : memref<1x16x1024xf32, #tpu.memory_space<vmem>> -> memref<16x1024xf32, #tpu.memory_space<vmem>>
        %swap3A_2212 = arith.index_cast %scan3A_2197 : i32 to index
        %swap3A_2213 = arith.constant 768 : index
        %swap3A_2214 = tpu.vector_load %swap3A_2211[%swap3A_2212, %swap3A_2213] {strides = array<i32>} : memref<16x1024xf32, #tpu.memory_space<vmem>>, vector<1x16xf32>,
        %swap3A_2215 = vector.shape_cast %swap3A_2214 : vector<1x16xf32> to vector<16xf32>
        %swap3A_2216 = vector.shape_cast %mul3A_2207 : vector<16xf32> to vector<1x16xf32>
        tpu.vector_store %swap3A_2211[%swap3A_2212, %swap3A_2213], %swap3A_2216 {strides = array<i32>} : memref<16x1024xf32, #tpu.memory_space<vmem>>, vector<1x16xf32>,
        %get3A_2217 = arith.constant 0 : i32
        %get3A_2218 = arith.constant 0 : i32
        %get3A_2219 = tpu.memref_slice %arg8[%rem3A_1905, %get3A_2217, %get3A_2218] : memref<6x16x1024xf32, #tpu.memory_space<vmem>> -> memref<1x16x1024xf32, #tpu.memory_space<vmem>>
        %get3A_2220 = tpu.memref_squeeze %get3A_2219 : memref<1x16x1024xf32, #tpu.memory_space<vmem>> -> memref<16x1024xf32, #tpu.memory_space<vmem>>
        %get3A_2221 = arith.index_cast %scan3A_2197 : i32 to index
        %get3A_2222 = arith.constant 784 : index
        %get3A_2223 = tpu.vector_load %get3A_2220[%get3A_2221, %get3A_2222] {strides = array<i32>} : memref<16x1024xf32, #tpu.memory_space<vmem>>, vector<1x16xf32>,
        %get3A_2224 = vector.shape_cast %get3A_2223 : vector<1x16xf32> to vector<16xf32>
        %mul3A_2225 = arith.mulf %get3A_2224, %get3A_2113 : vector<16xf32>
        %swap3A_2226 = arith.constant 0 : i32
        %swap3A_2227 = arith.constant 0 : i32
        %swap3A_2228 = tpu.memref_slice %arg8[%rem3A_1905, %swap3A_2226, %swap3A_2227] : memref<6x16x1024xf32, #tpu.memory_space<vmem>> -> memref<1x16x1024xf32, #tpu.memory_space<vmem>>
        %swap3A_2229 = tpu.memref_squeeze %swap3A_2228 : memref<1x16x1024xf32, #tpu.memory_space<vmem>> -> memref<16x1024xf32, #tpu.memory_space<vmem>>
        %swap3A_2230 = arith.index_cast %scan3A_2197 : i32 to index
        %swap3A_2231 = arith.constant 784 : index
        %swap3A_2232 = tpu.vector_load %swap3A_2229[%swap3A_2230, %swap3A_2231] {strides = array<i32>} : memref<16x1024xf32, #tpu.memory_space<vmem>>, vector<1x16xf32>,
        %swap3A_2233 = vector.shape_cast %swap3A_2232 : vector<1x16xf32> to vector<16xf32>
        %swap3A_2234 = vector.shape_cast %mul3A_2225 : vector<16xf32> to vector<1x16xf32>
        tpu.vector_store %swap3A_2229[%swap3A_2230, %swap3A_2231], %swap3A_2234 {strides = array<i32>} : memref<16x1024xf32, #tpu.memory_space<vmem>>, vector<1x16xf32>,
        %get3A_2235 = arith.constant 0 : i32
        %get3A_2236 = arith.constant 0 : i32
        %get3A_2237 = tpu.memref_slice %arg8[%rem3A_1905, %get3A_2235, %get3A_2236] : memref<6x16x1024xf32, #tpu.memory_space<vmem>> -> memref<1x16x1024xf32, #tpu.memory_space<vmem>>
        %get3A_2238 = tpu.memref_squeeze %get3A_2237 : memref<1x16x1024xf32, #tpu.memory_space<vmem>> -> memref<16x1024xf32, #tpu.memory_space<vmem>>
        %get3A_2239 = arith.index_cast %scan3A_2197 : i32 to index
        %get3A_2240 = arith.constant 800 : index
        %get3A_2241 = tpu.vector_load %get3A_2238[%get3A_2239, %get3A_2240] {strides = array<i32>} : memref<16x1024xf32, #tpu.memory_space<vmem>>, vector<1x16xf32>,
        %get3A_2242 = vector.shape_cast %get3A_2241 : vector<1x16xf32> to vector<16xf32>
        %mul3A_2243 = arith.mulf %get3A_2242, %get3A_2116 : vector<16xf32>
        %swap3A_2244 = arith.constant 0 : i32
        %swap3A_2245 = arith.constant 0 : i32
        %swap3A_2246 = tpu.memref_slice %arg8[%rem3A_1905, %swap3A_2244, %swap3A_2245] : memref<6x16x1024xf32, #tpu.memory_space<vmem>> -> memref<1x16x1024xf32, #tpu.memory_space<vmem>>
        %swap3A_2247 = tpu.memref_squeeze %swap3A_2246 : memref<1x16x1024xf32, #tpu.memory_space<vmem>> -> memref<16x1024xf32, #tpu.memory_space<vmem>>
        %swap3A_2248 = arith.index_cast %scan3A_2197 : i32 to index
        %swap3A_2249 = arith.constant 800 : index
        %swap3A_2250 = tpu.vector_load %swap3A_2247[%swap3A_2248, %swap3A_2249] {strides = array<i32>} : memref<16x1024xf32, #tpu.memory_space<vmem>>, vector<1x16xf32>,
        %swap3A_2251 = vector.shape_cast %swap3A_2250 : vector<1x16xf32> to vector<16xf32>
        %swap3A_2252 = vector.shape_cast %mul3A_2243 : vector<16xf32> to vector<1x16xf32>
        tpu.vector_store %swap3A_2247[%swap3A_2248, %swap3A_2249], %swap3A_2252 {strides = array<i32>} : memref<16x1024xf32, #tpu.memory_space<vmem>>, vector<1x16xf32>,
        %get3A_2253 = arith.constant 0 : i32
        %get3A_2254 = arith.constant 0 : i32
        %get3A_2255 = tpu.memref_slice %arg8[%rem3A_1905, %get3A_2253, %get3A_2254] : memref<6x16x1024xf32, #tpu.memory_space<vmem>> -> memref<1x16x1024xf32, #tpu.memory_space<vmem>>
        %get3A_2256 = tpu.memref_squeeze %get3A_2255 : memref<1x16x1024xf32, #tpu.memory_space<vmem>> -> memref<16x1024xf32, #tpu.memory_space<vmem>>
        %get3A_2257 = arith.index_cast %scan3A_2197 : i32 to index
        %get3A_2258 = arith.constant 816 : index
        %get3A_2259 = tpu.vector_load %get3A_2256[%get3A_2257, %get3A_2258] {strides = array<i32>} : memref<16x1024xf32, #tpu.memory_space<vmem>>, vector<1x16xf32>,
        %get3A_2260 = vector.shape_cast %get3A_2259 : vector<1x16xf32> to vector<16xf32>
        %mul3A_2261 = arith.mulf %get3A_2260, %get3A_2119 : vector<16xf32>
        %swap3A_2262 = arith.constant 0 : i32
        %swap3A_2263 = arith.constant 0 : i32
        %swap3A_2264 = tpu.memref_slice %arg8[%rem3A_1905, %swap3A_2262, %swap3A_2263] : memref<6x16x1024xf32, #tpu.memory_space<vmem>> -> memref<1x16x1024xf32, #tpu.memory_space<vmem>>
        %swap3A_2265 = tpu.memref_squeeze %swap3A_2264 : memref<1x16x1024xf32, #tpu.memory_space<vmem>> -> memref<16x1024xf32, #tpu.memory_space<vmem>>
        %swap3A_2266 = arith.index_cast %scan3A_2197 : i32 to index
        %swap3A_2267 = arith.constant 816 : index
        %swap3A_2268 = tpu.vector_load %swap3A_2265[%swap3A_2266, %swap3A_2267] {strides = array<i32>} : memref<16x1024xf32, #tpu.memory_space<vmem>>, vector<1x16xf32>,
        %swap3A_2269 = vector.shape_cast %swap3A_2268 : vector<1x16xf32> to vector<16xf32>
        %swap3A_2270 = vector.shape_cast %mul3A_2261 : vector<16xf32> to vector<1x16xf32>
        tpu.vector_store %swap3A_2265[%swap3A_2266, %swap3A_2267], %swap3A_2270 {strides = array<i32>} : memref<16x1024xf32, #tpu.memory_space<vmem>>, vector<1x16xf32>,
        %get3A_2271 = arith.constant 0 : i32
        %get3A_2272 = arith.constant 0 : i32
        %get3A_2273 = tpu.memref_slice %arg8[%rem3A_1905, %get3A_2271, %get3A_2272] : memref<6x16x1024xf32, #tpu.memory_space<vmem>> -> memref<1x16x1024xf32, #tpu.memory_space<vmem>>
        %get3A_2274 = tpu.memref_squeeze %get3A_2273 : memref<1x16x1024xf32, #tpu.memory_space<vmem>> -> memref<16x1024xf32, #tpu.memory_space<vmem>>
        %get3A_2275 = arith.index_cast %scan3A_2197 : i32 to index
        %get3A_2276 = arith.constant 832 : index
        %get3A_2277 = tpu.vector_load %get3A_2274[%get3A_2275, %get3A_2276] {strides = array<i32>} : memref<16x1024xf32, #tpu.memory_space<vmem>>, vector<1x16xf32>,
        %get3A_2278 = vector.shape_cast %get3A_2277 : vector<1x16xf32> to vector<16xf32>
        %mul3A_2279 = arith.mulf %get3A_2278, %get3A_2122 : vector<16xf32>
        %swap3A_2280 = arith.constant 0 : i32
        %swap3A_2281 = arith.constant 0 : i32
        %swap3A_2282 = tpu.memref_slice %arg8[%rem3A_1905, %swap3A_2280, %swap3A_2281] : memref<6x16x1024xf32, #tpu.memory_space<vmem>> -> memref<1x16x1024xf32, #tpu.memory_space<vmem>>
        %swap3A_2283 = tpu.memref_squeeze %swap3A_2282 : memref<1x16x1024xf32, #tpu.memory_space<vmem>> -> memref<16x1024xf32, #tpu.memory_space<vmem>>
        %swap3A_2284 = arith.index_cast %scan3A_2197 : i32 to index
        %swap3A_2285 = arith.constant 832 : index
        %swap3A_2286 = tpu.vector_load %swap3A_2283[%swap3A_2284, %swap3A_2285] {strides = array<i32>} : memref<16x1024xf32, #tpu.memory_space<vmem>>, vector<1x16xf32>,
        %swap3A_2287 = vector.shape_cast %swap3A_2286 : vector<1x16xf32> to vector<16xf32>
        %swap3A_2288 = vector.shape_cast %mul3A_2279 : vector<16xf32> to vector<1x16xf32>
        tpu.vector_store %swap3A_2283[%swap3A_2284, %swap3A_2285], %swap3A_2288 {strides = array<i32>} : memref<16x1024xf32, #tpu.memory_space<vmem>>, vector<1x16xf32>,
        %get3A_2289 = arith.constant 0 : i32
        %get3A_2290 = arith.constant 0 : i32
        %get3A_2291 = tpu.memref_slice %arg8[%rem3A_1905, %get3A_2289, %get3A_2290] : memref<6x16x1024xf32, #tpu.memory_space<vmem>> -> memref<1x16x1024xf32, #tpu.memory_space<vmem>>
        %get3A_2292 = tpu.memref_squeeze %get3A_2291 : memref<1x16x1024xf32, #tpu.memory_space<vmem>> -> memref<16x1024xf32, #tpu.memory_space<vmem>>
        %get3A_2293 = arith.index_cast %scan3A_2197 : i32 to index
        %get3A_2294 = arith.constant 848 : index
        %get3A_2295 = tpu.vector_load %get3A_2292[%get3A_2293, %get3A_2294] {strides = array<i32>} : memref<16x1024xf32, #tpu.memory_space<vmem>>, vector<1x16xf32>,
        %get3A_2296 = vector.shape_cast %get3A_2295 : vector<1x16xf32> to vector<16xf32>
        %mul3A_2297 = arith.mulf %get3A_2296, %get3A_2125 : vector<16xf32>
        %swap3A_2298 = arith.constant 0 : i32
        %swap3A_2299 = arith.constant 0 : i32
        %swap3A_2300 = tpu.memref_slice %arg8[%rem3A_1905, %swap3A_2298, %swap3A_2299] : memref<6x16x1024xf32, #tpu.memory_space<vmem>> -> memref<1x16x1024xf32, #tpu.memory_space<vmem>>
        %swap3A_2301 = tpu.memref_squeeze %swap3A_2300 : memref<1x16x1024xf32, #tpu.memory_space<vmem>> -> memref<16x1024xf32, #tpu.memory_space<vmem>>
        %swap3A_2302 = arith.index_cast %scan3A_2197 : i32 to index
        %swap3A_2303 = arith.constant 848 : index
        %swap3A_2304 = tpu.vector_load %swap3A_2301[%swap3A_2302, %swap3A_2303] {strides = array<i32>} : memref<16x1024xf32, #tpu.memory_space<vmem>>, vector<1x16xf32>,
        %swap3A_2305 = vector.shape_cast %swap3A_2304 : vector<1x16xf32> to vector<16xf32>
        %swap3A_2306 = vector.shape_cast %mul3A_2297 : vector<16xf32> to vector<1x16xf32>
        tpu.vector_store %swap3A_2301[%swap3A_2302, %swap3A_2303], %swap3A_2306 {strides = array<i32>} : memref<16x1024xf32, #tpu.memory_space<vmem>>, vector<1x16xf32>,
        %get3A_2307 = arith.constant 0 : i32
        %get3A_2308 = arith.constant 0 : i32
        %get3A_2309 = tpu.memref_slice %arg8[%rem3A_1905, %get3A_2307, %get3A_2308] : memref<6x16x1024xf32, #tpu.memory_space<vmem>> -> memref<1x16x1024xf32, #tpu.memory_space<vmem>>
        %get3A_2310 = tpu.memref_squeeze %get3A_2309 : memref<1x16x1024xf32, #tpu.memory_space<vmem>> -> memref<16x1024xf32, #tpu.memory_space<vmem>>
        %get3A_2311 = arith.index_cast %scan3A_2197 : i32 to index
        %get3A_2312 = arith.constant 864 : index
        %get3A_2313 = tpu.vector_load %get3A_2310[%get3A_2311, %get3A_2312] {strides = array<i32>} : memref<16x1024xf32, #tpu.memory_space<vmem>>, vector<1x16xf32>,
        %get3A_2314 = vector.shape_cast %get3A_2313 : vector<1x16xf32> to vector<16xf32>
        %mul3A_2315 = arith.mulf %get3A_2314, %get3A_2128 : vector<16xf32>
        %swap3A_2316 = arith.constant 0 : i32
        %swap3A_2317 = arith.constant 0 : i32
        %swap3A_2318 = tpu.memref_slice %arg8[%rem3A_1905, %swap3A_2316, %swap3A_2317] : memref<6x16x1024xf32, #tpu.memory_space<vmem>> -> memref<1x16x1024xf32, #tpu.memory_space<vmem>>
        %swap3A_2319 = tpu.memref_squeeze %swap3A_2318 : memref<1x16x1024xf32, #tpu.memory_space<vmem>> -> memref<16x1024xf32, #tpu.memory_space<vmem>>
        %swap3A_2320 = arith.index_cast %scan3A_2197 : i32 to index
        %swap3A_2321 = arith.constant 864 : index
        %swap3A_2322 = tpu.vector_load %swap3A_2319[%swap3A_2320, %swap3A_2321] {strides = array<i32>} : memref<16x1024xf32, #tpu.memory_space<vmem>>, vector<1x16xf32>,
        %swap3A_2323 = vector.shape_cast %swap3A_2322 : vector<1x16xf32> to vector<16xf32>
        %swap3A_2324 = vector.shape_cast %mul3A_2315 : vector<16xf32> to vector<1x16xf32>
        tpu.vector_store %swap3A_2319[%swap3A_2320, %swap3A_2321], %swap3A_2324 {strides = array<i32>} : memref<16x1024xf32, #tpu.memory_space<vmem>>, vector<1x16xf32>,
        %get3A_2325 = arith.constant 0 : i32
        %get3A_2326 = arith.constant 0 : i32
        %get3A_2327 = tpu.memref_slice %arg8[%rem3A_1905, %get3A_2325, %get3A_2326] : memref<6x16x1024xf32, #tpu.memory_space<vmem>> -> memref<1x16x1024xf32, #tpu.memory_space<vmem>>
        %get3A_2328 = tpu.memref_squeeze %get3A_2327 : memref<1x16x1024xf32, #tpu.memory_space<vmem>> -> memref<16x1024xf32, #tpu.memory_space<vmem>>
        %get3A_2329 = arith.index_cast %scan3A_2197 : i32 to index
        %get3A_2330 = arith.constant 880 : index
        %get3A_2331 = tpu.vector_load %get3A_2328[%get3A_2329, %get3A_2330] {strides = array<i32>} : memref<16x1024xf32, #tpu.memory_space<vmem>>, vector<1x16xf32>,
        %get3A_2332 = vector.shape_cast %get3A_2331 : vector<1x16xf32> to vector<16xf32>
        %mul3A_2333 = arith.mulf %get3A_2332, %get3A_2131 : vector<16xf32>
        %swap3A_2334 = arith.constant 0 : i32
        %swap3A_2335 = arith.constant 0 : i32
        %swap3A_2336 = tpu.memref_slice %arg8[%rem3A_1905, %swap3A_2334, %swap3A_2335] : memref<6x16x1024xf32, #tpu.memory_space<vmem>> -> memref<1x16x1024xf32, #tpu.memory_space<vmem>>
        %swap3A_2337 = tpu.memref_squeeze %swap3A_2336 : memref<1x16x1024xf32, #tpu.memory_space<vmem>> -> memref<16x1024xf32, #tpu.memory_space<vmem>>
        %swap3A_2338 = arith.index_cast %scan3A_2197 : i32 to index
        %swap3A_2339 = arith.constant 880 : index
        %swap3A_2340 = tpu.vector_load %swap3A_2337[%swap3A_2338, %swap3A_2339] {strides = array<i32>} : memref<16x1024xf32, #tpu.memory_space<vmem>>, vector<1x16xf32>,
        %swap3A_2341 = vector.shape_cast %swap3A_2340 : vector<1x16xf32> to vector<16xf32>
        %swap3A_2342 = vector.shape_cast %mul3A_2333 : vector<16xf32> to vector<1x16xf32>
        tpu.vector_store %swap3A_2337[%swap3A_2338, %swap3A_2339], %swap3A_2342 {strides = array<i32>} : memref<16x1024xf32, #tpu.memory_space<vmem>>, vector<1x16xf32>,
        %scan3A_2343 = arith.constant 0 : i32
        scf.yield %scan3A_2343 : i32
      }
      %scan3A_2138 = arith.constant 16 : i32
      %get3A_2139 = arith.constant 896 : index
      %get3A_2140 = tpu.vector_load %arg7[%get3A_2139] {strides = array<i32>} : memref<1024xf32, #tpu.memory_space<vmem>>, vector<16xf32>,
      %get3A_2141 = vector.shape_cast %get3A_2140 : vector<16xf32> to vector<16xf32>
      %get3A_2142 = arith.constant 912 : index
      %get3A_2143 = tpu.vector_load %arg7[%get3A_2142] {strides = array<i32>} : memref<1024xf32, #tpu.memory_space<vmem>>, vector<16xf32>,
      %get3A_2144 = vector.shape_cast %get3A_2143 : vector<16xf32> to vector<16xf32>
      %get3A_2145 = arith.constant 928 : index
      %get3A_2146 = tpu.vector_load %arg7[%get3A_2145] {strides = array<i32>} : memref<1024xf32, #tpu.memory_space<vmem>>, vector<16xf32>,
      %get3A_2147 = vector.shape_cast %get3A_2146 : vector<16xf32> to vector<16xf32>
      %get3A_2148 = arith.constant 944 : index
      %get3A_2149 = tpu.vector_load %arg7[%get3A_2148] {strides = array<i32>} : memref<1024xf32, #tpu.memory_space<vmem>>, vector<16xf32>,
      %get3A_2150 = vector.shape_cast %get3A_2149 : vector<16xf32> to vector<16xf32>
      %get3A_2151 = arith.constant 960 : index
      %get3A_2152 = tpu.vector_load %arg7[%get3A_2151] {strides = array<i32>} : memref<1024xf32, #tpu.memory_space<vmem>>, vector<16xf32>,
      %get3A_2153 = vector.shape_cast %get3A_2152 : vector<16xf32> to vector<16xf32>
      %get3A_2154 = arith.constant 976 : index
      %get3A_2155 = tpu.vector_load %arg7[%get3A_2154] {strides = array<i32>} : memref<1024xf32, #tpu.memory_space<vmem>>, vector<16xf32>,
      %get3A_2156 = vector.shape_cast %get3A_2155 : vector<16xf32> to vector<16xf32>
      %get3A_2157 = arith.constant 992 : index
      %get3A_2158 = tpu.vector_load %arg7[%get3A_2157] {strides = array<i32>} : memref<1024xf32, #tpu.memory_space<vmem>>, vector<16xf32>,
      %get3A_2159 = vector.shape_cast %get3A_2158 : vector<16xf32> to vector<16xf32>
      %get3A_2160 = arith.constant 1008 : index
      %get3A_2161 = tpu.vector_load %arg7[%get3A_2160] {strides = array<i32>} : memref<1024xf32, #tpu.memory_space<vmem>>, vector<16xf32>,
      %get3A_2162 = vector.shape_cast %get3A_2161 : vector<16xf32> to vector<16xf32>
      %scan3A_2163 = arith.constant 0 : i32
      %scan3A_2164 = arith.constant 0 : i32
      %scan3A_2165 = arith.constant 16 : i32
      %scan3A_2166 = arith.addi %scan3A_2164, %scan3A_2165 : i32
      %scan3A_2167 = arith.constant 1 : i32
      %scan3A_2168 = scf.for %scan3A_2197 = %scan3A_2164 to %scan3A_2166 step %scan3A_2167 iter_args(%scan3A_2198 = %scan3A_2163) -> (i32)  : i32 {
        %get3A_2199 = arith.constant 0 : i32
        %get3A_2200 = arith.constant 0 : i32
        %get3A_2201 = tpu.memref_slice %arg8[%rem3A_1905, %get3A_2199, %get3A_2200] : memref<6x16x1024xf32, #tpu.memory_space<vmem>> -> memref<1x16x1024xf32, #tpu.memory_space<vmem>>
        %get3A_2202 = tpu.memref_squeeze %get3A_2201 : memref<1x16x1024xf32, #tpu.memory_space<vmem>> -> memref<16x1024xf32, #tpu.memory_space<vmem>>
        %get3A_2203 = arith.index_cast %scan3A_2197 : i32 to index
        %get3A_2204 = arith.constant 896 : index
        %get3A_2205 = tpu.vector_load %get3A_2202[%get3A_2203, %get3A_2204] {strides = array<i32>} : memref<16x1024xf32, #tpu.memory_space<vmem>>, vector<1x16xf32>,
        %get3A_2206 = vector.shape_cast %get3A_2205 : vector<1x16xf32> to vector<16xf32>
        %mul3A_2207 = arith.mulf %get3A_2206, %get3A_2141 : vector<16xf32>
        %swap3A_2208 = arith.constant 0 : i32
        %swap3A_2209 = arith.constant 0 : i32
        %swap3A_2210 = tpu.memref_slice %arg8[%rem3A_1905, %swap3A_2208, %swap3A_2209] : memref<6x16x1024xf32, #tpu.memory_space<vmem>> -> memref<1x16x1024xf32, #tpu.memory_space<vmem>>
        %swap3A_2211 = tpu.memref_squeeze %swap3A_2210 : memref<1x16x1024xf32, #tpu.memory_space<vmem>> -> memref<16x1024xf32, #tpu.memory_space<vmem>>
        %swap3A_2212 = arith.index_cast %scan3A_2197 : i32 to index
        %swap3A_2213 = arith.constant 896 : index
        %swap3A_2214 = tpu.vector_load %swap3A_2211[%swap3A_2212, %swap3A_2213] {strides = array<i32>} : memref<16x1024xf32, #tpu.memory_space<vmem>>, vector<1x16xf32>,
        %swap3A_2215 = vector.shape_cast %swap3A_2214 : vector<1x16xf32> to vector<16xf32>
        %swap3A_2216 = vector.shape_cast %mul3A_2207 : vector<16xf32> to vector<1x16xf32>
        tpu.vector_store %swap3A_2211[%swap3A_2212, %swap3A_2213], %swap3A_2216 {strides = array<i32>} : memref<16x1024xf32, #tpu.memory_space<vmem>>, vector<1x16xf32>,
        %get3A_2217 = arith.constant 0 : i32
        %get3A_2218 = arith.constant 0 : i32
        %get3A_2219 = tpu.memref_slice %arg8[%rem3A_1905, %get3A_2217, %get3A_2218] : memref<6x16x1024xf32, #tpu.memory_space<vmem>> -> memref<1x16x1024xf32, #tpu.memory_space<vmem>>
        %get3A_2220 = tpu.memref_squeeze %get3A_2219 : memref<1x16x1024xf32, #tpu.memory_space<vmem>> -> memref<16x1024xf32, #tpu.memory_space<vmem>>
        %get3A_2221 = arith.index_cast %scan3A_2197 : i32 to index
        %get3A_2222 = arith.constant 912 : index
        %get3A_2223 = tpu.vector_load %get3A_2220[%get3A_2221, %get3A_2222] {strides = array<i32>} : memref<16x1024xf32, #tpu.memory_space<vmem>>, vector<1x16xf32>,
        %get3A_2224 = vector.shape_cast %get3A_2223 : vector<1x16xf32> to vector<16xf32>
        %mul3A_2225 = arith.mulf %get3A_2224, %get3A_2144 : vector<16xf32>
        %swap3A_2226 = arith.constant 0 : i32
        %swap3A_2227 = arith.constant 0 : i32
        %swap3A_2228 = tpu.memref_slice %arg8[%rem3A_1905, %swap3A_2226, %swap3A_2227] : memref<6x16x1024xf32, #tpu.memory_space<vmem>> -> memref<1x16x1024xf32, #tpu.memory_space<vmem>>
        %swap3A_2229 = tpu.memref_squeeze %swap3A_2228 : memref<1x16x1024xf32, #tpu.memory_space<vmem>> -> memref<16x1024xf32, #tpu.memory_space<vmem>>
        %swap3A_2230 = arith.index_cast %scan3A_2197 : i32 to index
        %swap3A_2231 = arith.constant 912 : index
        %swap3A_2232 = tpu.vector_load %swap3A_2229[%swap3A_2230, %swap3A_2231] {strides = array<i32>} : memref<16x1024xf32, #tpu.memory_space<vmem>>, vector<1x16xf32>,
        %swap3A_2233 = vector.shape_cast %swap3A_2232 : vector<1x16xf32> to vector<16xf32>
        %swap3A_2234 = vector.shape_cast %mul3A_2225 : vector<16xf32> to vector<1x16xf32>
        tpu.vector_store %swap3A_2229[%swap3A_2230, %swap3A_2231], %swap3A_2234 {strides = array<i32>} : memref<16x1024xf32, #tpu.memory_space<vmem>>, vector<1x16xf32>,
        %get3A_2235 = arith.constant 0 : i32
        %get3A_2236 = arith.constant 0 : i32
        %get3A_2237 = tpu.memref_slice %arg8[%rem3A_1905, %get3A_2235, %get3A_2236] : memref<6x16x1024xf32, #tpu.memory_space<vmem>> -> memref<1x16x1024xf32, #tpu.memory_space<vmem>>
        %get3A_2238 = tpu.memref_squeeze %get3A_2237 : memref<1x16x1024xf32, #tpu.memory_space<vmem>> -> memref<16x1024xf32, #tpu.memory_space<vmem>>
        %get3A_2239 = arith.index_cast %scan3A_2197 : i32 to index
        %get3A_2240 = arith.constant 928 : index
        %get3A_2241 = tpu.vector_load %get3A_2238[%get3A_2239, %get3A_2240] {strides = array<i32>} : memref<16x1024xf32, #tpu.memory_space<vmem>>, vector<1x16xf32>,
        %get3A_2242 = vector.shape_cast %get3A_2241 : vector<1x16xf32> to vector<16xf32>
        %mul3A_2243 = arith.mulf %get3A_2242, %get3A_2147 : vector<16xf32>
        %swap3A_2244 = arith.constant 0 : i32
        %swap3A_2245 = arith.constant 0 : i32
        %swap3A_2246 = tpu.memref_slice %arg8[%rem3A_1905, %swap3A_2244, %swap3A_2245] : memref<6x16x1024xf32, #tpu.memory_space<vmem>> -> memref<1x16x1024xf32, #tpu.memory_space<vmem>>
        %swap3A_2247 = tpu.memref_squeeze %swap3A_2246 : memref<1x16x1024xf32, #tpu.memory_space<vmem>> -> memref<16x1024xf32, #tpu.memory_space<vmem>>
        %swap3A_2248 = arith.index_cast %scan3A_2197 : i32 to index
        %swap3A_2249 = arith.constant 928 : index
        %swap3A_2250 = tpu.vector_load %swap3A_2247[%swap3A_2248, %swap3A_2249] {strides = array<i32>} : memref<16x1024xf32, #tpu.memory_space<vmem>>, vector<1x16xf32>,
        %swap3A_2251 = vector.shape_cast %swap3A_2250 : vector<1x16xf32> to vector<16xf32>
        %swap3A_2252 = vector.shape_cast %mul3A_2243 : vector<16xf32> to vector<1x16xf32>
        tpu.vector_store %swap3A_2247[%swap3A_2248, %swap3A_2249], %swap3A_2252 {strides = array<i32>} : memref<16x1024xf32, #tpu.memory_space<vmem>>, vector<1x16xf32>,
        %get3A_2253 = arith.constant 0 : i32
        %get3A_2254 = arith.constant 0 : i32
        %get3A_2255 = tpu.memref_slice %arg8[%rem3A_1905, %get3A_2253, %get3A_2254] : memref<6x16x1024xf32, #tpu.memory_space<vmem>> -> memref<1x16x1024xf32, #tpu.memory_space<vmem>>
        %get3A_2256 = tpu.memref_squeeze %get3A_2255 : memref<1x16x1024xf32, #tpu.memory_space<vmem>> -> memref<16x1024xf32, #tpu.memory_space<vmem>>
        %get3A_2257 = arith.index_cast %scan3A_2197 : i32 to index
        %get3A_2258 = arith.constant 944 : index
        %get3A_2259 = tpu.vector_load %get3A_2256[%get3A_2257, %get3A_2258] {strides = array<i32>} : memref<16x1024xf32, #tpu.memory_space<vmem>>, vector<1x16xf32>,
        %get3A_2260 = vector.shape_cast %get3A_2259 : vector<1x16xf32> to vector<16xf32>
        %mul3A_2261 = arith.mulf %get3A_2260, %get3A_2150 : vector<16xf32>
        %swap3A_2262 = arith.constant 0 : i32
        %swap3A_2263 = arith.constant 0 : i32
        %swap3A_2264 = tpu.memref_slice %arg8[%rem3A_1905, %swap3A_2262, %swap3A_2263] : memref<6x16x1024xf32, #tpu.memory_space<vmem>> -> memref<1x16x1024xf32, #tpu.memory_space<vmem>>
        %swap3A_2265 = tpu.memref_squeeze %swap3A_2264 : memref<1x16x1024xf32, #tpu.memory_space<vmem>> -> memref<16x1024xf32, #tpu.memory_space<vmem>>
        %swap3A_2266 = arith.index_cast %scan3A_2197 : i32 to index
        %swap3A_2267 = arith.constant 944 : index
        %swap3A_2268 = tpu.vector_load %swap3A_2265[%swap3A_2266, %swap3A_2267] {strides = array<i32>} : memref<16x1024xf32, #tpu.memory_space<vmem>>, vector<1x16xf32>,
        %swap3A_2269 = vector.shape_cast %swap3A_2268 : vector<1x16xf32> to vector<16xf32>
        %swap3A_2270 = vector.shape_cast %mul3A_2261 : vector<16xf32> to vector<1x16xf32>
        tpu.vector_store %swap3A_2265[%swap3A_2266, %swap3A_2267], %swap3A_2270 {strides = array<i32>} : memref<16x1024xf32, #tpu.memory_space<vmem>>, vector<1x16xf32>,
        %get3A_2271 = arith.constant 0 : i32
        %get3A_2272 = arith.constant 0 : i32
        %get3A_2273 = tpu.memref_slice %arg8[%rem3A_1905, %get3A_2271, %get3A_2272] : memref<6x16x1024xf32, #tpu.memory_space<vmem>> -> memref<1x16x1024xf32, #tpu.memory_space<vmem>>
        %get3A_2274 = tpu.memref_squeeze %get3A_2273 : memref<1x16x1024xf32, #tpu.memory_space<vmem>> -> memref<16x1024xf32, #tpu.memory_space<vmem>>
        %get3A_2275 = arith.index_cast %scan3A_2197 : i32 to index
        %get3A_2276 = arith.constant 960 : index
        %get3A_2277 = tpu.vector_load %get3A_2274[%get3A_2275, %get3A_2276] {strides = array<i32>} : memref<16x1024xf32, #tpu.memory_space<vmem>>, vector<1x16xf32>,
        %get3A_2278 = vector.shape_cast %get3A_2277 : vector<1x16xf32> to vector<16xf32>
        %mul3A_2279 = arith.mulf %get3A_2278, %get3A_2153 : vector<16xf32>
        %swap3A_2280 = arith.constant 0 : i32
        %swap3A_2281 = arith.constant 0 : i32
        %swap3A_2282 = tpu.memref_slice %arg8[%rem3A_1905, %swap3A_2280, %swap3A_2281] : memref<6x16x1024xf32, #tpu.memory_space<vmem>> -> memref<1x16x1024xf32, #tpu.memory_space<vmem>>
        %swap3A_2283 = tpu.memref_squeeze %swap3A_2282 : memref<1x16x1024xf32, #tpu.memory_space<vmem>> -> memref<16x1024xf32, #tpu.memory_space<vmem>>
        %swap3A_2284 = arith.index_cast %scan3A_2197 : i32 to index
        %swap3A_2285 = arith.constant 960 : index
        %swap3A_2286 = tpu.vector_load %swap3A_2283[%swap3A_2284, %swap3A_2285] {strides = array<i32>} : memref<16x1024xf32, #tpu.memory_space<vmem>>, vector<1x16xf32>,
        %swap3A_2287 = vector.shape_cast %swap3A_2286 : vector<1x16xf32> to vector<16xf32>
        %swap3A_2288 = vector.shape_cast %mul3A_2279 : vector<16xf32> to vector<1x16xf32>
        tpu.vector_store %swap3A_2283[%swap3A_2284, %swap3A_2285], %swap3A_2288 {strides = array<i32>} : memref<16x1024xf32, #tpu.memory_space<vmem>>, vector<1x16xf32>,
        %get3A_2289 = arith.constant 0 : i32
        %get3A_2290 = arith.constant 0 : i32
        %get3A_2291 = tpu.memref_slice %arg8[%rem3A_1905, %get3A_2289, %get3A_2290] : memref<6x16x1024xf32, #tpu.memory_space<vmem>> -> memref<1x16x1024xf32, #tpu.memory_space<vmem>>
        %get3A_2292 = tpu.memref_squeeze %get3A_2291 : memref<1x16x1024xf32, #tpu.memory_space<vmem>> -> memref<16x1024xf32, #tpu.memory_space<vmem>>
        %get3A_2293 = arith.index_cast %scan3A_2197 : i32 to index
        %get3A_2294 = arith.constant 976 : index
        %get3A_2295 = tpu.vector_load %get3A_2292[%get3A_2293, %get3A_2294] {strides = array<i32>} : memref<16x1024xf32, #tpu.memory_space<vmem>>, vector<1x16xf32>,
        %get3A_2296 = vector.shape_cast %get3A_2295 : vector<1x16xf32> to vector<16xf32>
        %mul3A_2297 = arith.mulf %get3A_2296, %get3A_2156 : vector<16xf32>
        %swap3A_2298 = arith.constant 0 : i32
        %swap3A_2299 = arith.constant 0 : i32
        %swap3A_2300 = tpu.memref_slice %arg8[%rem3A_1905, %swap3A_2298, %swap3A_2299] : memref<6x16x1024xf32, #tpu.memory_space<vmem>> -> memref<1x16x1024xf32, #tpu.memory_space<vmem>>
        %swap3A_2301 = tpu.memref_squeeze %swap3A_2300 : memref<1x16x1024xf32, #tpu.memory_space<vmem>> -> memref<16x1024xf32, #tpu.memory_space<vmem>>
        %swap3A_2302 = arith.index_cast %scan3A_2197 : i32 to index
        %swap3A_2303 = arith.constant 976 : index
        %swap3A_2304 = tpu.vector_load %swap3A_2301[%swap3A_2302, %swap3A_2303] {strides = array<i32>} : memref<16x1024xf32, #tpu.memory_space<vmem>>, vector<1x16xf32>,
        %swap3A_2305 = vector.shape_cast %swap3A_2304 : vector<1x16xf32> to vector<16xf32>
        %swap3A_2306 = vector.shape_cast %mul3A_2297 : vector<16xf32> to vector<1x16xf32>
        tpu.vector_store %swap3A_2301[%swap3A_2302, %swap3A_2303], %swap3A_2306 {strides = array<i32>} : memref<16x1024xf32, #tpu.memory_space<vmem>>, vector<1x16xf32>,
        %get3A_2307 = arith.constant 0 : i32
        %get3A_2308 = arith.constant 0 : i32
        %get3A_2309 = tpu.memref_slice %arg8[%rem3A_1905, %get3A_2307, %get3A_2308] : memref<6x16x1024xf32, #tpu.memory_space<vmem>> -> memref<1x16x1024xf32, #tpu.memory_space<vmem>>
        %get3A_2310 = tpu.memref_squeeze %get3A_2309 : memref<1x16x1024xf32, #tpu.memory_space<vmem>> -> memref<16x1024xf32, #tpu.memory_space<vmem>>
        %get3A_2311 = arith.index_cast %scan3A_2197 : i32 to index
        %get3A_2312 = arith.constant 992 : index
        %get3A_2313 = tpu.vector_load %get3A_2310[%get3A_2311, %get3A_2312] {strides = array<i32>} : memref<16x1024xf32, #tpu.memory_space<vmem>>, vector<1x16xf32>,
        %get3A_2314 = vector.shape_cast %get3A_2313 : vector<1x16xf32> to vector<16xf32>
        %mul3A_2315 = arith.mulf %get3A_2314, %get3A_2159 : vector<16xf32>
        %swap3A_2316 = arith.constant 0 : i32
        %swap3A_2317 = arith.constant 0 : i32
        %swap3A_2318 = tpu.memref_slice %arg8[%rem3A_1905, %swap3A_2316, %swap3A_2317] : memref<6x16x1024xf32, #tpu.memory_space<vmem>> -> memref<1x16x1024xf32, #tpu.memory_space<vmem>>
        %swap3A_2319 = tpu.memref_squeeze %swap3A_2318 : memref<1x16x1024xf32, #tpu.memory_space<vmem>> -> memref<16x1024xf32, #tpu.memory_space<vmem>>
        %swap3A_2320 = arith.index_cast %scan3A_2197 : i32 to index
        %swap3A_2321 = arith.constant 992 : index
        %swap3A_2322 = tpu.vector_load %swap3A_2319[%swap3A_2320, %swap3A_2321] {strides = array<i32>} : memref<16x1024xf32, #tpu.memory_space<vmem>>, vector<1x16xf32>,
        %swap3A_2323 = vector.shape_cast %swap3A_2322 : vector<1x16xf32> to vector<16xf32>
        %swap3A_2324 = vector.shape_cast %mul3A_2315 : vector<16xf32> to vector<1x16xf32>
        tpu.vector_store %swap3A_2319[%swap3A_2320, %swap3A_2321], %swap3A_2324 {strides = array<i32>} : memref<16x1024xf32, #tpu.memory_space<vmem>>, vector<1x16xf32>,
        %get3A_2325 = arith.constant 0 : i32
        %get3A_2326 = arith.constant 0 : i32
        %get3A_2327 = tpu.memref_slice %arg8[%rem3A_1905, %get3A_2325, %get3A_2326] : memref<6x16x1024xf32, #tpu.memory_space<vmem>> -> memref<1x16x1024xf32, #tpu.memory_space<vmem>>
        %get3A_2328 = tpu.memref_squeeze %get3A_2327 : memref<1x16x1024xf32, #tpu.memory_space<vmem>> -> memref<16x1024xf32, #tpu.memory_space<vmem>>
        %get3A_2329 = arith.index_cast %scan3A_2197 : i32 to index
        %get3A_2330 = arith.constant 1008 : index
        %get3A_2331 = tpu.vector_load %get3A_2328[%get3A_2329, %get3A_2330] {strides = array<i32>} : memref<16x1024xf32, #tpu.memory_space<vmem>>, vector<1x16xf32>,
        %get3A_2332 = vector.shape_cast %get3A_2331 : vector<1x16xf32> to vector<16xf32>
        %mul3A_2333 = arith.mulf %get3A_2332, %get3A_2162 : vector<16xf32>
        %swap3A_2334 = arith.constant 0 : i32
        %swap3A_2335 = arith.constant 0 : i32
        %swap3A_2336 = tpu.memref_slice %arg8[%rem3A_1905, %swap3A_2334, %swap3A_2335] : memref<6x16x1024xf32, #tpu.memory_space<vmem>> -> memref<1x16x1024xf32, #tpu.memory_space<vmem>>
        %swap3A_2337 = tpu.memref_squeeze %swap3A_2336 : memref<1x16x1024xf32, #tpu.memory_space<vmem>> -> memref<16x1024xf32, #tpu.memory_space<vmem>>
        %swap3A_2338 = arith.index_cast %scan3A_2197 : i32 to index
        %swap3A_2339 = arith.constant 1008 : index
        %swap3A_2340 = tpu.vector_load %swap3A_2337[%swap3A_2338, %swap3A_2339] {strides = array<i32>} : memref<16x1024xf32, #tpu.memory_space<vmem>>, vector<1x16xf32>,
        %swap3A_2341 = vector.shape_cast %swap3A_2340 : vector<1x16xf32> to vector<16xf32>
        %swap3A_2342 = vector.shape_cast %mul3A_2333 : vector<16xf32> to vector<1x16xf32>
        tpu.vector_store %swap3A_2337[%swap3A_2338, %swap3A_2339], %swap3A_2342 {strides = array<i32>} : memref<16x1024xf32, #tpu.memory_space<vmem>>, vector<1x16xf32>,
        %scan3A_2343 = arith.constant 0 : i32
        scf.yield %scan3A_2343 : i32
      }
      %scan3A_2169 = arith.constant 16 : i32
      "tpu.trace_stop"() : () -> ()
      %mul3A_2170 = arith.constant 16 : i32
      %mul3A_2171 = arith.muli %scan3A_1902, %mul3A_2170 : i32
      %add3A_2172 = arith.addi %mul3A_2, %mul3A_2171 : i32
      %dma_start3A_2173 = arith.constant 0 : i32
      %dma_start3A_2174 = arith.constant 0 : i32
      %dma_start3A_2175 = tpu.memref_slice %arg8[%rem3A_1905, %dma_start3A_2173, %dma_start3A_2174] : memref<6x16x1024xf32, #tpu.memory_space<vmem>> -> memref<1x16x1024xf32, #tpu.memory_space<vmem>>
      %dma_start3A_2176 = tpu.memref_squeeze %dma_start3A_2175 : memref<1x16x1024xf32, #tpu.memory_space<vmem>> -> memref<16x1024xf32, #tpu.memory_space<vmem>>
      %dma_start3A_2177 = arith.constant 0 : i32
      %dma_start3A_2178 = tpu.memref_slice %arg5[%add3A_2172, %dma_start3A_2177] : memref<16384x1024xf32, #tpu.memory_space<hbm>> -> memref<16x1024xf32, #tpu.memory_space<hbm>>
      %dma_start3A_2179 = tpu.memref_slice %arg10[%rem3A_1905] : memref<6x!tpu.dma_semaphore, #tpu.memory_space<semaphore_mem>> -> memref<1x!tpu.dma_semaphore, #tpu.memory_space<semaphore_mem>>
      %dma_start3A_2180 = tpu.memref_squeeze %dma_start3A_2179 : memref<1x!tpu.dma_semaphore, #tpu.memory_space<semaphore_mem>> -> memref<!tpu.dma_semaphore, #tpu.memory_space<semaphore_mem>>
      %dma_start3A_2181 = arith.constant 0 : i32
      %dma_start3A_2182 = tpu.memref_slice %arg5[%add3A_2172, %dma_start3A_2181] : memref<16384x1024xf32, #tpu.memory_space<hbm>> -> memref<16x1024xf32, #tpu.memory_space<hbm>>
      %dma_start3A_2183 = arith.constant 0 : i32
      %dma_start3A_2184 = arith.constant 0 : i32
      %dma_start3A_2185 = tpu.memref_slice %arg8[%rem3A_1905, %dma_start3A_2183, %dma_start3A_2184] : memref<6x16x1024xf32, #tpu.memory_space<vmem>> -> memref<1x16x1024xf32, #tpu.memory_space<vmem>>
      %dma_start3A_2186 = tpu.memref_squeeze %dma_start3A_2185 : memref<1x16x1024xf32, #tpu.memory_space<vmem>> -> memref<16x1024xf32, #tpu.memory_space<vmem>>
      tpu.enqueue_dma source(%dma_start3A_2186 : memref<16x1024xf32, #tpu.memory_space<vmem>>) target(%dma_start3A_2182 : memref<16x1024xf32, #tpu.memory_space<hbm>>) target_semaphore(%dma_start3A_2180 : memref<!tpu.dma_semaphore, #tpu.memory_space<semaphore_mem>>)
      %add3A_2187 = arith.constant 3 : i32
      %add3A_2188 = arith.addi %scan3A_1902, %add3A_2187 : i32
      %rem3A_2189 = arith.constant 6 : i32
      %rem3A_2190 = arith.remsi %add3A_2188, %rem3A_2189 : i32
      %lt3A_2191 = arith.constant 32 : i32
      %lt3A_2192 = arith.cmpi slt, %add3A_2188, %lt3A_2191 : i32
      %convert_element_type3A_2193 = arith.extui %lt3A_2192 : i1 to i32
      %cond3A_2194 = arith.constant 0 : i32
      %cond3A_2195 = arith.cmpi ne, %convert_element_type3A_2193, %cond3A_2194 : i32
      scf.if %cond3A_2195 {
        %ge3A = arith.constant 6 : i32
        %ge3A_2197 = arith.cmpi sge, %add3A_2188, %ge3A : i32
        %convert_element_type3A_2198 = arith.extui %ge3A_2197 : i1 to i32
        %cond3A_2199 = arith.constant 0 : i32
        %cond3A_2200 = arith.cmpi ne, %convert_element_type3A_2198, %cond3A_2199 : i32
        scf.if %cond3A_2200 {
          "tpu.trace_start"() <{level = 10 : i32, message = "wait_store"}> : () -> ()
          %dma_wait3A_2215 = arith.constant 0 : i32
          %dma_wait3A_2216 = arith.constant 0 : i32
          %dma_wait3A_2217 = tpu.memref_slice %arg8[%rem3A_2190, %dma_wait3A_2215, %dma_wait3A_2216] : memref<6x16x1024xf32, #tpu.memory_space<vmem>> -> memref<1x16x1024xf32, #tpu.memory_space<vmem>>
          %dma_wait3A_2218 = tpu.memref_squeeze %dma_wait3A_2217 : memref<1x16x1024xf32, #tpu.memory_space<vmem>> -> memref<16x1024xf32, #tpu.memory_space<vmem>>
          %dma_wait3A_2219 = arith.constant 0 : i32
          %dma_wait3A_2220 = arith.constant 0 : i32
          %dma_wait3A_2221 = tpu.memref_slice %arg5[%dma_wait3A_2219, %dma_wait3A_2220] : memref<16384x1024xf32, #tpu.memory_space<hbm>> -> memref<16x1024xf32, #tpu.memory_space<hbm>>
          %dma_wait3A_2222 = tpu.memref_slice %arg10[%rem3A_2190] : memref<6x!tpu.dma_semaphore, #tpu.memory_space<semaphore_mem>> -> memref<1x!tpu.dma_semaphore, #tpu.memory_space<semaphore_mem>>
          %dma_wait3A_2223 = tpu.memref_squeeze %dma_wait3A_2222 : memref<1x!tpu.dma_semaphore, #tpu.memory_space<semaphore_mem>> -> memref<!tpu.dma_semaphore, #tpu.memory_space<semaphore_mem>>
          %dma_wait3A_2224 = arith.constant 0 : i32
          %dma_wait3A_2225 = arith.constant 0 : i32
          %dma_wait3A_2226 = tpu.memref_slice %arg5[%dma_wait3A_2224, %dma_wait3A_2225] : memref<16384x1024xf32, #tpu.memory_space<hbm>> -> memref<16x1024xf32, #tpu.memory_space<hbm>>
          %dma_wait3A_2227 = arith.constant 0 : i32
          %dma_wait3A_2228 = arith.constant 0 : i32
          %dma_wait3A_2229 = tpu.memref_slice %arg8[%rem3A_2190, %dma_wait3A_2227, %dma_wait3A_2228] : memref<6x16x1024xf32, #tpu.memory_space<vmem>> -> memref<1x16x1024xf32, #tpu.memory_space<vmem>>
          %dma_wait3A_2230 = tpu.memref_squeeze %dma_wait3A_2229 : memref<1x16x1024xf32, #tpu.memory_space<vmem>> -> memref<16x1024xf32, #tpu.memory_space<vmem>>
          tpu.wait_dma2 semaphore(%dma_wait3A_2223 : memref<!tpu.dma_semaphore, #tpu.memory_space<semaphore_mem>>) src(%dma_wait3A_2230 : memref<16x1024xf32, #tpu.memory_space<vmem>>) dst(%dma_wait3A_2226 : memref<16x1024xf32, #tpu.memory_space<hbm>>)
          "tpu.trace_stop"() : () -> ()
        } else {
        }
        %mul3A_2201 = arith.constant 16 : i32
        %mul3A_2202 = arith.muli %add3A_2188, %mul3A_2201 : i32
        %add3A_2203 = arith.constant 16 : i32
        %add3A_2204 = arith.addi %add3A_2203, %mul3A_2202 : i32
        %dma_start3A_2205 = arith.constant 0 : i32
        %dma_start3A_2206 = arith.constant 0 : i32
        %dma_start3A_2207 = tpu.memref_slice %arg8[%rem3A_2190, %dma_start3A_2205, %dma_start3A_2206] : memref<6x16x1024xf32, #tpu.memory_space<vmem>> -> memref<1x16x1024xf32, #tpu.memory_space<vmem>>
        %dma_start3A_2208 = tpu.memref_squeeze %dma_start3A_2207 : memref<1x16x1024xf32, #tpu.memory_space<vmem>> -> memref<16x1024xf32, #tpu.memory_space<vmem>>
        %dma_start3A_2209 = tpu.memref_slice %arg6[%add3A_2204] : memref<528xi32, #tpu.memory_space<vmem>> -> memref<16xi32, #tpu.memory_space<vmem>>
        %dma_start3A_2210 = arith.constant 0 : i32
        %dma_start3A_2211 = arith.constant 0 : i32
        %dma_start3A_2212 = tpu.memref_slice %arg4[%dma_start3A_2210, %dma_start3A_2211] : memref<32768x1024xf32, #tpu.memory_space<hbm>> -> memref<32768x1024xf32, #tpu.memory_space<hbm>>
        %dma_start3A_2213 = tpu.memref_slice %arg9[%rem3A_2190] : memref<6x!tpu.dma_semaphore, #tpu.memory_space<semaphore_mem>> -> memref<1x!tpu.dma_semaphore, #tpu.memory_space<semaphore_mem>>
        %dma_start3A_2214 = tpu.memref_squeeze %dma_start3A_2213 : memref<1x!tpu.dma_semaphore, #tpu.memory_space<semaphore_mem>> -> memref<!tpu.dma_semaphore, #tpu.memory_space<semaphore_mem>>
        tpu.enqueue_indirect_dma source(%dma_start3A_2212 : memref<32768x1024xf32, #tpu.memory_space<hbm>>) target(%dma_start3A_2208 : memref<16x1024xf32, #tpu.memory_space<vmem>>) offsets(%dma_start3A_2209 : memref<16xi32, #tpu.memory_space<vmem>>) semaphore(%dma_start3A_2214 : memref<!tpu.dma_semaphore, #tpu.memory_space<semaphore_mem>>)
      } else {
      }
      %scan3A_2196 = arith.constant 0 : i32
      scf.yield %scan3A_2196 : i32
    }
    %scan3A_1794 = arith.constant 32 : i32
    %dma_wait3A = arith.constant 2 : i32
    %dma_wait3A_1795 = arith.constant 2 : i32
    %dma_wait3A_1796 = arith.constant 0 : i32
    %dma_wait3A_1797 = arith.constant 0 : i32
    %dma_wait3A_1798 = tpu.memref_slice %arg8[%dma_wait3A, %dma_wait3A_1796, %dma_wait3A_1797] : memref<6x16x1024xf32, #tpu.memory_space<vmem>> -> memref<1x16x1024xf32, #tpu.memory_space<vmem>>
    %dma_wait3A_1799 = tpu.memref_squeeze %dma_wait3A_1798 : memref<1x16x1024xf32, #tpu.memory_space<vmem>> -> memref<16x1024xf32, #tpu.memory_space<vmem>>
    %dma_wait3A_1800 = arith.constant 0 : i32
    %dma_wait3A_1801 = arith.constant 0 : i32
    %dma_wait3A_1802 = tpu.memref_slice %arg5[%dma_wait3A_1800, %dma_wait3A_1801] : memref<16384x1024xf32, #tpu.memory_space<hbm>> -> memref<16x1024xf32, #tpu.memory_space<hbm>>
    %dma_wait3A_1803 = tpu.memref_slice %arg10[%dma_wait3A_1795] : memref<6x!tpu.dma_semaphore, #tpu.memory_space<semaphore_mem>> -> memref<1x!tpu.dma_semaphore, #tpu.memory_space<semaphore_mem>>
    %dma_wait3A_1804 = tpu.memref_squeeze %dma_wait3A_1803 : memref<1x!tpu.dma_semaphore, #tpu.memory_space<semaphore_mem>> -> memref<!tpu.dma_semaphore, #tpu.memory_space<semaphore_mem>>
    %dma_wait3A_1805 = arith.constant 0 : i32
    %dma_wait3A_1806 = arith.constant 0 : i32
    %dma_wait3A_1807 = tpu.memref_slice %arg5[%dma_wait3A_1805, %dma_wait3A_1806] : memref<16384x1024xf32, #tpu.memory_space<hbm>> -> memref<16x1024xf32, #tpu.memory_space<hbm>>
    %dma_wait3A_1808 = arith.constant 0 : i32
    %dma_wait3A_1809 = arith.constant 0 : i32
    %dma_wait3A_1810 = tpu.memref_slice %arg8[%dma_wait3A, %dma_wait3A_1808, %dma_wait3A_1809] : memref<6x16x1024xf32, #tpu.memory_space<vmem>> -> memref<1x16x1024xf32, #tpu.memory_space<vmem>>
    %dma_wait3A_1811 = tpu.memref_squeeze %dma_wait3A_1810 : memref<1x16x1024xf32, #tpu.memory_space<vmem>> -> memref<16x1024xf32, #tpu.memory_space<vmem>>
    tpu.wait_dma2 semaphore(%dma_wait3A_1804 : memref<!tpu.dma_semaphore, #tpu.memory_space<semaphore_mem>>) src(%dma_wait3A_1811 : memref<16x1024xf32, #tpu.memory_space<vmem>>) dst(%dma_wait3A_1807 : memref<16x1024xf32, #tpu.memory_space<hbm>>)
    %dma_wait3A_1812 = arith.constant 3 : i32
    %dma_wait3A_1813 = arith.constant 3 : i32
    %dma_wait3A_1814 = arith.constant 0 : i32
    %dma_wait3A_1815 = arith.constant 0 : i32
    %dma_wait3A_1816 = tpu.memref_slice %arg8[%dma_wait3A_1812, %dma_wait3A_1814, %dma_wait3A_1815] : memref<6x16x1024xf32, #tpu.memory_space<vmem>> -> memref<1x16x1024xf32, #tpu.memory_space<vmem>>
    %dma_wait3A_1817 = tpu.memref_squeeze %dma_wait3A_1816 : memref<1x16x1024xf32, #tpu.memory_space<vmem>> -> memref<16x1024xf32, #tpu.memory_space<vmem>>
    %dma_wait3A_1818 = arith.constant 0 : i32
    %dma_wait3A_1819 = arith.constant 0 : i32
    %dma_wait3A_1820 = tpu.memref_slice %arg5[%dma_wait3A_1818, %dma_wait3A_1819] : memref<16384x1024xf32, #tpu.memory_space<hbm>> -> memref<16x1024xf32, #tpu.memory_space<hbm>>
    %dma_wait3A_1821 = tpu.memref_slice %arg10[%dma_wait3A_1813] : memref<6x!tpu.dma_semaphore, #tpu.memory_space<semaphore_mem>> -> memref<1x!tpu.dma_semaphore, #tpu.memory_space<semaphore_mem>>
    %dma_wait3A_1822 = tpu.memref_squeeze %dma_wait3A_1821 : memref<1x!tpu.dma_semaphore, #tpu.memory_space<semaphore_mem>> -> memref<!tpu.dma_semaphore, #tpu.memory_space<semaphore_mem>>
    %dma_wait3A_1823 = arith.constant 0 : i32
    %dma_wait3A_1824 = arith.constant 0 : i32
    %dma_wait3A_1825 = tpu.memref_slice %arg5[%dma_wait3A_1823, %dma_wait3A_1824] : memref<16384x1024xf32, #tpu.memory_space<hbm>> -> memref<16x1024xf32, #tpu.memory_space<hbm>>
    %dma_wait3A_1826 = arith.constant 0 : i32
    %dma_wait3A_1827 = arith.constant 0 : i32
    %dma_wait3A_1828 = tpu.memref_slice %arg8[%dma_wait3A_1812, %dma_wait3A_1826, %dma_wait3A_1827] : memref<6x16x1024xf32, #tpu.memory_space<vmem>> -> memref<1x16x1024xf32, #tpu.memory_space<vmem>>
    %dma_wait3A_1829 = tpu.memref_squeeze %dma_wait3A_1828 : memref<1x16x1024xf32, #tpu.memory_space<vmem>> -> memref<16x1024xf32, #tpu.memory_space<vmem>>
    tpu.wait_dma2 semaphore(%dma_wait3A_1822 : memref<!tpu.dma_semaphore, #tpu.memory_space<semaphore_mem>>) src(%dma_wait3A_1829 : memref<16x1024xf32, #tpu.memory_space<vmem>>) dst(%dma_wait3A_1825 : memref<16x1024xf32, #tpu.memory_space<hbm>>)
    %dma_wait3A_1830 = arith.constant 4 : i32
    %dma_wait3A_1831 = arith.constant 4 : i32
    %dma_wait3A_1832 = arith.constant 0 : i32
    %dma_wait3A_1833 = arith.constant 0 : i32
    %dma_wait3A_1834 = tpu.memref_slice %arg8[%dma_wait3A_1830, %dma_wait3A_1832, %dma_wait3A_1833] : memref<6x16x1024xf32, #tpu.memory_space<vmem>> -> memref<1x16x1024xf32, #tpu.memory_space<vmem>>
    %dma_wait3A_1835 = tpu.memref_squeeze %dma_wait3A_1834 : memref<1x16x1024xf32, #tpu.memory_space<vmem>> -> memref<16x1024xf32, #tpu.memory_space<vmem>>
    %dma_wait3A_1836 = arith.constant 0 : i32
    %dma_wait3A_1837 = arith.constant 0 : i32
    %dma_wait3A_1838 = tpu.memref_slice %arg5[%dma_wait3A_1836, %dma_wait3A_1837] : memref<16384x1024xf32, #tpu.memory_space<hbm>> -> memref<16x1024xf32, #tpu.memory_space<hbm>>
    %dma_wait3A_1839 = tpu.memref_slice %arg10[%dma_wait3A_1831] : memref<6x!tpu.dma_semaphore, #tpu.memory_space<semaphore_mem>> -> memref<1x!tpu.dma_semaphore, #tpu.memory_space<semaphore_mem>>
    %dma_wait3A_1840 = tpu.memref_squeeze %dma_wait3A_1839 : memref<1x!tpu.dma_semaphore, #tpu.memory_space<semaphore_mem>> -> memref<!tpu.dma_semaphore, #tpu.memory_space<semaphore_mem>>
    %dma_wait3A_1841 = arith.constant 0 : i32
    %dma_wait3A_1842 = arith.constant 0 : i32
    %dma_wait3A_1843 = tpu.memref_slice %arg5[%dma_wait3A_1841, %dma_wait3A_1842] : memref<16384x1024xf32, #tpu.memory_space<hbm>> -> memref<16x1024xf32, #tpu.memory_space<hbm>>
    %dma_wait3A_1844 = arith.constant 0 : i32
    %dma_wait3A_1845 = arith.constant 0 : i32
    %dma_wait3A_1846 = tpu.memref_slice %arg8[%dma_wait3A_1830, %dma_wait3A_1844, %dma_wait3A_1845] : memref<6x16x1024xf32, #tpu.memory_space<vmem>> -> memref<1x16x1024xf32, #tpu.memory_space<vmem>>
    %dma_wait3A_1847 = tpu.memref_squeeze %dma_wait3A_1846 : memref<1x16x1024xf32, #tpu.memory_space<vmem>> -> memref<16x1024xf32, #tpu.memory_space<vmem>>
    tpu.wait_dma2 semaphore(%dma_wait3A_1840 : memref<!tpu.dma_semaphore, #tpu.memory_space<semaphore_mem>>) src(%dma_wait3A_1847 : memref<16x1024xf32, #tpu.memory_space<vmem>>) dst(%dma_wait3A_1843 : memref<16x1024xf32, #tpu.memory_space<hbm>>)
    %dma_wait3A_1848 = arith.constant 5 : i32
    %dma_wait3A_1849 = arith.constant 5 : i32
    %dma_wait3A_1850 = arith.constant 0 : i32
    %dma_wait3A_1851 = arith.constant 0 : i32
    %dma_wait3A_1852 = tpu.memref_slice %arg8[%dma_wait3A_1848, %dma_wait3A_1850, %dma_wait3A_1851] : memref<6x16x1024xf32, #tpu.memory_space<vmem>> -> memref<1x16x1024xf32, #tpu.memory_space<vmem>>
    %dma_wait3A_1853 = tpu.memref_squeeze %dma_wait3A_1852 : memref<1x16x1024xf32, #tpu.memory_space<vmem>> -> memref<16x1024xf32, #tpu.memory_space<vmem>>
    %dma_wait3A_1854 = arith.constant 0 : i32
    %dma_wait3A_1855 = arith.constant 0 : i32
    %dma_wait3A_1856 = tpu.memref_slice %arg5[%dma_wait3A_1854, %dma_wait3A_1855] : memref<16384x1024xf32, #tpu.memory_space<hbm>> -> memref<16x1024xf32, #tpu.memory_space<hbm>>
    %dma_wait3A_1857 = tpu.memref_slice %arg10[%dma_wait3A_1849] : memref<6x!tpu.dma_semaphore, #tpu.memory_space<semaphore_mem>> -> memref<1x!tpu.dma_semaphore, #tpu.memory_space<semaphore_mem>>
    %dma_wait3A_1858 = tpu.memref_squeeze %dma_wait3A_1857 : memref<1x!tpu.dma_semaphore, #tpu.memory_space<semaphore_mem>> -> memref<!tpu.dma_semaphore, #tpu.memory_space<semaphore_mem>>
    %dma_wait3A_1859 = arith.constant 0 : i32
    %dma_wait3A_1860 = arith.constant 0 : i32
    %dma_wait3A_1861 = tpu.memref_slice %arg5[%dma_wait3A_1859, %dma_wait3A_1860] : memref<16384x1024xf32, #tpu.memory_space<hbm>> -> memref<16x1024xf32, #tpu.memory_space<hbm>>
    %dma_wait3A_1862 = arith.constant 0 : i32
    %dma_wait3A_1863 = arith.constant 0 : i32
    %dma_wait3A_1864 = tpu.memref_slice %arg8[%dma_wait3A_1848, %dma_wait3A_1862, %dma_wait3A_1863] : memref<6x16x1024xf32, #tpu.memory_space<vmem>> -> memref<1x16x1024xf32, #tpu.memory_space<vmem>>
    %dma_wait3A_1865 = tpu.memref_squeeze %dma_wait3A_1864 : memref<1x16x1024xf32, #tpu.memory_space<vmem>> -> memref<16x1024xf32, #tpu.memory_space<vmem>>
    tpu.wait_dma2 semaphore(%dma_wait3A_1858 : memref<!tpu.dma_semaphore, #tpu.memory_space<semaphore_mem>>) src(%dma_wait3A_1865 : memref<16x1024xf32, #tpu.memory_space<vmem>>) dst(%dma_wait3A_1861 : memref<16x1024xf32, #tpu.memory_space<hbm>>)
    %dma_wait3A_1866 = arith.constant 0 : i32
    %dma_wait3A_1867 = arith.constant 0 : i32
    %dma_wait3A_1868 = arith.constant 0 : i32
    %dma_wait3A_1869 = arith.constant 0 : i32
    %dma_wait3A_1870 = tpu.memref_slice %arg8[%dma_wait3A_1866, %dma_wait3A_1868, %dma_wait3A_1869] : memref<6x16x1024xf32, #tpu.memory_space<vmem>> -> memref<1x16x1024xf32, #tpu.memory_space<vmem>>
    %dma_wait3A_1871 = tpu.memref_squeeze %dma_wait3A_1870 : memref<1x16x1024xf32, #tpu.memory_space<vmem>> -> memref<16x1024xf32, #tpu.memory_space<vmem>>
    %dma_wait3A_1872 = arith.constant 0 : i32
    %dma_wait3A_1873 = arith.constant 0 : i32
    %dma_wait3A_1874 = tpu.memref_slice %arg5[%dma_wait3A_1872, %dma_wait3A_1873] : memref<16384x1024xf32, #tpu.memory_space<hbm>> -> memref<16x1024xf32, #tpu.memory_space<hbm>>
    %dma_wait3A_1875 = tpu.memref_slice %arg10[%dma_wait3A_1867] : memref<6x!tpu.dma_semaphore, #tpu.memory_space<semaphore_mem>> -> memref<1x!tpu.dma_semaphore, #tpu.memory_space<semaphore_mem>>
    %dma_wait3A_1876 = tpu.memref_squeeze %dma_wait3A_1875 : memref<1x!tpu.dma_semaphore, #tpu.memory_space<semaphore_mem>> -> memref<!tpu.dma_semaphore, #tpu.memory_space<semaphore_mem>>
    %dma_wait3A_1877 = arith.constant 0 : i32
    %dma_wait3A_1878 = arith.constant 0 : i32
    %dma_wait3A_1879 = tpu.memref_slice %arg5[%dma_wait3A_1877, %dma_wait3A_1878] : memref<16384x1024xf32, #tpu.memory_space<hbm>> -> memref<16x1024xf32, #tpu.memory_space<hbm>>
    %dma_wait3A_1880 = arith.constant 0 : i32
    %dma_wait3A_1881 = arith.constant 0 : i32
    %dma_wait3A_1882 = tpu.memref_slice %arg8[%dma_wait3A_1866, %dma_wait3A_1880, %dma_wait3A_1881] : memref<6x16x1024xf32, #tpu.memory_space<vmem>> -> memref<1x16x1024xf32, #tpu.memory_space<vmem>>
    %dma_wait3A_1883 = tpu.memref_squeeze %dma_wait3A_1882 : memref<1x16x1024xf32, #tpu.memory_space<vmem>> -> memref<16x1024xf32, #tpu.memory_space<vmem>>
    tpu.wait_dma2 semaphore(%dma_wait3A_1876 : memref<!tpu.dma_semaphore, #tpu.memory_space<semaphore_mem>>) src(%dma_wait3A_1883 : memref<16x1024xf32, #tpu.memory_space<vmem>>) dst(%dma_wait3A_1879 : memref<16x1024xf32, #tpu.memory_space<hbm>>)
    %dma_wait3A_1884 = arith.constant 1 : i32
    %dma_wait3A_1885 = arith.constant 1 : i32
    %dma_wait3A_1886 = arith.constant 0 : i32
    %dma_wait3A_1887 = arith.constant 0 : i32
    %dma_wait3A_1888 = tpu.memref_slice %arg8[%dma_wait3A_1884, %dma_wait3A_1886, %dma_wait3A_1887] : memref<6x16x1024xf32, #tpu.memory_space<vmem>> -> memref<1x16x1024xf32, #tpu.memory_space<vmem>>
    %dma_wait3A_1889 = tpu.memref_squeeze %dma_wait3A_1888 : memref<1x16x1024xf32, #tpu.memory_space<vmem>> -> memref<16x1024xf32, #tpu.memory_space<vmem>>
    %dma_wait3A_1890 = arith.constant 0 : i32
    %dma_wait3A_1891 = arith.constant 0 : i32
    %dma_wait3A_1892 = tpu.memref_slice %arg5[%dma_wait3A_1890, %dma_wait3A_1891] : memref<16384x1024xf32, #tpu.memory_space<hbm>> -> memref<16x1024xf32, #tpu.memory_space<hbm>>
    %dma_wait3A_1893 = tpu.memref_slice %arg10[%dma_wait3A_1885] : memref<6x!tpu.dma_semaphore, #tpu.memory_space<semaphore_mem>> -> memref<1x!tpu.dma_semaphore, #tpu.memory_space<semaphore_mem>>
    %dma_wait3A_1894 = tpu.memref_squeeze %dma_wait3A_1893 : memref<1x!tpu.dma_semaphore, #tpu.memory_space<semaphore_mem>> -> memref<!tpu.dma_semaphore, #tpu.memory_space<semaphore_mem>>
    %dma_wait3A_1895 = arith.constant 0 : i32
    %dma_wait3A_1896 = arith.constant 0 : i32
    %dma_wait3A_1897 = tpu.memref_slice %arg5[%dma_wait3A_1895, %dma_wait3A_1896] : memref<16384x1024xf32, #tpu.memory_space<hbm>> -> memref<16x1024xf32, #tpu.memory_space<hbm>>
    %dma_wait3A_1898 = arith.constant 0 : i32
    %dma_wait3A_1899 = arith.constant 0 : i32
    %dma_wait3A_1900 = tpu.memref_slice %arg8[%dma_wait3A_1884, %dma_wait3A_1898, %dma_wait3A_1899] : memref<6x16x1024xf32, #tpu.memory_space<vmem>> -> memref<1x16x1024xf32, #tpu.memory_space<vmem>>
    %dma_wait3A_1901 = tpu.memref_squeeze %dma_wait3A_1900 : memref<1x16x1024xf32, #tpu.memory_space<vmem>> -> memref<16x1024xf32, #tpu.memory_space<vmem>>
    tpu.wait_dma2 semaphore(%dma_wait3A_1894 : memref<!tpu.dma_semaphore, #tpu.memory_space<semaphore_mem>>) src(%dma_wait3A_1901 : memref<16x1024xf32, #tpu.memory_space<vmem>>) dst(%dma_wait3A_1897 : memref<16x1024xf32, #tpu.memory_space<hbm>>)
    return
  }
}

</mosaic_0001>

<sc_bundles>
// kernel: _run.3.cloned.1.call-start
scs
__scs_entry_jumppad:
0x0: {  	(pc) =	sbr.rel $0x88, $3  }
0x1: {  	(tag) =	ssettag $0x0;
	lr =	simm.s32 $0x1  }
0x2: {  	[smem:$0x3F9E] =	sst lr;
	_ =	strace $0xD0000000  }
0x3: {  	_ = 	snop  }
0x4: {  	_ = 	snop  }
0x5: {  	_ = 	snop  }
0x6: {  	_ = 	snop  }
0x7: {  	_ = 	snop  }
__scs_overlays_trampoline_lowered:
0x8: {  	[smem:$0x3FAD] =	sst s0  }
0x9: {  	[smem:$0x3FAE] =	sst s1  }
0xa: {  	[smem:$0x3FAF] =	sst s2  }
0xb: {  	[smem:$0x3FB0] =	sst s3  }
0xc: {  	[smem:$0x3FB1] =	sst s4  }
0xd: {  	[smem:$0x3FB2] =	sst s5  }
0xe: {  	[smem:$0x3FB3] =	sst s6  }
0xf: {  	[smem:$0x3FB4] =	sst s7  }
0x10: {  	[smem:$0x3FB5] =	sst s8  }
0x11: {  	[smem:$0x3FB6] =	sst s9;
	s0 =	simm.s32 @!p0 $0x0  }
0x12: {  	s1 =	sld [smem:$0x3F9C];
	s0 =	simm.s32 @p0 $0x1  }
0x13: {  	[smem:$0x3FB7] =	sst s0;
	s0 =	simm.s32 @!p1 $0x0  }
0x14: {  	s2 =	sld [smem:$0x3F9B];
	s0 =	simm.s32 @p1 $0x1  }
0x15: {  	[smem:$0x3FB8] =	sst s0;
	s0 =	simm.s32 @!p2 $0x0  }
0x16: {  	s3 =	sld [smem:$0x3FDB];
	s0 =	simm.s32 @p2 $0x1  }
0x17: {  	s4 =	simm.s32 $0x1BF5;
	[smem:$0x3FBA] =	sst s0  }
0x18: {  	s0 =	sld [smem:$0x3F9D];
	_ =	swait.ge [sflag:s4], $0x0  }
0x19: {  	s7 =	sld [smem:$0x3F9E]  }
0x1a: {  	s8 =	sadd.s32 $0xFFFFE003, lr  }
0x1b: {  	s9 =	sadd.s32 $0xFFFFFEF7, lr;
	s5 =	simm.s32 $0xFFFFFFFF;
	p2 =	slt.u32 s8, $0xFFFFF086  }
0x1c: {  	p1 =	slt.u32 s9, $0xF7A;
	s5 =	simm.s32 @!p2 $0x0  }
0x1d: {  	s5 =	simm.s32 @p1 $0x1;
	p0 =	seq.s32 s7, s2  }
0x1e: {  	s7 =	smul.u32 @!p0 $0xF7A, s2;
	p2 =	seq.s32 @!p0 s5, $0x0  }
0x1f: {  	s9 =	smul.u32 $0xF7A, s1;
	s8 =	simm.s32 @!p0 $0x1BF5;
	p2 =	por !p2, p0  }
0x20: {  	[sflag:s8] =	ssyncset.s32 @!p0 $0xFFFFF086;
	s6 =	sadd.s32 @!p0 s3, s7;
	s7 =	simm.s32 @!p0 $0x108  }
0x21: {  	s3 =	sadd.s32 s3, s9;
	s6 =	sadd.s32 @!p0 $0x88, s6;
	s7 =	simm.s32 @p2 $0x1082  }
0x22: {  	[simem:s7], [sflag:s8] =	dma.local @!p0 [hbm:s6], $0xF7A  }
0x23: {  	s9 =	sor.u32 $0xD0000000, s2;
	s6 =	simm.s32 $0x108;
	_ =	swait.ge @!p0 [sflag:s8], $0x0  }
0x24: {  	s3 =	sadd.s32 $0x88, s3;
	s6 =	simm.s32 @!p1 $0x1082;
	[sflag:s4] =	ssyncset.s32 $0xFFFFF086  }
0x25: {  	[simem:s6], [sflag:s4] =	dma.local [hbm:s3], $0xF7A  }
0x26: {  	[smem:$0x3F9E] =	sst s1;
	(tag) =	ssettag s2;
	_ =	strace s9  }
0x27: {  	s1 =	sld [smem:$0x3FAE]  }
0x28: {  	s2 =	sld [smem:$0x3FAF]  }
0x29: {  	s4 =	sld [smem:$0x3FB1]  }
0x2a: {  	p0 =	seq.s32 s5, $0x0;
	s5 =	sld [smem:$0x3FB2]  }
0x2b: {  	s6 =	sld [smem:$0x3FB3]  }
0x2c: {  	s7 =	sld [smem:$0x3FB4]  }
0x2d: {  	s3 =	simm.s32 $0x108;
	s8 =	sld [smem:$0x3FB5]  }
0x2e: {  	s3 =	simm.s32 @!p0 $0x1082;
	s9 =	sld [smem:$0x3FB6]  }
0x2f: {  	lr =	sadd.s32 s0, s3;
	s0 =	sld [smem:$0x3FAD]  }
0x30: {  	s3 =	sld [smem:$0x3FB0]  }
0x31: {  	[smem:$0x3FB9] =	sst s10  }
0x32: {  	s10 =	sld [smem:$0x3FB7];
	_ =	sdelay $0x3  }
0x33: {  	p0 =	seq.s32 s10, $0x1;
	s10 =	sld [smem:$0x3FB9];
	_ =	sdelay $0x3  }
0x34: {  	[smem:$0x3FB9] =	sst s10  }
0x35: {  	s10 =	sld [smem:$0x3FB8];
	_ =	sdelay $0x3  }
0x36: {  	p1 =	seq.s32 s10, $0x1;
	s10 =	sld [smem:$0x3FB9];
	_ =	sdelay $0x3  }
0x37: {  	[smem:$0x3FB9] =	sst s10  }
0x38: {  	s10 =	sld [smem:$0x3FBA]  }
0x39: {  	_ = 	snop;
	(pc) =	sbr.ind lr, $3  }
0x3a: {  	_ = 	snop  }
0x3b: {  	_ = 	snop  }
0x3c: {  	p2 =	seq.s32 s10, $0x1;
	s10 =	sld [smem:$0x3FB9]  }
0x3d: {  	_ =	shalt  }
0x3e: {  	_ =	shalt  }
0x3f: {  	_ =	shalt  }
0x40: {  	_ =	shalt  }
0x41: {  	_ =	shalt  }
0x42: {  	_ =	shalt  }
0x43: {  	_ =	shalt  }
0x44: {  	_ =	shalt  }
0x45: {  	_ =	shalt  }
0x46: {  	_ =	shalt  }
0x47: {  	_ =	shalt  }
0x48: {  	_ =	shalt  }
0x49: {  	_ =	shalt  }
0x4a: {  	_ =	shalt  }
0x4b: {  	_ =	shalt  }
0x4c: {  	_ =	shalt  }
0x4d: {  	_ =	shalt  }
0x4e: {  	_ =	shalt  }
0x4f: {  	_ =	shalt  }
0x50: {  	_ =	shalt  }
0x51: {  	_ =	shalt  }
0x52: {  	_ =	shalt  }
0x53: {  	_ =	shalt  }
0x54: {  	_ =	shalt  }
0x55: {  	_ =	shalt  }
0x56: {  	_ =	shalt  }
0x57: {  	_ =	shalt  }
0x58: {  	_ =	shalt  }
0x59: {  	_ =	shalt  }
0x5a: {  	_ =	shalt  }
0x5b: {  	_ =	shalt  }
0x5c: {  	_ =	shalt  }
0x5d: {  	_ =	shalt  }
0x5e: {  	_ =	shalt  }
0x5f: {  	_ =	shalt  }
0x60: {  	_ =	shalt  }
0x61: {  	_ =	shalt  }
0x62: {  	_ =	shalt  }
0x63: {  	_ =	shalt  }
0x64: {  	_ =	shalt  }
0x65: {  	_ =	shalt  }
0x66: {  	_ =	shalt  }
0x67: {  	_ =	shalt  }
0x68: {  	_ =	shalt  }
0x69: {  	_ =	shalt  }
0x6a: {  	_ =	shalt  }
0x6b: {  	_ =	shalt  }
0x6c: {  	_ =	shalt  }
0x6d: {  	_ =	shalt  }
0x6e: {  	_ =	shalt  }
0x6f: {  	_ =	shalt  }
0x70: {  	_ =	shalt  }
0x71: {  	_ =	shalt  }
0x72: {  	_ =	shalt  }
0x73: {  	_ =	shalt  }
0x74: {  	_ =	shalt  }
0x75: {  	_ =	shalt  }
0x76: {  	_ =	shalt  }
0x77: {  	_ =	shalt  }
0x78: {  	_ =	shalt  }
0x79: {  	_ =	shalt  }
0x7a: {  	_ =	shalt  }
0x7b: {  	_ =	shalt  }
0x7c: {  	_ =	shalt  }
0x7d: {  	_ =	shalt  }
0x7e: {  	_ =	shalt  }
0x7f: {  	_ =	shalt  }
0x80: {  	_ =	shalt  }
0x81: {  	_ =	shalt  }
0x82: {  	_ =	shalt  }
0x83: {  	_ =	shalt  }
0x84: {  	_ =	shalt  }
0x85: {  	_ =	shalt  }
0x86: {  	_ =	shalt  }
0x87: {  	_ =	shalt  }
.Lfunc_end0:
.L_simem_size_0:
called_computation_lowered:
.L_overlay_start_0:
0x88: {  	s2 =	sld [smem:$0x3FD9]  }
0x89: {  	s3 =	sld [smem:$0x3FFE];
	_ =	sdelay $0x1  }
0x8a: {  	s1 =	srdreg.scid  }
0x8b: {  	s0 =	sand.u32 $0x1, s1  }
0x8c: {  	s18 =	sshll.u32 s0, $0xA;
	s2 =	sadd.s32 s3, s2  }
0x8d: {  	s2 =	sadd.s32 s2, s18  }
0x8e: {  	[smem:$0x3FC5] =	sst s2  }
0x8f: {  	_ = 	snop  }
0x90: {  	s2 =	sld [smem:$0x3FC9]  }
0x91: {  	s19 =	sld [smem:$0x3FC8]  }
0x92: {  	s4 =	sld [smem:$0x3FC7]  }
0x93: {  	s5 =	sld [smem:$0x3FD0];
	(tm) =	ssettm $0x1  }
0x94: {  	s6 =	sld [smem:$0x3FFB];
	_ =	sdelay $0x3  }
0x95: {  	_ =	strace s6  }
0x96: {  	s6 =	sld [smem:$0x3FFC];
	_ =	sdelay $0x3  }
0x97: {  	_ =	strace s6  }
0x98: {  	s6 =	sld [smem:$0x3FFD];
	_ =	sdelay $0x3  }
0x99: {  	_ =	strace s6  }
0x9a: {  	_ =	strace $0x8FFFFFFF  }
0x9b: {  	s20 =	sld [smem:$0x3FDB];
	_ =	sdelay $0x1  }
0x9c: {  	s7 =	simm.s32 $_scs_section_size  }
0x9d: {  	s8 =	simm.s32 $_size__tile_overlayer_lowered;
	s9 =	simm.s32 $_tile_overlayer_lowered  }
0x9e: {  	s23 =	simm.s32 $0x1BFF;
	s22 =	sshll.u32 s9, $0x1;
	s6 =	sadd.s32 s7, s20  }
0x9f: {  	s10 =	simm.s32 $0x0;
	s21 =	sshll.u32 s8, $0x1;
	s8 =	sadd.s32 s22, s6  }
0xa0: {  	[timem:s10], [sflag:s23] =	dma.local [hbm:s8], s21  }
0xa1: {  	_ =	swait.ge [sflag:s23], s21  }
0xa2: {  	s7 =	ssub.s32 $0x0, s21;
	[sflag:s23] =	ssyncset.done $0x0  }
0xa3: {  	[sflag:s23] =	ssyncadd.s32 s7;
	_ =	sdelay $0x1  }
0xa4: {  	s24 =	simm.s32 $0x1B8B  }
0xa5: {  	_ =	swait.ge [sflag:s24], $0x1  }
0xa6: {  	[sflag:s24] =	ssyncset.done $0x0  }
0xa7: {  	s25 =	simm.s32 $0x1B8E;
	[sflag:s24] =	ssyncadd.s32 $0xFFFFFFFF  }
0xa8: {  	s26 =	simm.s32 $execute0_lowered;
	[smem:$0x3FD2] =	sst s25  }
0xa9: {  	s7 =	sshll.u32 s26, $0x1;
	_ =	strace $0x80000046;
	[dreg:$0x1] =	wrdreg $0xFFFFFFFF  }
0xaa: {  	s28 =	simm.s32 $_size_execute0_lowered;
	s6 =	sadd.s32 s6, s7;
	[dreg:$0x0] =	wrdreg $0x0  }
0xab: {  	s7 =	sshll.u32 s28, $0x1;
	[dreg:$0x2] =	wrdreg s6  }
0xac: {  	[dreg:$0x3] =	wrdreg s7  }
0xad: {  	[dreg:$0x4] =	wrdreg $0xC0  }
0xae: {  	_ =	task [dreg:s10], $0x5FFFF  }
0xaf: {  	[dreg:$0x1] =	wrdreg $0xFFFFFFFF  }
0xb0: {  	[dreg:$0x0] =	wrdreg $0x60  }
0xb1: {  	[dreg:$0x2] =	wrdreg s2  }
0xb2: {  	[dreg:$0x3] =	wrdreg s19  }
0xb3: {  	[dreg:$0x4] =	wrdreg s4  }
0xb4: {  	[dreg:$0x5] =	wrdreg s5  }
0xb5: {  	[dreg:$0x6] =	wrdreg $0x9  }
0xb6: {  	_ =	task.clear_ibuf [dreg:s10], $0x7FFFF;
	_ =	strace $0x90000046  }
0xb7: {  	s29 =	simm.s32 $0x9;
	_ =	strace $0x8000004B  }
0xb8: {  	_ =	swait.ge [sflag:s29], $0x1  }
0xb9: {  	[sflag:s29] =	ssyncadd.s32 $0xFFFFFFFF  }
0xba: {  	_ =	strace $0x9000004B  }
0xbb: {  	_ =	sfence  }
0xbc: {  	s30 =	sld [smem:$0x0];
	_ =	sdelay $0x2  }
0xbd: {  	s31 =	sshll.u32 s1, $0xD;
	s1 =	sshrl.u32 s1, $0x2  }
0xbe: {  	s3 =	sand.u32 $0x4000, s31;
	s1 =	sadd.s32 s1, s30  }
0xbf: {  	s0 =	sor.u32 s3, s0;
	s1 =	sshll.u32 s1, $0x11  }
0xc0: {  	s0 =	sor.u32 s1, s0  }
0xc1: {  	s0 =	sadd.s32 $0x8F2B, s0  }
0xc2: {  	[sflag:s0] =	ssyncadd.remote.s32 $0x1  }
0xc3: {  	_ =	sfence.sel $0xFFFF  }
0xc4: {  	[dreg:$0x0] =	wrdreg $0xFFFFFFFF;
	(pc) =	sbr.abs _section_cstart, $3  }
0xc5: {  	[dreg:$0x1] =	wrdreg $0xFFFFFFFF  }
0xc6: {  	_ =	task.clear_ibuf [dreg:s10], $0x2FFFF;
	_ =	strace $0x9FFFFFFF  }
0xc7: {  	(tm) =	ssettm $0x7FFFFFFF  }
tec
execute0_lowered:
.L_overlay_start_1:
0x0: {  	(tag) =	ssettag $0x1  }
0x1: {  	s0 =	rddreg [dreg:$0x0]  }
0x2: {  	s3 =	rddreg [dreg:$0x2]  }
0x3: {  	s1 =	rddreg [dreg:$0x3]  }
0x4: {  	s2 =	srdreg.scid;
	s5 =	stileid.u32  }
0x5: {  	s4 =	simm.s32 $0x0;
	s13 =	simm.s32 $0xD;
	s12 =	simm.s32 $0x9E80  }
0x6: {  	s14 =	simm.s32 $0xA680;
	s15 =	simm.s32 $0xAE80;
	s16 =	simm.s32 $0xB680  }
0x7: {  	s17 =	simm.s32 $0xBE80;
	s18 =	simm.s32 $0x9;
	s19 =	simm.s32 $0xA  }
0x8: {  	s20 =	simm.s32 $0xB;
	s2 =	sand.u32 $0x1, s2;
	s5 =	sshll.u32 s5, $0x1  }
0x9: {  	s21 =	simm.s32 $0xC;
	s6 =	ssub.s32 $0x2, s2;
	s2 =	sor.u32 s2, s5  }
0xa: {  	s22 =	simm.s32 $0x7;
	s28 =	sshrl.u32 s6, $0x1;
	s7 =	sshll.u32 s2, $0x9  }
0xb: {  	s29 =	sshll.u32 s2, $0x6;
	s31 =	sand.u32 $0x7, s2;
	s30 =	sadd.s32 $0xFFFFFFF0, s7  }
0xc: {  	s11 =	ssub.s32 s6, s28;
	s5 =	sadd.s32 s0, s29;
	s6 =	sshrl.u32 s30, $0x3  }
0xd: {  	v0 =	vimm.s32 $0x0;
	vm0 =	vcmask $0x300;
	p0 =	seq.s32 s31, $0x0;
	s6 =	sadd.s32 s0, s6;
	s0 =	simm.s32 $0x1  }
0xe: {  	s23 =	simm.s32 $0x8;
	s24 =	simm.s32 $0x0;
	v0 =	vsel vm0, $0xFFFFBDBD, v0;
	s0 =	simm.s32 @!p0 $0x0  }
0xf: {  	v3 =	vlaneseq.u32;
	[smem:$0x7FF] =	sst s4;
	s8 =	sadd.s32 $0x200, s3;
	s9 =	sadd.s32 $0x300, s3;
	v0 =	vmul.u32 s0, v0  }
0x10: {  	v1 =	vand.u32 $0x7, v3;
	v2 =	vshrl.u32 v3, $0x3;
	vm0 =	vmmov $0xffff;
	_ =	strace $0x80000047;
	s10 =	sshll.u32 s2, $0x10;
	s7 =	sadd.s32 $0x100, s3  }
0x11: {  	v3 =	vor.u32 $0x8, v3;
	v2 =	vmul.u32 $0x8, v2;
	s10 =	sadd.s32 s1, s10;
	s11 =	smax.u32 s11, $0x1;
	p0 =	seq.s32 s2, $0x0;
	v0 =	vadd.s32 $0x4243, v0  }
.LBB2_1:
0x12: {  	s0 =	simm.s32 $0x10  }
0x13: {  	[tilespmem:s0], [sflag:$0xD] =	stream.linear.gather [hbm4b:s5+s4], $0x200, $0x38;
	[tilespmem:$0x18680] =	vst v63  }
0x14: {  	_ =	swait.ge [sflag:s13], $0x200  }
0x15: {  	[sflag:s13] =	ssyncset.done $0x0  }
0x16: {  	s0 =	simm.s32 @!p0 $0x0;
	[sflag:s13] =	ssyncadd.s32 $0xFFFFFE00  }
0x17: {  	[tilespmem:s0], [sflag:$0xD] =	stream.linear.gather @!p0 [hbm4b:s6+s0], $0x10, $0x38;
	[tilespmem:$0x18680] =	vst v63  }
0x18: {  	s0 =	simm.s32 @!p0 $0xD  }
0x19: {  	_ =	swait.ge @!p0 [sflag:s0], $0x10  }
0x1a: {  	[sflag:s0] =	ssyncset.done @!p0 $0x0  }
0x1b: {  	[sflag:s0] =	ssyncadd.s32 @!p0 $0xFFFFFFF0  }
0x1c: {  	s1 =	simm.s32 $0x280;
	s0 =	rddreg [dreg:$0x1]  }
0x1d: {  	[tilespmem:s1], [sflag:$0xD] =	stream.linear.gather [hbm4b:s0+s4], $0x400, $0x38;
	[tilespmem:$0x18680] =	vst v63  }
0x1e: {  	_ =	swait.ge [sflag:s13], $0x400  }
0x1f: {  	[sflag:s13] =	ssyncset.done $0x0  }
0x20: {  	[sflag:s13] =	ssyncadd.s32 $0xFFFFFC00  }
0x21: {  	v4 =	vld [tilespmem:$0x280];
	_ =	sdelay $0x4  }
0x22: {  	v4 =	vsub.f32 $0.0e+00, v4;
	_ =	sdelay $0x1  }
0x23: {  	v4 =	vmul.f32 $1.442695020e+00, v4;
	_ =	sdelay $0x1  }
0x24: {  	(erf) = vpow2.f32 v4;
	_ =	sdelay $0x8  }
0x25: {  	v4 =	vpop (erf)  }
0x26: {  	v4 =	vadd.f32 $1.000000000e+00, v4;
	_ =	sdelay $0x1  }
0x27: {  	(erf) = vrcp.f32 v4;
	_ =	sdelay $0x8  }
0x28: {  	v4 =	vpop (erf)  }
0x29: {  	[tilespmem:$0x280] =	vst v4  }
0x2a: {  	v4 =	vld [tilespmem:$0x290];
	_ =	sdelay $0x4  }
0x2b: {  	v4 =	vsub.f32 $0.0e+00, v4;
	_ =	sdelay $0x1  }
0x2c: {  	v4 =	vmul.f32 $1.442695020e+00, v4;
	_ =	sdelay $0x1  }
0x2d: {  	(erf) = vpow2.f32 v4;
	_ =	sdelay $0x3  }
0x2e: {  	v4 =	vld [tilespmem:$0x2A0];
	_ =	sdelay $0x4  }
0x2f: {  	v4 =	vsub.f32 $0.0e+00, v4;
	v5 =	vpop (erf)  }
0x30: {  	v5 =	vadd.f32 $1.000000000e+00, v5  }
0x31: {  	v4 =	vmul.f32 $1.442695020e+00, v4  }
0x32: {  	(erf) = vrcp.f32 v5  }
0x33: {  	(erf) = vpow2.f32 v4;
	_ =	sdelay $0x3  }
0x34: {  	v5 =	vld [tilespmem:$0x2B0];
	_ =	sdelay $0x3  }
0x35: {  	v4 =	vpop (erf)  }
0x36: {  	v5 =	vsub.f32 $0.0e+00, v5;
	v6 =	vpop (erf)  }
0x37: {  	v6 =	vadd.f32 $1.000000000e+00, v6  }
0x38: {  	v5 =	vmul.f32 $1.442695020e+00, v5  }
0x39: {  	(erf) = vrcp.f32 v6  }
0x3a: {  	(erf) = vpow2.f32 v5;
	_ =	sdelay $0x3  }
0x3b: {  	v11 =	vld [tilespmem:$0x2C0];
	_ =	sdelay $0x3  }
0x3c: {  	v5 =	vpop (erf)  }
0x3d: {  	v6 =	vsub.f32 $0.0e+00, v11;
	v7 =	vpop (erf)  }
0x3e: {  	v7 =	vadd.f32 $1.000000000e+00, v7  }
0x3f: {  	v6 =	vmul.f32 $1.442695020e+00, v6  }
0x40: {  	(erf) = vrcp.f32 v7  }
0x41: {  	(erf) = vpow2.f32 v6;
	_ =	sdelay $0x3  }
0x42: {  	v12 =	vld [tilespmem:$0x2D0];
	_ =	sdelay $0x3  }
0x43: {  	v6 =	vpop (erf)  }
0x44: {  	v7 =	vsub.f32 $0.0e+00, v12;
	v8 =	vpop (erf)  }
0x45: {  	v8 =	vadd.f32 $1.000000000e+00, v8  }
0x46: {  	v7 =	vmul.f32 $1.442695020e+00, v7  }
0x47: {  	(erf) = vrcp.f32 v8  }
0x48: {  	(erf) = vpow2.f32 v7;
	_ =	sdelay $0x3  }
0x49: {  	v13 =	vld [tilespmem:$0x2E0];
	_ =	sdelay $0x3  }
0x4a: {  	v7 =	vpop (erf)  }
0x4b: {  	v8 =	vsub.f32 $0.0e+00, v13;
	v9 =	vpop (erf)  }
0x4c: {  	v9 =	vadd.f32 $1.000000000e+00, v9  }
0x4d: {  	v8 =	vmul.f32 $1.442695020e+00, v8  }
0x4e: {  	(erf) = vrcp.f32 v9  }
0x4f: {  	(erf) = vpow2.f32 v8;
	_ =	sdelay $0x3  }
0x50: {  	v14 =	vld [tilespmem:$0x2F0];
	_ =	sdelay $0x3  }
0x51: {  	v8 =	vpop (erf)  }
0x52: {  	v9 =	vsub.f32 $0.0e+00, v14;
	v10 =	vpop (erf)  }
0x53: {  	v10 =	vadd.f32 $1.000000000e+00, v10  }
0x54: {  	v9 =	vmul.f32 $1.442695020e+00, v9  }
0x55: {  	(erf) = vrcp.f32 v10  }
0x56: {  	(erf) = vpow2.f32 v9;
	_ =	sdelay $0x3  }
0x57: {  	v15 =	vld [tilespmem:$0x300];
	_ =	sdelay $0x3  }
0x58: {  	v9 =	vpop (erf)  }
0x59: {  	v10 =	vsub.f32 $0.0e+00, v15;
	v11 =	vpop (erf)  }
0x5a: {  	v11 =	vadd.f32 $1.000000000e+00, v11  }
0x5b: {  	v10 =	vmul.f32 $1.442695020e+00, v10  }
0x5c: {  	(erf) = vrcp.f32 v11  }
0x5d: {  	(erf) = vpow2.f32 v10;
	_ =	sdelay $0x3  }
0x5e: {  	v16 =	vld [tilespmem:$0x310];
	_ =	sdelay $0x3  }
0x5f: {  	v10 =	vpop (erf)  }
0x60: {  	v11 =	vsub.f32 $0.0e+00, v16;
	v12 =	vpop (erf)  }
0x61: {  	v12 =	vadd.f32 $1.000000000e+00, v12  }
0x62: {  	v11 =	vmul.f32 $1.442695020e+00, v11  }
0x63: {  	(erf) = vrcp.f32 v12  }
0x64: {  	(erf) = vpow2.f32 v11;
	_ =	sdelay $0x3  }
0x65: {  	v17 =	vld [tilespmem:$0x320];
	_ =	sdelay $0x3  }
0x66: {  	v11 =	vpop (erf)  }
0x67: {  	v12 =	vsub.f32 $0.0e+00, v17;
	v13 =	vpop (erf)  }
0x68: {  	v13 =	vadd.f32 $1.000000000e+00, v13  }
0x69: {  	v12 =	vmul.f32 $1.442695020e+00, v12  }
0x6a: {  	(erf) = vrcp.f32 v13  }
0x6b: {  	(erf) = vpow2.f32 v12;
	_ =	sdelay $0x3  }
0x6c: {  	v18 =	vld [tilespmem:$0x330];
	_ =	sdelay $0x3  }
0x6d: {  	v12 =	vpop (erf)  }
0x6e: {  	v13 =	vsub.f32 $0.0e+00, v18;
	v14 =	vpop (erf)  }
0x6f: {  	v14 =	vadd.f32 $1.000000000e+00, v14  }
0x70: {  	v13 =	vmul.f32 $1.442695020e+00, v13  }
0x71: {  	(erf) = vrcp.f32 v14  }
0x72: {  	(erf) = vpow2.f32 v13;
	_ =	sdelay $0x3  }
0x73: {  	v19 =	vld [tilespmem:$0x340];
	_ =	sdelay $0x3  }
0x74: {  	v13 =	vpop (erf)  }
0x75: {  	v14 =	vsub.f32 $0.0e+00, v19;
	v15 =	vpop (erf)  }
0x76: {  	v15 =	vadd.f32 $1.000000000e+00, v15  }
0x77: {  	v14 =	vmul.f32 $1.442695020e+00, v14  }
0x78: {  	(erf) = vrcp.f32 v15  }
0x79: {  	(erf) = vpow2.f32 v14;
	_ =	sdelay $0x3  }
0x7a: {  	v20 =	vld [tilespmem:$0x350];
	_ =	sdelay $0x3  }
0x7b: {  	v14 =	vpop (erf)  }
0x7c: {  	v15 =	vsub.f32 $0.0e+00, v20;
	v16 =	vpop (erf)  }
0x7d: {  	v16 =	vadd.f32 $1.000000000e+00, v16  }
0x7e: {  	v15 =	vmul.f32 $1.442695020e+00, v15  }
0x7f: {  	(erf) = vrcp.f32 v16  }
0x80: {  	(erf) = vpow2.f32 v15;
	_ =	sdelay $0x3  }
0x81: {  	v21 =	vld [tilespmem:$0x360];
	_ =	sdelay $0x3  }
0x82: {  	v15 =	vpop (erf)  }
0x83: {  	v16 =	vsub.f32 $0.0e+00, v21;
	v17 =	vpop (erf)  }
0x84: {  	v17 =	vadd.f32 $1.000000000e+00, v17  }
0x85: {  	v16 =	vmul.f32 $1.442695020e+00, v16  }
0x86: {  	(erf) = vrcp.f32 v17  }
0x87: {  	(erf) = vpow2.f32 v16;
	_ =	sdelay $0x3  }
0x88: {  	v22 =	vld [tilespmem:$0x370];
	_ =	sdelay $0x3  }
0x89: {  	v16 =	vpop (erf)  }
0x8a: {  	v17 =	vsub.f32 $0.0e+00, v22;
	v18 =	vpop (erf)  }
0x8b: {  	v18 =	vadd.f32 $1.000000000e+00, v18  }
0x8c: {  	v17 =	vmul.f32 $1.442695020e+00, v17  }
0x8d: {  	(erf) = vrcp.f32 v18  }
0x8e: {  	(erf) = vpow2.f32 v17;
	_ =	sdelay $0x3  }
0x8f: {  	v23 =	vld [tilespmem:$0x380];
	_ =	sdelay $0x3  }
0x90: {  	v17 =	vpop (erf)  }
0x91: {  	v18 =	vsub.f32 $0.0e+00, v23;
	v19 =	vpop (erf)  }
0x92: {  	v19 =	vadd.f32 $1.000000000e+00, v19  }
0x93: {  	v18 =	vmul.f32 $1.442695020e+00, v18  }
0x94: {  	(erf) = vrcp.f32 v19  }
0x95: {  	(erf) = vpow2.f32 v18;
	_ =	sdelay $0x3  }
0x96: {  	v24 =	vld [tilespmem:$0x390];
	_ =	sdelay $0x3  }
0x97: {  	v18 =	vpop (erf)  }
0x98: {  	v19 =	vsub.f32 $0.0e+00, v24;
	v20 =	vpop (erf)  }
0x99: {  	v20 =	vadd.f32 $1.000000000e+00, v20  }
0x9a: {  	v19 =	vmul.f32 $1.442695020e+00, v19  }
0x9b: {  	(erf) = vrcp.f32 v20  }
0x9c: {  	(erf) = vpow2.f32 v19;
	_ =	sdelay $0x3  }
0x9d: {  	v25 =	vld [tilespmem:$0x3A0];
	_ =	sdelay $0x3  }
0x9e: {  	v19 =	vpop (erf)  }
0x9f: {  	v20 =	vsub.f32 $0.0e+00, v25;
	v21 =	vpop (erf)  }
0xa0: {  	v21 =	vadd.f32 $1.000000000e+00, v21  }
0xa1: {  	v20 =	vmul.f32 $1.442695020e+00, v20  }
0xa2: {  	(erf) = vrcp.f32 v21  }
0xa3: {  	(erf) = vpow2.f32 v20;
	_ =	sdelay $0x3  }
0xa4: {  	v26 =	vld [tilespmem:$0x3B0];
	_ =	sdelay $0x3  }
0xa5: {  	v20 =	vpop (erf)  }
0xa6: {  	v21 =	vsub.f32 $0.0e+00, v26;
	v22 =	vpop (erf)  }
0xa7: {  	v22 =	vadd.f32 $1.000000000e+00, v22  }
0xa8: {  	v21 =	vmul.f32 $1.442695020e+00, v21  }
0xa9: {  	(erf) = vrcp.f32 v22  }
0xaa: {  	(erf) = vpow2.f32 v21;
	_ =	sdelay $0x3  }
0xab: {  	v27 =	vld [tilespmem:$0x3C0];
	_ =	sdelay $0x3  }
0xac: {  	v21 =	vpop (erf)  }
0xad: {  	v22 =	vsub.f32 $0.0e+00, v27;
	v23 =	vpop (erf)  }
0xae: {  	v23 =	vadd.f32 $1.000000000e+00, v23  }
0xaf: {  	v22 =	vmul.f32 $1.442695020e+00, v22  }
0xb0: {  	(erf) = vrcp.f32 v23  }
0xb1: {  	(erf) = vpow2.f32 v22;
	_ =	sdelay $0x3  }
0xb2: {  	v28 =	vld [tilespmem:$0x3D0];
	_ =	sdelay $0x3  }
0xb3: {  	v22 =	vpop (erf)  }
0xb4: {  	v23 =	vsub.f32 $0.0e+00, v28;
	v24 =	vpop (erf)  }
0xb5: {  	v24 =	vadd.f32 $1.000000000e+00, v24  }
0xb6: {  	v23 =	vmul.f32 $1.442695020e+00, v23  }
0xb7: {  	(erf) = vrcp.f32 v24  }
0xb8: {  	(erf) = vpow2.f32 v23;
	_ =	sdelay $0x3  }
0xb9: {  	v29 =	vld [tilespmem:$0x3E0];
	_ =	sdelay $0x3  }
0xba: {  	v23 =	vpop (erf)  }
0xbb: {  	v24 =	vsub.f32 $0.0e+00, v29;
	v25 =	vpop (erf)  }
0xbc: {  	v25 =	vadd.f32 $1.000000000e+00, v25  }
0xbd: {  	v24 =	vmul.f32 $1.442695020e+00, v24  }
0xbe: {  	(erf) = vrcp.f32 v25  }
0xbf: {  	(erf) = vpow2.f32 v24;
	_ =	sdelay $0x3  }
0xc0: {  	v30 =	vld [tilespmem:$0x3F0];
	_ =	sdelay $0x3  }
0xc1: {  	v24 =	vpop (erf)  }
0xc2: {  	v25 =	vsub.f32 $0.0e+00, v30;
	v26 =	vpop (erf)  }
0xc3: {  	v26 =	vadd.f32 $1.000000000e+00, v26  }
0xc4: {  	v25 =	vmul.f32 $1.442695020e+00, v25  }
0xc5: {  	(erf) = vrcp.f32 v26  }
0xc6: {  	(erf) = vpow2.f32 v25;
	_ =	sdelay $0x3  }
0xc7: {  	v31 =	vld [tilespmem:$0x400];
	_ =	sdelay $0x3  }
0xc8: {  	v25 =	vpop (erf)  }
0xc9: {  	v26 =	vsub.f32 $0.0e+00, v31;
	v27 =	vpop (erf)  }
0xca: {  	v27 =	vadd.f32 $1.000000000e+00, v27  }
0xcb: {  	v26 =	vmul.f32 $1.442695020e+00, v26  }
0xcc: {  	(erf) = vrcp.f32 v27  }
0xcd: {  	(erf) = vpow2.f32 v26;
	_ =	sdelay $0x3  }
0xce: {  	v32 =	vld [tilespmem:$0x410];
	_ =	sdelay $0x3  }
0xcf: {  	v26 =	vpop (erf)  }
0xd0: {  	v27 =	vsub.f32 $0.0e+00, v32;
	v28 =	vpop (erf)  }
0xd1: {  	v28 =	vadd.f32 $1.000000000e+00, v28  }
0xd2: {  	v27 =	vmul.f32 $1.442695020e+00, v27  }
0xd3: {  	(erf) = vrcp.f32 v28  }
0xd4: {  	(erf) = vpow2.f32 v27;
	_ =	sdelay $0x3  }
0xd5: {  	v33 =	vld [tilespmem:$0x420];
	_ =	sdelay $0x3  }
0xd6: {  	v27 =	vpop (erf)  }
0xd7: {  	v28 =	vsub.f32 $0.0e+00, v33;
	v29 =	vpop (erf)  }
0xd8: {  	v29 =	vadd.f32 $1.000000000e+00, v29  }
0xd9: {  	v28 =	vmul.f32 $1.442695020e+00, v28  }
0xda: {  	(erf) = vrcp.f32 v29  }
0xdb: {  	(erf) = vpow2.f32 v28;
	_ =	sdelay $0x3  }
0xdc: {  	v34 =	vld [tilespmem:$0x430];
	_ =	sdelay $0x3  }
0xdd: {  	v28 =	vpop (erf)  }
0xde: {  	v29 =	vsub.f32 $0.0e+00, v34;
	v30 =	vpop (erf)  }
0xdf: {  	v30 =	vadd.f32 $1.000000000e+00, v30  }
0xe0: {  	v29 =	vmul.f32 $1.442695020e+00, v29  }
0xe1: {  	(erf) = vrcp.f32 v30  }
0xe2: {  	(erf) = vpow2.f32 v29;
	_ =	sdelay $0x3  }
0xe3: {  	v35 =	vld [tilespmem:$0x440];
	_ =	sdelay $0x3  }
0xe4: {  	v29 =	vpop (erf)  }
0xe5: {  	v30 =	vsub.f32 $0.0e+00, v35;
	v31 =	vpop (erf)  }
0xe6: {  	v31 =	vadd.f32 $1.000000000e+00, v31  }
0xe7: {  	v30 =	vmul.f32 $1.442695020e+00, v30  }
0xe8: {  	(erf) = vrcp.f32 v31  }
0xe9: {  	(erf) = vpow2.f32 v30;
	_ =	sdelay $0x3  }
0xea: {  	v36 =	vld [tilespmem:$0x450];
	_ =	sdelay $0x3  }
0xeb: {  	v30 =	vpop (erf)  }
0xec: {  	v31 =	vsub.f32 $0.0e+00, v36;
	v32 =	vpop (erf)  }
0xed: {  	v32 =	vadd.f32 $1.000000000e+00, v32  }
0xee: {  	v31 =	vmul.f32 $1.442695020e+00, v31  }
0xef: {  	(erf) = vrcp.f32 v32  }
0xf0: {  	(erf) = vpow2.f32 v31;
	_ =	sdelay $0x3  }
0xf1: {  	v37 =	vld [tilespmem:$0x460];
	_ =	sdelay $0x3  }
0xf2: {  	v31 =	vpop (erf)  }
0xf3: {  	v32 =	vsub.f32 $0.0e+00, v37;
	v33 =	vpop (erf)  }
0xf4: {  	v33 =	vadd.f32 $1.000000000e+00, v33  }
0xf5: {  	v32 =	vmul.f32 $1.442695020e+00, v32  }
0xf6: {  	(erf) = vrcp.f32 v33  }
0xf7: {  	(erf) = vpow2.f32 v32;
	_ =	sdelay $0x3  }
0xf8: {  	v38 =	vld [tilespmem:$0x470];
	_ =	sdelay $0x3  }
0xf9: {  	v32 =	vpop (erf)  }
0xfa: {  	v33 =	vsub.f32 $0.0e+00, v38;
	v34 =	vpop (erf)  }
0xfb: {  	v34 =	vadd.f32 $1.000000000e+00, v34  }
0xfc: {  	v33 =	vmul.f32 $1.442695020e+00, v33  }
0xfd: {  	(erf) = vrcp.f32 v34  }
0xfe: {  	(erf) = vpow2.f32 v33;
	_ =	sdelay $0x3  }
0xff: {  	v39 =	vld [tilespmem:$0x480];
	_ =	sdelay $0x3  }
0x100: {  	v33 =	vpop (erf)  }
0x101: {  	v34 =	vsub.f32 $0.0e+00, v39;
	v35 =	vpop (erf)  }
0x102: {  	v35 =	vadd.f32 $1.000000000e+00, v35  }
0x103: {  	v34 =	vmul.f32 $1.442695020e+00, v34  }
0x104: {  	(erf) = vrcp.f32 v35  }
0x105: {  	(erf) = vpow2.f32 v34;
	_ =	sdelay $0x3  }
0x106: {  	v40 =	vld [tilespmem:$0x490];
	_ =	sdelay $0x3  }
0x107: {  	v34 =	vpop (erf)  }
0x108: {  	v35 =	vsub.f32 $0.0e+00, v40;
	v36 =	vpop (erf)  }
0x109: {  	v36 =	vadd.f32 $1.000000000e+00, v36  }
0x10a: {  	v35 =	vmul.f32 $1.442695020e+00, v35  }
0x10b: {  	(erf) = vrcp.f32 v36  }
0x10c: {  	(erf) = vpow2.f32 v35;
	_ =	sdelay $0x3  }
0x10d: {  	v41 =	vld [tilespmem:$0x4A0];
	_ =	sdelay $0x3  }
0x10e: {  	v35 =	vpop (erf)  }
0x10f: {  	v36 =	vsub.f32 $0.0e+00, v41;
	v37 =	vpop (erf)  }
0x110: {  	v37 =	vadd.f32 $1.000000000e+00, v37  }
0x111: {  	v36 =	vmul.f32 $1.442695020e+00, v36  }
0x112: {  	(erf) = vrcp.f32 v37  }
0x113: {  	(erf) = vpow2.f32 v36;
	_ =	sdelay $0x3  }
0x114: {  	v42 =	vld [tilespmem:$0x4B0];
	_ =	sdelay $0x3  }
0x115: {  	v36 =	vpop (erf)  }
0x116: {  	v37 =	vsub.f32 $0.0e+00, v42;
	v38 =	vpop (erf)  }
0x117: {  	v38 =	vadd.f32 $1.000000000e+00, v38  }
0x118: {  	v37 =	vmul.f32 $1.442695020e+00, v37  }
0x119: {  	(erf) = vrcp.f32 v38  }
0x11a: {  	(erf) = vpow2.f32 v37;
	_ =	sdelay $0x3  }
0x11b: {  	v43 =	vld [tilespmem:$0x4C0];
	_ =	sdelay $0x3  }
0x11c: {  	v37 =	vpop (erf)  }
0x11d: {  	v38 =	vsub.f32 $0.0e+00, v43;
	v39 =	vpop (erf)  }
0x11e: {  	v39 =	vadd.f32 $1.000000000e+00, v39  }
0x11f: {  	v38 =	vmul.f32 $1.442695020e+00, v38  }
0x120: {  	(erf) = vrcp.f32 v39  }
0x121: {  	(erf) = vpow2.f32 v38;
	_ =	sdelay $0x3  }
0x122: {  	v44 =	vld [tilespmem:$0x4D0];
	_ =	sdelay $0x3  }
0x123: {  	v38 =	vpop (erf)  }
0x124: {  	v39 =	vsub.f32 $0.0e+00, v44;
	v40 =	vpop (erf)  }
0x125: {  	v40 =	vadd.f32 $1.000000000e+00, v40  }
0x126: {  	v39 =	vmul.f32 $1.442695020e+00, v39  }
0x127: {  	(erf) = vrcp.f32 v40  }
0x128: {  	(erf) = vpow2.f32 v39;
	_ =	sdelay $0x3  }
0x129: {  	v45 =	vld [tilespmem:$0x4E0];
	_ =	sdelay $0x3  }
0x12a: {  	v39 =	vpop (erf)  }
0x12b: {  	v40 =	vsub.f32 $0.0e+00, v45;
	v41 =	vpop (erf)  }
0x12c: {  	v41 =	vadd.f32 $1.000000000e+00, v41  }
0x12d: {  	v40 =	vmul.f32 $1.442695020e+00, v40  }
0x12e: {  	(erf) = vrcp.f32 v41  }
0x12f: {  	(erf) = vpow2.f32 v40;
	_ =	sdelay $0x3  }
0x130: {  	v46 =	vld [tilespmem:$0x4F0];
	_ =	sdelay $0x3  }
0x131: {  	v40 =	vpop (erf)  }
0x132: {  	v41 =	vsub.f32 $0.0e+00, v46;
	v42 =	vpop (erf)  }
0x133: {  	v42 =	vadd.f32 $1.000000000e+00, v42  }
0x134: {  	v41 =	vmul.f32 $1.442695020e+00, v41  }
0x135: {  	(erf) = vrcp.f32 v42  }
0x136: {  	(erf) = vpow2.f32 v41;
	_ =	sdelay $0x3  }
0x137: {  	v47 =	vld [tilespmem:$0x500];
	_ =	sdelay $0x3  }
0x138: {  	v41 =	vpop (erf)  }
0x139: {  	v42 =	vsub.f32 $0.0e+00, v47;
	v43 =	vpop (erf)  }
0x13a: {  	v43 =	vadd.f32 $1.000000000e+00, v43  }
0x13b: {  	v42 =	vmul.f32 $1.442695020e+00, v42  }
0x13c: {  	(erf) = vrcp.f32 v43  }
0x13d: {  	(erf) = vpow2.f32 v42;
	_ =	sdelay $0x3  }
0x13e: {  	v48 =	vld [tilespmem:$0x510];
	_ =	sdelay $0x3  }
0x13f: {  	v42 =	vpop (erf)  }
0x140: {  	v43 =	vsub.f32 $0.0e+00, v48;
	v44 =	vpop (erf)  }
0x141: {  	v44 =	vadd.f32 $1.000000000e+00, v44  }
0x142: {  	v43 =	vmul.f32 $1.442695020e+00, v43  }
0x143: {  	(erf) = vrcp.f32 v44  }
0x144: {  	(erf) = vpow2.f32 v43;
	_ =	sdelay $0x3  }
0x145: {  	v49 =	vld [tilespmem:$0x520];
	_ =	sdelay $0x3  }
0x146: {  	v43 =	vpop (erf)  }
0x147: {  	v44 =	vsub.f32 $0.0e+00, v49;
	v45 =	vpop (erf)  }
0x148: {  	v45 =	vadd.f32 $1.000000000e+00, v45  }
0x149: {  	v44 =	vmul.f32 $1.442695020e+00, v44  }
0x14a: {  	(erf) = vrcp.f32 v45  }
0x14b: {  	(erf) = vpow2.f32 v44;
	_ =	sdelay $0x3  }
0x14c: {  	v50 =	vld [tilespmem:$0x530];
	_ =	sdelay $0x3  }
0x14d: {  	v44 =	vpop (erf)  }
0x14e: {  	v45 =	vsub.f32 $0.0e+00, v50;
	v46 =	vpop (erf)  }
0x14f: {  	v46 =	vadd.f32 $1.000000000e+00, v46  }
0x150: {  	v45 =	vmul.f32 $1.442695020e+00, v45  }
0x151: {  	(erf) = vrcp.f32 v46  }
0x152: {  	(erf) = vpow2.f32 v45;
	_ =	sdelay $0x3  }
0x153: {  	v51 =	vld [tilespmem:$0x540];
	_ =	sdelay $0x3  }
0x154: {  	v45 =	vpop (erf)  }
0x155: {  	v46 =	vsub.f32 $0.0e+00, v51;
	v47 =	vpop (erf)  }
0x156: {  	v47 =	vadd.f32 $1.000000000e+00, v47  }
0x157: {  	v46 =	vmul.f32 $1.442695020e+00, v46  }
0x158: {  	(erf) = vrcp.f32 v47  }
0x159: {  	(erf) = vpow2.f32 v46;
	_ =	sdelay $0x3  }
0x15a: {  	v52 =	vld [tilespmem:$0x550];
	_ =	sdelay $0x3  }
0x15b: {  	v46 =	vpop (erf)  }
0x15c: {  	v47 =	vsub.f32 $0.0e+00, v52;
	v48 =	vpop (erf)  }
0x15d: {  	v48 =	vadd.f32 $1.000000000e+00, v48  }
0x15e: {  	v47 =	vmul.f32 $1.442695020e+00, v47  }
0x15f: {  	(erf) = vrcp.f32 v48  }
0x160: {  	(erf) = vpow2.f32 v47;
	_ =	sdelay $0x3  }
0x161: {  	v53 =	vld [tilespmem:$0x560];
	_ =	sdelay $0x3  }
0x162: {  	v47 =	vpop (erf)  }
0x163: {  	v48 =	vsub.f32 $0.0e+00, v53;
	v49 =	vpop (erf)  }
0x164: {  	v49 =	vadd.f32 $1.000000000e+00, v49  }
0x165: {  	v48 =	vmul.f32 $1.442695020e+00, v48  }
0x166: {  	(erf) = vrcp.f32 v49  }
0x167: {  	(erf) = vpow2.f32 v48;
	_ =	sdelay $0x3  }
0x168: {  	v54 =	vld [tilespmem:$0x570];
	_ =	sdelay $0x3  }
0x169: {  	v48 =	vpop (erf)  }
0x16a: {  	v49 =	vsub.f32 $0.0e+00, v54;
	v50 =	vpop (erf)  }
0x16b: {  	v50 =	vadd.f32 $1.000000000e+00, v50  }
0x16c: {  	v49 =	vmul.f32 $1.442695020e+00, v49  }
0x16d: {  	(erf) = vrcp.f32 v50  }
0x16e: {  	(erf) = vpow2.f32 v49;
	_ =	sdelay $0x3  }
0x16f: {  	v55 =	vld [tilespmem:$0x580];
	_ =	sdelay $0x3  }
0x170: {  	v49 =	vpop (erf)  }
0x171: {  	v50 =	vsub.f32 $0.0e+00, v55;
	v51 =	vpop (erf)  }
0x172: {  	v51 =	vadd.f32 $1.000000000e+00, v51  }
0x173: {  	v50 =	vmul.f32 $1.442695020e+00, v50  }
0x174: {  	(erf) = vrcp.f32 v51  }
0x175: {  	(erf) = vpow2.f32 v50;
	_ =	sdelay $0x3  }
0x176: {  	v56 =	vld [tilespmem:$0x590];
	_ =	sdelay $0x3  }
0x177: {  	v50 =	vpop (erf)  }
0x178: {  	v51 =	vsub.f32 $0.0e+00, v56;
	v52 =	vpop (erf)  }
0x179: {  	v52 =	vadd.f32 $1.000000000e+00, v52  }
0x17a: {  	v51 =	vmul.f32 $1.442695020e+00, v51  }
0x17b: {  	(erf) = vrcp.f32 v52  }
0x17c: {  	(erf) = vpow2.f32 v51;
	_ =	sdelay $0x3  }
0x17d: {  	v57 =	vld [tilespmem:$0x5A0];
	_ =	sdelay $0x3  }
0x17e: {  	v51 =	vpop (erf)  }
0x17f: {  	v52 =	vsub.f32 $0.0e+00, v57;
	v53 =	vpop (erf)  }
0x180: {  	v53 =	vadd.f32 $1.000000000e+00, v53  }
0x181: {  	v52 =	vmul.f32 $1.442695020e+00, v52  }
0x182: {  	(erf) = vrcp.f32 v53  }
0x183: {  	(erf) = vpow2.f32 v52;
	_ =	sdelay $0x3  }
0x184: {  	v58 =	vld [tilespmem:$0x5B0];
	_ =	sdelay $0x3  }
0x185: {  	v52 =	vpop (erf)  }
0x186: {  	v53 =	vsub.f32 $0.0e+00, v58;
	v54 =	vpop (erf)  }
0x187: {  	v54 =	vadd.f32 $1.000000000e+00, v54  }
0x188: {  	v53 =	vmul.f32 $1.442695020e+00, v53  }
0x189: {  	(erf) = vrcp.f32 v54  }
0x18a: {  	(erf) = vpow2.f32 v53;
	_ =	sdelay $0x3  }
0x18b: {  	v59 =	vld [tilespmem:$0x5C0];
	_ =	sdelay $0x3  }
0x18c: {  	v53 =	vpop (erf)  }
0x18d: {  	v54 =	vsub.f32 $0.0e+00, v59;
	v55 =	vpop (erf)  }
0x18e: {  	v55 =	vadd.f32 $1.000000000e+00, v55  }
0x18f: {  	v54 =	vmul.f32 $1.442695020e+00, v54  }
0x190: {  	(erf) = vrcp.f32 v55  }
0x191: {  	(erf) = vpow2.f32 v54;
	_ =	sdelay $0x3  }
0x192: {  	v60 =	vld [tilespmem:$0x5D0];
	_ =	sdelay $0x3  }
0x193: {  	v54 =	vpop (erf)  }
0x194: {  	v55 =	vsub.f32 $0.0e+00, v60;
	v56 =	vpop (erf)  }
0x195: {  	v56 =	vadd.f32 $1.000000000e+00, v56  }
0x196: {  	v55 =	vmul.f32 $1.442695020e+00, v55  }
0x197: {  	(erf) = vrcp.f32 v56  }
0x198: {  	(erf) = vpow2.f32 v55;
	_ =	sdelay $0x3  }
0x199: {  	v61 =	vld [tilespmem:$0x5E0];
	_ =	sdelay $0x3  }
0x19a: {  	v55 =	vpop (erf)  }
0x19b: {  	v56 =	vsub.f32 $0.0e+00, v61;
	v57 =	vpop (erf)  }
0x19c: {  	v57 =	vadd.f32 $1.000000000e+00, v57  }
0x19d: {  	v56 =	vmul.f32 $1.442695020e+00, v56  }
0x19e: {  	(erf) = vrcp.f32 v57  }
0x19f: {  	(erf) = vpow2.f32 v56;
	_ =	sdelay $0x3  }
0x1a0: {  	v62 =	vld [tilespmem:$0x5F0];
	_ =	sdelay $0x3  }
0x1a1: {  	v56 =	vpop (erf)  }
0x1a2: {  	v57 =	vsub.f32 $0.0e+00, v62;
	v58 =	vpop (erf)  }
0x1a3: {  	v58 =	vadd.f32 $1.000000000e+00, v58  }
0x1a4: {  	v57 =	vmul.f32 $1.442695020e+00, v57  }
0x1a5: {  	(erf) = vrcp.f32 v58  }
0x1a6: {  	(erf) = vpow2.f32 v57;
	_ =	sdelay $0x3  }
0x1a7: {  	v63 =	vld [tilespmem:$0x600];
	_ =	sdelay $0x3  }
0x1a8: {  	v57 =	vpop (erf)  }
0x1a9: {  	v58 =	vsub.f32 $0.0e+00, v63;
	v59 =	vpop (erf)  }
0x1aa: {  	v59 =	vadd.f32 $1.000000000e+00, v59  }
0x1ab: {  	v58 =	vmul.f32 $1.442695020e+00, v58  }
0x1ac: {  	(erf) = vrcp.f32 v59  }
0x1ad: {  	(erf) = vpow2.f32 v58;
	_ =	sdelay $0x3  }
0x1ae: {  	v59 =	vld [tilespmem:$0x610];
	_ =	sdelay $0x3  }
0x1af: {  	v58 =	vpop (erf)  }
0x1b0: {  	v59 =	vsub.f32 $0.0e+00, v59;
	v60 =	vpop (erf)  }
0x1b1: {  	v60 =	vadd.f32 $1.000000000e+00, v60  }
0x1b2: {  	v59 =	vmul.f32 $1.442695020e+00, v59  }
0x1b3: {  	(erf) = vrcp.f32 v60  }
0x1b4: {  	(erf) = vpow2.f32 v59;
	_ =	sdelay $0x3  }
0x1b5: {  	v60 =	vld [tilespmem:$0x620];
	_ =	sdelay $0x3  }
0x1b6: {  	v59 =	vpop (erf)  }
0x1b7: {  	v60 =	vsub.f32 $0.0e+00, v60;
	v61 =	vpop (erf)  }
0x1b8: {  	v61 =	vadd.f32 $1.000000000e+00, v61  }
0x1b9: {  	v60 =	vmul.f32 $1.442695020e+00, v60  }
0x1ba: {  	(erf) = vrcp.f32 v61  }
0x1bb: {  	(erf) = vpow2.f32 v60;
	_ =	sdelay $0x3  }
0x1bc: {  	v61 =	vld [tilespmem:$0x630];
	_ =	sdelay $0x2  }
0x1bd: {  	[tilespmem:$0x290] =	vst v4  }
0x1be: {  	[tilespmem:$0x2A0] =	vst v5;
	v60 =	vpop (erf)  }
0x1bf: {  	[tilespmem:$0x2B0] =	vst v6;
	v61 =	vsub.f32 $0.0e+00, v61;
	v62 =	vpop (erf)  }
0x1c0: {  	[tilespmem:$0x2C0] =	vst v7;
	v62 =	vadd.f32 $1.000000000e+00, v62  }
0x1c1: {  	[tilespmem:$0x2D0] =	vst v8;
	v61 =	vmul.f32 $1.442695020e+00, v61  }
0x1c2: {  	[tilespmem:$0x2E0] =	vst v9;
	(erf) = vrcp.f32 v62  }
0x1c3: {  	[tilespmem:$0x2F0] =	vst v10;
	(erf) = vpow2.f32 v61  }
0x1c4: {  	[tilespmem:$0x300] =	vst v11  }
0x1c5: {  	[tilespmem:$0x310] =	vst v12  }
0x1c6: {  	[tilespmem:$0x320] =	vst v13  }
0x1c7: {  	[tilespmem:$0x330] =	vst v14;
	v61 =	vld [tilespmem:$0x640]  }
0x1c8: {  	[tilespmem:$0x340] =	vst v15  }
0x1c9: {  	[tilespmem:$0x350] =	vst v16  }
0x1ca: {  	[tilespmem:$0x360] =	vst v17  }
0x1cb: {  	[tilespmem:$0x370] =	vst v18;
	v62 =	vpop (erf)  }
0x1cc: {  	[tilespmem:$0x380] =	vst v19;
	v61 =	vsub.f32 $0.0e+00, v61;
	v63 =	vpop (erf)  }
0x1cd: {  	[tilespmem:$0x390] =	vst v20;
	v63 =	vadd.f32 $1.000000000e+00, v63  }
0x1ce: {  	[tilespmem:$0x3A0] =	vst v21;
	v61 =	vmul.f32 $1.442695020e+00, v61  }
0x1cf: {  	[tilespmem:$0x3B0] =	vst v22;
	(erf) = vrcp.f32 v63  }
0x1d0: {  	[tilespmem:$0x3C0] =	vst v23;
	(erf) = vpow2.f32 v61  }
0x1d1: {  	v4 =	vld [tilespmem:$0x650];
	[tilespmem:$0x3D0] =	vst v24  }
0x1d2: {  	v9 =	vld [tilespmem:$0x200];
	[tilespmem:$0x3E0] =	vst v25  }
0x1d3: {  	v10 =	vld [tilespmem:$0x1FF];
	[tilespmem:$0x3F0] =	vst v26  }
0x1d4: {  	v11 =	vld [tilespmem:$0x1F0];
	[tilespmem:$0x400] =	vst v27  }
0x1d5: {  	v12 =	vld [tilespmem:$0x1DF];
	[tilespmem:$0x410] =	vst v28  }
0x1d6: {  	v13 =	vld [tilespmem:$0x1D0];
	[tilespmem:$0x420] =	vst v29  }
0x1d7: {  	v15 =	vld [tilespmem:$0x1C0];
	[tilespmem:$0x430] =	vst v30  }
0x1d8: {  	v16 =	vld [tilespmem:$0x1BF];
	[tilespmem:$0x440] =	vst v31;
	v5 =	vpop (erf)  }
0x1d9: {  	v4 =	vsub.f32 $0.0e+00, v4;
	v17 =	vld [tilespmem:$0x1B0];
	[tilespmem:$0x450] =	vst v32;
	v14 =	vpop (erf)  }
0x1da: {  	v18 =	vld [tilespmem:$0x1AF];
	[tilespmem:$0x460] =	vst v33;
	v6 =	vadd.f32 $1.000000000e+00, v14  }
0x1db: {  	v4 =	vmul.f32 $1.442695020e+00, v4;
	v20 =	vld [tilespmem:$0x1A0];
	[tilespmem:$0x470] =	vst v34  }
0x1dc: {  	v23 =	vld [tilespmem:$0x190];
	[tilespmem:$0x480] =	vst v35;
	(erf) = vrcp.f32 v6  }
0x1dd: {  	v25 =	vld [tilespmem:$0x170];
	[tilespmem:$0x490] =	vst v36;
	(erf) = vpow2.f32 v4  }
0x1de: {  	v26 =	vld [tilespmem:$0x670];
	[tilespmem:$0x4A0] =	vst v37  }
0x1df: {  	v28 =	vld [tilespmem:$0x6F];
	[tilespmem:$0x4B0] =	vst v38  }
0x1e0: {  	v29 =	vld [tilespmem:$0x150];
	[tilespmem:$0x4C0] =	vst v39  }
0x1e1: {  	[tilespmem:$0x4D0] =	vst v40;
	v4 =	vld [tilespmem:$0x660]  }
0x1e2: {  	v31 =	vld [tilespmem:$0x140];
	[tilespmem:$0x4E0] =	vst v41  }
0x1e3: {  	v35 =	vld [tilespmem:$0x130];
	[tilespmem:$0x4F0] =	vst v42  }
0x1e4: {  	v37 =	vld [tilespmem:$0x120];
	[tilespmem:$0x500] =	vst v43  }
0x1e5: {  	v38 =	vld [tilespmem:$0x110];
	[tilespmem:$0x510] =	vst v44;
	v6 =	vpop (erf)  }
0x1e6: {  	[tilespmem:$0x520] =	vst v45;
	v45 =	vld [tilespmem:$0xAF];
	v4 =	vsub.f32 $0.0e+00, v4;
	v27 =	vpop (erf)  }
0x1e7: {  	v39 =	vld [tilespmem:$0x10F];
	[tilespmem:$0x530] =	vst v46;
	v8 =	vadd.f32 $1.000000000e+00, v27  }
0x1e8: {  	[tilespmem:$0x550] =	vst v48;
	v48 =	vld [tilespmem:$0x15F];
	v4 =	vmul.f32 $1.442695020e+00, v4  }
0x1e9: {  	v41 =	vld [tilespmem:$0xFF];
	[tilespmem:$0x540] =	vst v47;
	(erf) = vrcp.f32 v8  }
0x1ea: {  	v42 =	vld [tilespmem:$0xF0];
	[tilespmem:$0x560] =	vst v49;
	(erf) = vpow2.f32 v4  }
0x1eb: {  	v36 =	vmul.u32 $0x4243, v45;
	v45 =	vld [tilespmem:$0x4F];
	[tilespmem:$0x570] =	vst v50  }
0x1ec: {  	v46 =	vld [tilespmem:$0x16F];
	[tilespmem:$0x580] =	vst v51  }
0x1ed: {  	v44 =	vmul.u32 $0x4243, v48;
	v48 =	vld [tilespmem:$0xA0];
	[tilespmem:$0x590] =	vst v52  }
0x1ee: {  	v49 =	vld [tilespmem:$0x14F];
	[tilespmem:$0x5A0] =	vst v53  }
0x1ef: {  	[tilespmem:$0x5C0] =	vst v55;
	v55 =	vmul.u32 $0x4243, v12;
	v12 =	vld [tilespmem:$0xEF]  }
0x1f0: {  	v51 =	vld [tilespmem:$0x13F];
	[tilespmem:$0x5B0] =	vst v54  }
0x1f1: {  	v53 =	vld [tilespmem:$0x12F];
	[tilespmem:$0x5D0] =	vst v56  }
0x1f2: {  	[tilespmem:$0x5E0] =	vst v57;
	v8 =	vld [tilespmem:$0x1EF];
	v19 =	vpop (erf)  }
0x1f3: {  	v7 =	vsub.f32 $0.0e+00, v26;
	[tilespmem:$0x5F0] =	vst v58;
	v4 =	vld [tilespmem:$0x1E0];
	v40 =	vpop (erf)  }
0x1f4: {  	v47 =	vmul.u32 $0x4243, v49;
	v54 =	vld [tilespmem:$0x11F];
	v12 =	vmul.u32 $0x4243, v12;
	[tilespmem:$0x600] =	vst v59;
	v21 =	vadd.f32 $1.000000000e+00, v40  }
0x1f5: {  	v10 =	vmul.u32 $0x4243, v10;
	v7 =	vmul.f32 $1.442695020e+00, v7;
	v49 =	vmul.u32 $0x4243, v51;
	[tilespmem:$0x610] =	vst v60;
	v14 =	vld [tilespmem:$0x1CF]  }
0x1f6: {  	v51 =	vadd.s32 v29, v47;
	v29 =	vadd.s32 v42, v12;
	[tilespmem:$0x620] =	vst v62;
	v61 =	vld [tilespmem:$0x19F];
	(erf) = vrcp.f32 v21  }
0x1f7: {  	v42 =	vld [tilespmem:$0x50];
	v56 =	vadd.s32 v9, v10;
	[tilespmem:$0x630] =	vst v5;
	v5 =	vmul.u32 $0x4243, v8;
	(erf) = vpow2.f32 v7  }
0x1f8: {  	v58 =	vmul.u32 $0x4243, v16;
	v63 =	vld [tilespmem:$0x18F];
	[tilespmem:$0x640] =	vst v6;
	v6 =	vand.u32 $0x7FFF, v56;
	v4 =	vadd.s32 v4, v55  }
0x1f9: {  	v10 =	vld [tilespmem:$0xE0];
	v60 =	vmul.u32 $0x4243, v18;
	[tilespmem:$0x200] =	vst v6;
	v5 =	vadd.s32 v11, v5;
	v4 =	vand.u32 $0x7FFF, v4  }
0x1fa: {  	v16 =	vld [tilespmem:$0xD0];
	v57 =	vmul.u32 $0x4243, v14;
	v8 =	vadd.s32 v15, v58;
	v5 =	vand.u32 $0x7FFF, v5;
	[tilespmem:$0x1E0] =	vst v4  }
0x1fb: {  	v18 =	vld [tilespmem:$0xB0];
	v61 =	vmul.u32 $0x4243, v61;
	v4 =	vand.u32 $0x7FFF, v8;
	[tilespmem:$0x1F0] =	vst v5  }
0x1fc: {  	v62 =	vadd.s32 v17, v60;
	v9 =	vadd.s32 v13, v57;
	[tilespmem:$0x1C0] =	vst v4;
	v7 =	vld [tilespmem:$0x17F]  }
0x1fd: {  	v17 =	vld [tilespmem:$0xC0];
	v63 =	vmul.u32 $0x4243, v63;
	v22 =	vadd.s32 v20, v61;
	v5 =	vand.u32 $0x7FFF, v9;
	[tilespmem:$0x650] =	vst v19  }
0x1fe: {  	v32 =	vmul.u32 $0x4243, v46;
	v4 =	vand.u32 $0x7FFF, v22;
	[tilespmem:$0x1D0] =	vst v5;
	v21 =	vld [tilespmem:$0x180]  }
0x1ff: {  	v24 =	vadd.s32 v23, v63;
	v27 =	vld [tilespmem:$0x160];
	v5 =	vand.u32 $0x7FFF, v62;
	[tilespmem:$0x1A0] =	vst v4;
	v50 =	vpop (erf)  }
0x200: {  	v46 =	vadd.s32 v25, v32;
	v15 =	vld [tilespmem:$0xCF];
	[tilespmem:$0x1B0] =	vst v5;
	v5 =	vand.u32 $0x7FFF, v24;
	v52 =	vpop (erf)  }
0x201: {  	v63 =	vld [tilespmem:$0x70];
	[tilespmem:$0x190] =	vst v5;
	v5 =	vand.u32 $0x7FFF, v46;
	v7 =	vmul.u32 $0x4243, v7;
	v34 =	vadd.f32 $1.000000000e+00, v52  }
0x202: {  	v14 =	vld [tilespmem:$0xBF];
	[tilespmem:$0x170] =	vst v5;
	v5 =	vand.u32 $0x7FFF, v51  }
0x203: {  	v54 =	vmul.u32 $0x4243, v54;
	v55 =	vld [tilespmem:$0x8F];
	[tilespmem:$0x150] =	vst v5;
	v43 =	vadd.s32 v21, v7;
	(erf) = vrcp.f32 v34  }
0x204: {  	v11 =	vld [tilespmem:$0xDF];
	v7 =	vadd.s32 v27, v44;
	v4 =	vand.u32 $0x7FFF, v43;
	[tilespmem:$0x660] =	vst v50;
	v52 =	vmul.u32 $0x4243, v53  }
0x205: {  	v8 =	vadd.s32 v31, v49;
	v30 =	vmul.u32 $0x4243, v15;
	v40 =	vld [tilespmem:$0x100];
	[tilespmem:$0x180] =	vst v4;
	v4 =	vand.u32 $0x7FFF, v7  }
0x206: {  	v57 =	vmul.u32 $0x4243, v39;
	v50 =	vld [tilespmem:$0x9F];
	[tilespmem:$0x160] =	vst v4;
	v4 =	vand.u32 $0x7FFF, v8;
	v56 =	vadd.s32 v35, v52  }
0x207: {  	v33 =	vmul.u32 $0x4243, v14;
	v53 =	vld [tilespmem:$0x90];
	[tilespmem:$0x140] =	vst v4;
	v35 =	vadd.s32 v16, v30;
	v5 =	vand.u32 $0x7FFF, v56  }
0x208: {  	v60 =	vmul.u32 $0x4243, v41;
	v61 =	vld [tilespmem:$0x7F];
	v62 =	vadd.s32 v38, v57;
	v7 =	vand.u32 $0x7FFF, v35;
	[tilespmem:$0x130] =	vst v5  }
0x209: {  	v41 =	vadd.s32 v18, v36;
	v38 =	vadd.s32 v17, v33;
	v34 =	vld [tilespmem:$0xF];
	v5 =	vand.u32 $0x7FFF, v62;
	[tilespmem:$0xD0] =	vst v7  }
0x20a: {  	v58 =	vld [tilespmem:$0x80];
	v27 =	vmul.u32 $0x4243, v11;
	v44 =	vmul.u32 $0x4243, v55;
	[tilespmem:$0x110] =	vst v5;
	v5 =	vand.u32 $0x7FFF, v29  }
0x20b: {  	v26 =	vadd.s32 v40, v60;
	v40 =	vld [tilespmem:$0x10];
	v11 =	vmul.u32 $0x4243, v28;
	[tilespmem:$0xF0] =	vst v5;
	v5 =	vand.u32 $0x7FFF, v38  }
0x20c: {  	v31 =	vld [tilespmem:$0x60];
	v32 =	vadd.s32 v10, v27;
	v39 =	vmul.u32 $0x4243, v50;
	v47 =	vadd.s32 v53, v44;
	[tilespmem:$0xC0] =	vst v5;
	v59 =	vpop (erf)  }
0x20d: {  	v52 =	vadd.s32 v63, v11;
	v5 =	vand.u32 $0x7FFF, v47;
	[tilespmem:$0x670] =	vst v59;
	v59 =	vadd.s32 v37, v54;
	v37 =	vld [tilespmem:$0x5F]  }
0x20e: {  	v49 =	vld [tilespmem:$0x3F];
	v43 =	vadd.s32 v48, v39;
	v10 =	vmul.u32 v34, v0;
	[tilespmem:$0x90] =	vst v5;
	v4 =	vand.u32 $0x7FFF, v59  }
0x20f: {  	v46 =	vld [tilespmem:$0x40];
	v48 =	vmul.u32 $0x4243, v61;
	v6 =	vand.u32 $0x7FFF, v43;
	[tilespmem:$0x120] =	vst v4;
	v4 =	vand.u32 $0x7FFF, v26  }
0x210: {  	v51 =	vld [tilespmem:$0x2F];
	v5 =	vmul.u32 $0x4243, v45;
	v10 =	vadd.s32 v40, v10;
	[tilespmem:$0x100] =	vst v4;
	v4 =	vand.u32 $0x7FFF, v32  }
0x211: {  	v53 =	vld [tilespmem:$0x1F];
	v57 =	vand.u32 $0x7, v10;
	v54 =	vshll.u32 v10, $0x3;
	[tilespmem:$0xE0] =	vst v4;
	v4 =	vand.u32 $0x7FFF, v41  }
0x212: {  	v56 =	vld [tilespmem:$0x30];
	v13 =	vand.u32 $0x3FFC0, v54;
	v50 =	vmul.u32 $0x4243, v37;
	[tilespmem:$0xB0] =	vst v4;
	v4 =	vadd.s32 v58, v48  }
0x213: {  	[tilespmem:$0xA0] =	vst v6;
	v59 =	vmul.u32 $0x4243, v49;
	v13 =	vor.u32 v57, v13;
	v58 =	vld [tilespmem:$0x20];
	v4 =	vand.u32 $0x7FFF, v4  }
0x214: {  	v60 =	vperm.xlane v13, v1;
	v55 =	vadd.s32 v31, v50;
	[tilespmem:$0x80] =	vst v4;
	v4 =	vand.u32 $0x7FFF, v52  }
0x215: {  	v6 =	vand.u32 $0x7FFF, v55;
	[tilespmem:$0x70] =	vst v4;
	v4 =	vadd.s32 v42, v5;
	v5 =	vmul.u32 $0x4243, v51  }
0x216: {  	v62 =	vmul.u32 $0x4243, v53;
	v61 =	vadd.s32 v46, v59;
	[tilespmem:$0x60] =	vst v6;
	v4 =	vand.u32 $0x7FFF, v4  }
0x217: {  	v63 =	vadd.s32 v2, v60;
	[tilespmem:$0x50] =	vst v4;
	v4 =	vadd.s32 v56, v5;
	v5 =	vand.u32 $0x7FFF, v61  }
0x218: {  	[tilespmem:$0x40] =	vst v5;
	v5 =	vadd.s32 v58, v62;
	v4 =	vand.u32 $0x7FFF, v4  }
0x219: {  	[tilespmem:$0x30] =	vst v4;
	v4 =	vand.u32 $0x7FFF, v5  }
0x21a: {  	[tilespmem:$0x20] =	vst v4;
	v4 =	vand.u32 $0x7FFF, v10  }
0x21b: {  	s29 =	simm.s32 $0x680;
	[tilespmem:$0x10] =	vst v4  }
0x21c: {  	[tilespmem:s29], [sflag:$0x1] =	stream.indirect_vreg.gather [hbm4b:s3+s4], $0x80, v63, vm0, $0xb8;
	[tilespmem:$0x18680] =	vst v63  }
0x21d: {  	s30 =	simm.s32 $0xE80;
	v4 =	vperm.xlane v13, v3  }
0x21e: {  	[tilespmem:s30], [sflag:$0x1] =	stream.indirect_vreg.gather [hbm4b:s7+s4], $0x80, v63, vm0, $0xb8;
	[tilespmem:$0x18680] =	vst v63  }
0x21f: {  	s31 =	simm.s32 $0x1680;
	v4 =	vadd.s32 v2, v4  }
0x220: {  	[tilespmem:s31], [sflag:$0x1] =	stream.indirect_vreg.gather [hbm4b:s8+s4], $0x80, v63, vm0, $0xb8;
	[tilespmem:$0x18680] =	vst v63  }
0x221: {  	s1 =	simm.s32 $0x1E80  }
0x222: {  	[tilespmem:s1], [sflag:$0x1] =	stream.indirect_vreg.gather [hbm4b:s9+s4], $0x80, v63, vm0, $0xb8;
	[tilespmem:$0x18680] =	vst v63  }
0x223: {  	s2 =	simm.s32 $0x2680  }
0x224: {  	[tilespmem:s2], [sflag:$0x1] =	stream.indirect_vreg.gather [hbm4b:s3+s4], $0x80, v4, vm0, $0xb8;
	[tilespmem:$0x18680] =	vst v63  }
0x225: {  	s25 =	simm.s32 $0x2E80  }
0x226: {  	[tilespmem:s25], [sflag:$0x1] =	stream.indirect_vreg.gather [hbm4b:s7+s4], $0x80, v4, vm0, $0xb8;
	[tilespmem:$0x18680] =	vst v63  }
0x227: {  	s26 =	simm.s32 $0x3680  }
0x228: {  	[tilespmem:s26], [sflag:$0x1] =	stream.indirect_vreg.gather [hbm4b:s8+s4], $0x80, v4, vm0, $0xb8;
	[tilespmem:$0x18680] =	vst v63  }
0x229: {  	s28 =	simm.s32 $0x3E80  }
0x22a: {  	[tilespmem:s28], [sflag:$0x1] =	stream.indirect_vreg.gather [hbm4b:s9+s4], $0x80, v4, vm0, $0xb8;
	[tilespmem:$0x18680] =	vst v63  }
0x22b: {  	v4 =	vld [tilespmem:$0x20];
	_ =	sdelay $0x4  }
0x22c: {  	v5 =	vshll.u32 v4, $0x3  }
0x22d: {  	v4 =	vand.u32 $0x7, v4;
	v5 =	vand.u32 $0xFFFFFFC0, v5  }
0x22e: {  	v4 =	vor.u32 v4, v5  }
0x22f: {  	v5 =	vperm.xlane v4, v1;
	_ =	sdelay $0x1  }
0x230: {  	v5 =	vadd.s32 v2, v5;
	_ =	sdelay $0x3  }
0x231: {  	s29 =	simm.s32 $0x4680  }
0x232: {  	[tilespmem:s29], [sflag:$0x2] =	stream.indirect_vreg.gather [hbm4b:s3+s4], $0x80, v5, vm0, $0xb8;
	[tilespmem:$0x18680] =	vst v63  }
0x233: {  	s30 =	simm.s32 $0x4E80;
	v4 =	vperm.xlane v4, v3  }
0x234: {  	[tilespmem:s30], [sflag:$0x2] =	stream.indirect_vreg.gather [hbm4b:s7+s4], $0x80, v5, vm0, $0xb8;
	[tilespmem:$0x18680] =	vst v63  }
0x235: {  	s31 =	simm.s32 $0x5680;
	v4 =	vadd.s32 v2, v4  }
0x236: {  	[tilespmem:s31], [sflag:$0x2] =	stream.indirect_vreg.gather [hbm4b:s8+s4], $0x80, v5, vm0, $0xb8;
	[tilespmem:$0x18680] =	vst v63  }
0x237: {  	s1 =	simm.s32 $0x5E80  }
0x238: {  	[tilespmem:s1], [sflag:$0x2] =	stream.indirect_vreg.gather [hbm4b:s9+s4], $0x80, v5, vm0, $0xb8;
	[tilespmem:$0x18680] =	vst v63  }
0x239: {  	s2 =	simm.s32 $0x6680  }
0x23a: {  	[tilespmem:s2], [sflag:$0x2] =	stream.indirect_vreg.gather [hbm4b:s3+s4], $0x80, v4, vm0, $0xb8;
	[tilespmem:$0x18680] =	vst v63  }
0x23b: {  	s25 =	simm.s32 $0x6E80  }
0x23c: {  	[tilespmem:s25], [sflag:$0x2] =	stream.indirect_vreg.gather [hbm4b:s7+s4], $0x80, v4, vm0, $0xb8;
	[tilespmem:$0x18680] =	vst v63  }
0x23d: {  	s26 =	simm.s32 $0x7680  }
0x23e: {  	[tilespmem:s26], [sflag:$0x2] =	stream.indirect_vreg.gather [hbm4b:s8+s4], $0x80, v4, vm0, $0xb8;
	[tilespmem:$0x18680] =	vst v63  }
0x23f: {  	s28 =	simm.s32 $0x7E80  }
0x240: {  	[tilespmem:s28], [sflag:$0x2] =	stream.indirect_vreg.gather [hbm4b:s9+s4], $0x80, v4, vm0, $0xb8;
	[tilespmem:$0x18680] =	vst v63  }
0x241: {  	v4 =	vld [tilespmem:$0x30];
	_ =	sdelay $0x4  }
0x242: {  	v5 =	vshll.u32 v4, $0x3  }
0x243: {  	v4 =	vand.u32 $0x7, v4;
	v5 =	vand.u32 $0xFFFFFFC0, v5  }
0x244: {  	v4 =	vor.u32 v4, v5  }
0x245: {  	v5 =	vperm.xlane v4, v1;
	_ =	sdelay $0x1  }
0x246: {  	v5 =	vadd.s32 v2, v5;
	_ =	sdelay $0x3  }
0x247: {  	s29 =	simm.s32 $0x8680  }
0x248: {  	[tilespmem:s29], [sflag:$0x3] =	stream.indirect_vreg.gather [hbm4b:s3+s4], $0x80, v5, vm0, $0xb8;
	[tilespmem:$0x18680] =	vst v63  }
0x249: {  	s30 =	simm.s32 $0x8E80;
	v4 =	vperm.xlane v4, v3  }
0x24a: {  	[tilespmem:s30], [sflag:$0x3] =	stream.indirect_vreg.gather [hbm4b:s7+s4], $0x80, v5, vm0, $0xb8;
	[tilespmem:$0x18680] =	vst v63  }
0x24b: {  	s31 =	simm.s32 $0x9680;
	v4 =	vadd.s32 v2, v4  }
0x24c: {  	[tilespmem:s31], [sflag:$0x3] =	stream.indirect_vreg.gather [hbm4b:s8+s4], $0x80, v5, vm0, $0xb8;
	[tilespmem:$0x18680] =	vst v63  }
0x24d: {  	_ = 	snop  }
0x24e: {  	[tilespmem:s12], [sflag:$0x3] =	stream.indirect_vreg.gather [hbm4b:s9+s4], $0x80, v5, vm0, $0xb8;
	[tilespmem:$0x18680] =	vst v63  }
0x24f: {  	_ = 	snop  }
0x250: {  	[tilespmem:s14], [sflag:$0x3] =	stream.indirect_vreg.gather [hbm4b:s3+s4], $0x80, v4, vm0, $0xb8;
	[tilespmem:$0x18680] =	vst v63  }
0x251: {  	_ = 	snop  }
0x252: {  	[tilespmem:s15], [sflag:$0x3] =	stream.indirect_vreg.gather [hbm4b:s7+s4], $0x80, v4, vm0, $0xb8;
	[tilespmem:$0x18680] =	vst v63  }
0x253: {  	_ = 	snop  }
0x254: {  	[tilespmem:s16], [sflag:$0x3] =	stream.indirect_vreg.gather [hbm4b:s8+s4], $0x80, v4, vm0, $0xb8;
	[tilespmem:$0x18680] =	vst v63  }
0x255: {  	s25 =	simm.s32 $0x0  }
0x256: {  	[tilespmem:s17], [sflag:$0x3] =	stream.indirect_vreg.gather [hbm4b:s9+s4], $0x80, v4, vm0, $0xb8;
	[tilespmem:$0x18680] =	vst v63  }
.LBB2_2:
0x257: {  	s0 =	smul.u32 $0xAB, s25;
	_ =	sdelay $0x1  }
0x258: {  	s0 =	sshrl.u32 s0, $0xA  }
0x259: {  	s0 =	sand.u32 $0x3F, s0  }
0x25a: {  	s0 =	smul.u32 $0x6, s0;
	_ =	sdelay $0x1  }
0x25b: {  	s0 =	ssub.s32 s25, s0  }
0x25c: {  	s26 =	sand.u32 $0xFF, s0  }
0x25d: {  	_ =	strace $0x80000048;
	s0 =	sadd.s32 $0x1, s26  }
0x25e: {  	_ =	swait.ge [sflag:s0], $0x4000  }
0x25f: {  	[sflag:s0] =	ssyncset.done $0x0  }
0x260: {  	[sflag:s0] =	ssyncadd.s32 $0xFFFFC000  }
0x261: {  	_ =	strace $0x90000048  }
0x262: {  	_ =	strace $0x80000049  }
0x263: {  	v9 =	vld [tilespmem:$0x280]  }
0x264: {  	v7 =	vld [tilespmem:$0x290]  }
0x265: {  	s2 =	simm.s32 $0x0;
	s1 =	sshll.u32 s26, $0xE;
	v4 =	vld [tilespmem:$0x2A0]  }
0x266: {  	s28 =	sor.u32 $0x680, s1;
	s1 =	sand.u32 $0x2000, s2;
	v5 =	vld [tilespmem:$0x2B0]  }
0x267: {  	s2 =	sand.u32 $0x380, s2;
	s0 =	sadd.s32 s1, s28;
	v6 =	vld [tilespmem:$0x2C0]  }
0x268: {  	s0 =	sadd.s32 s2, s0;
	v8 =	vld [tilespmem:$0x2D0]  }
0x269: {  	v12 =	vld [tilespmem:s0+$0x0]  }
0x26a: {  	v10 =	vld [tilespmem:$0x2E0]  }
0x26b: {  	v13 =	vld [tilespmem:s0+$0x10]  }
0x26c: {  	v11 =	vld [tilespmem:$0x2F0]  }
0x26d: {  	v14 =	vld [tilespmem:s0+$0x20]  }
0x26e: {  	v17 =	vld [tilespmem:s0+$0x30]  }
0x26f: {  	s1 =	simm.s32 $0x400;
	v18 =	vld [tilespmem:s0+$0x40]  }
0x270: {  	s30 =	simm.s32 $0x80;
	s2 =	sand.u32 $0x2000, s1;
	v19 =	vld [tilespmem:s0+$0x50];
	v12 =	vmul.f32 v12, v9  }
0x271: {  	s29 =	sand.u32 $0x380, s30;
	s2 =	sadd.s32 s2, s28;
	v20 =	vld [tilespmem:s0+$0x60];
	v13 =	vmul.f32 v13, v7  }
0x272: {  	s29 =	sadd.s32 s29, s2;
	v21 =	vld [tilespmem:s0+$0x70];
	[tilespmem:s0+$0x0] =	vst v12;
	v12 =	vmul.f32 v14, v4  }
0x273: {  	v14 =	vmul.f32 v17, v5;
	v16 =	vld [tilespmem:s29+$0x0];
	[tilespmem:s0+$0x10] =	vst v13  }
0x274: {  	v17 =	vmul.f32 v18, v6;
	v15 =	vld [tilespmem:s29+$0x10];
	[tilespmem:s0+$0x20] =	vst v12  }
0x275: {  	v19 =	vmul.f32 v19, v8;
	v13 =	vld [tilespmem:s29+$0x20];
	[tilespmem:s0+$0x30] =	vst v14  }
0x276: {  	v18 =	vmul.f32 v20, v10;
	v12 =	vld [tilespmem:s29+$0x30];
	[tilespmem:s0+$0x40] =	vst v17  }
0x277: {  	s31 =	simm.s32 $0x800;
	v17 =	vmul.f32 v21, v11;
	v14 =	vld [tilespmem:s29+$0x40];
	[tilespmem:s0+$0x50] =	vst v19  }
.LBB2_3:
0x278: {  	s2 =	sand.u32 $0x2000, s31;
	p1 =	sne.s32 s31, $0x3C00;
	v16 =	vmul.f32 v16, v9;
	v19 =	vld [tilespmem:s29+$0x50];
	s30 =	sadd.s32 $0x80, s30;
	[tilespmem:s0+$0x60] =	vst v18  }
0x279: {  	s1 =	sand.u32 $0x380, s30;
	s2 =	sadd.s32 s2, s28;
	v15 =	vmul.f32 v15, v7;
	v18 =	vld [tilespmem:s29+$0x60];
	[tilespmem:s0+$0x70] =	vst v17;
	s0 =	smov.u32 s29  }
0x27a: {  	s29 =	sadd.s32 s1, s2;
	[tilespmem:s0+$0x0] =	vst v16;
	v13 =	vmul.f32 v13, v4;
	v17 =	vld [tilespmem:s0+$0x70]  }
.Ltmp0:
0x27b: {  	v16 =	vld [tilespmem:s29+$0x0];
	[tilespmem:s0+$0x10] =	vst v15;
	v12 =	vmul.f32 v12, v5;
	(pc) =	sbr.rel @p1 .LBB2_3-.Ltmp0, $4  }
0x27c: {  	v15 =	vld [tilespmem:s29+$0x10];
	[tilespmem:s0+$0x20] =	vst v13;
	v14 =	vmul.f32 v14, v6  }
0x27d: {  	v13 =	vld [tilespmem:s29+$0x20];
	[tilespmem:s0+$0x30] =	vst v12;
	v19 =	vmul.f32 v19, v8  }
0x27e: {  	v12 =	vld [tilespmem:s29+$0x30];
	[tilespmem:s0+$0x40] =	vst v14;
	v18 =	vmul.f32 v18, v10  }
0x27f: {  	s31 =	sadd.s32 $0x400, s31;
	v14 =	vld [tilespmem:s29+$0x40];
	[tilespmem:s0+$0x50] =	vst v19;
	v17 =	vmul.f32 v17, v11  }
0x280: {  	v19 =	vld [tilespmem:s29+$0x50];
	[tilespmem:s0+$0x60] =	vst v18;
	v9 =	vmul.f32 v16, v9  }
0x281: {  	v16 =	vld [tilespmem:s29+$0x60];
	v7 =	vmul.f32 v15, v7;
	[tilespmem:s0+$0x70] =	vst v17  }
0x282: {  	[tilespmem:s29+$0x0] =	vst v9;
	v4 =	vmul.f32 v13, v4;
	v9 =	vld [tilespmem:s29+$0x70]  }
0x283: {  	[tilespmem:s29+$0x10] =	vst v7;
	v5 =	vmul.f32 v12, v5  }
0x284: {  	[tilespmem:s29+$0x20] =	vst v4;
	v4 =	vmul.f32 v14, v6  }
0x285: {  	s2 =	simm.s32 $0x0;
	[tilespmem:s29+$0x30] =	vst v5;
	v5 =	vmul.f32 v19, v8  }
0x286: {  	s1 =	sand.u32 $0x2000, s2;
	[tilespmem:s29+$0x40] =	vst v4;
	v4 =	vmul.f32 v16, v10  }
0x287: {  	s0 =	sand.u32 $0x380, s2;
	s1 =	sadd.s32 s1, s28;
	[tilespmem:s29+$0x50] =	vst v5;
	v5 =	vmul.f32 v9, v11  }
0x288: {  	s0 =	sadd.s32 s0, s1;
	[tilespmem:s29+$0x60] =	vst v4  }
0x289: {  	[tilespmem:s29+$0x70] =	vst v5;
	v17 =	vld [tilespmem:s0+$0x430]  }
0x28a: {  	v11 =	vld [tilespmem:$0x300]  }
0x28b: {  	v10 =	vld [tilespmem:$0x310]  }
0x28c: {  	v6 =	vld [tilespmem:$0x320]  }
0x28d: {  	v4 =	vld [tilespmem:$0x330]  }
0x28e: {  	v5 =	vld [tilespmem:$0x340]  }
0x28f: {  	v7 =	vld [tilespmem:$0x350]  }
0x290: {  	v12 =	vld [tilespmem:s0+$0x400]  }
0x291: {  	v8 =	vld [tilespmem:$0x360]  }
0x292: {  	v13 =	vld [tilespmem:s0+$0x410]  }
0x293: {  	v14 =	vld [tilespmem:s0+$0x420]  }
0x294: {  	v9 =	vld [tilespmem:$0x370]  }
0x295: {  	s2 =	simm.s32 $0x400;
	v18 =	vld [tilespmem:s0+$0x440]  }
0x296: {  	s30 =	simm.s32 $0x80;
	s1 =	sand.u32 $0x2000, s2;
	v19 =	vld [tilespmem:s0+$0x450];
	v12 =	vmul.f32 v12, v11  }
0x297: {  	s2 =	sand.u32 $0x380, s30;
	s1 =	sadd.s32 s1, s28;
	v20 =	vld [tilespmem:s0+$0x460];
	v13 =	vmul.f32 v13, v10  }
0x298: {  	s29 =	sadd.s32 s2, s1;
	v21 =	vld [tilespmem:s0+$0x470];
	[tilespmem:s0+$0x400] =	vst v12;
	v12 =	vmul.f32 v14, v6  }
0x299: {  	v14 =	vmul.f32 v17, v4;
	v16 =	vld [tilespmem:s29+$0x400];
	[tilespmem:s0+$0x410] =	vst v13  }
0x29a: {  	v17 =	vmul.f32 v18, v5;
	v15 =	vld [tilespmem:s29+$0x410];
	[tilespmem:s0+$0x420] =	vst v12  }
0x29b: {  	v19 =	vmul.f32 v19, v7;
	v13 =	vld [tilespmem:s29+$0x420];
	[tilespmem:s0+$0x430] =	vst v14  }
0x29c: {  	v18 =	vmul.f32 v20, v8;
	v12 =	vld [tilespmem:s29+$0x430];
	[tilespmem:s0+$0x440] =	vst v17  }
0x29d: {  	s31 =	simm.s32 $0x800;
	v17 =	vmul.f32 v21, v9;
	v14 =	vld [tilespmem:s29+$0x440];
	[tilespmem:s0+$0x450] =	vst v19  }
.LBB2_5:
0x29e: {  	s1 =	sand.u32 $0x2000, s31;
	p1 =	sne.s32 s31, $0x3C00;
	v16 =	vmul.f32 v16, v11;
	v19 =	vld [tilespmem:s29+$0x450];
	s30 =	sadd.s32 $0x80, s30;
	[tilespmem:s0+$0x460] =	vst v18  }
0x29f: {  	s2 =	sand.u32 $0x380, s30;
	s1 =	sadd.s32 s1, s28;
	v15 =	vmul.f32 v15, v10;
	v18 =	vld [tilespmem:s29+$0x460];
	[tilespmem:s0+$0x470] =	vst v17;
	s0 =	smov.u32 s29  }
0x2a0: {  	s29 =	sadd.s32 s2, s1;
	[tilespmem:s0+$0x400] =	vst v16;
	v13 =	vmul.f32 v13, v6;
	v17 =	vld [tilespmem:s0+$0x470]  }
.Ltmp1:
0x2a1: {  	v16 =	vld [tilespmem:s29+$0x400];
	[tilespmem:s0+$0x410] =	vst v15;
	v12 =	vmul.f32 v12, v4;
	(pc) =	sbr.rel @p1 .LBB2_5-.Ltmp1, $4  }
0x2a2: {  	v15 =	vld [tilespmem:s29+$0x410];
	[tilespmem:s0+$0x420] =	vst v13;
	v14 =	vmul.f32 v14, v5  }
0x2a3: {  	v13 =	vld [tilespmem:s29+$0x420];
	[tilespmem:s0+$0x430] =	vst v12;
	v19 =	vmul.f32 v19, v7  }
0x2a4: {  	v12 =	vld [tilespmem:s29+$0x430];
	[tilespmem:s0+$0x440] =	vst v14;
	v18 =	vmul.f32 v18, v8  }
0x2a5: {  	s31 =	sadd.s32 $0x400, s31;
	v14 =	vld [tilespmem:s29+$0x440];
	[tilespmem:s0+$0x450] =	vst v19;
	v17 =	vmul.f32 v17, v9  }
0x2a6: {  	v19 =	vld [tilespmem:s29+$0x450];
	[tilespmem:s0+$0x460] =	vst v18;
	v11 =	vmul.f32 v16, v11  }
0x2a7: {  	v16 =	vld [tilespmem:s29+$0x460];
	v10 =	vmul.f32 v15, v10;
	[tilespmem:s0+$0x470] =	vst v17  }
0x2a8: {  	[tilespmem:s29+$0x400] =	vst v11;
	v6 =	vmul.f32 v13, v6;
	v11 =	vld [tilespmem:s29+$0x470]  }
0x2a9: {  	[tilespmem:s29+$0x410] =	vst v10;
	v4 =	vmul.f32 v12, v4  }
0x2aa: {  	[tilespmem:s29+$0x420] =	vst v6;
	v5 =	vmul.f32 v14, v5  }
0x2ab: {  	s2 =	simm.s32 $0x0;
	[tilespmem:s29+$0x430] =	vst v4;
	v4 =	vmul.f32 v19, v7  }
0x2ac: {  	s1 =	sand.u32 $0x2000, s2;
	[tilespmem:s29+$0x440] =	vst v5;
	v5 =	vmul.f32 v16, v8  }
0x2ad: {  	s0 =	sand.u32 $0x380, s2;
	s1 =	sadd.s32 s1, s28;
	[tilespmem:s29+$0x450] =	vst v4;
	v4 =	vmul.f32 v11, v9  }
0x2ae: {  	s0 =	sadd.s32 s0, s1;
	[tilespmem:s29+$0x460] =	vst v5  }
0x2af: {  	[tilespmem:s29+$0x470] =	vst v4;
	v17 =	vld [tilespmem:s0+$0x830]  }
0x2b0: {  	v11 =	vld [tilespmem:$0x380]  }
0x2b1: {  	v10 =	vld [tilespmem:$0x390]  }
0x2b2: {  	v6 =	vld [tilespmem:$0x3A0]  }
0x2b3: {  	v4 =	vld [tilespmem:$0x3B0]  }
0x2b4: {  	v5 =	vld [tilespmem:$0x3C0]  }
0x2b5: {  	v7 =	vld [tilespmem:$0x3D0]  }
0x2b6: {  	v12 =	vld [tilespmem:s0+$0x800]  }
0x2b7: {  	v8 =	vld [tilespmem:$0x3E0]  }
0x2b8: {  	v13 =	vld [tilespmem:s0+$0x810]  }
0x2b9: {  	v14 =	vld [tilespmem:s0+$0x820]  }
0x2ba: {  	v9 =	vld [tilespmem:$0x3F0]  }
0x2bb: {  	s2 =	simm.s32 $0x400;
	v18 =	vld [tilespmem:s0+$0x840]  }
0x2bc: {  	s30 =	simm.s32 $0x80;
	s1 =	sand.u32 $0x2000, s2;
	v19 =	vld [tilespmem:s0+$0x850];
	v12 =	vmul.f32 v12, v11  }
0x2bd: {  	s2 =	sand.u32 $0x380, s30;
	s1 =	sadd.s32 s1, s28;
	v20 =	vld [tilespmem:s0+$0x860];
	v13 =	vmul.f32 v13, v10  }
0x2be: {  	s29 =	sadd.s32 s2, s1;
	v21 =	vld [tilespmem:s0+$0x870];
	[tilespmem:s0+$0x800] =	vst v12;
	v12 =	vmul.f32 v14, v6  }
0x2bf: {  	v14 =	vmul.f32 v17, v4;
	v16 =	vld [tilespmem:s29+$0x800];
	[tilespmem:s0+$0x810] =	vst v13  }
0x2c0: {  	v17 =	vmul.f32 v18, v5;
	v15 =	vld [tilespmem:s29+$0x810];
	[tilespmem:s0+$0x820] =	vst v12  }
0x2c1: {  	v19 =	vmul.f32 v19, v7;
	v13 =	vld [tilespmem:s29+$0x820];
	[tilespmem:s0+$0x830] =	vst v14  }
0x2c2: {  	v18 =	vmul.f32 v20, v8;
	v12 =	vld [tilespmem:s29+$0x830];
	[tilespmem:s0+$0x840] =	vst v17  }
0x2c3: {  	s31 =	simm.s32 $0x800;
	v17 =	vmul.f32 v21, v9;
	v14 =	vld [tilespmem:s29+$0x840];
	[tilespmem:s0+$0x850] =	vst v19  }
.LBB2_7:
0x2c4: {  	s1 =	sand.u32 $0x2000, s31;
	p1 =	sne.s32 s31, $0x3C00;
	v16 =	vmul.f32 v16, v11;
	v19 =	vld [tilespmem:s29+$0x850];
	s30 =	sadd.s32 $0x80, s30;
	[tilespmem:s0+$0x860] =	vst v18  }
0x2c5: {  	s2 =	sand.u32 $0x380, s30;
	s1 =	sadd.s32 s1, s28;
	v15 =	vmul.f32 v15, v10;
	v18 =	vld [tilespmem:s29+$0x860];
	[tilespmem:s0+$0x870] =	vst v17;
	s0 =	smov.u32 s29  }
0x2c6: {  	s29 =	sadd.s32 s2, s1;
	[tilespmem:s0+$0x800] =	vst v16;
	v13 =	vmul.f32 v13, v6;
	v17 =	vld [tilespmem:s0+$0x870]  }
.Ltmp2:
0x2c7: {  	v16 =	vld [tilespmem:s29+$0x800];
	[tilespmem:s0+$0x810] =	vst v15;
	v12 =	vmul.f32 v12, v4;
	(pc) =	sbr.rel @p1 .LBB2_7-.Ltmp2, $4  }
0x2c8: {  	v15 =	vld [tilespmem:s29+$0x810];
	[tilespmem:s0+$0x820] =	vst v13;
	v14 =	vmul.f32 v14, v5  }
0x2c9: {  	v13 =	vld [tilespmem:s29+$0x820];
	[tilespmem:s0+$0x830] =	vst v12;
	v19 =	vmul.f32 v19, v7  }
0x2ca: {  	v12 =	vld [tilespmem:s29+$0x830];
	[tilespmem:s0+$0x840] =	vst v14;
	v18 =	vmul.f32 v18, v8  }
0x2cb: {  	s31 =	sadd.s32 $0x400, s31;
	v14 =	vld [tilespmem:s29+$0x840];
	[tilespmem:s0+$0x850] =	vst v19;
	v17 =	vmul.f32 v17, v9  }
0x2cc: {  	v19 =	vld [tilespmem:s29+$0x850];
	[tilespmem:s0+$0x860] =	vst v18;
	v11 =	vmul.f32 v16, v11  }
0x2cd: {  	v16 =	vld [tilespmem:s29+$0x860];
	v10 =	vmul.f32 v15, v10;
	[tilespmem:s0+$0x870] =	vst v17  }
0x2ce: {  	[tilespmem:s29+$0x800] =	vst v11;
	v6 =	vmul.f32 v13, v6;
	v11 =	vld [tilespmem:s29+$0x870]  }
0x2cf: {  	[tilespmem:s29+$0x810] =	vst v10;
	v4 =	vmul.f32 v12, v4  }
0x2d0: {  	[tilespmem:s29+$0x820] =	vst v6;
	v5 =	vmul.f32 v14, v5  }
0x2d1: {  	s2 =	simm.s32 $0x0;
	[tilespmem:s29+$0x830] =	vst v4;
	v4 =	vmul.f32 v19, v7  }
0x2d2: {  	s1 =	sand.u32 $0x2000, s2;
	[tilespmem:s29+$0x840] =	vst v5;
	v5 =	vmul.f32 v16, v8  }
0x2d3: {  	s0 =	sand.u32 $0x380, s2;
	s1 =	sadd.s32 s1, s28;
	[tilespmem:s29+$0x850] =	vst v4;
	v4 =	vmul.f32 v11, v9  }
0x2d4: {  	s0 =	sadd.s32 s0, s1;
	[tilespmem:s29+$0x860] =	vst v5  }
0x2d5: {  	[tilespmem:s29+$0x870] =	vst v4;
	v17 =	vld [tilespmem:s0+$0xC30]  }
0x2d6: {  	v11 =	vld [tilespmem:$0x400]  }
0x2d7: {  	v10 =	vld [tilespmem:$0x410]  }
0x2d8: {  	v6 =	vld [tilespmem:$0x420]  }
0x2d9: {  	v4 =	vld [tilespmem:$0x430]  }
0x2da: {  	v5 =	vld [tilespmem:$0x440]  }
0x2db: {  	v7 =	vld [tilespmem:$0x450]  }
0x2dc: {  	v12 =	vld [tilespmem:s0+$0xC00]  }
0x2dd: {  	v8 =	vld [tilespmem:$0x460]  }
0x2de: {  	v13 =	vld [tilespmem:s0+$0xC10]  }
0x2df: {  	v14 =	vld [tilespmem:s0+$0xC20]  }
0x2e0: {  	v9 =	vld [tilespmem:$0x470]  }
0x2e1: {  	s2 =	simm.s32 $0x400;
	v18 =	vld [tilespmem:s0+$0xC40]  }
0x2e2: {  	s30 =	simm.s32 $0x80;
	s1 =	sand.u32 $0x2000, s2;
	v19 =	vld [tilespmem:s0+$0xC50];
	v12 =	vmul.f32 v12, v11  }
0x2e3: {  	s2 =	sand.u32 $0x380, s30;
	s1 =	sadd.s32 s1, s28;
	v20 =	vld [tilespmem:s0+$0xC60];
	v13 =	vmul.f32 v13, v10  }
0x2e4: {  	s29 =	sadd.s32 s2, s1;
	v21 =	vld [tilespmem:s0+$0xC70];
	[tilespmem:s0+$0xC00] =	vst v12;
	v12 =	vmul.f32 v14, v6  }
0x2e5: {  	v14 =	vmul.f32 v17, v4;
	v16 =	vld [tilespmem:s29+$0xC00];
	[tilespmem:s0+$0xC10] =	vst v13  }
0x2e6: {  	v17 =	vmul.f32 v18, v5;
	v15 =	vld [tilespmem:s29+$0xC10];
	[tilespmem:s0+$0xC20] =	vst v12  }
0x2e7: {  	v19 =	vmul.f32 v19, v7;
	v13 =	vld [tilespmem:s29+$0xC20];
	[tilespmem:s0+$0xC30] =	vst v14  }
0x2e8: {  	v18 =	vmul.f32 v20, v8;
	v12 =	vld [tilespmem:s29+$0xC30];
	[tilespmem:s0+$0xC40] =	vst v17  }
0x2e9: {  	s31 =	simm.s32 $0x800;
	v17 =	vmul.f32 v21, v9;
	v14 =	vld [tilespmem:s29+$0xC40];
	[tilespmem:s0+$0xC50] =	vst v19  }
.LBB2_9:
0x2ea: {  	s1 =	sand.u32 $0x2000, s31;
	p1 =	sne.s32 s31, $0x3C00;
	v16 =	vmul.f32 v16, v11;
	v19 =	vld [tilespmem:s29+$0xC50];
	s30 =	sadd.s32 $0x80, s30;
	[tilespmem:s0+$0xC60] =	vst v18  }
0x2eb: {  	s2 =	sand.u32 $0x380, s30;
	s1 =	sadd.s32 s1, s28;
	v15 =	vmul.f32 v15, v10;
	v18 =	vld [tilespmem:s29+$0xC60];
	[tilespmem:s0+$0xC70] =	vst v17;
	s0 =	smov.u32 s29  }
0x2ec: {  	s29 =	sadd.s32 s2, s1;
	[tilespmem:s0+$0xC00] =	vst v16;
	v13 =	vmul.f32 v13, v6;
	v17 =	vld [tilespmem:s0+$0xC70]  }
.Ltmp3:
0x2ed: {  	v16 =	vld [tilespmem:s29+$0xC00];
	[tilespmem:s0+$0xC10] =	vst v15;
	v12 =	vmul.f32 v12, v4;
	(pc) =	sbr.rel @p1 .LBB2_9-.Ltmp3, $4  }
0x2ee: {  	v15 =	vld [tilespmem:s29+$0xC10];
	[tilespmem:s0+$0xC20] =	vst v13;
	v14 =	vmul.f32 v14, v5  }
0x2ef: {  	v13 =	vld [tilespmem:s29+$0xC20];
	[tilespmem:s0+$0xC30] =	vst v12;
	v19 =	vmul.f32 v19, v7  }
0x2f0: {  	v12 =	vld [tilespmem:s29+$0xC30];
	[tilespmem:s0+$0xC40] =	vst v14;
	v18 =	vmul.f32 v18, v8  }
0x2f1: {  	s31 =	sadd.s32 $0x400, s31;
	v14 =	vld [tilespmem:s29+$0xC40];
	[tilespmem:s0+$0xC50] =	vst v19;
	v17 =	vmul.f32 v17, v9  }
0x2f2: {  	v19 =	vld [tilespmem:s29+$0xC50];
	[tilespmem:s0+$0xC60] =	vst v18;
	v11 =	vmul.f32 v16, v11  }
0x2f3: {  	v16 =	vld [tilespmem:s29+$0xC60];
	v10 =	vmul.f32 v15, v10;
	[tilespmem:s0+$0xC70] =	vst v17  }
0x2f4: {  	[tilespmem:s29+$0xC00] =	vst v11;
	v6 =	vmul.f32 v13, v6;
	v11 =	vld [tilespmem:s29+$0xC70]  }
0x2f5: {  	[tilespmem:s29+$0xC10] =	vst v10;
	v4 =	vmul.f32 v12, v4  }
0x2f6: {  	[tilespmem:s29+$0xC20] =	vst v6;
	v5 =	vmul.f32 v14, v5  }
0x2f7: {  	s2 =	simm.s32 $0x0;
	[tilespmem:s29+$0xC30] =	vst v4;
	v4 =	vmul.f32 v19, v7  }
0x2f8: {  	s1 =	sand.u32 $0x2000, s2;
	[tilespmem:s29+$0xC40] =	vst v5;
	v5 =	vmul.f32 v16, v8  }
0x2f9: {  	s0 =	sand.u32 $0x380, s2;
	s1 =	sadd.s32 s1, s28;
	[tilespmem:s29+$0xC50] =	vst v4;
	v4 =	vmul.f32 v11, v9  }
0x2fa: {  	s0 =	sadd.s32 s0, s1;
	[tilespmem:s29+$0xC60] =	vst v5  }
0x2fb: {  	[tilespmem:s29+$0xC70] =	vst v4;
	v17 =	vld [tilespmem:s0+$0x1030]  }
0x2fc: {  	v11 =	vld [tilespmem:$0x480]  }
0x2fd: {  	v10 =	vld [tilespmem:$0x490]  }
0x2fe: {  	v6 =	vld [tilespmem:$0x4A0]  }
0x2ff: {  	v4 =	vld [tilespmem:$0x4B0]  }
0x300: {  	v5 =	vld [tilespmem:$0x4C0]  }
0x301: {  	v7 =	vld [tilespmem:$0x4D0]  }
0x302: {  	v12 =	vld [tilespmem:s0+$0x1000]  }
0x303: {  	v8 =	vld [tilespmem:$0x4E0]  }
0x304: {  	v13 =	vld [tilespmem:s0+$0x1010]  }
0x305: {  	v14 =	vld [tilespmem:s0+$0x1020]  }
0x306: {  	v9 =	vld [tilespmem:$0x4F0]  }
0x307: {  	s2 =	simm.s32 $0x400;
	v18 =	vld [tilespmem:s0+$0x1040]  }
0x308: {  	s30 =	simm.s32 $0x80;
	s1 =	sand.u32 $0x2000, s2;
	v19 =	vld [tilespmem:s0+$0x1050];
	v12 =	vmul.f32 v12, v11  }
0x309: {  	s2 =	sand.u32 $0x380, s30;
	s1 =	sadd.s32 s1, s28;
	v20 =	vld [tilespmem:s0+$0x1060];
	v13 =	vmul.f32 v13, v10  }
0x30a: {  	s29 =	sadd.s32 s2, s1;
	v21 =	vld [tilespmem:s0+$0x1070];
	[tilespmem:s0+$0x1000] =	vst v12;
	v12 =	vmul.f32 v14, v6  }
0x30b: {  	v14 =	vmul.f32 v17, v4;
	v16 =	vld [tilespmem:s29+$0x1000];
	[tilespmem:s0+$0x1010] =	vst v13  }
0x30c: {  	v17 =	vmul.f32 v18, v5;
	v15 =	vld [tilespmem:s29+$0x1010];
	[tilespmem:s0+$0x1020] =	vst v12  }
0x30d: {  	v19 =	vmul.f32 v19, v7;
	v13 =	vld [tilespmem:s29+$0x1020];
	[tilespmem:s0+$0x1030] =	vst v14  }
0x30e: {  	v18 =	vmul.f32 v20, v8;
	v12 =	vld [tilespmem:s29+$0x1030];
	[tilespmem:s0+$0x1040] =	vst v17  }
0x30f: {  	s31 =	simm.s32 $0x800;
	v17 =	vmul.f32 v21, v9;
	v14 =	vld [tilespmem:s29+$0x1040];
	[tilespmem:s0+$0x1050] =	vst v19  }
.LBB2_11:
0x310: {  	s1 =	sand.u32 $0x2000, s31;
	p1 =	sne.s32 s31, $0x3C00;
	v16 =	vmul.f32 v16, v11;
	v19 =	vld [tilespmem:s29+$0x1050];
	s30 =	sadd.s32 $0x80, s30;
	[tilespmem:s0+$0x1060] =	vst v18  }
0x311: {  	s2 =	sand.u32 $0x380, s30;
	s1 =	sadd.s32 s1, s28;
	v15 =	vmul.f32 v15, v10;
	v18 =	vld [tilespmem:s29+$0x1060];
	[tilespmem:s0+$0x1070] =	vst v17;
	s0 =	smov.u32 s29  }
0x312: {  	s29 =	sadd.s32 s2, s1;
	[tilespmem:s0+$0x1000] =	vst v16;
	v13 =	vmul.f32 v13, v6;
	v17 =	vld [tilespmem:s0+$0x1070]  }
.Ltmp4:
0x313: {  	v16 =	vld [tilespmem:s29+$0x1000];
	[tilespmem:s0+$0x1010] =	vst v15;
	v12 =	vmul.f32 v12, v4;
	(pc) =	sbr.rel @p1 .LBB2_11-.Ltmp4, $4  }
0x314: {  	v15 =	vld [tilespmem:s29+$0x1010];
	[tilespmem:s0+$0x1020] =	vst v13;
	v14 =	vmul.f32 v14, v5  }
0x315: {  	v13 =	vld [tilespmem:s29+$0x1020];
	[tilespmem:s0+$0x1030] =	vst v12;
	v19 =	vmul.f32 v19, v7  }
0x316: {  	v12 =	vld [tilespmem:s29+$0x1030];
	[tilespmem:s0+$0x1040] =	vst v14;
	v18 =	vmul.f32 v18, v8  }
0x317: {  	s31 =	sadd.s32 $0x400, s31;
	v14 =	vld [tilespmem:s29+$0x1040];
	[tilespmem:s0+$0x1050] =	vst v19;
	v17 =	vmul.f32 v17, v9  }
0x318: {  	v19 =	vld [tilespmem:s29+$0x1050];
	[tilespmem:s0+$0x1060] =	vst v18;
	v11 =	vmul.f32 v16, v11  }
0x319: {  	v16 =	vld [tilespmem:s29+$0x1060];
	v10 =	vmul.f32 v15, v10;
	[tilespmem:s0+$0x1070] =	vst v17  }
0x31a: {  	[tilespmem:s29+$0x1000] =	vst v11;
	v6 =	vmul.f32 v13, v6;
	v11 =	vld [tilespmem:s29+$0x1070]  }
0x31b: {  	[tilespmem:s29+$0x1010] =	vst v10;
	v4 =	vmul.f32 v12, v4  }
0x31c: {  	[tilespmem:s29+$0x1020] =	vst v6;
	v5 =	vmul.f32 v14, v5  }
0x31d: {  	s2 =	simm.s32 $0x0;
	[tilespmem:s29+$0x1030] =	vst v4;
	v4 =	vmul.f32 v19, v7  }
0x31e: {  	s1 =	sand.u32 $0x2000, s2;
	[tilespmem:s29+$0x1040] =	vst v5;
	v5 =	vmul.f32 v16, v8  }
0x31f: {  	s0 =	sand.u32 $0x380, s2;
	s1 =	sadd.s32 s1, s28;
	[tilespmem:s29+$0x1050] =	vst v4;
	v4 =	vmul.f32 v11, v9  }
0x320: {  	s0 =	sadd.s32 s0, s1;
	[tilespmem:s29+$0x1060] =	vst v5  }
0x321: {  	[tilespmem:s29+$0x1070] =	vst v4;
	v17 =	vld [tilespmem:s0+$0x1430]  }
0x322: {  	v11 =	vld [tilespmem:$0x500]  }
0x323: {  	v10 =	vld [tilespmem:$0x510]  }
0x324: {  	v6 =	vld [tilespmem:$0x520]  }
0x325: {  	v4 =	vld [tilespmem:$0x530]  }
0x326: {  	v5 =	vld [tilespmem:$0x540]  }
0x327: {  	v7 =	vld [tilespmem:$0x550]  }
0x328: {  	v12 =	vld [tilespmem:s0+$0x1400]  }
0x329: {  	v8 =	vld [tilespmem:$0x560]  }
0x32a: {  	v13 =	vld [tilespmem:s0+$0x1410]  }
0x32b: {  	v14 =	vld [tilespmem:s0+$0x1420]  }
0x32c: {  	v9 =	vld [tilespmem:$0x570]  }
0x32d: {  	s2 =	simm.s32 $0x400;
	v18 =	vld [tilespmem:s0+$0x1440]  }
0x32e: {  	s30 =	simm.s32 $0x80;
	s1 =	sand.u32 $0x2000, s2;
	v19 =	vld [tilespmem:s0+$0x1450];
	v12 =	vmul.f32 v12, v11  }
0x32f: {  	s2 =	sand.u32 $0x380, s30;
	s1 =	sadd.s32 s1, s28;
	v20 =	vld [tilespmem:s0+$0x1460];
	v13 =	vmul.f32 v13, v10  }
0x330: {  	s29 =	sadd.s32 s2, s1;
	v21 =	vld [tilespmem:s0+$0x1470];
	[tilespmem:s0+$0x1400] =	vst v12;
	v12 =	vmul.f32 v14, v6  }
0x331: {  	v14 =	vmul.f32 v17, v4;
	v16 =	vld [tilespmem:s29+$0x1400];
	[tilespmem:s0+$0x1410] =	vst v13  }
0x332: {  	v17 =	vmul.f32 v18, v5;
	v15 =	vld [tilespmem:s29+$0x1410];
	[tilespmem:s0+$0x1420] =	vst v12  }
0x333: {  	v19 =	vmul.f32 v19, v7;
	v13 =	vld [tilespmem:s29+$0x1420];
	[tilespmem:s0+$0x1430] =	vst v14  }
0x334: {  	v18 =	vmul.f32 v20, v8;
	v12 =	vld [tilespmem:s29+$0x1430];
	[tilespmem:s0+$0x1440] =	vst v17  }
0x335: {  	s31 =	simm.s32 $0x800;
	v17 =	vmul.f32 v21, v9;
	v14 =	vld [tilespmem:s29+$0x1440];
	[tilespmem:s0+$0x1450] =	vst v19  }
.LBB2_13:
0x336: {  	s1 =	sand.u32 $0x2000, s31;
	p1 =	sne.s32 s31, $0x3C00;
	v16 =	vmul.f32 v16, v11;
	v19 =	vld [tilespmem:s29+$0x1450];
	s30 =	sadd.s32 $0x80, s30;
	[tilespmem:s0+$0x1460] =	vst v18  }
0x337: {  	s2 =	sand.u32 $0x380, s30;
	s1 =	sadd.s32 s1, s28;
	v15 =	vmul.f32 v15, v10;
	v18 =	vld [tilespmem:s29+$0x1460];
	[tilespmem:s0+$0x1470] =	vst v17;
	s0 =	smov.u32 s29  }
0x338: {  	s29 =	sadd.s32 s2, s1;
	[tilespmem:s0+$0x1400] =	vst v16;
	v13 =	vmul.f32 v13, v6;
	v17 =	vld [tilespmem:s0+$0x1470]  }
.Ltmp5:
0x339: {  	v16 =	vld [tilespmem:s29+$0x1400];
	[tilespmem:s0+$0x1410] =	vst v15;
	v12 =	vmul.f32 v12, v4;
	(pc) =	sbr.rel @p1 .LBB2_13-.Ltmp5, $4  }
0x33a: {  	v15 =	vld [tilespmem:s29+$0x1410];
	[tilespmem:s0+$0x1420] =	vst v13;
	v14 =	vmul.f32 v14, v5  }
0x33b: {  	v13 =	vld [tilespmem:s29+$0x1420];
	[tilespmem:s0+$0x1430] =	vst v12;
	v19 =	vmul.f32 v19, v7  }
0x33c: {  	v12 =	vld [tilespmem:s29+$0x1430];
	[tilespmem:s0+$0x1440] =	vst v14;
	v18 =	vmul.f32 v18, v8  }
0x33d: {  	s31 =	sadd.s32 $0x400, s31;
	v14 =	vld [tilespmem:s29+$0x1440];
	[tilespmem:s0+$0x1450] =	vst v19;
	v17 =	vmul.f32 v17, v9  }
0x33e: {  	v19 =	vld [tilespmem:s29+$0x1450];
	[tilespmem:s0+$0x1460] =	vst v18;
	v11 =	vmul.f32 v16, v11  }
0x33f: {  	v16 =	vld [tilespmem:s29+$0x1460];
	v10 =	vmul.f32 v15, v10;
	[tilespmem:s0+$0x1470] =	vst v17  }
0x340: {  	[tilespmem:s29+$0x1400] =	vst v11;
	v6 =	vmul.f32 v13, v6;
	v11 =	vld [tilespmem:s29+$0x1470]  }
0x341: {  	[tilespmem:s29+$0x1410] =	vst v10;
	v4 =	vmul.f32 v12, v4  }
0x342: {  	[tilespmem:s29+$0x1420] =	vst v6;
	v5 =	vmul.f32 v14, v5  }
0x343: {  	[tilespmem:s29+$0x1430] =	vst v4;
	v4 =	vmul.f32 v19, v7  }
0x344: {  	[tilespmem:s29+$0x1440] =	vst v5;
	v5 =	vmul.f32 v16, v8  }
0x345: {  	[tilespmem:s29+$0x1450] =	vst v4;
	v4 =	vmul.f32 v11, v9  }
0x346: {  	[tilespmem:s29+$0x1460] =	vst v5  }
0x347: {  	[tilespmem:s29+$0x1470] =	vst v4  }
0x348: {  	v11 =	vld [tilespmem:$0x580]  }
0x349: {  	v10 =	vld [tilespmem:$0x590]  }
0x34a: {  	s2 =	simm.s32 $0x0;
	v6 =	vld [tilespmem:$0x5A0]  }
0x34b: {  	s1 =	sand.u32 $0x2000, s2;
	v4 =	vld [tilespmem:$0x5B0]  }
0x34c: {  	s0 =	sand.u32 $0x380, s2;
	s1 =	sadd.s32 s1, s28;
	v5 =	vld [tilespmem:$0x5C0]  }
0x34d: {  	s29 =	sadd.s32 s0, s1;
	v7 =	vld [tilespmem:$0x5D0]  }
0x34e: {  	v12 =	vld [tilespmem:s29+$0x1800]  }
0x34f: {  	v8 =	vld [tilespmem:$0x5E0]  }
0x350: {  	v13 =	vld [tilespmem:s29+$0x1810]  }
0x351: {  	v9 =	vld [tilespmem:$0x5F0]  }
0x352: {  	v14 =	vld [tilespmem:s29+$0x1820]  }
0x353: {  	v17 =	vld [tilespmem:s29+$0x1830]  }
0x354: {  	s1 =	simm.s32 $0x400;
	v18 =	vld [tilespmem:s29+$0x1840]  }
0x355: {  	s30 =	simm.s32 $0x80;
	s0 =	sand.u32 $0x2000, s1;
	v19 =	vld [tilespmem:s29+$0x1850];
	v12 =	vmul.f32 v12, v11  }
0x356: {  	s2 =	sand.u32 $0x380, s30;
	v20 =	vld [tilespmem:s29+$0x1860];
	s0 =	sadd.s32 s0, s28;
	v13 =	vmul.f32 v13, v10  }
0x357: {  	v21 =	vld [tilespmem:s29+$0x1870];
	s0 =	sadd.s32 s2, s0;
	[tilespmem:s29+$0x1800] =	vst v12;
	v12 =	vmul.f32 v14, v6  }
0x358: {  	v14 =	vmul.f32 v17, v4;
	v16 =	vld [tilespmem:s0+$0x1800];
	[tilespmem:s29+$0x1810] =	vst v13  }
0x359: {  	v17 =	vmul.f32 v18, v5;
	v15 =	vld [tilespmem:s0+$0x1810];
	[tilespmem:s29+$0x1820] =	vst v12  }
0x35a: {  	v19 =	vmul.f32 v19, v7;
	v13 =	vld [tilespmem:s0+$0x1820];
	[tilespmem:s29+$0x1830] =	vst v14  }
0x35b: {  	v18 =	vmul.f32 v20, v8;
	v12 =	vld [tilespmem:s0+$0x1830];
	[tilespmem:s29+$0x1840] =	vst v17  }
0x35c: {  	s31 =	simm.s32 $0x800;
	v17 =	vmul.f32 v21, v9;
	v14 =	vld [tilespmem:s0+$0x1840];
	[tilespmem:s29+$0x1850] =	vst v19  }
.LBB2_15:
0x35d: {  	s1 =	sand.u32 $0x2000, s31;
	p1 =	sne.s32 s31, $0x3C00;
	v16 =	vmul.f32 v16, v11;
	v19 =	vld [tilespmem:s0+$0x1850];
	s30 =	sadd.s32 $0x80, s30;
	[tilespmem:s29+$0x1860] =	vst v18  }
0x35e: {  	s2 =	sand.u32 $0x380, s30;
	s1 =	sadd.s32 s1, s28;
	v15 =	vmul.f32 v15, v10;
	v18 =	vld [tilespmem:s0+$0x1860];
	[tilespmem:s29+$0x1870] =	vst v17;
	s29 =	smov.u32 s0  }
0x35f: {  	s0 =	sadd.s32 s2, s1;
	[tilespmem:s29+$0x1800] =	vst v16;
	v13 =	vmul.f32 v13, v6;
	v17 =	vld [tilespmem:s29+$0x1870]  }
.Ltmp6:
0x360: {  	v16 =	vld [tilespmem:s0+$0x1800];
	[tilespmem:s29+$0x1810] =	vst v15;
	v12 =	vmul.f32 v12, v4;
	(pc) =	sbr.rel @p1 .LBB2_15-.Ltmp6, $4  }
0x361: {  	v15 =	vld [tilespmem:s0+$0x1810];
	[tilespmem:s29+$0x1820] =	vst v13;
	v14 =	vmul.f32 v14, v5  }
0x362: {  	v13 =	vld [tilespmem:s0+$0x1820];
	[tilespmem:s29+$0x1830] =	vst v12;
	v19 =	vmul.f32 v19, v7  }
0x363: {  	v12 =	vld [tilespmem:s0+$0x1830];
	[tilespmem:s29+$0x1840] =	vst v14;
	v18 =	vmul.f32 v18, v8  }
0x364: {  	s31 =	sadd.s32 $0x400, s31;
	v14 =	vld [tilespmem:s0+$0x1840];
	[tilespmem:s29+$0x1850] =	vst v19;
	v17 =	vmul.f32 v17, v9  }
0x365: {  	v19 =	vld [tilespmem:s0+$0x1850]  }
0x366: {  	[tilespmem:s29+$0x1860] =	vst v18;
	v11 =	vmul.f32 v16, v11  }
0x367: {  	v63 =	vld [tilespmem:s0+$0x1860];
	v10 =	vmul.f32 v15, v10;
	[tilespmem:s29+$0x1870] =	vst v17  }
0x368: {  	[tilespmem:s0+$0x1800] =	vst v11;
	v11 =	vld [tilespmem:s0+$0x1870];
	v4 =	vmul.f32 v12, v4  }
0x369: {  	[tilespmem:s0+$0x1810] =	vst v10;
	v5 =	vmul.f32 v14, v5  }
0x36a: {  	[tilespmem:s0+$0x1830] =	vst v4;
	v4 =	vmul.f32 v19, v7  }
0x36b: {  	v6 =	vmul.f32 v13, v6;
	[tilespmem:s0+$0x1840] =	vst v5  }
0x36c: {  	s1 =	simm.s32 $0x0;
	v5 =	vmul.f32 v63, v8;
	[tilespmem:s0+$0x1850] =	vst v4;
	v4 =	vmov s28  }
0x36d: {  	s1 =	sand.u32 $0x7, s1;
	[tilespmem:s0+$0x1820] =	vst v6;
	v6 =	vmul.f32 v11, v9  }
0x36e: {  	s1 =	sshll.u32 s1, $0x7;
	[tilespmem:s0+$0x1860] =	vst v5  }
0x36f: {  	[tilespmem:s0+$0x1870] =	vst v6;
	s0 =	sadd.s32 $0x0, s1  }
0x370: {  	v12 =	vld [tilespmem:$0x600];
	s2 =	sor.u32 $0x1C00, s0  }
0x371: {  	v5 =	vld.idx.msk [tilespmem:v4+s2+$0x0 ss:$0x1], $0xffff  }
0x372: {  	v11 =	vld [tilespmem:$0x610]  }
0x373: {  	v10 =	vld [tilespmem:$0x620]  }
0x374: {  	v9 =	vld [tilespmem:$0x630]  }
0x375: {  	v8 =	vld [tilespmem:$0x640]  }
0x376: {  	v7 =	vld [tilespmem:$0x650];
	v13 =	vmul.f32 v5, v12  }
0x377: {  	v6 =	vld [tilespmem:$0x660]  }
0x378: {  	v5 =	vld [tilespmem:$0x670];
	[tilespmem:v4+s2+$0x0 ss:$0x1] =	vst.idx.msk $0xffff, v13;
	s2 =	sor.u32 $0x1C10, s0  }
0x379: {  	v13 =	vld.idx.msk [tilespmem:v4+s2+$0x0 ss:$0x1], $0xffff;
	_ =	sdelay $0x4  }
0x37a: {  	v13 =	vmul.f32 v13, v11;
	_ =	sdelay $0x1  }
0x37b: {  	[tilespmem:v4+s2+$0x0 ss:$0x1] =	vst.idx.msk $0xffff, v13;
	s2 =	sor.u32 $0x1C20, s0  }
0x37c: {  	v13 =	vld.idx.msk [tilespmem:v4+s2+$0x0 ss:$0x1], $0xffff;
	_ =	sdelay $0x4  }
0x37d: {  	v13 =	vmul.f32 v13, v10;
	_ =	sdelay $0x1  }
0x37e: {  	[tilespmem:v4+s2+$0x0 ss:$0x1] =	vst.idx.msk $0xffff, v13;
	s2 =	sor.u32 $0x1C30, s0  }
0x37f: {  	v13 =	vld.idx.msk [tilespmem:v4+s2+$0x0 ss:$0x1], $0xffff;
	_ =	sdelay $0x4  }
0x380: {  	v13 =	vmul.f32 v13, v9;
	_ =	sdelay $0x1  }
0x381: {  	[tilespmem:v4+s2+$0x0 ss:$0x1] =	vst.idx.msk $0xffff, v13;
	s2 =	sor.u32 $0x1C40, s0  }
0x382: {  	v13 =	vld.idx.msk [tilespmem:v4+s2+$0x0 ss:$0x1], $0xffff;
	_ =	sdelay $0x4  }
0x383: {  	v13 =	vmul.f32 v13, v8;
	_ =	sdelay $0x1  }
0x384: {  	[tilespmem:v4+s2+$0x0 ss:$0x1] =	vst.idx.msk $0xffff, v13;
	s2 =	sor.u32 $0x1C50, s0  }
0x385: {  	v13 =	vld.idx.msk [tilespmem:v4+s2+$0x0 ss:$0x1], $0xffff;
	_ =	sdelay $0x4  }
0x386: {  	v13 =	vmul.f32 v13, v7;
	_ =	sdelay $0x1  }
0x387: {  	[tilespmem:v4+s2+$0x0 ss:$0x1] =	vst.idx.msk $0xffff, v13;
	s2 =	sor.u32 $0x1C60, s0  }
0x388: {  	v13 =	vld.idx.msk [tilespmem:v4+s2+$0x0 ss:$0x1], $0xffff;
	_ =	sdelay $0x4  }
0x389: {  	v13 =	vmul.f32 v13, v6;
	_ =	sdelay $0x1  }
0x38a: {  	[tilespmem:v4+s2+$0x0 ss:$0x1] =	vst.idx.msk $0xffff, v13;
	s2 =	sor.u32 $0x1C70, s0  }
0x38b: {  	v13 =	vld.idx.msk [tilespmem:v4+s2+$0x0 ss:$0x1], $0xffff;
	_ =	sdelay $0x2  }
0x38c: {  	s30 =	simm.s32 $0x1  }
0x38d: {  	s1 =	sand.u32 $0x7, s30  }
0x38e: {  	s1 =	sshll.u32 s1, $0x7;
	v13 =	vmul.f32 v13, v5  }
0x38f: {  	s31 =	simm.s32 $0x100;
	s29 =	sadd.s32 $0x400, s1;
	s0 =	simm.s32 $0x400  }
.LBB2_17:
0x390: {  	p1 =	sne.s32 s31, $0x780;
	s31 =	sadd.s32 $0x80, s31;
	s1 =	sor.u32 $0x1C00, s29;
	[tilespmem:v4+s2+$0x0 ss:$0x1] =	vst.idx.msk $0xffff, v13  }
0x391: {  	v13 =	vld.idx.msk [tilespmem:v4+s1+$0x0 ss:$0x1], $0xffff;
	_ =	sdelay $0x5  }
0x392: {  	v13 =	vmul.f32 v13, v12;
	_ =	sdelay $0x1  }
0x393: {  	[tilespmem:v4+s1+$0x0 ss:$0x1] =	vst.idx.msk $0xffff, v13;
	s1 =	sor.u32 $0x1C10, s29  }
0x394: {  	v13 =	vld.idx.msk [tilespmem:v4+s1+$0x0 ss:$0x1], $0xffff;
	_ =	sdelay $0x5  }
0x395: {  	v13 =	vmul.f32 v13, v11;
	_ =	sdelay $0x1  }
0x396: {  	[tilespmem:v4+s1+$0x0 ss:$0x1] =	vst.idx.msk $0xffff, v13;
	s1 =	sor.u32 $0x1C20, s29  }
0x397: {  	v13 =	vld.idx.msk [tilespmem:v4+s1+$0x0 ss:$0x1], $0xffff;
	_ =	sdelay $0x5  }
0x398: {  	v13 =	vmul.f32 v13, v10;
	_ =	sdelay $0x1  }
0x399: {  	[tilespmem:v4+s1+$0x0 ss:$0x1] =	vst.idx.msk $0xffff, v13;
	s1 =	sor.u32 $0x1C30, s29  }
0x39a: {  	v13 =	vld.idx.msk [tilespmem:v4+s1+$0x0 ss:$0x1], $0xffff;
	_ =	sdelay $0x5  }
0x39b: {  	v13 =	vmul.f32 v13, v9;
	_ =	sdelay $0x1  }
0x39c: {  	[tilespmem:v4+s1+$0x0 ss:$0x1] =	vst.idx.msk $0xffff, v13;
	s1 =	sor.u32 $0x1C40, s29  }
0x39d: {  	v13 =	vld.idx.msk [tilespmem:v4+s1+$0x0 ss:$0x1], $0xffff;
	_ =	sdelay $0x5  }
0x39e: {  	v13 =	vmul.f32 v13, v8;
	_ =	sdelay $0x1  }
0x39f: {  	[tilespmem:v4+s1+$0x0 ss:$0x1] =	vst.idx.msk $0xffff, v13;
	s1 =	sor.u32 $0x1C50, s29  }
0x3a0: {  	v13 =	vld.idx.msk [tilespmem:v4+s1+$0x0 ss:$0x1], $0xffff;
	_ =	sdelay $0x5  }
0x3a1: {  	v13 =	vmul.f32 v13, v7;
	_ =	sdelay $0x1  }
0x3a2: {  	[tilespmem:v4+s1+$0x0 ss:$0x1] =	vst.idx.msk $0xffff, v13;
	s1 =	sor.u32 $0x1C60, s29  }
0x3a3: {  	v13 =	vld.idx.msk [tilespmem:v4+s1+$0x0 ss:$0x1], $0xffff;
	_ =	sdelay $0x5  }
0x3a4: {  	v13 =	vmul.f32 v13, v6;
	_ =	sdelay $0x1  }
0x3a5: {  	s2 =	sor.u32 $0x1C70, s29;
	[tilespmem:v4+s1+$0x0 ss:$0x1] =	vst.idx.msk $0xffff, v13  }
0x3a6: {  	v13 =	vld.idx.msk [tilespmem:v4+s2+$0x0 ss:$0x1], $0xffff;
	_ =	sdelay $0x2  }
.Ltmp7:
0x3a7: {  	(pc) =	sbr.rel @p1 .LBB2_17-.Ltmp7, $4  }
0x3a8: {  	s30 =	sadd.s32 $0x1, s30  }
0x3a9: {  	s1 =	sand.u32 $0x7, s30  }
0x3aa: {  	s0 =	sadd.s32 $0x400, s0;
	s1 =	sshll.u32 s1, $0x7;
	v13 =	vmul.f32 v13, v5  }
0x3ab: {  	s29 =	sadd.s32 s1, s0  }
0x3ac: {  	_ =	sdelay $0x3  }
0x3ad: {  	s0 =	sor.u32 $0x1C00, s29;
	[tilespmem:v4+s2+$0x0 ss:$0x1] =	vst.idx.msk $0xffff, v13  }
0x3ae: {  	v13 =	vld.idx.msk [tilespmem:v4+s0+$0x0 ss:$0x1], $0xffff;
	_ =	sdelay $0x4  }
0x3af: {  	v12 =	vmul.f32 v13, v12;
	_ =	sdelay $0x1  }
0x3b0: {  	s30 =	sor.u32 $0x1C10, s29;
	[tilespmem:v4+s0+$0x0 ss:$0x1] =	vst.idx.msk $0xffff, v12  }
0x3b1: {  	v12 =	vld.idx.msk [tilespmem:v4+s30+$0x0 ss:$0x1], $0xffff;
	_ =	sdelay $0x4  }
0x3b2: {  	v11 =	vmul.f32 v12, v11;
	_ =	sdelay $0x1  }
0x3b3: {  	s31 =	sor.u32 $0x1C20, s29;
	[tilespmem:v4+s30+$0x0 ss:$0x1] =	vst.idx.msk $0xffff, v11  }
0x3b4: {  	v11 =	vld.idx.msk [tilespmem:v4+s31+$0x0 ss:$0x1], $0xffff;
	_ =	sdelay $0x4  }
0x3b5: {  	v10 =	vmul.f32 v11, v10;
	_ =	sdelay $0x1  }
0x3b6: {  	s1 =	sor.u32 $0x1C30, s29;
	[tilespmem:v4+s31+$0x0 ss:$0x1] =	vst.idx.msk $0xffff, v10  }
0x3b7: {  	v10 =	vld.idx.msk [tilespmem:v4+s1+$0x0 ss:$0x1], $0xffff;
	_ =	sdelay $0x4  }
0x3b8: {  	v9 =	vmul.f32 v10, v9;
	_ =	sdelay $0x1  }
0x3b9: {  	s2 =	sor.u32 $0x1C40, s29;
	[tilespmem:v4+s1+$0x0 ss:$0x1] =	vst.idx.msk $0xffff, v9  }
0x3ba: {  	v9 =	vld.idx.msk [tilespmem:v4+s2+$0x0 ss:$0x1], $0xffff;
	_ =	sdelay $0x4  }
0x3bb: {  	v8 =	vmul.f32 v9, v8;
	_ =	sdelay $0x1  }
0x3bc: {  	s30 =	sor.u32 $0x1C50, s29;
	[tilespmem:v4+s2+$0x0 ss:$0x1] =	vst.idx.msk $0xffff, v8  }
0x3bd: {  	v8 =	vld.idx.msk [tilespmem:v4+s30+$0x0 ss:$0x1], $0xffff;
	_ =	sdelay $0x4  }
0x3be: {  	v7 =	vmul.f32 v8, v7;
	_ =	sdelay $0x1  }
0x3bf: {  	s31 =	sor.u32 $0x1C60, s29;
	[tilespmem:v4+s30+$0x0 ss:$0x1] =	vst.idx.msk $0xffff, v7  }
0x3c0: {  	v7 =	vld.idx.msk [tilespmem:v4+s31+$0x0 ss:$0x1], $0xffff;
	_ =	sdelay $0x4  }
0x3c1: {  	v6 =	vmul.f32 v7, v6;
	_ =	sdelay $0x1  }
0x3c2: {  	s1 =	sor.u32 $0x1C70, s29;
	[tilespmem:v4+s31+$0x0 ss:$0x1] =	vst.idx.msk $0xffff, v6  }
0x3c3: {  	v6 =	vld.idx.msk [tilespmem:v4+s1+$0x0 ss:$0x1], $0xffff;
	_ =	sdelay $0x4  }
0x3c4: {  	v5 =	vmul.f32 v6, v5;
	_ =	sdelay $0x1  }
0x3c5: {  	s29 =	sadd.s32 $0x7, s26;
	s2 =	sshll.u32 s25, $0xB;
	[tilespmem:v4+s1+$0x0 ss:$0x1] =	vst.idx.msk $0xffff, v5;
	s1 =	sadd.s32 $0x3, s25  }
0x3c6: {  	s0 =	sadd.s32 s2, s10;
	_ =	strace $0x90000049;
	s30 =	smulhi.u32 $0xAAAAAAAB, s1  }
0x3c7: {  	[hbm4b:s0+s4] =	stream.linear.scatter [tilespmem:s28], [sflag:s29], $0x4000, $0x38;
	[tilespmem:$0x18680] =	vst v63  }
0x3c8: {  	s31 =	sshrl.u32 s30, $0x2  }
0x3c9: {  	p1 =	sgt.u32 s25, $0x1C;
	s0 =	smul.u32 $0x6, s31  }
0x3ca: {  	p2 =	slt.u32 @!p1 s25, $0x3  }
0x3cb: {  	p2 =	por p2, p1;
	s0 =	ssub.s32 s1, s0  }
0x3cc: {  	_ =	strace @!p2 $0x8000004A;
	s2 =	sadd.s32 @!p2 $0x7, s0  }
0x3cd: {  	_ =	swait.ge @!p2 [sflag:s2], $0x4000  }
0x3ce: {  	[sflag:s2] =	ssyncset.done @!p2 $0x0  }
0x3cf: {  	s1 =	sshll.u32 @!p1 s1, $0x4;
	[sflag:s2] =	ssyncadd.s32 @!p2 $0xFFFFC000  }
0x3d0: {  	s1 =	sand.u32 @!p1 $0x3FFFFFF0, s1;
	_ =	strace @!p2 $0x9000004A  }
0x3d1: {  	v4 =	vld @!p1 [tilespmem:s1+$0x10];
	_ =	sdelay $0x4  }
0x3d2: {  	v5 =	vshll.u32 @!p1 v4, $0x3  }
0x3d3: {  	v6 =	vlaneseq.u32 @!p1;
	v4 =	vand.u32 @!p1 $0x7, v4;
	v5 =	vand.u32 @!p1 $0xFFFFFFC0, v5  }
0x3d4: {  	v7 =	vshrl.u32 @!p1 v6, $0x3;
	v4 =	vor.u32 @!p1 v4, v5;
	v5 =	vand.u32 @!p1 $0x7, v6  }
0x3d5: {  	v7 =	vmul.u32 @!p1 $0x8, v7;
	v5 =	vperm.xlane @!p1 v4, v5;
	_ =	sdelay $0x1  }
0x3d6: {  	v5 =	vadd.s32 @!p1 v7, v5;
	_ =	sdelay $0x1  }
0x3d7: {  	s1 =	sshll.u32 @!p1 s0, $0xE  }
0x3d8: {  	s1 =	sand.u32 @!p1 $0x3FFFC000, s1  }
0x3d9: {  	vm1 =	vmmov @!p1 $0xffff;
	s26 =	simm.s32 @!p1 $0x0;
	s0 =	sadd.s32 @!p1 $0x1, s0;
	s2 =	sor.u32 @!p1 $0x680, s1  }
0x3da: {  	v6 =	vor.u32 @!p1 $0x8, v6;
	[tilespmem:s2], [sflag:s0] =	stream.indirect_vreg.gather @!p1 [hbm4b:s3+s26], $0x80, v5, vm1, $0xb8;
	[tilespmem:$0x18680] =	vst v63  }
0x3db: {  	v4 =	vperm.xlane @!p1 v4, v6;
	s2 =	sor.u32 @!p1 $0xE80, s1  }
0x3dc: {  	[tilespmem:s2], [sflag:s0] =	stream.indirect_vreg.gather @!p1 [hbm4b:s7+s26], $0x80, v5, vm1, $0xb8;
	[tilespmem:$0x18680] =	vst v63  }
0x3dd: {  	v4 =	vadd.s32 @!p1 v7, v4;
	s2 =	sor.u32 @!p1 $0x1680, s1  }
0x3de: {  	[tilespmem:s2], [sflag:s0] =	stream.indirect_vreg.gather @!p1 [hbm4b:s8+s26], $0x80, v5, vm1, $0xb8;
	[tilespmem:$0x18680] =	vst v63  }
0x3df: {  	s2 =	sor.u32 @!p1 $0x1E80, s1  }
0x3e0: {  	[tilespmem:s2], [sflag:s0] =	stream.indirect_vreg.gather @!p1 [hbm4b:s9+s26], $0x80, v5, vm1, $0xb8;
	[tilespmem:$0x18680] =	vst v63  }
0x3e1: {  	s2 =	sor.u32 @!p1 $0x2680, s1  }
0x3e2: {  	[tilespmem:s2], [sflag:s0] =	stream.indirect_vreg.gather @!p1 [hbm4b:s3+s26], $0x80, v4, vm1, $0xb8;
	[tilespmem:$0x18680] =	vst v63  }
0x3e3: {  	s2 =	sor.u32 @!p1 $0x2E80, s1  }
0x3e4: {  	[tilespmem:s2], [sflag:s0] =	stream.indirect_vreg.gather @!p1 [hbm4b:s7+s26], $0x80, v4, vm1, $0xb8;
	[tilespmem:$0x18680] =	vst v63  }
0x3e5: {  	s2 =	sor.u32 @!p1 $0x3680, s1  }
0x3e6: {  	[tilespmem:s2], [sflag:s0] =	stream.indirect_vreg.gather @!p1 [hbm4b:s8+s26], $0x80, v4, vm1, $0xb8;
	[tilespmem:$0x18680] =	vst v63  }
0x3e7: {  	s25 =	sadd.s32 $0x1, s25;
	s1 =	sor.u32 @!p1 $0x3E80, s1  }
0x3e8: {  	[tilespmem:s1], [sflag:s0] =	stream.indirect_vreg.gather @!p1 [hbm4b:s9+s26], $0x80, v4, vm1, $0xb8;
	[tilespmem:$0x18680] =	vst v63  }
0x3e9: {  	p1 =	sne.s32 s25, $0x20  }
.Ltmp8:
0x3ea: {  	_ = 	snop;
	(pc) =	sbr.rel @p1 .LBB2_2-.Ltmp8, $1  }
0x3eb: {  	_ =	sdelay $0x3  }
0x3ec: {  	_ =	swait.ge [sflag:s18], $0x4000  }
0x3ed: {  	[sflag:s18] =	ssyncset.done $0x0  }
0x3ee: {  	[sflag:s18] =	ssyncadd.s32 $0xFFFFC000  }
0x3ef: {  	_ =	swait.ge [sflag:s19], $0x4000  }
0x3f0: {  	[sflag:s19] =	ssyncset.done $0x0  }
0x3f1: {  	[sflag:s19] =	ssyncadd.s32 $0xFFFFC000  }
0x3f2: {  	_ =	swait.ge [sflag:s20], $0x4000  }
0x3f3: {  	[sflag:s20] =	ssyncset.done $0x0  }
0x3f4: {  	[sflag:s20] =	ssyncadd.s32 $0xFFFFC000  }
0x3f5: {  	_ =	swait.ge [sflag:s21], $0x4000  }
0x3f6: {  	[sflag:s21] =	ssyncset.done $0x0  }
0x3f7: {  	s24 =	sadd.s32 $0x1, s24;
	[sflag:s21] =	ssyncadd.s32 $0xFFFFC000  }
0x3f8: {  	p1 =	sne.s32 s24, s11;
	_ =	swait.ge [sflag:s22], $0x4000  }
.Ltmp9:
0x3f9: {  	[sflag:s22] =	ssyncset.done $0x0;
	(pc) =	sbr.rel @p1 .LBB2_1-.Ltmp9, $4  }
0x3fa: {  	[sflag:s22] =	ssyncadd.s32 $0xFFFFC000  }
0x3fb: {  	_ =	swait.ge [sflag:s23], $0x4000  }
0x3fc: {  	[sflag:s23] =	ssyncset.done $0x0  }
0x3fd: {  	[sflag:s23] =	ssyncadd.s32 $0xFFFFC000  }
0x3fe: {  	_ =	sfence.sel $0x180000  }
0x3ff: {  	[bflag:$0x0] =	sbarrier.arrive $0xFFFF  }
0x400: {  	_ =	strace $0x90000047  }
0x401: {  	s0 =	stileid.u32;
	[bflag:$0x2] =	sbarrier.arrive $0xFFFF  }
0x402: {  	p0 =	sne.s32 s0, $0x0;
	s0 =	rddreg [dreg:$0x4]  }
0x403: {  	s0 =	sadd.s32 @!p0 $0x100000, s0  }
0x404: {  	[sflag:s0] =	ssyncadd.tile.s32 @!p0 $0x1;
	_ =	shalt  }
.Lfunc_end2:
_tile_overlayer_lowered:
.L_overlay_start_2:
0x405: {  	(tag) =	ssettag $0x2  }
0x406: {  	s0 =	rddreg [dreg:$0x0];
	s2 =	stileid.u32  }
0x407: {  	s1 =	rddreg [dreg:$0x1];
	p0 =	sne.s32 s2, $0x0  }
0x408: {  	s3 =	rddreg [dreg:$0x2];
	[bflag:$0x3] =	sbarrier.arrive $0xFFFF;
	s2 =	simm.s32 @!p0 $0x1C0D  }
0x409: {  	[timem:s3], [sflag:s2] =	dma.local @!p0 [hbm:s0], s1  }
0x40a: {  	s0 =	simm.s32 @!p0 $0xD  }
0x40b: {  	_ =	swait.ge @!p0 [sflag:s0], s1  }
0x40c: {  	s1 =	ssub.s32 @!p0 $0x0, s1;
	[sflag:s0] =	ssyncset.done @!p0 $0x0  }
0x40d: {  	[sflag:s0] =	ssyncadd.s32 @!p0 s1  }
0x40e: {  	[bflag:$0x3] =	sbarrier.arrive $0xFFFF  }
0x40f: {  	_ =	shalt  }

</sc_bundles>
